<compile_context>
chip_gen: v7x
topology: tpu7x:2x2x1
jax: 0.10.2.dev20260603
libtpu: 0.0.44.dev20260713+nightly
codegen_flags: <defaults>
</compile_context>

<pallas_src>
import jax
import jax.numpy as jnp
from jax import lax
from jax.experimental import pallas as pl
from jax.experimental.pallas import tpu as pltpu
from jax.experimental.pallas import tpu_sc as plsc

T = 2048
H = 1024
E = 16
N_GROUP = 4
GSZ = E // N_GROUP
I = 512
IS = 1024
ROUTED_SCALING = 2.5

BM = 256
NTILES = 32
PAD_T = NTILES * BM

NC = 2
NS = 16
NW = NC * NS
TPW = T // NW
CH = 16

_NEG = -1e30


def _routing_body(x_ref, gw_ref, gb_ref,
                  p1_ref, p2_ref, w1_ref, w2_ref, te_ref, used_ref, xi_ref):
    x = x_ref[...]
    gw = gw_ref[...]
    gb = gb_ref[...]
    logits = lax.dot_general(x, gw, (((1,), (1,)), ((), ())),
                             preferred_element_type=jnp.float32)
    logits = logits + gb
    scores = jax.nn.sigmoid(logits)
    sfc = scores + gb

    il = lax.broadcasted_iota(jnp.int32, (T, E), 1)
    gid = il // GSZ

    gs_cols = []
    for g in range(N_GROUP):
        mg = gid == g
        m1 = jnp.max(jnp.where(mg, sfc, _NEG), axis=1, keepdims=True)
        idx1 = jnp.min(jnp.where(mg & (sfc == m1), il, 99), axis=1,
                       keepdims=True)
        m2 = jnp.max(jnp.where(mg & (il != idx1), sfc, _NEG), axis=1,
                     keepdims=True)
        gs_cols.append(m1 + m2)
    gs = jnp.concatenate(gs_cols, axis=1)

    i4 = lax.broadcasted_iota(jnp.int32, (T, N_GROUP), 1)
    gm1 = jnp.max(gs, axis=1, keepdims=True)
    gi1 = jnp.min(jnp.where(gs == gm1, i4, 99), axis=1, keepdims=True)
    gs2 = jnp.where(i4 == gi1, _NEG, gs)
    gm2 = jnp.max(gs2, axis=1, keepdims=True)
    gi2 = jnp.min(jnp.where(gs2 == gm2, i4, 99), axis=1, keepdims=True)

    allowed = (gid == gi1) | (gid == gi2)
    msk = jnp.where(allowed, sfc, _NEG)

    v1 = jnp.max(msk, axis=1, keepdims=True)
    e1 = jnp.min(jnp.where(msk == v1, il, 99), axis=1, keepdims=True)
    msk2 = jnp.where(il == e1, _NEG, msk)
    v2 = jnp.max(msk2, axis=1, keepdims=True)
    e2 = jnp.min(jnp.where(msk2 == v2, il, 99), axis=1, keepdims=True)

    w1 = jnp.sum(jnp.where(il == e1, scores, 0.0), axis=1, keepdims=True)
    w2 = jnp.sum(jnp.where(il == e2, scores, 0.0), axis=1, keepdims=True)
    denom = w1 + w2 + 1e-20
    w1_ref[...] = ROUTED_SCALING * w1 / denom
    w2_ref[...] = ROUTED_SCALING * w2 / denom

    sel1 = jnp.where(il == e1, 1.0, 0.0)
    sel2 = jnp.where(il == e2, 1.0, 0.0)
    s = sel1 + sel2
    excl = jnp.concatenate([jnp.zeros((1, E), jnp.float32), s[:-1]], axis=0)
    k = 1
    while k < T:
        shifted = jnp.concatenate(
            [jnp.zeros((k, E), jnp.float32), excl[:T - k]], axis=0)
        excl = excl + shifted
        k *= 2
    counts = jnp.sum(s, axis=0, keepdims=True)
    tiles = (counts.astype(jnp.int32) + (BM - 1)) // BM
    tiles_f = tiles.astype(jnp.float32)
    r16 = lax.broadcasted_iota(jnp.int32, (E, E), 0)
    c16 = lax.broadcasted_iota(jnp.int32, (E, E), 1)
    mlt = jnp.where(r16 < c16, 1.0, 0.0)
    base = lax.dot_general(tiles_f, mlt, (((1,), (0,)), ((), ())),
                           preferred_element_type=jnp.float32)
    aligned = base * float(BM)

    rank1 = jnp.sum(jnp.where(il == e1, excl, 0.0), axis=1, keepdims=True)
    off1 = jnp.sum(jnp.where(il == e1, aligned, 0.0), axis=1, keepdims=True)
    p1_ref[...] = (rank1 + off1).astype(jnp.int32)
    rank2 = jnp.sum(jnp.where(il == e2, excl, 0.0), axis=1, keepdims=True)
    off2 = jnp.sum(jnp.where(il == e2, aligned, 0.0), axis=1, keepdims=True)
    p2_ref[...] = (rank2 + off2).astype(jnp.int32)

    used_ref[...] = jnp.sum(tiles, axis=1, keepdims=True)

    it = lax.broadcasted_iota(jnp.int32, (NTILES, 1), 0).astype(jnp.float32)
    cnt = jnp.sum(jnp.where(base <= it, 1, 0), axis=1, keepdims=True)
    te_ref[...] = cnt - 1

    lo_i = lax.bitcast_convert_type(
        x[:, :H // 2].astype(jnp.bfloat16).astype(jnp.float32), jnp.int32)
    hi_i = lax.bitcast_convert_type(
        x[:, H // 2:].astype(jnp.bfloat16).astype(jnp.float32), jnp.int32)
    xi_ref[...] = lax.shift_right_logical(lo_i, 16) | hi_i


def _scatter_body(x_hbm, p1_hbm, p2_hbm, xg_hbm,
                  idx1_v, idx2_v, rows_v, sem1, sem2):
    wid = lax.axis_index("s") * NC + lax.axis_index("c")
    base = wid * TPW
    sl = pl.ds(base, TPW)
    pltpu.sync_copy(p1_hbm.at[sl], idx1_v)
    pltpu.sync_copy(p2_hbm.at[sl], idx2_v)
    pltpu.sync_copy(x_hbm.at[sl], rows_v)
    c1 = pltpu.async_copy(rows_v, xg_hbm.at[idx1_v], sem1)
    c2 = pltpu.async_copy(rows_v, xg_hbm.at[idx2_v], sem2)
    c1.wait()
    c2.wait()


def _gmm_body(te_ref, used_ref, xg_ref, wgu_ref, wd_ref, yg_ref):
    i = pl.program_id(0)

    @pl.when(i < used_ref[0])
    def _():
        xi = xg_ref[...]
        xlo = lax.bitcast_convert_type(
            lax.shift_left(xi, 16), jnp.float32).astype(jnp.bfloat16)
        xhi = lax.bitcast_convert_type(
            xi & jnp.int32(-65536), jnp.float32).astype(jnp.bfloat16)
        wgu = wgu_ref[0]
        gu = (lax.dot_general(xlo, wgu[:, :H // 2],
                              (((1,), (1,)), ((), ())),
                              preferred_element_type=jnp.float32)
              + lax.dot_general(xhi, wgu[:, H // 2:],
                                (((1,), (1,)), ((), ())),
                                preferred_element_type=jnp.float32))
        g = gu[:, :I]
        u = gu[:, I:]
        h = (g * jax.nn.sigmoid(g) * u).astype(jnp.bfloat16)
        wd = wd_ref[0]
        eo = lax.dot_general(h, wd, (((1,), (1,)), ((), ())),
                             preferred_element_type=jnp.float32)
        yg_ref[...] = eo


def _shared_body(x_ref, sgu_ref, sd_ref, out_ref):
    x = x_ref[...]
    sgu = sgu_ref[...]
    gu = lax.dot_general(x, sgu, (((1,), (1,)), ((), ())),
                         preferred_element_type=jnp.float32)
    g = gu[:, :IS]
    u = gu[:, IS:]
    h = (g * jax.nn.sigmoid(g) * u).astype(jnp.bfloat16)
    sd = sd_ref[...]
    out_ref[...] = lax.dot_general(h, sd, (((1,), (1,)), ((), ())),
                                   preferred_element_type=jnp.float32)


def _combine_body(yg_hbm, p1_hbm, p2_hbm, w1_hbm, w2_hbm, sh_hbm, out_hbm,
                  idx1a, idx2a, wv1a, wv2a, y1a, y2a, sha,
                  idx1b, idx2b, wv1b, wv2b, y1b, y2b, shb,
                  ob_v, sem_a, sem_b):
    wid = lax.axis_index("s") * NC + lax.axis_index("c")
    base = wid * TPW
    sets = [(idx1a, idx2a, wv1a, wv2a, y1a, y2a, sha, sem_a),
            (idx1b, idx2b, wv1b, wv2b, y1b, y2b, shb, sem_b)]

    def issue(c, st):
        i1, i2, wv1, wv2, y1, y2, sh, sem = st
        b = base + c * CH
        pltpu.sync_copy(p1_hbm.at[pl.ds(b, CH)], i1)
        pltpu.sync_copy(p2_hbm.at[pl.ds(b, CH)], i2)
        pltpu.sync_copy(w1_hbm.at[pl.ds(b, CH)], wv1)
        pltpu.sync_copy(w2_hbm.at[pl.ds(b, CH)], wv2)
        return (pltpu.async_copy(yg_hbm.at[i1], y1, sem),
                pltpu.async_copy(yg_hbm.at[i2], y2, sem),
                pltpu.async_copy(sh_hbm.at[pl.ds(b, CH)], sh, sem))

    nch = TPW // CH
    pend = issue(0, sets[0])
    for c in range(nch):
        nxt = issue(c + 1, sets[(c + 1) % 2]) if c + 1 < nch else None
        for d in pend:
            d.wait()
        _, _, wv1, wv2, y1, y2, sh, _ = sets[c % 2]
        wa = wv1[pl.ds(0, CH)]
        wb = wv2[pl.ds(0, CH)]

        def body_v(v, carry):
            sl = pl.ds(v * 16, 16)
            for j in range(CH):
                ob_v[j, sl] = (y1[j, sl] * wa[j] + y2[j, sl] * wb[j]
                               + sh[j, sl])
            return carry
        lax.fori_loop(0, H // 16, body_v, 0)
        pltpu.sync_copy(ob_v, out_hbm.at[pl.ds(base + c * CH, CH)])
        pend = nxt


@jax.jit
def kernel(hidden_states, gate_w, gate_b, w_gate_up, w_down,
           shared_gate_up, shared_down):
    x = hidden_states
    xb = x.astype(jnp.bfloat16)
    wgu = w_gate_up.astype(jnp.bfloat16)
    wd = w_down.astype(jnp.bfloat16)
    sgu = shared_gate_up.astype(jnp.bfloat16)
    sd = shared_down.astype(jnp.bfloat16)

    p1, p2, w1, w2, te, used, xi = pl.pallas_call(
        _routing_body,
        out_shape=(
            jax.ShapeDtypeStruct((T, 1), jnp.int32),
            jax.ShapeDtypeStruct((T, 1), jnp.int32),
            jax.ShapeDtypeStruct((T, 1), jnp.float32),
            jax.ShapeDtypeStruct((T, 1), jnp.float32),
            jax.ShapeDtypeStruct((NTILES, 1), jnp.int32),
            jax.ShapeDtypeStruct((1, 1), jnp.int32),
            jax.ShapeDtypeStruct((T, H // 2), jnp.int32),
        ),
    )(x, gate_w, gate_b.reshape(1, E))

    p1f = p1.reshape(T)
    p2f = p2.reshape(T)

    shared_out = pl.pallas_call(
        _shared_body,
        grid=(T // 256,),
        in_specs=[
            pl.BlockSpec((256, H), lambda t: (t, 0)),
            pl.BlockSpec((2 * IS, H), lambda t: (0, 0)),
            pl.BlockSpec((H, IS), lambda t: (0, 0)),
        ],
        out_specs=pl.BlockSpec((256, H), lambda t: (t, 0)),
        out_shape=jax.ShapeDtypeStruct((T, H), jnp.float32),
        compiler_params=pltpu.CompilerParams(
            dimension_semantics=("arbitrary",)),
    )(xb, sgu, sd)

    mesh = plsc.VectorSubcoreMesh(core_axis_name="c", subcore_axis_name="s")
    xg = pl.kernel(
        _scatter_body,
        mesh=mesh,
        out_type=jax.ShapeDtypeStruct((PAD_T, H // 2), jnp.int32),
        scratch_types=[
            pltpu.VMEM((TPW,), jnp.int32),
            pltpu.VMEM((TPW,), jnp.int32),
            pltpu.VMEM((TPW, H // 2), jnp.int32),
            pltpu.SemaphoreType.DMA,
            pltpu.SemaphoreType.DMA,
        ],
    )(xi, p1f, p2f)

    yg = pl.pallas_call(
        _gmm_body,
        grid_spec=pltpu.PrefetchScalarGridSpec(
            num_scalar_prefetch=2,
            grid=(NTILES,),
            in_specs=[
                pl.BlockSpec((BM, H // 2), lambda i, te, u: (i, 0)),
                pl.BlockSpec((1, 2 * I, H), lambda i, te, u: (te[i], 0, 0)),
                pl.BlockSpec((1, H, I), lambda i, te, u: (te[i], 0, 0)),
            ],
            out_specs=pl.BlockSpec((BM, H), lambda i, te, u: (i, 0)),
        ),
        out_shape=jax.ShapeDtypeStruct((PAD_T, H), jnp.float32),
        compiler_params=pltpu.CompilerParams(
            dimension_semantics=("arbitrary",)),
    )(te.reshape(NTILES), used.reshape(1), xg, wgu, wd)

    out = pl.kernel(
        _combine_body,
        mesh=mesh,
        out_type=jax.ShapeDtypeStruct((T, H), jnp.float32),
        scratch_types=(
            [pltpu.VMEM((CH,), jnp.int32)] * 2
            + [pltpu.VMEM((CH,), jnp.float32)] * 2
            + [pltpu.VMEM((CH, H), jnp.float32)] * 3
            + [pltpu.VMEM((CH,), jnp.int32)] * 2
            + [pltpu.VMEM((CH,), jnp.float32)] * 2
            + [pltpu.VMEM((CH, H), jnp.float32)] * 3
            + [pltpu.VMEM((CH, H), jnp.float32)]
            + [pltpu.SemaphoreType.DMA] * 2
        ),
    )(yg, p1f, p2f, w1.reshape(T), w2.reshape(T), shared_out)

    return out

# --- scband reference (transcript-rebuilt; emitter-appended) ---
"""Pipeline reference for scband-deepseek-v3-mo-e-17806934409994 (READ-ONLY COPY).

The authoritative reference and input builder live on the scoring server;
editing this copy changes nothing except your own understanding.
"""

import jax, jax.numpy as jnp
import numpy as np

T = 2048
H = 1024
E = 16
TOP_K = 2
N_GROUP = 4
TOPK_GROUP = 2
I = 512
N_SHARED = 2
IS = I * N_SHARED
ROUTED_SCALING = 2.5


def setup_inputs(seed: int = 0) -> dict:
    key = jax.random.key(seed)
    ks = jax.random.split(key, 8)
    return {
        "hidden_states": jax.random.normal(ks[0], (T, H), jnp.float32),
        "gate_w": jax.random.normal(ks[1], (E, H), jnp.float32) * 0.02,
        "gate_b": jax.random.normal(ks[2], (E,), jnp.float32) * 0.02,
        "w_gate_up": jax.random.normal(ks[3], (E, 2 * I, H), jnp.float32) * 0.02,
        "w_down": jax.random.normal(ks[4], (E, H, I), jnp.float32) * 0.02,
        "shared_gate_up": jax.random.normal(ks[5], (2 * IS, H), jnp.float32) * 0.02,
        "shared_down": jax.random.normal(ks[6], (H, IS), jnp.float32) * 0.02,
    }


def _mlp(x, w_gu, w_d):
    gu = x @ w_gu.T
    g, u = jnp.split(gu, 2, axis=-1)
    return (jax.nn.silu(g) * u) @ w_d.T


def _biased_grouped_topk(scores, bias):
    t = scores.shape[0]
    scores_for_choice = scores + bias[None, :]
    grouped = scores_for_choice.reshape(t, N_GROUP, E // N_GROUP)
    top2_vals = jax.lax.top_k(grouped, 2)[0]
    group_scores = top2_vals.sum(axis=-1)
    group_idx = jax.lax.top_k(group_scores, TOPK_GROUP)[1]
    group_mask = jnp.zeros((t, N_GROUP), scores.dtype).at[jnp.arange(t)[:, None], group_idx].set(1.0)
    score_mask = jnp.repeat(group_mask, E // N_GROUP, axis=1)
    masked = jnp.where(score_mask > 0, scores_for_choice, -jnp.inf)
    topk_ids = jax.lax.top_k(masked, TOP_K)[1]
    topk_w = jnp.take_along_axis(scores, topk_ids, axis=1)
    topk_w = topk_w / (topk_w.sum(axis=-1, keepdims=True) + 1e-20)
    return topk_w, topk_ids


def reference(hidden_states, gate_w, gate_b, w_gate_up, w_down, shared_gate_up, shared_down):
    x = hidden_states
    # shared experts (DeepseekV3MLP with intermediate = moe_intermediate * n_shared)
    shared_out = _mlp(x, shared_gate_up, shared_down)
    # MoEGate: F.linear(hidden, weight, e_score_correction_bias)
    logits = x @ gate_w.T + gate_b[None, :]
    # EPMoE grouped top-k with correction bias (DeepSeek V3 sigmoid scoring)
    scores = jax.nn.sigmoid(logits)
    topk_w, topk_ids = _biased_grouped_topk(scores, gate_b)
    t = x.shape[0]
    combine = jnp.zeros((t, E), x.dtype).at[jnp.arange(t)[:, None], topk_ids].add(topk_w)
    # expert computation (silu-and-mul MLP per expert), dense combine
    gu = jnp.einsum('th,eih->tei', x, w_gate_up)
    g, u = jnp.split(gu, 2, axis=-1)
    h = jax.nn.silu(g) * u
    expert_out = jnp.einsum('tei,ehi->teh', h, w_down)
    routed = jnp.einsum('te,teh->th', combine, expert_out)
    return routed * ROUTED_SCALING + shared_out

if __name__ == "__main__":
    import jax
    _d = setup_inputs()
    print(jax.jit(kernel)(*tuple(_d.values())))

</pallas_src>

<mosaic_0001>
#map = affine_map<(d0, d1) -> (0, 0)>
#map1 = affine_map<(d0, d1) -> (0)>
module attributes {stable_mosaic.version = 14 : i64} {
  func.func @_combine_body(%arg0: i32, %arg1: i32, %arg2: memref<8192x1024xf32, #tpu.memory_space<hbm>>, %arg3: memref<2048xi32, #tpu.memory_space<hbm>>, %arg4: memref<2048xi32, #tpu.memory_space<hbm>>, %arg5: memref<2048xf32, #tpu.memory_space<hbm>>, %arg6: memref<2048xf32, #tpu.memory_space<hbm>>, %arg7: memref<2048x1024xf32, #tpu.memory_space<hbm>>, %arg8: memref<2048x1024xf32, #tpu.memory_space<hbm>>, %arg9: memref<16xi32, #tpu.memory_space<vmem>>, %arg10: memref<16xi32, #tpu.memory_space<vmem>>, %arg11: memref<16xf32, #tpu.memory_space<vmem>>, %arg12: memref<16xf32, #tpu.memory_space<vmem>>, %arg13: memref<16x1024xf32, #tpu.memory_space<vmem>>, %arg14: memref<16x1024xf32, #tpu.memory_space<vmem>>, %arg15: memref<16x1024xf32, #tpu.memory_space<vmem>>, %arg16: memref<16xi32, #tpu.memory_space<vmem>>, %arg17: memref<16xi32, #tpu.memory_space<vmem>>, %arg18: memref<16xf32, #tpu.memory_space<vmem>>, %arg19: memref<16xf32, #tpu.memory_space<vmem>>, %arg20: memref<16x1024xf32, #tpu.memory_space<vmem>>, %arg21: memref<16x1024xf32, #tpu.memory_space<vmem>>, %arg22: memref<16x1024xf32, #tpu.memory_space<vmem>>, %arg23: memref<16x1024xf32, #tpu.memory_space<vmem>>, %arg24: memref<!tpu.dma_semaphore, #tpu.memory_space<semaphore_mem>>, %arg25: memref<!tpu.dma_semaphore, #tpu.memory_space<semaphore_mem>>) attributes {dimension_semantics = [#tpu.dimension_semantics<core_parallel>, #tpu.dimension_semantics<subcore_parallel>], iteration_bounds = array<i64: 2, 16>, scalar_prefetch = 0 : i64, scratch_operands = 17 : i64, tpu.core_type = #tpu.core_type<sc_vector_subcore>, window_params = [{transform_indices = #map}, {transform_indices = #map1}, {transform_indices = #map1}, {transform_indices = #map1}, {transform_indices = #map1}, {transform_indices = #map}, {transform_indices = #map}]} {
    %mul3A = arith.constant 2 : i32
    %mul3A_0 = arith.muli %arg1, %mul3A : i32
    %add3A = arith.addi %mul3A_0, %arg0 : i32
    %mul3A_1 = arith.constant 64 : i32
    %mul3A_2 = arith.muli %add3A, %mul3A_1 : i32
    %add3A_3 = arith.constant 0 : i32
    %add3A_4 = arith.addi %mul3A_2, %add3A_3 : i32
    "tpu.region"() ({
      %run_scoped3A = tpu.sem_alloc : memref<!tpu.dma_semaphore, #tpu.memory_space<semaphore_mem>>
      %dma_start3A_143 = tpu.memref_slice %arg3[%add3A_4] : memref<2048xi32, #tpu.memory_space<hbm>> -> memref<16xi32, #tpu.memory_space<hbm>>
      %dma_start3A_144 = tpu.memref_slice %arg3[%add3A_4] : memref<2048xi32, #tpu.memory_space<hbm>> -> memref<16xi32, #tpu.memory_space<hbm>>
      tpu.enqueue_dma source(%dma_start3A_144 : memref<16xi32, #tpu.memory_space<hbm>>) target(%arg9 : memref<16xi32, #tpu.memory_space<vmem>>) target_semaphore(%run_scoped3A : memref<!tpu.dma_semaphore, #tpu.memory_space<semaphore_mem>>)
      %dma_wait3A_145 = tpu.memref_slice %arg3[%add3A_4] : memref<2048xi32, #tpu.memory_space<hbm>> -> memref<16xi32, #tpu.memory_space<hbm>>
      %dma_wait3A_146 = tpu.memref_slice %arg3[%add3A_4] : memref<2048xi32, #tpu.memory_space<hbm>> -> memref<16xi32, #tpu.memory_space<hbm>>
      tpu.wait_dma2 semaphore(%run_scoped3A : memref<!tpu.dma_semaphore, #tpu.memory_space<semaphore_mem>>) src(%dma_wait3A_146 : memref<16xi32, #tpu.memory_space<hbm>>) dst(%arg9 : memref<16xi32, #tpu.memory_space<vmem>>)
      tpu.yield
    }) : () -> ()
    "tpu.region"() ({
      %run_scoped3A = tpu.sem_alloc : memref<!tpu.dma_semaphore, #tpu.memory_space<semaphore_mem>>
      %dma_start3A_143 = tpu.memref_slice %arg4[%add3A_4] : memref<2048xi32, #tpu.memory_space<hbm>> -> memref<16xi32, #tpu.memory_space<hbm>>
      %dma_start3A_144 = tpu.memref_slice %arg4[%add3A_4] : memref<2048xi32, #tpu.memory_space<hbm>> -> memref<16xi32, #tpu.memory_space<hbm>>
      tpu.enqueue_dma source(%dma_start3A_144 : memref<16xi32, #tpu.memory_space<hbm>>) target(%arg10 : memref<16xi32, #tpu.memory_space<vmem>>) target_semaphore(%run_scoped3A : memref<!tpu.dma_semaphore, #tpu.memory_space<semaphore_mem>>)
      %dma_wait3A_145 = tpu.memref_slice %arg4[%add3A_4] : memref<2048xi32, #tpu.memory_space<hbm>> -> memref<16xi32, #tpu.memory_space<hbm>>
      %dma_wait3A_146 = tpu.memref_slice %arg4[%add3A_4] : memref<2048xi32, #tpu.memory_space<hbm>> -> memref<16xi32, #tpu.memory_space<hbm>>
      tpu.wait_dma2 semaphore(%run_scoped3A : memref<!tpu.dma_semaphore, #tpu.memory_space<semaphore_mem>>) src(%dma_wait3A_146 : memref<16xi32, #tpu.memory_space<hbm>>) dst(%arg10 : memref<16xi32, #tpu.memory_space<vmem>>)
      tpu.yield
    }) : () -> ()
    "tpu.region"() ({
      %run_scoped3A = tpu.sem_alloc : memref<!tpu.dma_semaphore, #tpu.memory_space<semaphore_mem>>
      %dma_start3A_143 = tpu.memref_slice %arg5[%add3A_4] : memref<2048xf32, #tpu.memory_space<hbm>> -> memref<16xf32, #tpu.memory_space<hbm>>
      %dma_start3A_144 = tpu.memref_slice %arg5[%add3A_4] : memref<2048xf32, #tpu.memory_space<hbm>> -> memref<16xf32, #tpu.memory_space<hbm>>
      tpu.enqueue_dma source(%dma_start3A_144 : memref<16xf32, #tpu.memory_space<hbm>>) target(%arg11 : memref<16xf32, #tpu.memory_space<vmem>>) target_semaphore(%run_scoped3A : memref<!tpu.dma_semaphore, #tpu.memory_space<semaphore_mem>>)
      %dma_wait3A_145 = tpu.memref_slice %arg5[%add3A_4] : memref<2048xf32, #tpu.memory_space<hbm>> -> memref<16xf32, #tpu.memory_space<hbm>>
      %dma_wait3A_146 = tpu.memref_slice %arg5[%add3A_4] : memref<2048xf32, #tpu.memory_space<hbm>> -> memref<16xf32, #tpu.memory_space<hbm>>
      tpu.wait_dma2 semaphore(%run_scoped3A : memref<!tpu.dma_semaphore, #tpu.memory_space<semaphore_mem>>) src(%dma_wait3A_146 : memref<16xf32, #tpu.memory_space<hbm>>) dst(%arg11 : memref<16xf32, #tpu.memory_space<vmem>>)
      tpu.yield
    }) : () -> ()
    "tpu.region"() ({
      %run_scoped3A = tpu.sem_alloc : memref<!tpu.dma_semaphore, #tpu.memory_space<semaphore_mem>>
      %dma_start3A_143 = tpu.memref_slice %arg6[%add3A_4] : memref<2048xf32, #tpu.memory_space<hbm>> -> memref<16xf32, #tpu.memory_space<hbm>>
      %dma_start3A_144 = tpu.memref_slice %arg6[%add3A_4] : memref<2048xf32, #tpu.memory_space<hbm>> -> memref<16xf32, #tpu.memory_space<hbm>>
      tpu.enqueue_dma source(%dma_start3A_144 : memref<16xf32, #tpu.memory_space<hbm>>) target(%arg12 : memref<16xf32, #tpu.memory_space<vmem>>) target_semaphore(%run_scoped3A : memref<!tpu.dma_semaphore, #tpu.memory_space<semaphore_mem>>)
      %dma_wait3A_145 = tpu.memref_slice %arg6[%add3A_4] : memref<2048xf32, #tpu.memory_space<hbm>> -> memref<16xf32, #tpu.memory_space<hbm>>
      %dma_wait3A_146 = tpu.memref_slice %arg6[%add3A_4] : memref<2048xf32, #tpu.memory_space<hbm>> -> memref<16xf32, #tpu.memory_space<hbm>>
      tpu.wait_dma2 semaphore(%run_scoped3A : memref<!tpu.dma_semaphore, #tpu.memory_space<semaphore_mem>>) src(%dma_wait3A_146 : memref<16xf32, #tpu.memory_space<hbm>>) dst(%arg12 : memref<16xf32, #tpu.memory_space<vmem>>)
      tpu.yield
    }) : () -> ()
    %dma_start3A = arith.constant 0 : i32
    %dma_start3A_5 = arith.constant 0 : i32
    %dma_start3A_6 = tpu.memref_slice %arg2[%dma_start3A, %dma_start3A_5] : memref<8192x1024xf32, #tpu.memory_space<hbm>> -> memref<8192x1024xf32, #tpu.memory_space<hbm>>
    tpu.enqueue_indirect_dma source(%dma_start3A_6 : memref<8192x1024xf32, #tpu.memory_space<hbm>>) target(%arg13 : memref<16x1024xf32, #tpu.memory_space<vmem>>) offsets(%arg9 : memref<16xi32, #tpu.memory_space<vmem>>) semaphore(%arg24 : memref<!tpu.dma_semaphore, #tpu.memory_space<semaphore_mem>>)
    %dma_start3A_7 = arith.constant 0 : i32
    %dma_start3A_8 = arith.constant 0 : i32
    %dma_start3A_9 = tpu.memref_slice %arg2[%dma_start3A_7, %dma_start3A_8] : memref<8192x1024xf32, #tpu.memory_space<hbm>> -> memref<8192x1024xf32, #tpu.memory_space<hbm>>
    tpu.enqueue_indirect_dma source(%dma_start3A_9 : memref<8192x1024xf32, #tpu.memory_space<hbm>>) target(%arg14 : memref<16x1024xf32, #tpu.memory_space<vmem>>) offsets(%arg10 : memref<16xi32, #tpu.memory_space<vmem>>) semaphore(%arg24 : memref<!tpu.dma_semaphore, #tpu.memory_space<semaphore_mem>>)
    %dma_start3A_10 = arith.constant 0 : i32
    %dma_start3A_11 = tpu.memref_slice %arg7[%add3A_4, %dma_start3A_10] : memref<2048x1024xf32, #tpu.memory_space<hbm>> -> memref<16x1024xf32, #tpu.memory_space<hbm>>
    %dma_start3A_12 = arith.constant 0 : i32
    %dma_start3A_13 = tpu.memref_slice %arg7[%add3A_4, %dma_start3A_12] : memref<2048x1024xf32, #tpu.memory_space<hbm>> -> memref<16x1024xf32, #tpu.memory_space<hbm>>
    tpu.enqueue_dma source(%dma_start3A_13 : memref<16x1024xf32, #tpu.memory_space<hbm>>) target(%arg15 : memref<16x1024xf32, #tpu.memory_space<vmem>>) target_semaphore(%arg24 : memref<!tpu.dma_semaphore, #tpu.memory_space<semaphore_mem>>)
    %add3A_14 = arith.constant 16 : i32
    %add3A_15 = arith.addi %mul3A_2, %add3A_14 : i32
    "tpu.region"() ({
      %run_scoped3A = tpu.sem_alloc : memref<!tpu.dma_semaphore, #tpu.memory_space<semaphore_mem>>
      %dma_start3A_143 = tpu.memref_slice %arg3[%add3A_15] : memref<2048xi32, #tpu.memory_space<hbm>> -> memref<16xi32, #tpu.memory_space<hbm>>
      %dma_start3A_144 = tpu.memref_slice %arg3[%add3A_15] : memref<2048xi32, #tpu.memory_space<hbm>> -> memref<16xi32, #tpu.memory_space<hbm>>
      tpu.enqueue_dma source(%dma_start3A_144 : memref<16xi32, #tpu.memory_space<hbm>>) target(%arg16 : memref<16xi32, #tpu.memory_space<vmem>>) target_semaphore(%run_scoped3A : memref<!tpu.dma_semaphore, #tpu.memory_space<semaphore_mem>>)
      %dma_wait3A_145 = tpu.memref_slice %arg3[%add3A_15] : memref<2048xi32, #tpu.memory_space<hbm>> -> memref<16xi32, #tpu.memory_space<hbm>>
      %dma_wait3A_146 = tpu.memref_slice %arg3[%add3A_15] : memref<2048xi32, #tpu.memory_space<hbm>> -> memref<16xi32, #tpu.memory_space<hbm>>
      tpu.wait_dma2 semaphore(%run_scoped3A : memref<!tpu.dma_semaphore, #tpu.memory_space<semaphore_mem>>) src(%dma_wait3A_146 : memref<16xi32, #tpu.memory_space<hbm>>) dst(%arg16 : memref<16xi32, #tpu.memory_space<vmem>>)
      tpu.yield
    }) : () -> ()
    "tpu.region"() ({
      %run_scoped3A = tpu.sem_alloc : memref<!tpu.dma_semaphore, #tpu.memory_space<semaphore_mem>>
      %dma_start3A_143 = tpu.memref_slice %arg4[%add3A_15] : memref<2048xi32, #tpu.memory_space<hbm>> -> memref<16xi32, #tpu.memory_space<hbm>>
      %dma_start3A_144 = tpu.memref_slice %arg4[%add3A_15] : memref<2048xi32, #tpu.memory_space<hbm>> -> memref<16xi32, #tpu.memory_space<hbm>>
      tpu.enqueue_dma source(%dma_start3A_144 : memref<16xi32, #tpu.memory_space<hbm>>) target(%arg17 : memref<16xi32, #tpu.memory_space<vmem>>) target_semaphore(%run_scoped3A : memref<!tpu.dma_semaphore, #tpu.memory_space<semaphore_mem>>)
      %dma_wait3A_145 = tpu.memref_slice %arg4[%add3A_15] : memref<2048xi32, #tpu.memory_space<hbm>> -> memref<16xi32, #tpu.memory_space<hbm>>
      %dma_wait3A_146 = tpu.memref_slice %arg4[%add3A_15] : memref<2048xi32, #tpu.memory_space<hbm>> -> memref<16xi32, #tpu.memory_space<hbm>>
      tpu.wait_dma2 semaphore(%run_scoped3A : memref<!tpu.dma_semaphore, #tpu.memory_space<semaphore_mem>>) src(%dma_wait3A_146 : memref<16xi32, #tpu.memory_space<hbm>>) dst(%arg17 : memref<16xi32, #tpu.memory_space<vmem>>)
      tpu.yield
    }) : () -> ()
    "tpu.region"() ({
      %run_scoped3A = tpu.sem_alloc : memref<!tpu.dma_semaphore, #tpu.memory_space<semaphore_mem>>
      %dma_start3A_143 = tpu.memref_slice %arg5[%add3A_15] : memref<2048xf32, #tpu.memory_space<hbm>> -> memref<16xf32, #tpu.memory_space<hbm>>
      %dma_start3A_144 = tpu.memref_slice %arg5[%add3A_15] : memref<2048xf32, #tpu.memory_space<hbm>> -> memref<16xf32, #tpu.memory_space<hbm>>
      tpu.enqueue_dma source(%dma_start3A_144 : memref<16xf32, #tpu.memory_space<hbm>>) target(%arg18 : memref<16xf32, #tpu.memory_space<vmem>>) target_semaphore(%run_scoped3A : memref<!tpu.dma_semaphore, #tpu.memory_space<semaphore_mem>>)
      %dma_wait3A_145 = tpu.memref_slice %arg5[%add3A_15] : memref<2048xf32, #tpu.memory_space<hbm>> -> memref<16xf32, #tpu.memory_space<hbm>>
      %dma_wait3A_146 = tpu.memref_slice %arg5[%add3A_15] : memref<2048xf32, #tpu.memory_space<hbm>> -> memref<16xf32, #tpu.memory_space<hbm>>
      tpu.wait_dma2 semaphore(%run_scoped3A : memref<!tpu.dma_semaphore, #tpu.memory_space<semaphore_mem>>) src(%dma_wait3A_146 : memref<16xf32, #tpu.memory_space<hbm>>) dst(%arg18 : memref<16xf32, #tpu.memory_space<vmem>>)
      tpu.yield
    }) : () -> ()
    "tpu.region"() ({
      %run_scoped3A = tpu.sem_alloc : memref<!tpu.dma_semaphore, #tpu.memory_space<semaphore_mem>>
      %dma_start3A_143 = tpu.memref_slice %arg6[%add3A_15] : memref<2048xf32, #tpu.memory_space<hbm>> -> memref<16xf32, #tpu.memory_space<hbm>>
      %dma_start3A_144 = tpu.memref_slice %arg6[%add3A_15] : memref<2048xf32, #tpu.memory_space<hbm>> -> memref<16xf32, #tpu.memory_space<hbm>>
      tpu.enqueue_dma source(%dma_start3A_144 : memref<16xf32, #tpu.memory_space<hbm>>) target(%arg19 : memref<16xf32, #tpu.memory_space<vmem>>) target_semaphore(%run_scoped3A : memref<!tpu.dma_semaphore, #tpu.memory_space<semaphore_mem>>)
      %dma_wait3A_145 = tpu.memref_slice %arg6[%add3A_15] : memref<2048xf32, #tpu.memory_space<hbm>> -> memref<16xf32, #tpu.memory_space<hbm>>
      %dma_wait3A_146 = tpu.memref_slice %arg6[%add3A_15] : memref<2048xf32, #tpu.memory_space<hbm>> -> memref<16xf32, #tpu.memory_space<hbm>>
      tpu.wait_dma2 semaphore(%run_scoped3A : memref<!tpu.dma_semaphore, #tpu.memory_space<semaphore_mem>>) src(%dma_wait3A_146 : memref<16xf32, #tpu.memory_space<hbm>>) dst(%arg19 : memref<16xf32, #tpu.memory_space<vmem>>)
      tpu.yield
    }) : () -> ()
    %dma_start3A_16 = arith.constant 0 : i32
    %dma_start3A_17 = arith.constant 0 : i32
    %dma_start3A_18 = tpu.memref_slice %arg2[%dma_start3A_16, %dma_start3A_17] : memref<8192x1024xf32, #tpu.memory_space<hbm>> -> memref<8192x1024xf32, #tpu.memory_space<hbm>>
    tpu.enqueue_indirect_dma source(%dma_start3A_18 : memref<8192x1024xf32, #tpu.memory_space<hbm>>) target(%arg20 : memref<16x1024xf32, #tpu.memory_space<vmem>>) offsets(%arg16 : memref<16xi32, #tpu.memory_space<vmem>>) semaphore(%arg25 : memref<!tpu.dma_semaphore, #tpu.memory_space<semaphore_mem>>)
    %dma_start3A_19 = arith.constant 0 : i32
    %dma_start3A_20 = arith.constant 0 : i32
    %dma_start3A_21 = tpu.memref_slice %arg2[%dma_start3A_19, %dma_start3A_20] : memref<8192x1024xf32, #tpu.memory_space<hbm>> -> memref<8192x1024xf32, #tpu.memory_space<hbm>>
    tpu.enqueue_indirect_dma source(%dma_start3A_21 : memref<8192x1024xf32, #tpu.memory_space<hbm>>) target(%arg21 : memref<16x1024xf32, #tpu.memory_space<vmem>>) offsets(%arg17 : memref<16xi32, #tpu.memory_space<vmem>>) semaphore(%arg25 : memref<!tpu.dma_semaphore, #tpu.memory_space<semaphore_mem>>)
    %dma_start3A_22 = arith.constant 0 : i32
    %dma_start3A_23 = tpu.memref_slice %arg7[%add3A_15, %dma_start3A_22] : memref<2048x1024xf32, #tpu.memory_space<hbm>> -> memref<16x1024xf32, #tpu.memory_space<hbm>>
    %dma_start3A_24 = arith.constant 0 : i32
    %dma_start3A_25 = tpu.memref_slice %arg7[%add3A_15, %dma_start3A_24] : memref<2048x1024xf32, #tpu.memory_space<hbm>> -> memref<16x1024xf32, #tpu.memory_space<hbm>>
    tpu.enqueue_dma source(%dma_start3A_25 : memref<16x1024xf32, #tpu.memory_space<hbm>>) target(%arg22 : memref<16x1024xf32, #tpu.memory_space<vmem>>) target_semaphore(%arg25 : memref<!tpu.dma_semaphore, #tpu.memory_space<semaphore_mem>>)
    %dma_wait3A = arith.constant 0 : i32
    %dma_wait3A_26 = arith.constant 0 : i32
    %dma_wait3A_27 = tpu.memref_slice %arg2[%dma_wait3A, %dma_wait3A_26] : memref<8192x1024xf32, #tpu.memory_space<hbm>> -> memref<8192x1024xf32, #tpu.memory_space<hbm>>
    tpu.wait_indirect_dma semaphore(%arg24 : memref<!tpu.dma_semaphore, #tpu.memory_space<semaphore_mem>>) src(%dma_wait3A_27 : memref<8192x1024xf32, #tpu.memory_space<hbm>>) dst(%arg13 : memref<16x1024xf32, #tpu.memory_space<vmem>>)
    %dma_wait3A_28 = arith.constant 0 : i32
    %dma_wait3A_29 = arith.constant 0 : i32
    %dma_wait3A_30 = tpu.memref_slice %arg2[%dma_wait3A_28, %dma_wait3A_29] : memref<8192x1024xf32, #tpu.memory_space<hbm>> -> memref<8192x1024xf32, #tpu.memory_space<hbm>>
    tpu.wait_indirect_dma semaphore(%arg24 : memref<!tpu.dma_semaphore, #tpu.memory_space<semaphore_mem>>) src(%dma_wait3A_30 : memref<8192x1024xf32, #tpu.memory_space<hbm>>) dst(%arg14 : memref<16x1024xf32, #tpu.memory_space<vmem>>)
    %dma_wait3A_31 = arith.constant 0 : i32
    %dma_wait3A_32 = tpu.memref_slice %arg7[%add3A_4, %dma_wait3A_31] : memref<2048x1024xf32, #tpu.memory_space<hbm>> -> memref<16x1024xf32, #tpu.memory_space<hbm>>
    %dma_wait3A_33 = arith.constant 0 : i32
    %dma_wait3A_34 = tpu.memref_slice %arg7[%add3A_4, %dma_wait3A_33] : memref<2048x1024xf32, #tpu.memory_space<hbm>> -> memref<16x1024xf32, #tpu.memory_space<hbm>>
    tpu.wait_dma2 semaphore(%arg24 : memref<!tpu.dma_semaphore, #tpu.memory_space<semaphore_mem>>) src(%dma_wait3A_34 : memref<16x1024xf32, #tpu.memory_space<hbm>>) dst(%arg15 : memref<16x1024xf32, #tpu.memory_space<vmem>>)
    %get3A = arith.constant 0 : index
    %get3A_35 = tpu.vector_load %arg11[%get3A] {strides = array<i32>} : memref<16xf32, #tpu.memory_space<vmem>>, vector<16xf32>,
    %get3A_36 = vector.shape_cast %get3A_35 : vector<16xf32> to vector<16xf32>
    %get3A_37 = arith.constant 0 : index
    %get3A_38 = tpu.vector_load %arg12[%get3A_37] {strides = array<i32>} : memref<16xf32, #tpu.memory_space<vmem>>, vector<16xf32>,
    %get3A_39 = vector.shape_cast %get3A_38 : vector<16xf32> to vector<16xf32>
    %scan3A = arith.constant 0 : i32
    %scan3A_40 = arith.constant 0 : i32
    %scan3A_41 = arith.constant 64 : i32
    %scan3A_42 = arith.addi %scan3A_40, %scan3A_41 : i32
    %scan3A_43 = arith.constant 1 : i32
    scf.for %scan3A_143 = %scan3A_40 to %scan3A_42 step %scan3A_43  : i32 {
      %mul3A_144 = arith.constant 16 : i32
      %mul3A_145 = arith.muli %scan3A_143, %mul3A_144 : i32
      %get3A_146 = arith.constant 0 : i32
      %get3A_147 = arith.index_cast %get3A_146 : i32 to index
      %get3A_148 = arith.index_cast %mul3A_145 : i32 to index
      %get3A_149 = tpu.vector_load %arg13[%get3A_147, %get3A_148] {strides = array<i32>} : memref<16x1024xf32, #tpu.memory_space<vmem>>, vector<1x16xf32>,
      %get3A_150 = vector.shape_cast %get3A_149 : vector<1x16xf32> to vector<16xf32>
      %slice3A = vector.extract_strided_slice %get3A_36 {offsets = [0], sizes = [1], strides = [1]} : vector<16xf32> to vector<1xf32>
      %squeeze3A = vector.extract %slice3A[0] : f32 from vector<1xf32>
      %mul3A_151 = vector.broadcast %squeeze3A : f32 to vector<16xf32>
      %mul3A_152 = arith.mulf %get3A_150, %mul3A_151 : vector<16xf32>
      %get3A_153 = arith.constant 0 : i32
      %get3A_154 = arith.index_cast %get3A_153 : i32 to index
      %get3A_155 = arith.index_cast %mul3A_145 : i32 to index
      %get3A_156 = tpu.vector_load %arg14[%get3A_154, %get3A_155] {strides = array<i32>} : memref<16x1024xf32, #tpu.memory_space<vmem>>, vector<1x16xf32>,
      %get3A_157 = vector.shape_cast %get3A_156 : vector<1x16xf32> to vector<16xf32>
      %slice3A_158 = vector.extract_strided_slice %get3A_39 {offsets = [0], sizes = [1], strides = [1]} : vector<16xf32> to vector<1xf32>
      %squeeze3A_159 = vector.extract %slice3A_158[0] : f32 from vector<1xf32>
      %mul3A_160 = vector.broadcast %squeeze3A_159 : f32 to vector<16xf32>
      %mul3A_161 = arith.mulf %get3A_157, %mul3A_160 : vector<16xf32>
      %add3A_162 = arith.addf %mul3A_152, %mul3A_161 : vector<16xf32>
      %get3A_163 = arith.constant 0 : i32
      %get3A_164 = arith.index_cast %get3A_163 : i32 to index
      %get3A_165 = arith.index_cast %mul3A_145 : i32 to index
      %get3A_166 = tpu.vector_load %arg15[%get3A_164, %get3A_165] {strides = array<i32>} : memref<16x1024xf32, #tpu.memory_space<vmem>>, vector<1x16xf32>,
      %get3A_167 = vector.shape_cast %get3A_166 : vector<1x16xf32> to vector<16xf32>
      %add3A_168 = arith.addf %add3A_162, %get3A_167 : vector<16xf32>
      %swap3A = arith.constant 0 : i32
      %swap3A_169 = arith.index_cast %swap3A : i32 to index
      %swap3A_170 = arith.index_cast %mul3A_145 : i32 to index
      %swap3A_171 = tpu.vector_load %arg23[%swap3A_169, %swap3A_170] {strides = array<i32>} : memref<16x1024xf32, #tpu.memory_space<vmem>>, vector<1x16xf32>,
      %swap3A_172 = vector.shape_cast %swap3A_171 : vector<1x16xf32> to vector<16xf32>
      %swap3A_173 = vector.shape_cast %add3A_168 : vector<16xf32> to vector<1x16xf32>
      tpu.vector_store %arg23[%swap3A_169, %swap3A_170], %swap3A_173 {strides = array<i32>} : memref<16x1024xf32, #tpu.memory_space<vmem>>, vector<1x16xf32>,
      %get3A_174 = arith.constant 1 : i32
      %get3A_175 = arith.index_cast %get3A_174 : i32 to index
      %get3A_176 = arith.index_cast %mul3A_145 : i32 to index
      %get3A_177 = tpu.vector_load %arg13[%get3A_175, %get3A_176] {strides = array<i32>} : memref<16x1024xf32, #tpu.memory_space<vmem>>, vector<1x16xf32>,
      %get3A_178 = vector.shape_cast %get3A_177 : vector<1x16xf32> to vector<16xf32>
      %slice3A_179 = vector.extract_strided_slice %get3A_36 {offsets = [1], sizes = [1], strides = [1]} : vector<16xf32> to vector<1xf32>
      %squeeze3A_180 = vector.extract %slice3A_179[0] : f32 from vector<1xf32>
      %mul3A_181 = vector.broadcast %squeeze3A_180 : f32 to vector<16xf32>
      %mul3A_182 = arith.mulf %get3A_178, %mul3A_181 : vector<16xf32>
      %get3A_183 = arith.constant 1 : i32
      %get3A_184 = arith.index_cast %get3A_183 : i32 to index
      %get3A_185 = arith.index_cast %mul3A_145 : i32 to index
      %get3A_186 = tpu.vector_load %arg14[%get3A_184, %get3A_185] {strides = array<i32>} : memref<16x1024xf32, #tpu.memory_space<vmem>>, vector<1x16xf32>,
      %get3A_187 = vector.shape_cast %get3A_186 : vector<1x16xf32> to vector<16xf32>
      %slice3A_188 = vector.extract_strided_slice %get3A_39 {offsets = [1], sizes = [1], strides = [1]} : vector<16xf32> to vector<1xf32>
      %squeeze3A_189 = vector.extract %slice3A_188[0] : f32 from vector<1xf32>
      %mul3A_190 = vector.broadcast %squeeze3A_189 : f32 to vector<16xf32>
      %mul3A_191 = arith.mulf %get3A_187, %mul3A_190 : vector<16xf32>
      %add3A_192 = arith.addf %mul3A_182, %mul3A_191 : vector<16xf32>
      %get3A_193 = arith.constant 1 : i32
      %get3A_194 = arith.index_cast %get3A_193 : i32 to index
      %get3A_195 = arith.index_cast %mul3A_145 : i32 to index
      %get3A_196 = tpu.vector_load %arg15[%get3A_194, %get3A_195] {strides = array<i32>} : memref<16x1024xf32, #tpu.memory_space<vmem>>, vector<1x16xf32>,
      %get3A_197 = vector.shape_cast %get3A_196 : vector<1x16xf32> to vector<16xf32>
      %add3A_198 = arith.addf %add3A_192, %get3A_197 : vector<16xf32>
      %swap3A_199 = arith.constant 1 : i32
      %swap3A_200 = arith.index_cast %swap3A_199 : i32 to index
      %swap3A_201 = arith.index_cast %mul3A_145 : i32 to index
      %swap3A_202 = tpu.vector_load %arg23[%swap3A_200, %swap3A_201] {strides = array<i32>} : memref<16x1024xf32, #tpu.memory_space<vmem>>, vector<1x16xf32>,
      %swap3A_203 = vector.shape_cast %swap3A_202 : vector<1x16xf32> to vector<16xf32>
      %swap3A_204 = vector.shape_cast %add3A_198 : vector<16xf32> to vector<1x16xf32>
      tpu.vector_store %arg23[%swap3A_200, %swap3A_201], %swap3A_204 {strides = array<i32>} : memref<16x1024xf32, #tpu.memory_space<vmem>>, vector<1x16xf32>,
      %get3A_205 = arith.constant 2 : i32
      %get3A_206 = arith.index_cast %get3A_205 : i32 to index
      %get3A_207 = arith.index_cast %mul3A_145 : i32 to index
      %get3A_208 = tpu.vector_load %arg13[%get3A_206, %get3A_207] {strides = array<i32>} : memref<16x1024xf32, #tpu.memory_space<vmem>>, vector<1x16xf32>,
      %get3A_209 = vector.shape_cast %get3A_208 : vector<1x16xf32> to vector<16xf32>
      %slice3A_210 = vector.extract_strided_slice %get3A_36 {offsets = [2], sizes = [1], strides = [1]} : vector<16xf32> to vector<1xf32>
      %squeeze3A_211 = vector.extract %slice3A_210[0] : f32 from vector<1xf32>
      %mul3A_212 = vector.broadcast %squeeze3A_211 : f32 to vector<16xf32>
      %mul3A_213 = arith.mulf %get3A_209, %mul3A_212 : vector<16xf32>
      %get3A_214 = arith.constant 2 : i32
      %get3A_215 = arith.index_cast %get3A_214 : i32 to index
      %get3A_216 = arith.index_cast %mul3A_145 : i32 to index
      %get3A_217 = tpu.vector_load %arg14[%get3A_215, %get3A_216] {strides = array<i32>} : memref<16x1024xf32, #tpu.memory_space<vmem>>, vector<1x16xf32>,
      %get3A_218 = vector.shape_cast %get3A_217 : vector<1x16xf32> to vector<16xf32>
      %slice3A_219 = vector.extract_strided_slice %get3A_39 {offsets = [2], sizes = [1], strides = [1]} : vector<16xf32> to vector<1xf32>
      %squeeze3A_220 = vector.extract %slice3A_219[0] : f32 from vector<1xf32>
      %mul3A_221 = vector.broadcast %squeeze3A_220 : f32 to vector<16xf32>
      %mul3A_222 = arith.mulf %get3A_218, %mul3A_221 : vector<16xf32>
      %add3A_223 = arith.addf %mul3A_213, %mul3A_222 : vector<16xf32>
      %get3A_224 = arith.constant 2 : i32
      %get3A_225 = arith.index_cast %get3A_224 : i32 to index
      %get3A_226 = arith.index_cast %mul3A_145 : i32 to index
      %get3A_227 = tpu.vector_load %arg15[%get3A_225, %get3A_226] {strides = array<i32>} : memref<16x1024xf32, #tpu.memory_space<vmem>>, vector<1x16xf32>,
      %get3A_228 = vector.shape_cast %get3A_227 : vector<1x16xf32> to vector<16xf32>
      %add3A_229 = arith.addf %add3A_223, %get3A_228 : vector<16xf32>
      %swap3A_230 = arith.constant 2 : i32
      %swap3A_231 = arith.index_cast %swap3A_230 : i32 to index
      %swap3A_232 = arith.index_cast %mul3A_145 : i32 to index
      %swap3A_233 = tpu.vector_load %arg23[%swap3A_231, %swap3A_232] {strides = array<i32>} : memref<16x1024xf32, #tpu.memory_space<vmem>>, vector<1x16xf32>,
      %swap3A_234 = vector.shape_cast %swap3A_233 : vector<1x16xf32> to vector<16xf32>
      %swap3A_235 = vector.shape_cast %add3A_229 : vector<16xf32> to vector<1x16xf32>
      tpu.vector_store %arg23[%swap3A_231, %swap3A_232], %swap3A_235 {strides = array<i32>} : memref<16x1024xf32, #tpu.memory_space<vmem>>, vector<1x16xf32>,
      %get3A_236 = arith.constant 3 : i32
      %get3A_237 = arith.index_cast %get3A_236 : i32 to index
      %get3A_238 = arith.index_cast %mul3A_145 : i32 to index
      %get3A_239 = tpu.vector_load %arg13[%get3A_237, %get3A_238] {strides = array<i32>} : memref<16x1024xf32, #tpu.memory_space<vmem>>, vector<1x16xf32>,
      %get3A_240 = vector.shape_cast %get3A_239 : vector<1x16xf32> to vector<16xf32>
      %slice3A_241 = vector.extract_strided_slice %get3A_36 {offsets = [3], sizes = [1], strides = [1]} : vector<16xf32> to vector<1xf32>
      %squeeze3A_242 = vector.extract %slice3A_241[0] : f32 from vector<1xf32>
      %mul3A_243 = vector.broadcast %squeeze3A_242 : f32 to vector<16xf32>
      %mul3A_244 = arith.mulf %get3A_240, %mul3A_243 : vector<16xf32>
      %get3A_245 = arith.constant 3 : i32
      %get3A_246 = arith.index_cast %get3A_245 : i32 to index
      %get3A_247 = arith.index_cast %mul3A_145 : i32 to index
      %get3A_248 = tpu.vector_load %arg14[%get3A_246, %get3A_247] {strides = array<i32>} : memref<16x1024xf32, #tpu.memory_space<vmem>>, vector<1x16xf32>,
      %get3A_249 = vector.shape_cast %get3A_248 : vector<1x16xf32> to vector<16xf32>
      %slice3A_250 = vector.extract_strided_slice %get3A_39 {offsets = [3], sizes = [1], strides = [1]} : vector<16xf32> to vector<1xf32>
      %squeeze3A_251 = vector.extract %slice3A_250[0] : f32 from vector<1xf32>
      %mul3A_252 = vector.broadcast %squeeze3A_251 : f32 to vector<16xf32>
      %mul3A_253 = arith.mulf %get3A_249, %mul3A_252 : vector<16xf32>
      %add3A_254 = arith.addf %mul3A_244, %mul3A_253 : vector<16xf32>
      %get3A_255 = arith.constant 3 : i32
      %get3A_256 = arith.index_cast %get3A_255 : i32 to index
      %get3A_257 = arith.index_cast %mul3A_145 : i32 to index
      %get3A_258 = tpu.vector_load %arg15[%get3A_256, %get3A_257] {strides = array<i32>} : memref<16x1024xf32, #tpu.memory_space<vmem>>, vector<1x16xf32>,
      %get3A_259 = vector.shape_cast %get3A_258 : vector<1x16xf32> to vector<16xf32>
      %add3A_260 = arith.addf %add3A_254, %get3A_259 : vector<16xf32>
      %swap3A_261 = arith.constant 3 : i32
      %swap3A_262 = arith.index_cast %swap3A_261 : i32 to index
      %swap3A_263 = arith.index_cast %mul3A_145 : i32 to index
      %swap3A_264 = tpu.vector_load %arg23[%swap3A_262, %swap3A_263] {strides = array<i32>} : memref<16x1024xf32, #tpu.memory_space<vmem>>, vector<1x16xf32>,
      %swap3A_265 = vector.shape_cast %swap3A_264 : vector<1x16xf32> to vector<16xf32>
      %swap3A_266 = vector.shape_cast %add3A_260 : vector<16xf32> to vector<1x16xf32>
      tpu.vector_store %arg23[%swap3A_262, %swap3A_263], %swap3A_266 {strides = array<i32>} : memref<16x1024xf32, #tpu.memory_space<vmem>>, vector<1x16xf32>,
      %get3A_267 = arith.constant 4 : i32
      %get3A_268 = arith.index_cast %get3A_267 : i32 to index
      %get3A_269 = arith.index_cast %mul3A_145 : i32 to index
      %get3A_270 = tpu.vector_load %arg13[%get3A_268, %get3A_269] {strides = array<i32>} : memref<16x1024xf32, #tpu.memory_space<vmem>>, vector<1x16xf32>,
      %get3A_271 = vector.shape_cast %get3A_270 : vector<1x16xf32> to vector<16xf32>
      %slice3A_272 = vector.extract_strided_slice %get3A_36 {offsets = [4], sizes = [1], strides = [1]} : vector<16xf32> to vector<1xf32>
      %squeeze3A_273 = vector.extract %slice3A_272[0] : f32 from vector<1xf32>
      %mul3A_274 = vector.broadcast %squeeze3A_273 : f32 to vector<16xf32>
      %mul3A_275 = arith.mulf %get3A_271, %mul3A_274 : vector<16xf32>
      %get3A_276 = arith.constant 4 : i32
      %get3A_277 = arith.index_cast %get3A_276 : i32 to index
      %get3A_278 = arith.index_cast %mul3A_145 : i32 to index
      %get3A_279 = tpu.vector_load %arg14[%get3A_277, %get3A_278] {strides = array<i32>} : memref<16x1024xf32, #tpu.memory_space<vmem>>, vector<1x16xf32>,
      %get3A_280 = vector.shape_cast %get3A_279 : vector<1x16xf32> to vector<16xf32>
      %slice3A_281 = vector.extract_strided_slice %get3A_39 {offsets = [4], sizes = [1], strides = [1]} : vector<16xf32> to vector<1xf32>
      %squeeze3A_282 = vector.extract %slice3A_281[0] : f32 from vector<1xf32>
      %mul3A_283 = vector.broadcast %squeeze3A_282 : f32 to vector<16xf32>
      %mul3A_284 = arith.mulf %get3A_280, %mul3A_283 : vector<16xf32>
      %add3A_285 = arith.addf %mul3A_275, %mul3A_284 : vector<16xf32>
      %get3A_286 = arith.constant 4 : i32
      %get3A_287 = arith.index_cast %get3A_286 : i32 to index
      %get3A_288 = arith.index_cast %mul3A_145 : i32 to index
      %get3A_289 = tpu.vector_load %arg15[%get3A_287, %get3A_288] {strides = array<i32>} : memref<16x1024xf32, #tpu.memory_space<vmem>>, vector<1x16xf32>,
      %get3A_290 = vector.shape_cast %get3A_289 : vector<1x16xf32> to vector<16xf32>
      %add3A_291 = arith.addf %add3A_285, %get3A_290 : vector<16xf32>
      %swap3A_292 = arith.constant 4 : i32
      %swap3A_293 = arith.index_cast %swap3A_292 : i32 to index
      %swap3A_294 = arith.index_cast %mul3A_145 : i32 to index
      %swap3A_295 = tpu.vector_load %arg23[%swap3A_293, %swap3A_294] {strides = array<i32>} : memref<16x1024xf32, #tpu.memory_space<vmem>>, vector<1x16xf32>,
      %swap3A_296 = vector.shape_cast %swap3A_295 : vector<1x16xf32> to vector<16xf32>
      %swap3A_297 = vector.shape_cast %add3A_291 : vector<16xf32> to vector<1x16xf32>
      tpu.vector_store %arg23[%swap3A_293, %swap3A_294], %swap3A_297 {strides = array<i32>} : memref<16x1024xf32, #tpu.memory_space<vmem>>, vector<1x16xf32>,
      %get3A_298 = arith.constant 5 : i32
      %get3A_299 = arith.index_cast %get3A_298 : i32 to index
      %get3A_300 = arith.index_cast %mul3A_145 : i32 to index
      %get3A_301 = tpu.vector_load %arg13[%get3A_299, %get3A_300] {strides = array<i32>} : memref<16x1024xf32, #tpu.memory_space<vmem>>, vector<1x16xf32>,
      %get3A_302 = vector.shape_cast %get3A_301 : vector<1x16xf32> to vector<16xf32>
      %slice3A_303 = vector.extract_strided_slice %get3A_36 {offsets = [5], sizes = [1], strides = [1]} : vector<16xf32> to vector<1xf32>
      %squeeze3A_304 = vector.extract %slice3A_303[0] : f32 from vector<1xf32>
      %mul3A_305 = vector.broadcast %squeeze3A_304 : f32 to vector<16xf32>
      %mul3A_306 = arith.mulf %get3A_302, %mul3A_305 : vector<16xf32>
      %get3A_307 = arith.constant 5 : i32
      %get3A_308 = arith.index_cast %get3A_307 : i32 to index
      %get3A_309 = arith.index_cast %mul3A_145 : i32 to index
      %get3A_310 = tpu.vector_load %arg14[%get3A_308, %get3A_309] {strides = array<i32>} : memref<16x1024xf32, #tpu.memory_space<vmem>>, vector<1x16xf32>,
      %get3A_311 = vector.shape_cast %get3A_310 : vector<1x16xf32> to vector<16xf32>
      %slice3A_312 = vector.extract_strided_slice %get3A_39 {offsets = [5], sizes = [1], strides = [1]} : vector<16xf32> to vector<1xf32>
      %squeeze3A_313 = vector.extract %slice3A_312[0] : f32 from vector<1xf32>
      %mul3A_314 = vector.broadcast %squeeze3A_313 : f32 to vector<16xf32>
      %mul3A_315 = arith.mulf %get3A_311, %mul3A_314 : vector<16xf32>
      %add3A_316 = arith.addf %mul3A_306, %mul3A_315 : vector<16xf32>
      %get3A_317 = arith.constant 5 : i32
      %get3A_318 = arith.index_cast %get3A_317 : i32 to index
      %get3A_319 = arith.index_cast %mul3A_145 : i32 to index
      %get3A_320 = tpu.vector_load %arg15[%get3A_318, %get3A_319] {strides = array<i32>} : memref<16x1024xf32, #tpu.memory_space<vmem>>, vector<1x16xf32>,
      %get3A_321 = vector.shape_cast %get3A_320 : vector<1x16xf32> to vector<16xf32>
      %add3A_322 = arith.addf %add3A_316, %get3A_321 : vector<16xf32>
      %swap3A_323 = arith.constant 5 : i32
      %swap3A_324 = arith.index_cast %swap3A_323 : i32 to index
      %swap3A_325 = arith.index_cast %mul3A_145 : i32 to index
      %swap3A_326 = tpu.vector_load %arg23[%swap3A_324, %swap3A_325] {strides = array<i32>} : memref<16x1024xf32, #tpu.memory_space<vmem>>, vector<1x16xf32>,
      %swap3A_327 = vector.shape_cast %swap3A_326 : vector<1x16xf32> to vector<16xf32>
      %swap3A_328 = vector.shape_cast %add3A_322 : vector<16xf32> to vector<1x16xf32>
      tpu.vector_store %arg23[%swap3A_324, %swap3A_325], %swap3A_328 {strides = array<i32>} : memref<16x1024xf32, #tpu.memory_space<vmem>>, vector<1x16xf32>,
      %get3A_329 = arith.constant 6 : i32
      %get3A_330 = arith.index_cast %get3A_329 : i32 to index
      %get3A_331 = arith.index_cast %mul3A_145 : i32 to index
      %get3A_332 = tpu.vector_load %arg13[%get3A_330, %get3A_331] {strides = array<i32>} : memref<16x1024xf32, #tpu.memory_space<vmem>>, vector<1x16xf32>,
      %get3A_333 = vector.shape_cast %get3A_332 : vector<1x16xf32> to vector<16xf32>
      %slice3A_334 = vector.extract_strided_slice %get3A_36 {offsets = [6], sizes = [1], strides = [1]} : vector<16xf32> to vector<1xf32>
      %squeeze3A_335 = vector.extract %slice3A_334[0] : f32 from vector<1xf32>
      %mul3A_336 = vector.broadcast %squeeze3A_335 : f32 to vector<16xf32>
      %mul3A_337 = arith.mulf %get3A_333, %mul3A_336 : vector<16xf32>
      %get3A_338 = arith.constant 6 : i32
      %get3A_339 = arith.index_cast %get3A_338 : i32 to index
      %get3A_340 = arith.index_cast %mul3A_145 : i32 to index
      %get3A_341 = tpu.vector_load %arg14[%get3A_339, %get3A_340] {strides = array<i32>} : memref<16x1024xf32, #tpu.memory_space<vmem>>, vector<1x16xf32>,
      %get3A_342 = vector.shape_cast %get3A_341 : vector<1x16xf32> to vector<16xf32>
      %slice3A_343 = vector.extract_strided_slice %get3A_39 {offsets = [6], sizes = [1], strides = [1]} : vector<16xf32> to vector<1xf32>
      %squeeze3A_344 = vector.extract %slice3A_343[0] : f32 from vector<1xf32>
      %mul3A_345 = vector.broadcast %squeeze3A_344 : f32 to vector<16xf32>
      %mul3A_346 = arith.mulf %get3A_342, %mul3A_345 : vector<16xf32>
      %add3A_347 = arith.addf %mul3A_337, %mul3A_346 : vector<16xf32>
      %get3A_348 = arith.constant 6 : i32
      %get3A_349 = arith.index_cast %get3A_348 : i32 to index
      %get3A_350 = arith.index_cast %mul3A_145 : i32 to index
      %get3A_351 = tpu.vector_load %arg15[%get3A_349, %get3A_350] {strides = array<i32>} : memref<16x1024xf32, #tpu.memory_space<vmem>>, vector<1x16xf32>,
      %get3A_352 = vector.shape_cast %get3A_351 : vector<1x16xf32> to vector<16xf32>
      %add3A_353 = arith.addf %add3A_347, %get3A_352 : vector<16xf32>
      %swap3A_354 = arith.constant 6 : i32
      %swap3A_355 = arith.index_cast %swap3A_354 : i32 to index
      %swap3A_356 = arith.index_cast %mul3A_145 : i32 to index
      %swap3A_357 = tpu.vector_load %arg23[%swap3A_355, %swap3A_356] {strides = array<i32>} : memref<16x1024xf32, #tpu.memory_space<vmem>>, vector<1x16xf32>,
      %swap3A_358 = vector.shape_cast %swap3A_357 : vector<1x16xf32> to vector<16xf32>
      %swap3A_359 = vector.shape_cast %add3A_353 : vector<16xf32> to vector<1x16xf32>
      tpu.vector_store %arg23[%swap3A_355, %swap3A_356], %swap3A_359 {strides = array<i32>} : memref<16x1024xf32, #tpu.memory_space<vmem>>, vector<1x16xf32>,
      %get3A_360 = arith.constant 7 : i32
      %get3A_361 = arith.index_cast %get3A_360 : i32 to index
      %get3A_362 = arith.index_cast %mul3A_145 : i32 to index
      %get3A_363 = tpu.vector_load %arg13[%get3A_361, %get3A_362] {strides = array<i32>} : memref<16x1024xf32, #tpu.memory_space<vmem>>, vector<1x16xf32>,
      %get3A_364 = vector.shape_cast %get3A_363 : vector<1x16xf32> to vector<16xf32>
      %slice3A_365 = vector.extract_strided_slice %get3A_36 {offsets = [7], sizes = [1], strides = [1]} : vector<16xf32> to vector<1xf32>
      %squeeze3A_366 = vector.extract %slice3A_365[0] : f32 from vector<1xf32>
      %mul3A_367 = vector.broadcast %squeeze3A_366 : f32 to vector<16xf32>
      %mul3A_368 = arith.mulf %get3A_364, %mul3A_367 : vector<16xf32>
      %get3A_369 = arith.constant 7 : i32
      %get3A_370 = arith.index_cast %get3A_369 : i32 to index
      %get3A_371 = arith.index_cast %mul3A_145 : i32 to index
      %get3A_372 = tpu.vector_load %arg14[%get3A_370, %get3A_371] {strides = array<i32>} : memref<16x1024xf32, #tpu.memory_space<vmem>>, vector<1x16xf32>,
      %get3A_373 = vector.shape_cast %get3A_372 : vector<1x16xf32> to vector<16xf32>
      %slice3A_374 = vector.extract_strided_slice %get3A_39 {offsets = [7], sizes = [1], strides = [1]} : vector<16xf32> to vector<1xf32>
      %squeeze3A_375 = vector.extract %slice3A_374[0] : f32 from vector<1xf32>
      %mul3A_376 = vector.broadcast %squeeze3A_375 : f32 to vector<16xf32>
      %mul3A_377 = arith.mulf %get3A_373, %mul3A_376 : vector<16xf32>
      %add3A_378 = arith.addf %mul3A_368, %mul3A_377 : vector<16xf32>
      %get3A_379 = arith.constant 7 : i32
      %get3A_380 = arith.index_cast %get3A_379 : i32 to index
      %get3A_381 = arith.index_cast %mul3A_145 : i32 to index
      %get3A_382 = tpu.vector_load %arg15[%get3A_380, %get3A_381] {strides = array<i32>} : memref<16x1024xf32, #tpu.memory_space<vmem>>, vector<1x16xf32>,
      %get3A_383 = vector.shape_cast %get3A_382 : vector<1x16xf32> to vector<16xf32>
      %add3A_384 = arith.addf %add3A_378, %get3A_383 : vector<16xf32>
      %swap3A_385 = arith.constant 7 : i32
      %swap3A_386 = arith.index_cast %swap3A_385 : i32 to index
      %swap3A_387 = arith.index_cast %mul3A_145 : i32 to index
      %swap3A_388 = tpu.vector_load %arg23[%swap3A_386, %swap3A_387] {strides = array<i32>} : memref<16x1024xf32, #tpu.memory_space<vmem>>, vector<1x16xf32>,
      %swap3A_389 = vector.shape_cast %swap3A_388 : vector<1x16xf32> to vector<16xf32>
      %swap3A_390 = vector.shape_cast %add3A_384 : vector<16xf32> to vector<1x16xf32>
      tpu.vector_store %arg23[%swap3A_386, %swap3A_387], %swap3A_390 {strides = array<i32>} : memref<16x1024xf32, #tpu.memory_space<vmem>>, vector<1x16xf32>,
      %get3A_391 = arith.constant 8 : i32
      %get3A_392 = arith.index_cast %get3A_391 : i32 to index
      %get3A_393 = arith.index_cast %mul3A_145 : i32 to index
      %get3A_394 = tpu.vector_load %arg13[%get3A_392, %get3A_393] {strides = array<i32>} : memref<16x1024xf32, #tpu.memory_space<vmem>>, vector<1x16xf32>,
      %get3A_395 = vector.shape_cast %get3A_394 : vector<1x16xf32> to vector<16xf32>
      %slice3A_396 = vector.extract_strided_slice %get3A_36 {offsets = [8], sizes = [1], strides = [1]} : vector<16xf32> to vector<1xf32>
      %squeeze3A_397 = vector.extract %slice3A_396[0] : f32 from vector<1xf32>
      %mul3A_398 = vector.broadcast %squeeze3A_397 : f32 to vector<16xf32>
      %mul3A_399 = arith.mulf %get3A_395, %mul3A_398 : vector<16xf32>
      %get3A_400 = arith.constant 8 : i32
      %get3A_401 = arith.index_cast %get3A_400 : i32 to index
      %get3A_402 = arith.index_cast %mul3A_145 : i32 to index
      %get3A_403 = tpu.vector_load %arg14[%get3A_401, %get3A_402] {strides = array<i32>} : memref<16x1024xf32, #tpu.memory_space<vmem>>, vector<1x16xf32>,
      %get3A_404 = vector.shape_cast %get3A_403 : vector<1x16xf32> to vector<16xf32>
      %slice3A_405 = vector.extract_strided_slice %get3A_39 {offsets = [8], sizes = [1], strides = [1]} : vector<16xf32> to vector<1xf32>
      %squeeze3A_406 = vector.extract %slice3A_405[0] : f32 from vector<1xf32>
      %mul3A_407 = vector.broadcast %squeeze3A_406 : f32 to vector<16xf32>
      %mul3A_408 = arith.mulf %get3A_404, %mul3A_407 : vector<16xf32>
      %add3A_409 = arith.addf %mul3A_399, %mul3A_408 : vector<16xf32>
      %get3A_410 = arith.constant 8 : i32
      %get3A_411 = arith.index_cast %get3A_410 : i32 to index
      %get3A_412 = arith.index_cast %mul3A_145 : i32 to index
      %get3A_413 = tpu.vector_load %arg15[%get3A_411, %get3A_412] {strides = array<i32>} : memref<16x1024xf32, #tpu.memory_space<vmem>>, vector<1x16xf32>,
      %get3A_414 = vector.shape_cast %get3A_413 : vector<1x16xf32> to vector<16xf32>
      %add3A_415 = arith.addf %add3A_409, %get3A_414 : vector<16xf32>
      %swap3A_416 = arith.constant 8 : i32
      %swap3A_417 = arith.index_cast %swap3A_416 : i32 to index
      %swap3A_418 = arith.index_cast %mul3A_145 : i32 to index
      %swap3A_419 = tpu.vector_load %arg23[%swap3A_417, %swap3A_418] {strides = array<i32>} : memref<16x1024xf32, #tpu.memory_space<vmem>>, vector<1x16xf32>,
      %swap3A_420 = vector.shape_cast %swap3A_419 : vector<1x16xf32> to vector<16xf32>
      %swap3A_421 = vector.shape_cast %add3A_415 : vector<16xf32> to vector<1x16xf32>
      tpu.vector_store %arg23[%swap3A_417, %swap3A_418], %swap3A_421 {strides = array<i32>} : memref<16x1024xf32, #tpu.memory_space<vmem>>, vector<1x16xf32>,
      %get3A_422 = arith.constant 9 : i32
      %get3A_423 = arith.index_cast %get3A_422 : i32 to index
      %get3A_424 = arith.index_cast %mul3A_145 : i32 to index
      %get3A_425 = tpu.vector_load %arg13[%get3A_423, %get3A_424] {strides = array<i32>} : memref<16x1024xf32, #tpu.memory_space<vmem>>, vector<1x16xf32>,
      %get3A_426 = vector.shape_cast %get3A_425 : vector<1x16xf32> to vector<16xf32>
      %slice3A_427 = vector.extract_strided_slice %get3A_36 {offsets = [9], sizes = [1], strides = [1]} : vector<16xf32> to vector<1xf32>
      %squeeze3A_428 = vector.extract %slice3A_427[0] : f32 from vector<1xf32>
      %mul3A_429 = vector.broadcast %squeeze3A_428 : f32 to vector<16xf32>
      %mul3A_430 = arith.mulf %get3A_426, %mul3A_429 : vector<16xf32>
      %get3A_431 = arith.constant 9 : i32
      %get3A_432 = arith.index_cast %get3A_431 : i32 to index
      %get3A_433 = arith.index_cast %mul3A_145 : i32 to index
      %get3A_434 = tpu.vector_load %arg14[%get3A_432, %get3A_433] {strides = array<i32>} : memref<16x1024xf32, #tpu.memory_space<vmem>>, vector<1x16xf32>,
      %get3A_435 = vector.shape_cast %get3A_434 : vector<1x16xf32> to vector<16xf32>
      %slice3A_436 = vector.extract_strided_slice %get3A_39 {offsets = [9], sizes = [1], strides = [1]} : vector<16xf32> to vector<1xf32>
      %squeeze3A_437 = vector.extract %slice3A_436[0] : f32 from vector<1xf32>
      %mul3A_438 = vector.broadcast %squeeze3A_437 : f32 to vector<16xf32>
      %mul3A_439 = arith.mulf %get3A_435, %mul3A_438 : vector<16xf32>
      %add3A_440 = arith.addf %mul3A_430, %mul3A_439 : vector<16xf32>
      %get3A_441 = arith.constant 9 : i32
      %get3A_442 = arith.index_cast %get3A_441 : i32 to index
      %get3A_443 = arith.index_cast %mul3A_145 : i32 to index
      %get3A_444 = tpu.vector_load %arg15[%get3A_442, %get3A_443] {strides = array<i32>} : memref<16x1024xf32, #tpu.memory_space<vmem>>, vector<1x16xf32>,
      %get3A_445 = vector.shape_cast %get3A_444 : vector<1x16xf32> to vector<16xf32>
      %add3A_446 = arith.addf %add3A_440, %get3A_445 : vector<16xf32>
      %swap3A_447 = arith.constant 9 : i32
      %swap3A_448 = arith.index_cast %swap3A_447 : i32 to index
      %swap3A_449 = arith.index_cast %mul3A_145 : i32 to index
      %swap3A_450 = tpu.vector_load %arg23[%swap3A_448, %swap3A_449] {strides = array<i32>} : memref<16x1024xf32, #tpu.memory_space<vmem>>, vector<1x16xf32>,
      %swap3A_451 = vector.shape_cast %swap3A_450 : vector<1x16xf32> to vector<16xf32>
      %swap3A_452 = vector.shape_cast %add3A_446 : vector<16xf32> to vector<1x16xf32>
      tpu.vector_store %arg23[%swap3A_448, %swap3A_449], %swap3A_452 {strides = array<i32>} : memref<16x1024xf32, #tpu.memory_space<vmem>>, vector<1x16xf32>,
      %get3A_453 = arith.constant 10 : i32
      %get3A_454 = arith.index_cast %get3A_453 : i32 to index
      %get3A_455 = arith.index_cast %mul3A_145 : i32 to index
      %get3A_456 = tpu.vector_load %arg13[%get3A_454, %get3A_455] {strides = array<i32>} : memref<16x1024xf32, #tpu.memory_space<vmem>>, vector<1x16xf32>,
      %get3A_457 = vector.shape_cast %get3A_456 : vector<1x16xf32> to vector<16xf32>
      %slice3A_458 = vector.extract_strided_slice %get3A_36 {offsets = [10], sizes = [1], strides = [1]} : vector<16xf32> to vector<1xf32>
      %squeeze3A_459 = vector.extract %slice3A_458[0] : f32 from vector<1xf32>
      %mul3A_460 = vector.broadcast %squeeze3A_459 : f32 to vector<16xf32>
      %mul3A_461 = arith.mulf %get3A_457, %mul3A_460 : vector<16xf32>
      %get3A_462 = arith.constant 10 : i32
      %get3A_463 = arith.index_cast %get3A_462 : i32 to index
      %get3A_464 = arith.index_cast %mul3A_145 : i32 to index
      %get3A_465 = tpu.vector_load %arg14[%get3A_463, %get3A_464] {strides = array<i32>} : memref<16x1024xf32, #tpu.memory_space<vmem>>, vector<1x16xf32>,
      %get3A_466 = vector.shape_cast %get3A_465 : vector<1x16xf32> to vector<16xf32>
      %slice3A_467 = vector.extract_strided_slice %get3A_39 {offsets = [10], sizes = [1], strides = [1]} : vector<16xf32> to vector<1xf32>
      %squeeze3A_468 = vector.extract %slice3A_467[0] : f32 from vector<1xf32>
      %mul3A_469 = vector.broadcast %squeeze3A_468 : f32 to vector<16xf32>
      %mul3A_470 = arith.mulf %get3A_466, %mul3A_469 : vector<16xf32>
      %add3A_471 = arith.addf %mul3A_461, %mul3A_470 : vector<16xf32>
      %get3A_472 = arith.constant 10 : i32
      %get3A_473 = arith.index_cast %get3A_472 : i32 to index
      %get3A_474 = arith.index_cast %mul3A_145 : i32 to index
      %get3A_475 = tpu.vector_load %arg15[%get3A_473, %get3A_474] {strides = array<i32>} : memref<16x1024xf32, #tpu.memory_space<vmem>>, vector<1x16xf32>,
      %get3A_476 = vector.shape_cast %get3A_475 : vector<1x16xf32> to vector<16xf32>
      %add3A_477 = arith.addf %add3A_471, %get3A_476 : vector<16xf32>
      %swap3A_478 = arith.constant 10 : i32
      %swap3A_479 = arith.index_cast %swap3A_478 : i32 to index
      %swap3A_480 = arith.index_cast %mul3A_145 : i32 to index
      %swap3A_481 = tpu.vector_load %arg23[%swap3A_479, %swap3A_480] {strides = array<i32>} : memref<16x1024xf32, #tpu.memory_space<vmem>>, vector<1x16xf32>,
      %swap3A_482 = vector.shape_cast %swap3A_481 : vector<1x16xf32> to vector<16xf32>
      %swap3A_483 = vector.shape_cast %add3A_477 : vector<16xf32> to vector<1x16xf32>
      tpu.vector_store %arg23[%swap3A_479, %swap3A_480], %swap3A_483 {strides = array<i32>} : memref<16x1024xf32, #tpu.memory_space<vmem>>, vector<1x16xf32>,
      %get3A_484 = arith.constant 11 : i32
      %get3A_485 = arith.index_cast %get3A_484 : i32 to index
      %get3A_486 = arith.index_cast %mul3A_145 : i32 to index
      %get3A_487 = tpu.vector_load %arg13[%get3A_485, %get3A_486] {strides = array<i32>} : memref<16x1024xf32, #tpu.memory_space<vmem>>, vector<1x16xf32>,
      %get3A_488 = vector.shape_cast %get3A_487 : vector<1x16xf32> to vector<16xf32>
      %slice3A_489 = vector.extract_strided_slice %get3A_36 {offsets = [11], sizes = [1], strides = [1]} : vector<16xf32> to vector<1xf32>
      %squeeze3A_490 = vector.extract %slice3A_489[0] : f32 from vector<1xf32>
      %mul3A_491 = vector.broadcast %squeeze3A_490 : f32 to vector<16xf32>
      %mul3A_492 = arith.mulf %get3A_488, %mul3A_491 : vector<16xf32>
      %get3A_493 = arith.constant 11 : i32
      %get3A_494 = arith.index_cast %get3A_493 : i32 to index
      %get3A_495 = arith.index_cast %mul3A_145 : i32 to index
      %get3A_496 = tpu.vector_load %arg14[%get3A_494, %get3A_495] {strides = array<i32>} : memref<16x1024xf32, #tpu.memory_space<vmem>>, vector<1x16xf32>,
      %get3A_497 = vector.shape_cast %get3A_496 : vector<1x16xf32> to vector<16xf32>
      %slice3A_498 = vector.extract_strided_slice %get3A_39 {offsets = [11], sizes = [1], strides = [1]} : vector<16xf32> to vector<1xf32>
      %squeeze3A_499 = vector.extract %slice3A_498[0] : f32 from vector<1xf32>
      %mul3A_500 = vector.broadcast %squeeze3A_499 : f32 to vector<16xf32>
      %mul3A_501 = arith.mulf %get3A_497, %mul3A_500 : vector<16xf32>
      %add3A_502 = arith.addf %mul3A_492, %mul3A_501 : vector<16xf32>
      %get3A_503 = arith.constant 11 : i32
      %get3A_504 = arith.index_cast %get3A_503 : i32 to index
      %get3A_505 = arith.index_cast %mul3A_145 : i32 to index
      %get3A_506 = tpu.vector_load %arg15[%get3A_504, %get3A_505] {strides = array<i32>} : memref<16x1024xf32, #tpu.memory_space<vmem>>, vector<1x16xf32>,
      %get3A_507 = vector.shape_cast %get3A_506 : vector<1x16xf32> to vector<16xf32>
      %add3A_508 = arith.addf %add3A_502, %get3A_507 : vector<16xf32>
      %swap3A_509 = arith.constant 11 : i32
      %swap3A_510 = arith.index_cast %swap3A_509 : i32 to index
      %swap3A_511 = arith.index_cast %mul3A_145 : i32 to index
      %swap3A_512 = tpu.vector_load %arg23[%swap3A_510, %swap3A_511] {strides = array<i32>} : memref<16x1024xf32, #tpu.memory_space<vmem>>, vector<1x16xf32>,
      %swap3A_513 = vector.shape_cast %swap3A_512 : vector<1x16xf32> to vector<16xf32>
      %swap3A_514 = vector.shape_cast %add3A_508 : vector<16xf32> to vector<1x16xf32>
      tpu.vector_store %arg23[%swap3A_510, %swap3A_511], %swap3A_514 {strides = array<i32>} : memref<16x1024xf32, #tpu.memory_space<vmem>>, vector<1x16xf32>,
      %get3A_515 = arith.constant 12 : i32
      %get3A_516 = arith.index_cast %get3A_515 : i32 to index
      %get3A_517 = arith.index_cast %mul3A_145 : i32 to index
      %get3A_518 = tpu.vector_load %arg13[%get3A_516, %get3A_517] {strides = array<i32>} : memref<16x1024xf32, #tpu.memory_space<vmem>>, vector<1x16xf32>,
      %get3A_519 = vector.shape_cast %get3A_518 : vector<1x16xf32> to vector<16xf32>
      %slice3A_520 = vector.extract_strided_slice %get3A_36 {offsets = [12], sizes = [1], strides = [1]} : vector<16xf32> to vector<1xf32>
      %squeeze3A_521 = vector.extract %slice3A_520[0] : f32 from vector<1xf32>
      %mul3A_522 = vector.broadcast %squeeze3A_521 : f32 to vector<16xf32>
      %mul3A_523 = arith.mulf %get3A_519, %mul3A_522 : vector<16xf32>
      %get3A_524 = arith.constant 12 : i32
      %get3A_525 = arith.index_cast %get3A_524 : i32 to index
      %get3A_526 = arith.index_cast %mul3A_145 : i32 to index
      %get3A_527 = tpu.vector_load %arg14[%get3A_525, %get3A_526] {strides = array<i32>} : memref<16x1024xf32, #tpu.memory_space<vmem>>, vector<1x16xf32>,
      %get3A_528 = vector.shape_cast %get3A_527 : vector<1x16xf32> to vector<16xf32>
      %slice3A_529 = vector.extract_strided_slice %get3A_39 {offsets = [12], sizes = [1], strides = [1]} : vector<16xf32> to vector<1xf32>
      %squeeze3A_530 = vector.extract %slice3A_529[0] : f32 from vector<1xf32>
      %mul3A_531 = vector.broadcast %squeeze3A_530 : f32 to vector<16xf32>
      %mul3A_532 = arith.mulf %get3A_528, %mul3A_531 : vector<16xf32>
      %add3A_533 = arith.addf %mul3A_523, %mul3A_532 : vector<16xf32>
      %get3A_534 = arith.constant 12 : i32
      %get3A_535 = arith.index_cast %get3A_534 : i32 to index
      %get3A_536 = arith.index_cast %mul3A_145 : i32 to index
      %get3A_537 = tpu.vector_load %arg15[%get3A_535, %get3A_536] {strides = array<i32>} : memref<16x1024xf32, #tpu.memory_space<vmem>>, vector<1x16xf32>,
      %get3A_538 = vector.shape_cast %get3A_537 : vector<1x16xf32> to vector<16xf32>
      %add3A_539 = arith.addf %add3A_533, %get3A_538 : vector<16xf32>
      %swap3A_540 = arith.constant 12 : i32
      %swap3A_541 = arith.index_cast %swap3A_540 : i32 to index
      %swap3A_542 = arith.index_cast %mul3A_145 : i32 to index
      %swap3A_543 = tpu.vector_load %arg23[%swap3A_541, %swap3A_542] {strides = array<i32>} : memref<16x1024xf32, #tpu.memory_space<vmem>>, vector<1x16xf32>,
      %swap3A_544 = vector.shape_cast %swap3A_543 : vector<1x16xf32> to vector<16xf32>
      %swap3A_545 = vector.shape_cast %add3A_539 : vector<16xf32> to vector<1x16xf32>
      tpu.vector_store %arg23[%swap3A_541, %swap3A_542], %swap3A_545 {strides = array<i32>} : memref<16x1024xf32, #tpu.memory_space<vmem>>, vector<1x16xf32>,
      %get3A_546 = arith.constant 13 : i32
      %get3A_547 = arith.index_cast %get3A_546 : i32 to index
      %get3A_548 = arith.index_cast %mul3A_145 : i32 to index
      %get3A_549 = tpu.vector_load %arg13[%get3A_547, %get3A_548] {strides = array<i32>} : memref<16x1024xf32, #tpu.memory_space<vmem>>, vector<1x16xf32>,
      %get3A_550 = vector.shape_cast %get3A_549 : vector<1x16xf32> to vector<16xf32>
      %slice3A_551 = vector.extract_strided_slice %get3A_36 {offsets = [13], sizes = [1], strides = [1]} : vector<16xf32> to vector<1xf32>
      %squeeze3A_552 = vector.extract %slice3A_551[0] : f32 from vector<1xf32>
      %mul3A_553 = vector.broadcast %squeeze3A_552 : f32 to vector<16xf32>
      %mul3A_554 = arith.mulf %get3A_550, %mul3A_553 : vector<16xf32>
      %get3A_555 = arith.constant 13 : i32
      %get3A_556 = arith.index_cast %get3A_555 : i32 to index
      %get3A_557 = arith.index_cast %mul3A_145 : i32 to index
      %get3A_558 = tpu.vector_load %arg14[%get3A_556, %get3A_557] {strides = array<i32>} : memref<16x1024xf32, #tpu.memory_space<vmem>>, vector<1x16xf32>,
      %get3A_559 = vector.shape_cast %get3A_558 : vector<1x16xf32> to vector<16xf32>
      %slice3A_560 = vector.extract_strided_slice %get3A_39 {offsets = [13], sizes = [1], strides = [1]} : vector<16xf32> to vector<1xf32>
      %squeeze3A_561 = vector.extract %slice3A_560[0] : f32 from vector<1xf32>
      %mul3A_562 = vector.broadcast %squeeze3A_561 : f32 to vector<16xf32>
      %mul3A_563 = arith.mulf %get3A_559, %mul3A_562 : vector<16xf32>
      %add3A_564 = arith.addf %mul3A_554, %mul3A_563 : vector<16xf32>
      %get3A_565 = arith.constant 13 : i32
      %get3A_566 = arith.index_cast %get3A_565 : i32 to index
      %get3A_567 = arith.index_cast %mul3A_145 : i32 to index
      %get3A_568 = tpu.vector_load %arg15[%get3A_566, %get3A_567] {strides = array<i32>} : memref<16x1024xf32, #tpu.memory_space<vmem>>, vector<1x16xf32>,
      %get3A_569 = vector.shape_cast %get3A_568 : vector<1x16xf32> to vector<16xf32>
      %add3A_570 = arith.addf %add3A_564, %get3A_569 : vector<16xf32>
      %swap3A_571 = arith.constant 13 : i32
      %swap3A_572 = arith.index_cast %swap3A_571 : i32 to index
      %swap3A_573 = arith.index_cast %mul3A_145 : i32 to index
      %swap3A_574 = tpu.vector_load %arg23[%swap3A_572, %swap3A_573] {strides = array<i32>} : memref<16x1024xf32, #tpu.memory_space<vmem>>, vector<1x16xf32>,
      %swap3A_575 = vector.shape_cast %swap3A_574 : vector<1x16xf32> to vector<16xf32>
      %swap3A_576 = vector.shape_cast %add3A_570 : vector<16xf32> to vector<1x16xf32>
      tpu.vector_store %arg23[%swap3A_572, %swap3A_573], %swap3A_576 {strides = array<i32>} : memref<16x1024xf32, #tpu.memory_space<vmem>>, vector<1x16xf32>,
      %get3A_577 = arith.constant 14 : i32
      %get3A_578 = arith.index_cast %get3A_577 : i32 to index
      %get3A_579 = arith.index_cast %mul3A_145 : i32 to index
      %get3A_580 = tpu.vector_load %arg13[%get3A_578, %get3A_579] {strides = array<i32>} : memref<16x1024xf32, #tpu.memory_space<vmem>>, vector<1x16xf32>,
      %get3A_581 = vector.shape_cast %get3A_580 : vector<1x16xf32> to vector<16xf32>
      %slice3A_582 = vector.extract_strided_slice %get3A_36 {offsets = [14], sizes = [1], strides = [1]} : vector<16xf32> to vector<1xf32>
      %squeeze3A_583 = vector.extract %slice3A_582[0] : f32 from vector<1xf32>
      %mul3A_584 = vector.broadcast %squeeze3A_583 : f32 to vector<16xf32>
      %mul3A_585 = arith.mulf %get3A_581, %mul3A_584 : vector<16xf32>
      %get3A_586 = arith.constant 14 : i32
      %get3A_587 = arith.index_cast %get3A_586 : i32 to index
      %get3A_588 = arith.index_cast %mul3A_145 : i32 to index
      %get3A_589 = tpu.vector_load %arg14[%get3A_587, %get3A_588] {strides = array<i32>} : memref<16x1024xf32, #tpu.memory_space<vmem>>, vector<1x16xf32>,
      %get3A_590 = vector.shape_cast %get3A_589 : vector<1x16xf32> to vector<16xf32>
      %slice3A_591 = vector.extract_strided_slice %get3A_39 {offsets = [14], sizes = [1], strides = [1]} : vector<16xf32> to vector<1xf32>
      %squeeze3A_592 = vector.extract %slice3A_591[0] : f32 from vector<1xf32>
      %mul3A_593 = vector.broadcast %squeeze3A_592 : f32 to vector<16xf32>
      %mul3A_594 = arith.mulf %get3A_590, %mul3A_593 : vector<16xf32>
      %add3A_595 = arith.addf %mul3A_585, %mul3A_594 : vector<16xf32>
      %get3A_596 = arith.constant 14 : i32
      %get3A_597 = arith.index_cast %get3A_596 : i32 to index
      %get3A_598 = arith.index_cast %mul3A_145 : i32 to index
      %get3A_599 = tpu.vector_load %arg15[%get3A_597, %get3A_598] {strides = array<i32>} : memref<16x1024xf32, #tpu.memory_space<vmem>>, vector<1x16xf32>,
      %get3A_600 = vector.shape_cast %get3A_599 : vector<1x16xf32> to vector<16xf32>
      %add3A_601 = arith.addf %add3A_595, %get3A_600 : vector<16xf32>
      %swap3A_602 = arith.constant 14 : i32
      %swap3A_603 = arith.index_cast %swap3A_602 : i32 to index
      %swap3A_604 = arith.index_cast %mul3A_145 : i32 to index
      %swap3A_605 = tpu.vector_load %arg23[%swap3A_603, %swap3A_604] {strides = array<i32>} : memref<16x1024xf32, #tpu.memory_space<vmem>>, vector<1x16xf32>,
      %swap3A_606 = vector.shape_cast %swap3A_605 : vector<1x16xf32> to vector<16xf32>
      %swap3A_607 = vector.shape_cast %add3A_601 : vector<16xf32> to vector<1x16xf32>
      tpu.vector_store %arg23[%swap3A_603, %swap3A_604], %swap3A_607 {strides = array<i32>} : memref<16x1024xf32, #tpu.memory_space<vmem>>, vector<1x16xf32>,
      %get3A_608 = arith.constant 15 : i32
      %get3A_609 = arith.index_cast %get3A_608 : i32 to index
      %get3A_610 = arith.index_cast %mul3A_145 : i32 to index
      %get3A_611 = tpu.vector_load %arg13[%get3A_609, %get3A_610] {strides = array<i32>} : memref<16x1024xf32, #tpu.memory_space<vmem>>, vector<1x16xf32>,
      %get3A_612 = vector.shape_cast %get3A_611 : vector<1x16xf32> to vector<16xf32>
      %slice3A_613 = vector.extract_strided_slice %get3A_36 {offsets = [15], sizes = [1], strides = [1]} : vector<16xf32> to vector<1xf32>
      %squeeze3A_614 = vector.extract %slice3A_613[0] : f32 from vector<1xf32>
      %mul3A_615 = vector.broadcast %squeeze3A_614 : f32 to vector<16xf32>
      %mul3A_616 = arith.mulf %get3A_612, %mul3A_615 : vector<16xf32>
      %get3A_617 = arith.constant 15 : i32
      %get3A_618 = arith.index_cast %get3A_617 : i32 to index
      %get3A_619 = arith.index_cast %mul3A_145 : i32 to index
      %get3A_620 = tpu.vector_load %arg14[%get3A_618, %get3A_619] {strides = array<i32>} : memref<16x1024xf32, #tpu.memory_space<vmem>>, vector<1x16xf32>,
      %get3A_621 = vector.shape_cast %get3A_620 : vector<1x16xf32> to vector<16xf32>
      %slice3A_622 = vector.extract_strided_slice %get3A_39 {offsets = [15], sizes = [1], strides = [1]} : vector<16xf32> to vector<1xf32>
      %squeeze3A_623 = vector.extract %slice3A_622[0] : f32 from vector<1xf32>
      %mul3A_624 = vector.broadcast %squeeze3A_623 : f32 to vector<16xf32>
      %mul3A_625 = arith.mulf %get3A_621, %mul3A_624 : vector<16xf32>
      %add3A_626 = arith.addf %mul3A_616, %mul3A_625 : vector<16xf32>
      %get3A_627 = arith.constant 15 : i32
      %get3A_628 = arith.index_cast %get3A_627 : i32 to index
      %get3A_629 = arith.index_cast %mul3A_145 : i32 to index
      %get3A_630 = tpu.vector_load %arg15[%get3A_628, %get3A_629] {strides = array<i32>} : memref<16x1024xf32, #tpu.memory_space<vmem>>, vector<1x16xf32>,
      %get3A_631 = vector.shape_cast %get3A_630 : vector<1x16xf32> to vector<16xf32>
      %add3A_632 = arith.addf %add3A_626, %get3A_631 : vector<16xf32>
      %swap3A_633 = arith.constant 15 : i32
      %swap3A_634 = arith.index_cast %swap3A_633 : i32 to index
      %swap3A_635 = arith.index_cast %mul3A_145 : i32 to index
      %swap3A_636 = tpu.vector_load %arg23[%swap3A_634, %swap3A_635] {strides = array<i32>} : memref<16x1024xf32, #tpu.memory_space<vmem>>, vector<1x16xf32>,
      %swap3A_637 = vector.shape_cast %swap3A_636 : vector<1x16xf32> to vector<16xf32>
      %swap3A_638 = vector.shape_cast %add3A_632 : vector<16xf32> to vector<1x16xf32>
      tpu.vector_store %arg23[%swap3A_634, %swap3A_635], %swap3A_638 {strides = array<i32>} : memref<16x1024xf32, #tpu.memory_space<vmem>>, vector<1x16xf32>,
    }
    %scan3A_44 = arith.constant 64 : i32
    %add3A_45 = arith.constant 0 : i32
    %add3A_46 = arith.addi %mul3A_2, %add3A_45 : i32
    "tpu.region"() ({
      %run_scoped3A = tpu.sem_alloc : memref<!tpu.dma_semaphore, #tpu.memory_space<semaphore_mem>>
      %dma_start3A_143 = arith.constant 0 : i32
      %dma_start3A_144 = tpu.memref_slice %arg8[%add3A_46, %dma_start3A_143] : memref<2048x1024xf32, #tpu.memory_space<hbm>> -> memref<16x1024xf32, #tpu.memory_space<hbm>>
      %dma_start3A_145 = arith.constant 0 : i32
      %dma_start3A_146 = tpu.memref_slice %arg8[%add3A_46, %dma_start3A_145] : memref<2048x1024xf32, #tpu.memory_space<hbm>> -> memref<16x1024xf32, #tpu.memory_space<hbm>>
      tpu.enqueue_dma source(%arg23 : memref<16x1024xf32, #tpu.memory_space<vmem>>) target(%dma_start3A_146 : memref<16x1024xf32, #tpu.memory_space<hbm>>) target_semaphore(%run_scoped3A : memref<!tpu.dma_semaphore, #tpu.memory_space<semaphore_mem>>)
      %dma_wait3A_147 = arith.constant 0 : i32
      %dma_wait3A_148 = tpu.memref_slice %arg8[%add3A_46, %dma_wait3A_147] : memref<2048x1024xf32, #tpu.memory_space<hbm>> -> memref<16x1024xf32, #tpu.memory_space<hbm>>
      %dma_wait3A_149 = arith.constant 0 : i32
      %dma_wait3A_150 = tpu.memref_slice %arg8[%add3A_46, %dma_wait3A_149] : memref<2048x1024xf32, #tpu.memory_space<hbm>> -> memref<16x1024xf32, #tpu.memory_space<hbm>>
      tpu.wait_dma2 semaphore(%run_scoped3A : memref<!tpu.dma_semaphore, #tpu.memory_space<semaphore_mem>>) src(%arg23 : memref<16x1024xf32, #tpu.memory_space<vmem>>) dst(%dma_wait3A_150 : memref<16x1024xf32, #tpu.memory_space<hbm>>)
      tpu.yield
    }) : () -> ()
    %add3A_47 = arith.constant 32 : i32
    %add3A_48 = arith.addi %mul3A_2, %add3A_47 : i32
    "tpu.region"() ({
      %run_scoped3A = tpu.sem_alloc : memref<!tpu.dma_semaphore, #tpu.memory_space<semaphore_mem>>
      %dma_start3A_143 = tpu.memref_slice %arg3[%add3A_48] : memref<2048xi32, #tpu.memory_space<hbm>> -> memref<16xi32, #tpu.memory_space<hbm>>
      %dma_start3A_144 = tpu.memref_slice %arg3[%add3A_48] : memref<2048xi32, #tpu.memory_space<hbm>> -> memref<16xi32, #tpu.memory_space<hbm>>
      tpu.enqueue_dma source(%dma_start3A_144 : memref<16xi32, #tpu.memory_space<hbm>>) target(%arg9 : memref<16xi32, #tpu.memory_space<vmem>>) target_semaphore(%run_scoped3A : memref<!tpu.dma_semaphore, #tpu.memory_space<semaphore_mem>>)
      %dma_wait3A_145 = tpu.memref_slice %arg3[%add3A_48] : memref<2048xi32, #tpu.memory_space<hbm>> -> memref<16xi32, #tpu.memory_space<hbm>>
      %dma_wait3A_146 = tpu.memref_slice %arg3[%add3A_48] : memref<2048xi32, #tpu.memory_space<hbm>> -> memref<16xi32, #tpu.memory_space<hbm>>
      tpu.wait_dma2 semaphore(%run_scoped3A : memref<!tpu.dma_semaphore, #tpu.memory_space<semaphore_mem>>) src(%dma_wait3A_146 : memref<16xi32, #tpu.memory_space<hbm>>) dst(%arg9 : memref<16xi32, #tpu.memory_space<vmem>>)
      tpu.yield
    }) : () -> ()
    "tpu.region"() ({
      %run_scoped3A = tpu.sem_alloc : memref<!tpu.dma_semaphore, #tpu.memory_space<semaphore_mem>>
      %dma_start3A_143 = tpu.memref_slice %arg4[%add3A_48] : memref<2048xi32, #tpu.memory_space<hbm>> -> memref<16xi32, #tpu.memory_space<hbm>>
      %dma_start3A_144 = tpu.memref_slice %arg4[%add3A_48] : memref<2048xi32, #tpu.memory_space<hbm>> -> memref<16xi32, #tpu.memory_space<hbm>>
      tpu.enqueue_dma source(%dma_start3A_144 : memref<16xi32, #tpu.memory_space<hbm>>) target(%arg10 : memref<16xi32, #tpu.memory_space<vmem>>) target_semaphore(%run_scoped3A : memref<!tpu.dma_semaphore, #tpu.memory_space<semaphore_mem>>)
      %dma_wait3A_145 = tpu.memref_slice %arg4[%add3A_48] : memref<2048xi32, #tpu.memory_space<hbm>> -> memref<16xi32, #tpu.memory_space<hbm>>
      %dma_wait3A_146 = tpu.memref_slice %arg4[%add3A_48] : memref<2048xi32, #tpu.memory_space<hbm>> -> memref<16xi32, #tpu.memory_space<hbm>>
      tpu.wait_dma2 semaphore(%run_scoped3A : memref<!tpu.dma_semaphore, #tpu.memory_space<semaphore_mem>>) src(%dma_wait3A_146 : memref<16xi32, #tpu.memory_space<hbm>>) dst(%arg10 : memref<16xi32, #tpu.memory_space<vmem>>)
      tpu.yield
    }) : () -> ()
    "tpu.region"() ({
      %run_scoped3A = tpu.sem_alloc : memref<!tpu.dma_semaphore, #tpu.memory_space<semaphore_mem>>
      %dma_start3A_143 = tpu.memref_slice %arg5[%add3A_48] : memref<2048xf32, #tpu.memory_space<hbm>> -> memref<16xf32, #tpu.memory_space<hbm>>
      %dma_start3A_144 = tpu.memref_slice %arg5[%add3A_48] : memref<2048xf32, #tpu.memory_space<hbm>> -> memref<16xf32, #tpu.memory_space<hbm>>
      tpu.enqueue_dma source(%dma_start3A_144 : memref<16xf32, #tpu.memory_space<hbm>>) target(%arg11 : memref<16xf32, #tpu.memory_space<vmem>>) target_semaphore(%run_scoped3A : memref<!tpu.dma_semaphore, #tpu.memory_space<semaphore_mem>>)
      %dma_wait3A_145 = tpu.memref_slice %arg5[%add3A_48] : memref<2048xf32, #tpu.memory_space<hbm>> -> memref<16xf32, #tpu.memory_space<hbm>>
      %dma_wait3A_146 = tpu.memref_slice %arg5[%add3A_48] : memref<2048xf32, #tpu.memory_space<hbm>> -> memref<16xf32, #tpu.memory_space<hbm>>
      tpu.wait_dma2 semaphore(%run_scoped3A : memref<!tpu.dma_semaphore, #tpu.memory_space<semaphore_mem>>) src(%dma_wait3A_146 : memref<16xf32, #tpu.memory_space<hbm>>) dst(%arg11 : memref<16xf32, #tpu.memory_space<vmem>>)
      tpu.yield
    }) : () -> ()
    "tpu.region"() ({
      %run_scoped3A = tpu.sem_alloc : memref<!tpu.dma_semaphore, #tpu.memory_space<semaphore_mem>>
      %dma_start3A_143 = tpu.memref_slice %arg6[%add3A_48] : memref<2048xf32, #tpu.memory_space<hbm>> -> memref<16xf32, #tpu.memory_space<hbm>>
      %dma_start3A_144 = tpu.memref_slice %arg6[%add3A_48] : memref<2048xf32, #tpu.memory_space<hbm>> -> memref<16xf32, #tpu.memory_space<hbm>>
      tpu.enqueue_dma source(%dma_start3A_144 : memref<16xf32, #tpu.memory_space<hbm>>) target(%arg12 : memref<16xf32, #tpu.memory_space<vmem>>) target_semaphore(%run_scoped3A : memref<!tpu.dma_semaphore, #tpu.memory_space<semaphore_mem>>)
      %dma_wait3A_145 = tpu.memref_slice %arg6[%add3A_48] : memref<2048xf32, #tpu.memory_space<hbm>> -> memref<16xf32, #tpu.memory_space<hbm>>
      %dma_wait3A_146 = tpu.memref_slice %arg6[%add3A_48] : memref<2048xf32, #tpu.memory_space<hbm>> -> memref<16xf32, #tpu.memory_space<hbm>>
      tpu.wait_dma2 semaphore(%run_scoped3A : memref<!tpu.dma_semaphore, #tpu.memory_space<semaphore_mem>>) src(%dma_wait3A_146 : memref<16xf32, #tpu.memory_space<hbm>>) dst(%arg12 : memref<16xf32, #tpu.memory_space<vmem>>)
      tpu.yield
    }) : () -> ()
    %dma_start3A_49 = arith.constant 0 : i32
    %dma_start3A_50 = arith.constant 0 : i32
    %dma_start3A_51 = tpu.memref_slice %arg2[%dma_start3A_49, %dma_start3A_50] : memref<8192x1024xf32, #tpu.memory_space<hbm>> -> memref<8192x1024xf32, #tpu.memory_space<hbm>>
    tpu.enqueue_indirect_dma source(%dma_start3A_51 : memref<8192x1024xf32, #tpu.memory_space<hbm>>) target(%arg13 : memref<16x1024xf32, #tpu.memory_space<vmem>>) offsets(%arg9 : memref<16xi32, #tpu.memory_space<vmem>>) semaphore(%arg24 : memref<!tpu.dma_semaphore, #tpu.memory_space<semaphore_mem>>)
    %dma_start3A_52 = arith.constant 0 : i32
    %dma_start3A_53 = arith.constant 0 : i32
    %dma_start3A_54 = tpu.memref_slice %arg2[%dma_start3A_52, %dma_start3A_53] : memref<8192x1024xf32, #tpu.memory_space<hbm>> -> memref<8192x1024xf32, #tpu.memory_space<hbm>>
    tpu.enqueue_indirect_dma source(%dma_start3A_54 : memref<8192x1024xf32, #tpu.memory_space<hbm>>) target(%arg14 : memref<16x1024xf32, #tpu.memory_space<vmem>>) offsets(%arg10 : memref<16xi32, #tpu.memory_space<vmem>>) semaphore(%arg24 : memref<!tpu.dma_semaphore, #tpu.memory_space<semaphore_mem>>)
    %dma_start3A_55 = arith.constant 0 : i32
    %dma_start3A_56 = tpu.memref_slice %arg7[%add3A_48, %dma_start3A_55] : memref<2048x1024xf32, #tpu.memory_space<hbm>> -> memref<16x1024xf32, #tpu.memory_space<hbm>>
    %dma_start3A_57 = arith.constant 0 : i32
    %dma_start3A_58 = tpu.memref_slice %arg7[%add3A_48, %dma_start3A_57] : memref<2048x1024xf32, #tpu.memory_space<hbm>> -> memref<16x1024xf32, #tpu.memory_space<hbm>>
    tpu.enqueue_dma source(%dma_start3A_58 : memref<16x1024xf32, #tpu.memory_space<hbm>>) target(%arg15 : memref<16x1024xf32, #tpu.memory_space<vmem>>) target_semaphore(%arg24 : memref<!tpu.dma_semaphore, #tpu.memory_space<semaphore_mem>>)
    %dma_wait3A_59 = arith.constant 0 : i32
    %dma_wait3A_60 = arith.constant 0 : i32
    %dma_wait3A_61 = tpu.memref_slice %arg2[%dma_wait3A_59, %dma_wait3A_60] : memref<8192x1024xf32, #tpu.memory_space<hbm>> -> memref<8192x1024xf32, #tpu.memory_space<hbm>>
    tpu.wait_indirect_dma semaphore(%arg25 : memref<!tpu.dma_semaphore, #tpu.memory_space<semaphore_mem>>) src(%dma_wait3A_61 : memref<8192x1024xf32, #tpu.memory_space<hbm>>) dst(%arg20 : memref<16x1024xf32, #tpu.memory_space<vmem>>)
    %dma_wait3A_62 = arith.constant 0 : i32
    %dma_wait3A_63 = arith.constant 0 : i32
    %dma_wait3A_64 = tpu.memref_slice %arg2[%dma_wait3A_62, %dma_wait3A_63] : memref<8192x1024xf32, #tpu.memory_space<hbm>> -> memref<8192x1024xf32, #tpu.memory_space<hbm>>
    tpu.wait_indirect_dma semaphore(%arg25 : memref<!tpu.dma_semaphore, #tpu.memory_space<semaphore_mem>>) src(%dma_wait3A_64 : memref<8192x1024xf32, #tpu.memory_space<hbm>>) dst(%arg21 : memref<16x1024xf32, #tpu.memory_space<vmem>>)
    %dma_wait3A_65 = arith.constant 0 : i32
    %dma_wait3A_66 = tpu.memref_slice %arg7[%add3A_15, %dma_wait3A_65] : memref<2048x1024xf32, #tpu.memory_space<hbm>> -> memref<16x1024xf32, #tpu.memory_space<hbm>>
    %dma_wait3A_67 = arith.constant 0 : i32
    %dma_wait3A_68 = tpu.memref_slice %arg7[%add3A_15, %dma_wait3A_67] : memref<2048x1024xf32, #tpu.memory_space<hbm>> -> memref<16x1024xf32, #tpu.memory_space<hbm>>
    tpu.wait_dma2 semaphore(%arg25 : memref<!tpu.dma_semaphore, #tpu.memory_space<semaphore_mem>>) src(%dma_wait3A_68 : memref<16x1024xf32, #tpu.memory_space<hbm>>) dst(%arg22 : memref<16x1024xf32, #tpu.memory_space<vmem>>)
    %get3A_69 = arith.constant 0 : index
    %get3A_70 = tpu.vector_load %arg18[%get3A_69] {strides = array<i32>} : memref<16xf32, #tpu.memory_space<vmem>>, vector<16xf32>,
    %get3A_71 = vector.shape_cast %get3A_70 : vector<16xf32> to vector<16xf32>
    %get3A_72 = arith.constant 0 : index
    %get3A_73 = tpu.vector_load %arg19[%get3A_72] {strides = array<i32>} : memref<16xf32, #tpu.memory_space<vmem>>, vector<16xf32>,
    %get3A_74 = vector.shape_cast %get3A_73 : vector<16xf32> to vector<16xf32>
    %scan3A_75 = arith.constant 0 : i32
    %scan3A_76 = arith.constant 0 : i32
    %scan3A_77 = arith.constant 64 : i32
    %scan3A_78 = arith.addi %scan3A_76, %scan3A_77 : i32
    %scan3A_79 = arith.constant 1 : i32
    scf.for %scan3A_143 = %scan3A_76 to %scan3A_78 step %scan3A_79  : i32 {
      %mul3A_144 = arith.constant 16 : i32
      %mul3A_145 = arith.muli %scan3A_143, %mul3A_144 : i32
      %get3A_146 = arith.constant 0 : i32
      %get3A_147 = arith.index_cast %get3A_146 : i32 to index
      %get3A_148 = arith.index_cast %mul3A_145 : i32 to index
      %get3A_149 = tpu.vector_load %arg20[%get3A_147, %get3A_148] {strides = array<i32>} : memref<16x1024xf32, #tpu.memory_space<vmem>>, vector<1x16xf32>,
      %get3A_150 = vector.shape_cast %get3A_149 : vector<1x16xf32> to vector<16xf32>
      %slice3A = vector.extract_strided_slice %get3A_71 {offsets = [0], sizes = [1], strides = [1]} : vector<16xf32> to vector<1xf32>
      %squeeze3A = vector.extract %slice3A[0] : f32 from vector<1xf32>
      %mul3A_151 = vector.broadcast %squeeze3A : f32 to vector<16xf32>
      %mul3A_152 = arith.mulf %get3A_150, %mul3A_151 : vector<16xf32>
      %get3A_153 = arith.constant 0 : i32
      %get3A_154 = arith.index_cast %get3A_153 : i32 to index
      %get3A_155 = arith.index_cast %mul3A_145 : i32 to index
      %get3A_156 = tpu.vector_load %arg21[%get3A_154, %get3A_155] {strides = array<i32>} : memref<16x1024xf32, #tpu.memory_space<vmem>>, vector<1x16xf32>,
      %get3A_157 = vector.shape_cast %get3A_156 : vector<1x16xf32> to vector<16xf32>
      %slice3A_158 = vector.extract_strided_slice %get3A_74 {offsets = [0], sizes = [1], strides = [1]} : vector<16xf32> to vector<1xf32>
      %squeeze3A_159 = vector.extract %slice3A_158[0] : f32 from vector<1xf32>
      %mul3A_160 = vector.broadcast %squeeze3A_159 : f32 to vector<16xf32>
      %mul3A_161 = arith.mulf %get3A_157, %mul3A_160 : vector<16xf32>
      %add3A_162 = arith.addf %mul3A_152, %mul3A_161 : vector<16xf32>
      %get3A_163 = arith.constant 0 : i32
      %get3A_164 = arith.index_cast %get3A_163 : i32 to index
      %get3A_165 = arith.index_cast %mul3A_145 : i32 to index
      %get3A_166 = tpu.vector_load %arg22[%get3A_164, %get3A_165] {strides = array<i32>} : memref<16x1024xf32, #tpu.memory_space<vmem>>, vector<1x16xf32>,
      %get3A_167 = vector.shape_cast %get3A_166 : vector<1x16xf32> to vector<16xf32>
      %add3A_168 = arith.addf %add3A_162, %get3A_167 : vector<16xf32>
      %swap3A = arith.constant 0 : i32
      %swap3A_169 = arith.index_cast %swap3A : i32 to index
      %swap3A_170 = arith.index_cast %mul3A_145 : i32 to index
      %swap3A_171 = tpu.vector_load %arg23[%swap3A_169, %swap3A_170] {strides = array<i32>} : memref<16x1024xf32, #tpu.memory_space<vmem>>, vector<1x16xf32>,
      %swap3A_172 = vector.shape_cast %swap3A_171 : vector<1x16xf32> to vector<16xf32>
      %swap3A_173 = vector.shape_cast %add3A_168 : vector<16xf32> to vector<1x16xf32>
      tpu.vector_store %arg23[%swap3A_169, %swap3A_170], %swap3A_173 {strides = array<i32>} : memref<16x1024xf32, #tpu.memory_space<vmem>>, vector<1x16xf32>,
      %get3A_174 = arith.constant 1 : i32
      %get3A_175 = arith.index_cast %get3A_174 : i32 to index
      %get3A_176 = arith.index_cast %mul3A_145 : i32 to index
      %get3A_177 = tpu.vector_load %arg20[%get3A_175, %get3A_176] {strides = array<i32>} : memref<16x1024xf32, #tpu.memory_space<vmem>>, vector<1x16xf32>,
      %get3A_178 = vector.shape_cast %get3A_177 : vector<1x16xf32> to vector<16xf32>
      %slice3A_179 = vector.extract_strided_slice %get3A_71 {offsets = [1], sizes = [1], strides = [1]} : vector<16xf32> to vector<1xf32>
      %squeeze3A_180 = vector.extract %slice3A_179[0] : f32 from vector<1xf32>
      %mul3A_181 = vector.broadcast %squeeze3A_180 : f32 to vector<16xf32>
      %mul3A_182 = arith.mulf %get3A_178, %mul3A_181 : vector<16xf32>
      %get3A_183 = arith.constant 1 : i32
      %get3A_184 = arith.index_cast %get3A_183 : i32 to index
      %get3A_185 = arith.index_cast %mul3A_145 : i32 to index
      %get3A_186 = tpu.vector_load %arg21[%get3A_184, %get3A_185] {strides = array<i32>} : memref<16x1024xf32, #tpu.memory_space<vmem>>, vector<1x16xf32>,
      %get3A_187 = vector.shape_cast %get3A_186 : vector<1x16xf32> to vector<16xf32>
      %slice3A_188 = vector.extract_strided_slice %get3A_74 {offsets = [1], sizes = [1], strides = [1]} : vector<16xf32> to vector<1xf32>
      %squeeze3A_189 = vector.extract %slice3A_188[0] : f32 from vector<1xf32>
      %mul3A_190 = vector.broadcast %squeeze3A_189 : f32 to vector<16xf32>
      %mul3A_191 = arith.mulf %get3A_187, %mul3A_190 : vector<16xf32>
      %add3A_192 = arith.addf %mul3A_182, %mul3A_191 : vector<16xf32>
      %get3A_193 = arith.constant 1 : i32
      %get3A_194 = arith.index_cast %get3A_193 : i32 to index
      %get3A_195 = arith.index_cast %mul3A_145 : i32 to index
      %get3A_196 = tpu.vector_load %arg22[%get3A_194, %get3A_195] {strides = array<i32>} : memref<16x1024xf32, #tpu.memory_space<vmem>>, vector<1x16xf32>,
      %get3A_197 = vector.shape_cast %get3A_196 : vector<1x16xf32> to vector<16xf32>
      %add3A_198 = arith.addf %add3A_192, %get3A_197 : vector<16xf32>
      %swap3A_199 = arith.constant 1 : i32
      %swap3A_200 = arith.index_cast %swap3A_199 : i32 to index
      %swap3A_201 = arith.index_cast %mul3A_145 : i32 to index
      %swap3A_202 = tpu.vector_load %arg23[%swap3A_200, %swap3A_201] {strides = array<i32>} : memref<16x1024xf32, #tpu.memory_space<vmem>>, vector<1x16xf32>,
      %swap3A_203 = vector.shape_cast %swap3A_202 : vector<1x16xf32> to vector<16xf32>
      %swap3A_204 = vector.shape_cast %add3A_198 : vector<16xf32> to vector<1x16xf32>
      tpu.vector_store %arg23[%swap3A_200, %swap3A_201], %swap3A_204 {strides = array<i32>} : memref<16x1024xf32, #tpu.memory_space<vmem>>, vector<1x16xf32>,
      %get3A_205 = arith.constant 2 : i32
      %get3A_206 = arith.index_cast %get3A_205 : i32 to index
      %get3A_207 = arith.index_cast %mul3A_145 : i32 to index
      %get3A_208 = tpu.vector_load %arg20[%get3A_206, %get3A_207] {strides = array<i32>} : memref<16x1024xf32, #tpu.memory_space<vmem>>, vector<1x16xf32>,
      %get3A_209 = vector.shape_cast %get3A_208 : vector<1x16xf32> to vector<16xf32>
      %slice3A_210 = vector.extract_strided_slice %get3A_71 {offsets = [2], sizes = [1], strides = [1]} : vector<16xf32> to vector<1xf32>
      %squeeze3A_211 = vector.extract %slice3A_210[0] : f32 from vector<1xf32>
      %mul3A_212 = vector.broadcast %squeeze3A_211 : f32 to vector<16xf32>
      %mul3A_213 = arith.mulf %get3A_209, %mul3A_212 : vector<16xf32>
      %get3A_214 = arith.constant 2 : i32
      %get3A_215 = arith.index_cast %get3A_214 : i32 to index
      %get3A_216 = arith.index_cast %mul3A_145 : i32 to index
      %get3A_217 = tpu.vector_load %arg21[%get3A_215, %get3A_216] {strides = array<i32>} : memref<16x1024xf32, #tpu.memory_space<vmem>>, vector<1x16xf32>,
      %get3A_218 = vector.shape_cast %get3A_217 : vector<1x16xf32> to vector<16xf32>
      %slice3A_219 = vector.extract_strided_slice %get3A_74 {offsets = [2], sizes = [1], strides = [1]} : vector<16xf32> to vector<1xf32>
      %squeeze3A_220 = vector.extract %slice3A_219[0] : f32 from vector<1xf32>
      %mul3A_221 = vector.broadcast %squeeze3A_220 : f32 to vector<16xf32>
      %mul3A_222 = arith.mulf %get3A_218, %mul3A_221 : vector<16xf32>
      %add3A_223 = arith.addf %mul3A_213, %mul3A_222 : vector<16xf32>
      %get3A_224 = arith.constant 2 : i32
      %get3A_225 = arith.index_cast %get3A_224 : i32 to index
      %get3A_226 = arith.index_cast %mul3A_145 : i32 to index
      %get3A_227 = tpu.vector_load %arg22[%get3A_225, %get3A_226] {strides = array<i32>} : memref<16x1024xf32, #tpu.memory_space<vmem>>, vector<1x16xf32>,
      %get3A_228 = vector.shape_cast %get3A_227 : vector<1x16xf32> to vector<16xf32>
      %add3A_229 = arith.addf %add3A_223, %get3A_228 : vector<16xf32>
      %swap3A_230 = arith.constant 2 : i32
      %swap3A_231 = arith.index_cast %swap3A_230 : i32 to index
      %swap3A_232 = arith.index_cast %mul3A_145 : i32 to index
      %swap3A_233 = tpu.vector_load %arg23[%swap3A_231, %swap3A_232] {strides = array<i32>} : memref<16x1024xf32, #tpu.memory_space<vmem>>, vector<1x16xf32>,
      %swap3A_234 = vector.shape_cast %swap3A_233 : vector<1x16xf32> to vector<16xf32>
      %swap3A_235 = vector.shape_cast %add3A_229 : vector<16xf32> to vector<1x16xf32>
      tpu.vector_store %arg23[%swap3A_231, %swap3A_232], %swap3A_235 {strides = array<i32>} : memref<16x1024xf32, #tpu.memory_space<vmem>>, vector<1x16xf32>,
      %get3A_236 = arith.constant 3 : i32
      %get3A_237 = arith.index_cast %get3A_236 : i32 to index
      %get3A_238 = arith.index_cast %mul3A_145 : i32 to index
      %get3A_239 = tpu.vector_load %arg20[%get3A_237, %get3A_238] {strides = array<i32>} : memref<16x1024xf32, #tpu.memory_space<vmem>>, vector<1x16xf32>,
      %get3A_240 = vector.shape_cast %get3A_239 : vector<1x16xf32> to vector<16xf32>
      %slice3A_241 = vector.extract_strided_slice %get3A_71 {offsets = [3], sizes = [1], strides = [1]} : vector<16xf32> to vector<1xf32>
      %squeeze3A_242 = vector.extract %slice3A_241[0] : f32 from vector<1xf32>
      %mul3A_243 = vector.broadcast %squeeze3A_242 : f32 to vector<16xf32>
      %mul3A_244 = arith.mulf %get3A_240, %mul3A_243 : vector<16xf32>
      %get3A_245 = arith.constant 3 : i32
      %get3A_246 = arith.index_cast %get3A_245 : i32 to index
      %get3A_247 = arith.index_cast %mul3A_145 : i32 to index
      %get3A_248 = tpu.vector_load %arg21[%get3A_246, %get3A_247] {strides = array<i32>} : memref<16x1024xf32, #tpu.memory_space<vmem>>, vector<1x16xf32>,
      %get3A_249 = vector.shape_cast %get3A_248 : vector<1x16xf32> to vector<16xf32>
      %slice3A_250 = vector.extract_strided_slice %get3A_74 {offsets = [3], sizes = [1], strides = [1]} : vector<16xf32> to vector<1xf32>
      %squeeze3A_251 = vector.extract %slice3A_250[0] : f32 from vector<1xf32>
      %mul3A_252 = vector.broadcast %squeeze3A_251 : f32 to vector<16xf32>
      %mul3A_253 = arith.mulf %get3A_249, %mul3A_252 : vector<16xf32>
      %add3A_254 = arith.addf %mul3A_244, %mul3A_253 : vector<16xf32>
      %get3A_255 = arith.constant 3 : i32
      %get3A_256 = arith.index_cast %get3A_255 : i32 to index
      %get3A_257 = arith.index_cast %mul3A_145 : i32 to index
      %get3A_258 = tpu.vector_load %arg22[%get3A_256, %get3A_257] {strides = array<i32>} : memref<16x1024xf32, #tpu.memory_space<vmem>>, vector<1x16xf32>,
      %get3A_259 = vector.shape_cast %get3A_258 : vector<1x16xf32> to vector<16xf32>
      %add3A_260 = arith.addf %add3A_254, %get3A_259 : vector<16xf32>
      %swap3A_261 = arith.constant 3 : i32
      %swap3A_262 = arith.index_cast %swap3A_261 : i32 to index
      %swap3A_263 = arith.index_cast %mul3A_145 : i32 to index
      %swap3A_264 = tpu.vector_load %arg23[%swap3A_262, %swap3A_263] {strides = array<i32>} : memref<16x1024xf32, #tpu.memory_space<vmem>>, vector<1x16xf32>,
      %swap3A_265 = vector.shape_cast %swap3A_264 : vector<1x16xf32> to vector<16xf32>
      %swap3A_266 = vector.shape_cast %add3A_260 : vector<16xf32> to vector<1x16xf32>
      tpu.vector_store %arg23[%swap3A_262, %swap3A_263], %swap3A_266 {strides = array<i32>} : memref<16x1024xf32, #tpu.memory_space<vmem>>, vector<1x16xf32>,
      %get3A_267 = arith.constant 4 : i32
      %get3A_268 = arith.index_cast %get3A_267 : i32 to index
      %get3A_269 = arith.index_cast %mul3A_145 : i32 to index
      %get3A_270 = tpu.vector_load %arg20[%get3A_268, %get3A_269] {strides = array<i32>} : memref<16x1024xf32, #tpu.memory_space<vmem>>, vector<1x16xf32>,
      %get3A_271 = vector.shape_cast %get3A_270 : vector<1x16xf32> to vector<16xf32>
      %slice3A_272 = vector.extract_strided_slice %get3A_71 {offsets = [4], sizes = [1], strides = [1]} : vector<16xf32> to vector<1xf32>
      %squeeze3A_273 = vector.extract %slice3A_272[0] : f32 from vector<1xf32>
      %mul3A_274 = vector.broadcast %squeeze3A_273 : f32 to vector<16xf32>
      %mul3A_275 = arith.mulf %get3A_271, %mul3A_274 : vector<16xf32>
      %get3A_276 = arith.constant 4 : i32
      %get3A_277 = arith.index_cast %get3A_276 : i32 to index
      %get3A_278 = arith.index_cast %mul3A_145 : i32 to index
      %get3A_279 = tpu.vector_load %arg21[%get3A_277, %get3A_278] {strides = array<i32>} : memref<16x1024xf32, #tpu.memory_space<vmem>>, vector<1x16xf32>,
      %get3A_280 = vector.shape_cast %get3A_279 : vector<1x16xf32> to vector<16xf32>
      %slice3A_281 = vector.extract_strided_slice %get3A_74 {offsets = [4], sizes = [1], strides = [1]} : vector<16xf32> to vector<1xf32>
      %squeeze3A_282 = vector.extract %slice3A_281[0] : f32 from vector<1xf32>
      %mul3A_283 = vector.broadcast %squeeze3A_282 : f32 to vector<16xf32>
      %mul3A_284 = arith.mulf %get3A_280, %mul3A_283 : vector<16xf32>
      %add3A_285 = arith.addf %mul3A_275, %mul3A_284 : vector<16xf32>
      %get3A_286 = arith.constant 4 : i32
      %get3A_287 = arith.index_cast %get3A_286 : i32 to index
      %get3A_288 = arith.index_cast %mul3A_145 : i32 to index
      %get3A_289 = tpu.vector_load %arg22[%get3A_287, %get3A_288] {strides = array<i32>} : memref<16x1024xf32, #tpu.memory_space<vmem>>, vector<1x16xf32>,
      %get3A_290 = vector.shape_cast %get3A_289 : vector<1x16xf32> to vector<16xf32>
      %add3A_291 = arith.addf %add3A_285, %get3A_290 : vector<16xf32>
      %swap3A_292 = arith.constant 4 : i32
      %swap3A_293 = arith.index_cast %swap3A_292 : i32 to index
      %swap3A_294 = arith.index_cast %mul3A_145 : i32 to index
      %swap3A_295 = tpu.vector_load %arg23[%swap3A_293, %swap3A_294] {strides = array<i32>} : memref<16x1024xf32, #tpu.memory_space<vmem>>, vector<1x16xf32>,
      %swap3A_296 = vector.shape_cast %swap3A_295 : vector<1x16xf32> to vector<16xf32>
      %swap3A_297 = vector.shape_cast %add3A_291 : vector<16xf32> to vector<1x16xf32>
      tpu.vector_store %arg23[%swap3A_293, %swap3A_294], %swap3A_297 {strides = array<i32>} : memref<16x1024xf32, #tpu.memory_space<vmem>>, vector<1x16xf32>,
      %get3A_298 = arith.constant 5 : i32
      %get3A_299 = arith.index_cast %get3A_298 : i32 to index
      %get3A_300 = arith.index_cast %mul3A_145 : i32 to index
      %get3A_301 = tpu.vector_load %arg20[%get3A_299, %get3A_300] {strides = array<i32>} : memref<16x1024xf32, #tpu.memory_space<vmem>>, vector<1x16xf32>,
      %get3A_302 = vector.shape_cast %get3A_301 : vector<1x16xf32> to vector<16xf32>
      %slice3A_303 = vector.extract_strided_slice %get3A_71 {offsets = [5], sizes = [1], strides = [1]} : vector<16xf32> to vector<1xf32>
      %squeeze3A_304 = vector.extract %slice3A_303[0] : f32 from vector<1xf32>
      %mul3A_305 = vector.broadcast %squeeze3A_304 : f32 to vector<16xf32>
      %mul3A_306 = arith.mulf %get3A_302, %mul3A_305 : vector<16xf32>
      %get3A_307 = arith.constant 5 : i32
      %get3A_308 = arith.index_cast %get3A_307 : i32 to index
      %get3A_309 = arith.index_cast %mul3A_145 : i32 to index
      %get3A_310 = tpu.vector_load %arg21[%get3A_308, %get3A_309] {strides = array<i32>} : memref<16x1024xf32, #tpu.memory_space<vmem>>, vector<1x16xf32>,
      %get3A_311 = vector.shape_cast %get3A_310 : vector<1x16xf32> to vector<16xf32>
      %slice3A_312 = vector.extract_strided_slice %get3A_74 {offsets = [5], sizes = [1], strides = [1]} : vector<16xf32> to vector<1xf32>
      %squeeze3A_313 = vector.extract %slice3A_312[0] : f32 from vector<1xf32>
      %mul3A_314 = vector.broadcast %squeeze3A_313 : f32 to vector<16xf32>
      %mul3A_315 = arith.mulf %get3A_311, %mul3A_314 : vector<16xf32>
      %add3A_316 = arith.addf %mul3A_306, %mul3A_315 : vector<16xf32>
      %get3A_317 = arith.constant 5 : i32
      %get3A_318 = arith.index_cast %get3A_317 : i32 to index
      %get3A_319 = arith.index_cast %mul3A_145 : i32 to index
      %get3A_320 = tpu.vector_load %arg22[%get3A_318, %get3A_319] {strides = array<i32>} : memref<16x1024xf32, #tpu.memory_space<vmem>>, vector<1x16xf32>,
      %get3A_321 = vector.shape_cast %get3A_320 : vector<1x16xf32> to vector<16xf32>
      %add3A_322 = arith.addf %add3A_316, %get3A_321 : vector<16xf32>
      %swap3A_323 = arith.constant 5 : i32
      %swap3A_324 = arith.index_cast %swap3A_323 : i32 to index
      %swap3A_325 = arith.index_cast %mul3A_145 : i32 to index
      %swap3A_326 = tpu.vector_load %arg23[%swap3A_324, %swap3A_325] {strides = array<i32>} : memref<16x1024xf32, #tpu.memory_space<vmem>>, vector<1x16xf32>,
      %swap3A_327 = vector.shape_cast %swap3A_326 : vector<1x16xf32> to vector<16xf32>
      %swap3A_328 = vector.shape_cast %add3A_322 : vector<16xf32> to vector<1x16xf32>
      tpu.vector_store %arg23[%swap3A_324, %swap3A_325], %swap3A_328 {strides = array<i32>} : memref<16x1024xf32, #tpu.memory_space<vmem>>, vector<1x16xf32>,
      %get3A_329 = arith.constant 6 : i32
      %get3A_330 = arith.index_cast %get3A_329 : i32 to index
      %get3A_331 = arith.index_cast %mul3A_145 : i32 to index
      %get3A_332 = tpu.vector_load %arg20[%get3A_330, %get3A_331] {strides = array<i32>} : memref<16x1024xf32, #tpu.memory_space<vmem>>, vector<1x16xf32>,
      %get3A_333 = vector.shape_cast %get3A_332 : vector<1x16xf32> to vector<16xf32>
      %slice3A_334 = vector.extract_strided_slice %get3A_71 {offsets = [6], sizes = [1], strides = [1]} : vector<16xf32> to vector<1xf32>
      %squeeze3A_335 = vector.extract %slice3A_334[0] : f32 from vector<1xf32>
      %mul3A_336 = vector.broadcast %squeeze3A_335 : f32 to vector<16xf32>
      %mul3A_337 = arith.mulf %get3A_333, %mul3A_336 : vector<16xf32>
      %get3A_338 = arith.constant 6 : i32
      %get3A_339 = arith.index_cast %get3A_338 : i32 to index
      %get3A_340 = arith.index_cast %mul3A_145 : i32 to index
      %get3A_341 = tpu.vector_load %arg21[%get3A_339, %get3A_340] {strides = array<i32>} : memref<16x1024xf32, #tpu.memory_space<vmem>>, vector<1x16xf32>,
      %get3A_342 = vector.shape_cast %get3A_341 : vector<1x16xf32> to vector<16xf32>
      %slice3A_343 = vector.extract_strided_slice %get3A_74 {offsets = [6], sizes = [1], strides = [1]} : vector<16xf32> to vector<1xf32>
      %squeeze3A_344 = vector.extract %slice3A_343[0] : f32 from vector<1xf32>
      %mul3A_345 = vector.broadcast %squeeze3A_344 : f32 to vector<16xf32>
      %mul3A_346 = arith.mulf %get3A_342, %mul3A_345 : vector<16xf32>
      %add3A_347 = arith.addf %mul3A_337, %mul3A_346 : vector<16xf32>
      %get3A_348 = arith.constant 6 : i32
      %get3A_349 = arith.index_cast %get3A_348 : i32 to index
      %get3A_350 = arith.index_cast %mul3A_145 : i32 to index
      %get3A_351 = tpu.vector_load %arg22[%get3A_349, %get3A_350] {strides = array<i32>} : memref<16x1024xf32, #tpu.memory_space<vmem>>, vector<1x16xf32>,
      %get3A_352 = vector.shape_cast %get3A_351 : vector<1x16xf32> to vector<16xf32>
      %add3A_353 = arith.addf %add3A_347, %get3A_352 : vector<16xf32>
      %swap3A_354 = arith.constant 6 : i32
      %swap3A_355 = arith.index_cast %swap3A_354 : i32 to index
      %swap3A_356 = arith.index_cast %mul3A_145 : i32 to index
      %swap3A_357 = tpu.vector_load %arg23[%swap3A_355, %swap3A_356] {strides = array<i32>} : memref<16x1024xf32, #tpu.memory_space<vmem>>, vector<1x16xf32>,
      %swap3A_358 = vector.shape_cast %swap3A_357 : vector<1x16xf32> to vector<16xf32>
      %swap3A_359 = vector.shape_cast %add3A_353 : vector<16xf32> to vector<1x16xf32>
      tpu.vector_store %arg23[%swap3A_355, %swap3A_356], %swap3A_359 {strides = array<i32>} : memref<16x1024xf32, #tpu.memory_space<vmem>>, vector<1x16xf32>,
      %get3A_360 = arith.constant 7 : i32
      %get3A_361 = arith.index_cast %get3A_360 : i32 to index
      %get3A_362 = arith.index_cast %mul3A_145 : i32 to index
      %get3A_363 = tpu.vector_load %arg20[%get3A_361, %get3A_362] {strides = array<i32>} : memref<16x1024xf32, #tpu.memory_space<vmem>>, vector<1x16xf32>,
      %get3A_364 = vector.shape_cast %get3A_363 : vector<1x16xf32> to vector<16xf32>
      %slice3A_365 = vector.extract_strided_slice %get3A_71 {offsets = [7], sizes = [1], strides = [1]} : vector<16xf32> to vector<1xf32>
      %squeeze3A_366 = vector.extract %slice3A_365[0] : f32 from vector<1xf32>
      %mul3A_367 = vector.broadcast %squeeze3A_366 : f32 to vector<16xf32>
      %mul3A_368 = arith.mulf %get3A_364, %mul3A_367 : vector<16xf32>
      %get3A_369 = arith.constant 7 : i32
      %get3A_370 = arith.index_cast %get3A_369 : i32 to index
      %get3A_371 = arith.index_cast %mul3A_145 : i32 to index
      %get3A_372 = tpu.vector_load %arg21[%get3A_370, %get3A_371] {strides = array<i32>} : memref<16x1024xf32, #tpu.memory_space<vmem>>, vector<1x16xf32>,
      %get3A_373 = vector.shape_cast %get3A_372 : vector<1x16xf32> to vector<16xf32>
      %slice3A_374 = vector.extract_strided_slice %get3A_74 {offsets = [7], sizes = [1], strides = [1]} : vector<16xf32> to vector<1xf32>
      %squeeze3A_375 = vector.extract %slice3A_374[0] : f32 from vector<1xf32>
      %mul3A_376 = vector.broadcast %squeeze3A_375 : f32 to vector<16xf32>
      %mul3A_377 = arith.mulf %get3A_373, %mul3A_376 : vector<16xf32>
      %add3A_378 = arith.addf %mul3A_368, %mul3A_377 : vector<16xf32>
      %get3A_379 = arith.constant 7 : i32
      %get3A_380 = arith.index_cast %get3A_379 : i32 to index
      %get3A_381 = arith.index_cast %mul3A_145 : i32 to index
      %get3A_382 = tpu.vector_load %arg22[%get3A_380, %get3A_381] {strides = array<i32>} : memref<16x1024xf32, #tpu.memory_space<vmem>>, vector<1x16xf32>,
      %get3A_383 = vector.shape_cast %get3A_382 : vector<1x16xf32> to vector<16xf32>
      %add3A_384 = arith.addf %add3A_378, %get3A_383 : vector<16xf32>
      %swap3A_385 = arith.constant 7 : i32
      %swap3A_386 = arith.index_cast %swap3A_385 : i32 to index
      %swap3A_387 = arith.index_cast %mul3A_145 : i32 to index
      %swap3A_388 = tpu.vector_load %arg23[%swap3A_386, %swap3A_387] {strides = array<i32>} : memref<16x1024xf32, #tpu.memory_space<vmem>>, vector<1x16xf32>,
      %swap3A_389 = vector.shape_cast %swap3A_388 : vector<1x16xf32> to vector<16xf32>
      %swap3A_390 = vector.shape_cast %add3A_384 : vector<16xf32> to vector<1x16xf32>
      tpu.vector_store %arg23[%swap3A_386, %swap3A_387], %swap3A_390 {strides = array<i32>} : memref<16x1024xf32, #tpu.memory_space<vmem>>, vector<1x16xf32>,
      %get3A_391 = arith.constant 8 : i32
      %get3A_392 = arith.index_cast %get3A_391 : i32 to index
      %get3A_393 = arith.index_cast %mul3A_145 : i32 to index
      %get3A_394 = tpu.vector_load %arg20[%get3A_392, %get3A_393] {strides = array<i32>} : memref<16x1024xf32, #tpu.memory_space<vmem>>, vector<1x16xf32>,
      %get3A_395 = vector.shape_cast %get3A_394 : vector<1x16xf32> to vector<16xf32>
      %slice3A_396 = vector.extract_strided_slice %get3A_71 {offsets = [8], sizes = [1], strides = [1]} : vector<16xf32> to vector<1xf32>
      %squeeze3A_397 = vector.extract %slice3A_396[0] : f32 from vector<1xf32>
      %mul3A_398 = vector.broadcast %squeeze3A_397 : f32 to vector<16xf32>
      %mul3A_399 = arith.mulf %get3A_395, %mul3A_398 : vector<16xf32>
      %get3A_400 = arith.constant 8 : i32
      %get3A_401 = arith.index_cast %get3A_400 : i32 to index
      %get3A_402 = arith.index_cast %mul3A_145 : i32 to index
      %get3A_403 = tpu.vector_load %arg21[%get3A_401, %get3A_402] {strides = array<i32>} : memref<16x1024xf32, #tpu.memory_space<vmem>>, vector<1x16xf32>,
      %get3A_404 = vector.shape_cast %get3A_403 : vector<1x16xf32> to vector<16xf32>
      %slice3A_405 = vector.extract_strided_slice %get3A_74 {offsets = [8], sizes = [1], strides = [1]} : vector<16xf32> to vector<1xf32>
      %squeeze3A_406 = vector.extract %slice3A_405[0] : f32 from vector<1xf32>
      %mul3A_407 = vector.broadcast %squeeze3A_406 : f32 to vector<16xf32>
      %mul3A_408 = arith.mulf %get3A_404, %mul3A_407 : vector<16xf32>
      %add3A_409 = arith.addf %mul3A_399, %mul3A_408 : vector<16xf32>
      %get3A_410 = arith.constant 8 : i32
      %get3A_411 = arith.index_cast %get3A_410 : i32 to index
      %get3A_412 = arith.index_cast %mul3A_145 : i32 to index
      %get3A_413 = tpu.vector_load %arg22[%get3A_411, %get3A_412] {strides = array<i32>} : memref<16x1024xf32, #tpu.memory_space<vmem>>, vector<1x16xf32>,
      %get3A_414 = vector.shape_cast %get3A_413 : vector<1x16xf32> to vector<16xf32>
      %add3A_415 = arith.addf %add3A_409, %get3A_414 : vector<16xf32>
      %swap3A_416 = arith.constant 8 : i32
      %swap3A_417 = arith.index_cast %swap3A_416 : i32 to index
      %swap3A_418 = arith.index_cast %mul3A_145 : i32 to index
      %swap3A_419 = tpu.vector_load %arg23[%swap3A_417, %swap3A_418] {strides = array<i32>} : memref<16x1024xf32, #tpu.memory_space<vmem>>, vector<1x16xf32>,
      %swap3A_420 = vector.shape_cast %swap3A_419 : vector<1x16xf32> to vector<16xf32>
      %swap3A_421 = vector.shape_cast %add3A_415 : vector<16xf32> to vector<1x16xf32>
      tpu.vector_store %arg23[%swap3A_417, %swap3A_418], %swap3A_421 {strides = array<i32>} : memref<16x1024xf32, #tpu.memory_space<vmem>>, vector<1x16xf32>,
      %get3A_422 = arith.constant 9 : i32
      %get3A_423 = arith.index_cast %get3A_422 : i32 to index
      %get3A_424 = arith.index_cast %mul3A_145 : i32 to index
      %get3A_425 = tpu.vector_load %arg20[%get3A_423, %get3A_424] {strides = array<i32>} : memref<16x1024xf32, #tpu.memory_space<vmem>>, vector<1x16xf32>,
      %get3A_426 = vector.shape_cast %get3A_425 : vector<1x16xf32> to vector<16xf32>
      %slice3A_427 = vector.extract_strided_slice %get3A_71 {offsets = [9], sizes = [1], strides = [1]} : vector<16xf32> to vector<1xf32>
      %squeeze3A_428 = vector.extract %slice3A_427[0] : f32 from vector<1xf32>
      %mul3A_429 = vector.broadcast %squeeze3A_428 : f32 to vector<16xf32>
      %mul3A_430 = arith.mulf %get3A_426, %mul3A_429 : vector<16xf32>
      %get3A_431 = arith.constant 9 : i32
      %get3A_432 = arith.index_cast %get3A_431 : i32 to index
      %get3A_433 = arith.index_cast %mul3A_145 : i32 to index
      %get3A_434 = tpu.vector_load %arg21[%get3A_432, %get3A_433] {strides = array<i32>} : memref<16x1024xf32, #tpu.memory_space<vmem>>, vector<1x16xf32>,
      %get3A_435 = vector.shape_cast %get3A_434 : vector<1x16xf32> to vector<16xf32>
      %slice3A_436 = vector.extract_strided_slice %get3A_74 {offsets = [9], sizes = [1], strides = [1]} : vector<16xf32> to vector<1xf32>
      %squeeze3A_437 = vector.extract %slice3A_436[0] : f32 from vector<1xf32>
      %mul3A_438 = vector.broadcast %squeeze3A_437 : f32 to vector<16xf32>
      %mul3A_439 = arith.mulf %get3A_435, %mul3A_438 : vector<16xf32>
      %add3A_440 = arith.addf %mul3A_430, %mul3A_439 : vector<16xf32>
      %get3A_441 = arith.constant 9 : i32
      %get3A_442 = arith.index_cast %get3A_441 : i32 to index
      %get3A_443 = arith.index_cast %mul3A_145 : i32 to index
      %get3A_444 = tpu.vector_load %arg22[%get3A_442, %get3A_443] {strides = array<i32>} : memref<16x1024xf32, #tpu.memory_space<vmem>>, vector<1x16xf32>,
      %get3A_445 = vector.shape_cast %get3A_444 : vector<1x16xf32> to vector<16xf32>
      %add3A_446 = arith.addf %add3A_440, %get3A_445 : vector<16xf32>
      %swap3A_447 = arith.constant 9 : i32
      %swap3A_448 = arith.index_cast %swap3A_447 : i32 to index
      %swap3A_449 = arith.index_cast %mul3A_145 : i32 to index
      %swap3A_450 = tpu.vector_load %arg23[%swap3A_448, %swap3A_449] {strides = array<i32>} : memref<16x1024xf32, #tpu.memory_space<vmem>>, vector<1x16xf32>,
      %swap3A_451 = vector.shape_cast %swap3A_450 : vector<1x16xf32> to vector<16xf32>
      %swap3A_452 = vector.shape_cast %add3A_446 : vector<16xf32> to vector<1x16xf32>
      tpu.vector_store %arg23[%swap3A_448, %swap3A_449], %swap3A_452 {strides = array<i32>} : memref<16x1024xf32, #tpu.memory_space<vmem>>, vector<1x16xf32>,
      %get3A_453 = arith.constant 10 : i32
      %get3A_454 = arith.index_cast %get3A_453 : i32 to index
      %get3A_455 = arith.index_cast %mul3A_145 : i32 to index
      %get3A_456 = tpu.vector_load %arg20[%get3A_454, %get3A_455] {strides = array<i32>} : memref<16x1024xf32, #tpu.memory_space<vmem>>, vector<1x16xf32>,
      %get3A_457 = vector.shape_cast %get3A_456 : vector<1x16xf32> to vector<16xf32>
      %slice3A_458 = vector.extract_strided_slice %get3A_71 {offsets = [10], sizes = [1], strides = [1]} : vector<16xf32> to vector<1xf32>
      %squeeze3A_459 = vector.extract %slice3A_458[0] : f32 from vector<1xf32>
      %mul3A_460 = vector.broadcast %squeeze3A_459 : f32 to vector<16xf32>
      %mul3A_461 = arith.mulf %get3A_457, %mul3A_460 : vector<16xf32>
      %get3A_462 = arith.constant 10 : i32
      %get3A_463 = arith.index_cast %get3A_462 : i32 to index
      %get3A_464 = arith.index_cast %mul3A_145 : i32 to index
      %get3A_465 = tpu.vector_load %arg21[%get3A_463, %get3A_464] {strides = array<i32>} : memref<16x1024xf32, #tpu.memory_space<vmem>>, vector<1x16xf32>,
      %get3A_466 = vector.shape_cast %get3A_465 : vector<1x16xf32> to vector<16xf32>
      %slice3A_467 = vector.extract_strided_slice %get3A_74 {offsets = [10], sizes = [1], strides = [1]} : vector<16xf32> to vector<1xf32>
      %squeeze3A_468 = vector.extract %slice3A_467[0] : f32 from vector<1xf32>
      %mul3A_469 = vector.broadcast %squeeze3A_468 : f32 to vector<16xf32>
      %mul3A_470 = arith.mulf %get3A_466, %mul3A_469 : vector<16xf32>
      %add3A_471 = arith.addf %mul3A_461, %mul3A_470 : vector<16xf32>
      %get3A_472 = arith.constant 10 : i32
      %get3A_473 = arith.index_cast %get3A_472 : i32 to index
      %get3A_474 = arith.index_cast %mul3A_145 : i32 to index
      %get3A_475 = tpu.vector_load %arg22[%get3A_473, %get3A_474] {strides = array<i32>} : memref<16x1024xf32, #tpu.memory_space<vmem>>, vector<1x16xf32>,
      %get3A_476 = vector.shape_cast %get3A_475 : vector<1x16xf32> to vector<16xf32>
      %add3A_477 = arith.addf %add3A_471, %get3A_476 : vector<16xf32>
      %swap3A_478 = arith.constant 10 : i32
      %swap3A_479 = arith.index_cast %swap3A_478 : i32 to index
      %swap3A_480 = arith.index_cast %mul3A_145 : i32 to index
      %swap3A_481 = tpu.vector_load %arg23[%swap3A_479, %swap3A_480] {strides = array<i32>} : memref<16x1024xf32, #tpu.memory_space<vmem>>, vector<1x16xf32>,
      %swap3A_482 = vector.shape_cast %swap3A_481 : vector<1x16xf32> to vector<16xf32>
      %swap3A_483 = vector.shape_cast %add3A_477 : vector<16xf32> to vector<1x16xf32>
      tpu.vector_store %arg23[%swap3A_479, %swap3A_480], %swap3A_483 {strides = array<i32>} : memref<16x1024xf32, #tpu.memory_space<vmem>>, vector<1x16xf32>,
      %get3A_484 = arith.constant 11 : i32
      %get3A_485 = arith.index_cast %get3A_484 : i32 to index
      %get3A_486 = arith.index_cast %mul3A_145 : i32 to index
      %get3A_487 = tpu.vector_load %arg20[%get3A_485, %get3A_486] {strides = array<i32>} : memref<16x1024xf32, #tpu.memory_space<vmem>>, vector<1x16xf32>,
      %get3A_488 = vector.shape_cast %get3A_487 : vector<1x16xf32> to vector<16xf32>
      %slice3A_489 = vector.extract_strided_slice %get3A_71 {offsets = [11], sizes = [1], strides = [1]} : vector<16xf32> to vector<1xf32>
      %squeeze3A_490 = vector.extract %slice3A_489[0] : f32 from vector<1xf32>
      %mul3A_491 = vector.broadcast %squeeze3A_490 : f32 to vector<16xf32>
      %mul3A_492 = arith.mulf %get3A_488, %mul3A_491 : vector<16xf32>
      %get3A_493 = arith.constant 11 : i32
      %get3A_494 = arith.index_cast %get3A_493 : i32 to index
      %get3A_495 = arith.index_cast %mul3A_145 : i32 to index
      %get3A_496 = tpu.vector_load %arg21[%get3A_494, %get3A_495] {strides = array<i32>} : memref<16x1024xf32, #tpu.memory_space<vmem>>, vector<1x16xf32>,
      %get3A_497 = vector.shape_cast %get3A_496 : vector<1x16xf32> to vector<16xf32>
      %slice3A_498 = vector.extract_strided_slice %get3A_74 {offsets = [11], sizes = [1], strides = [1]} : vector<16xf32> to vector<1xf32>
      %squeeze3A_499 = vector.extract %slice3A_498[0] : f32 from vector<1xf32>
      %mul3A_500 = vector.broadcast %squeeze3A_499 : f32 to vector<16xf32>
      %mul3A_501 = arith.mulf %get3A_497, %mul3A_500 : vector<16xf32>
      %add3A_502 = arith.addf %mul3A_492, %mul3A_501 : vector<16xf32>
      %get3A_503 = arith.constant 11 : i32
      %get3A_504 = arith.index_cast %get3A_503 : i32 to index
      %get3A_505 = arith.index_cast %mul3A_145 : i32 to index
      %get3A_506 = tpu.vector_load %arg22[%get3A_504, %get3A_505] {strides = array<i32>} : memref<16x1024xf32, #tpu.memory_space<vmem>>, vector<1x16xf32>,
      %get3A_507 = vector.shape_cast %get3A_506 : vector<1x16xf32> to vector<16xf32>
      %add3A_508 = arith.addf %add3A_502, %get3A_507 : vector<16xf32>
      %swap3A_509 = arith.constant 11 : i32
      %swap3A_510 = arith.index_cast %swap3A_509 : i32 to index
      %swap3A_511 = arith.index_cast %mul3A_145 : i32 to index
      %swap3A_512 = tpu.vector_load %arg23[%swap3A_510, %swap3A_511] {strides = array<i32>} : memref<16x1024xf32, #tpu.memory_space<vmem>>, vector<1x16xf32>,
      %swap3A_513 = vector.shape_cast %swap3A_512 : vector<1x16xf32> to vector<16xf32>
      %swap3A_514 = vector.shape_cast %add3A_508 : vector<16xf32> to vector<1x16xf32>
      tpu.vector_store %arg23[%swap3A_510, %swap3A_511], %swap3A_514 {strides = array<i32>} : memref<16x1024xf32, #tpu.memory_space<vmem>>, vector<1x16xf32>,
      %get3A_515 = arith.constant 12 : i32
      %get3A_516 = arith.index_cast %get3A_515 : i32 to index
      %get3A_517 = arith.index_cast %mul3A_145 : i32 to index
      %get3A_518 = tpu.vector_load %arg20[%get3A_516, %get3A_517] {strides = array<i32>} : memref<16x1024xf32, #tpu.memory_space<vmem>>, vector<1x16xf32>,
      %get3A_519 = vector.shape_cast %get3A_518 : vector<1x16xf32> to vector<16xf32>
      %slice3A_520 = vector.extract_strided_slice %get3A_71 {offsets = [12], sizes = [1], strides = [1]} : vector<16xf32> to vector<1xf32>
      %squeeze3A_521 = vector.extract %slice3A_520[0] : f32 from vector<1xf32>
      %mul3A_522 = vector.broadcast %squeeze3A_521 : f32 to vector<16xf32>
      %mul3A_523 = arith.mulf %get3A_519, %mul3A_522 : vector<16xf32>
      %get3A_524 = arith.constant 12 : i32
      %get3A_525 = arith.index_cast %get3A_524 : i32 to index
      %get3A_526 = arith.index_cast %mul3A_145 : i32 to index
      %get3A_527 = tpu.vector_load %arg21[%get3A_525, %get3A_526] {strides = array<i32>} : memref<16x1024xf32, #tpu.memory_space<vmem>>, vector<1x16xf32>,
      %get3A_528 = vector.shape_cast %get3A_527 : vector<1x16xf32> to vector<16xf32>
      %slice3A_529 = vector.extract_strided_slice %get3A_74 {offsets = [12], sizes = [1], strides = [1]} : vector<16xf32> to vector<1xf32>
      %squeeze3A_530 = vector.extract %slice3A_529[0] : f32 from vector<1xf32>
      %mul3A_531 = vector.broadcast %squeeze3A_530 : f32 to vector<16xf32>
      %mul3A_532 = arith.mulf %get3A_528, %mul3A_531 : vector<16xf32>
      %add3A_533 = arith.addf %mul3A_523, %mul3A_532 : vector<16xf32>
      %get3A_534 = arith.constant 12 : i32
      %get3A_535 = arith.index_cast %get3A_534 : i32 to index
      %get3A_536 = arith.index_cast %mul3A_145 : i32 to index
      %get3A_537 = tpu.vector_load %arg22[%get3A_535, %get3A_536] {strides = array<i32>} : memref<16x1024xf32, #tpu.memory_space<vmem>>, vector<1x16xf32>,
      %get3A_538 = vector.shape_cast %get3A_537 : vector<1x16xf32> to vector<16xf32>
      %add3A_539 = arith.addf %add3A_533, %get3A_538 : vector<16xf32>
      %swap3A_540 = arith.constant 12 : i32
      %swap3A_541 = arith.index_cast %swap3A_540 : i32 to index
      %swap3A_542 = arith.index_cast %mul3A_145 : i32 to index
      %swap3A_543 = tpu.vector_load %arg23[%swap3A_541, %swap3A_542] {strides = array<i32>} : memref<16x1024xf32, #tpu.memory_space<vmem>>, vector<1x16xf32>,
      %swap3A_544 = vector.shape_cast %swap3A_543 : vector<1x16xf32> to vector<16xf32>
      %swap3A_545 = vector.shape_cast %add3A_539 : vector<16xf32> to vector<1x16xf32>
      tpu.vector_store %arg23[%swap3A_541, %swap3A_542], %swap3A_545 {strides = array<i32>} : memref<16x1024xf32, #tpu.memory_space<vmem>>, vector<1x16xf32>,
      %get3A_546 = arith.constant 13 : i32
      %get3A_547 = arith.index_cast %get3A_546 : i32 to index
      %get3A_548 = arith.index_cast %mul3A_145 : i32 to index
      %get3A_549 = tpu.vector_load %arg20[%get3A_547, %get3A_548] {strides = array<i32>} : memref<16x1024xf32, #tpu.memory_space<vmem>>, vector<1x16xf32>,
      %get3A_550 = vector.shape_cast %get3A_549 : vector<1x16xf32> to vector<16xf32>
      %slice3A_551 = vector.extract_strided_slice %get3A_71 {offsets = [13], sizes = [1], strides = [1]} : vector<16xf32> to vector<1xf32>
      %squeeze3A_552 = vector.extract %slice3A_551[0] : f32 from vector<1xf32>
      %mul3A_553 = vector.broadcast %squeeze3A_552 : f32 to vector<16xf32>
      %mul3A_554 = arith.mulf %get3A_550, %mul3A_553 : vector<16xf32>
      %get3A_555 = arith.constant 13 : i32
      %get3A_556 = arith.index_cast %get3A_555 : i32 to index
      %get3A_557 = arith.index_cast %mul3A_145 : i32 to index
      %get3A_558 = tpu.vector_load %arg21[%get3A_556, %get3A_557] {strides = array<i32>} : memref<16x1024xf32, #tpu.memory_space<vmem>>, vector<1x16xf32>,
      %get3A_559 = vector.shape_cast %get3A_558 : vector<1x16xf32> to vector<16xf32>
      %slice3A_560 = vector.extract_strided_slice %get3A_74 {offsets = [13], sizes = [1], strides = [1]} : vector<16xf32> to vector<1xf32>
      %squeeze3A_561 = vector.extract %slice3A_560[0] : f32 from vector<1xf32>
      %mul3A_562 = vector.broadcast %squeeze3A_561 : f32 to vector<16xf32>
      %mul3A_563 = arith.mulf %get3A_559, %mul3A_562 : vector<16xf32>
      %add3A_564 = arith.addf %mul3A_554, %mul3A_563 : vector<16xf32>
      %get3A_565 = arith.constant 13 : i32
      %get3A_566 = arith.index_cast %get3A_565 : i32 to index
      %get3A_567 = arith.index_cast %mul3A_145 : i32 to index
      %get3A_568 = tpu.vector_load %arg22[%get3A_566, %get3A_567] {strides = array<i32>} : memref<16x1024xf32, #tpu.memory_space<vmem>>, vector<1x16xf32>,
      %get3A_569 = vector.shape_cast %get3A_568 : vector<1x16xf32> to vector<16xf32>
      %add3A_570 = arith.addf %add3A_564, %get3A_569 : vector<16xf32>
      %swap3A_571 = arith.constant 13 : i32
      %swap3A_572 = arith.index_cast %swap3A_571 : i32 to index
      %swap3A_573 = arith.index_cast %mul3A_145 : i32 to index
      %swap3A_574 = tpu.vector_load %arg23[%swap3A_572, %swap3A_573] {strides = array<i32>} : memref<16x1024xf32, #tpu.memory_space<vmem>>, vector<1x16xf32>,
      %swap3A_575 = vector.shape_cast %swap3A_574 : vector<1x16xf32> to vector<16xf32>
      %swap3A_576 = vector.shape_cast %add3A_570 : vector<16xf32> to vector<1x16xf32>
      tpu.vector_store %arg23[%swap3A_572, %swap3A_573], %swap3A_576 {strides = array<i32>} : memref<16x1024xf32, #tpu.memory_space<vmem>>, vector<1x16xf32>,
      %get3A_577 = arith.constant 14 : i32
      %get3A_578 = arith.index_cast %get3A_577 : i32 to index
      %get3A_579 = arith.index_cast %mul3A_145 : i32 to index
      %get3A_580 = tpu.vector_load %arg20[%get3A_578, %get3A_579] {strides = array<i32>} : memref<16x1024xf32, #tpu.memory_space<vmem>>, vector<1x16xf32>,
      %get3A_581 = vector.shape_cast %get3A_580 : vector<1x16xf32> to vector<16xf32>
      %slice3A_582 = vector.extract_strided_slice %get3A_71 {offsets = [14], sizes = [1], strides = [1]} : vector<16xf32> to vector<1xf32>
      %squeeze3A_583 = vector.extract %slice3A_582[0] : f32 from vector<1xf32>
      %mul3A_584 = vector.broadcast %squeeze3A_583 : f32 to vector<16xf32>
      %mul3A_585 = arith.mulf %get3A_581, %mul3A_584 : vector<16xf32>
      %get3A_586 = arith.constant 14 : i32
      %get3A_587 = arith.index_cast %get3A_586 : i32 to index
      %get3A_588 = arith.index_cast %mul3A_145 : i32 to index
      %get3A_589 = tpu.vector_load %arg21[%get3A_587, %get3A_588] {strides = array<i32>} : memref<16x1024xf32, #tpu.memory_space<vmem>>, vector<1x16xf32>,
      %get3A_590 = vector.shape_cast %get3A_589 : vector<1x16xf32> to vector<16xf32>
      %slice3A_591 = vector.extract_strided_slice %get3A_74 {offsets = [14], sizes = [1], strides = [1]} : vector<16xf32> to vector<1xf32>
      %squeeze3A_592 = vector.extract %slice3A_591[0] : f32 from vector<1xf32>
      %mul3A_593 = vector.broadcast %squeeze3A_592 : f32 to vector<16xf32>
      %mul3A_594 = arith.mulf %get3A_590, %mul3A_593 : vector<16xf32>
      %add3A_595 = arith.addf %mul3A_585, %mul3A_594 : vector<16xf32>
      %get3A_596 = arith.constant 14 : i32
      %get3A_597 = arith.index_cast %get3A_596 : i32 to index
      %get3A_598 = arith.index_cast %mul3A_145 : i32 to index
      %get3A_599 = tpu.vector_load %arg22[%get3A_597, %get3A_598] {strides = array<i32>} : memref<16x1024xf32, #tpu.memory_space<vmem>>, vector<1x16xf32>,
      %get3A_600 = vector.shape_cast %get3A_599 : vector<1x16xf32> to vector<16xf32>
      %add3A_601 = arith.addf %add3A_595, %get3A_600 : vector<16xf32>
      %swap3A_602 = arith.constant 14 : i32
      %swap3A_603 = arith.index_cast %swap3A_602 : i32 to index
      %swap3A_604 = arith.index_cast %mul3A_145 : i32 to index
      %swap3A_605 = tpu.vector_load %arg23[%swap3A_603, %swap3A_604] {strides = array<i32>} : memref<16x1024xf32, #tpu.memory_space<vmem>>, vector<1x16xf32>,
      %swap3A_606 = vector.shape_cast %swap3A_605 : vector<1x16xf32> to vector<16xf32>
      %swap3A_607 = vector.shape_cast %add3A_601 : vector<16xf32> to vector<1x16xf32>
      tpu.vector_store %arg23[%swap3A_603, %swap3A_604], %swap3A_607 {strides = array<i32>} : memref<16x1024xf32, #tpu.memory_space<vmem>>, vector<1x16xf32>,
      %get3A_608 = arith.constant 15 : i32
      %get3A_609 = arith.index_cast %get3A_608 : i32 to index
      %get3A_610 = arith.index_cast %mul3A_145 : i32 to index
      %get3A_611 = tpu.vector_load %arg20[%get3A_609, %get3A_610] {strides = array<i32>} : memref<16x1024xf32, #tpu.memory_space<vmem>>, vector<1x16xf32>,
      %get3A_612 = vector.shape_cast %get3A_611 : vector<1x16xf32> to vector<16xf32>
      %slice3A_613 = vector.extract_strided_slice %get3A_71 {offsets = [15], sizes = [1], strides = [1]} : vector<16xf32> to vector<1xf32>
      %squeeze3A_614 = vector.extract %slice3A_613[0] : f32 from vector<1xf32>
      %mul3A_615 = vector.broadcast %squeeze3A_614 : f32 to vector<16xf32>
      %mul3A_616 = arith.mulf %get3A_612, %mul3A_615 : vector<16xf32>
      %get3A_617 = arith.constant 15 : i32
      %get3A_618 = arith.index_cast %get3A_617 : i32 to index
      %get3A_619 = arith.index_cast %mul3A_145 : i32 to index
      %get3A_620 = tpu.vector_load %arg21[%get3A_618, %get3A_619] {strides = array<i32>} : memref<16x1024xf32, #tpu.memory_space<vmem>>, vector<1x16xf32>,
      %get3A_621 = vector.shape_cast %get3A_620 : vector<1x16xf32> to vector<16xf32>
      %slice3A_622 = vector.extract_strided_slice %get3A_74 {offsets = [15], sizes = [1], strides = [1]} : vector<16xf32> to vector<1xf32>
      %squeeze3A_623 = vector.extract %slice3A_622[0] : f32 from vector<1xf32>
      %mul3A_624 = vector.broadcast %squeeze3A_623 : f32 to vector<16xf32>
      %mul3A_625 = arith.mulf %get3A_621, %mul3A_624 : vector<16xf32>
      %add3A_626 = arith.addf %mul3A_616, %mul3A_625 : vector<16xf32>
      %get3A_627 = arith.constant 15 : i32
      %get3A_628 = arith.index_cast %get3A_627 : i32 to index
      %get3A_629 = arith.index_cast %mul3A_145 : i32 to index
      %get3A_630 = tpu.vector_load %arg22[%get3A_628, %get3A_629] {strides = array<i32>} : memref<16x1024xf32, #tpu.memory_space<vmem>>, vector<1x16xf32>,
      %get3A_631 = vector.shape_cast %get3A_630 : vector<1x16xf32> to vector<16xf32>
      %add3A_632 = arith.addf %add3A_626, %get3A_631 : vector<16xf32>
      %swap3A_633 = arith.constant 15 : i32
      %swap3A_634 = arith.index_cast %swap3A_633 : i32 to index
      %swap3A_635 = arith.index_cast %mul3A_145 : i32 to index
      %swap3A_636 = tpu.vector_load %arg23[%swap3A_634, %swap3A_635] {strides = array<i32>} : memref<16x1024xf32, #tpu.memory_space<vmem>>, vector<1x16xf32>,
      %swap3A_637 = vector.shape_cast %swap3A_636 : vector<1x16xf32> to vector<16xf32>
      %swap3A_638 = vector.shape_cast %add3A_632 : vector<16xf32> to vector<1x16xf32>
      tpu.vector_store %arg23[%swap3A_634, %swap3A_635], %swap3A_638 {strides = array<i32>} : memref<16x1024xf32, #tpu.memory_space<vmem>>, vector<1x16xf32>,
    }
    %scan3A_80 = arith.constant 64 : i32
    %add3A_81 = arith.constant 16 : i32
    %add3A_82 = arith.addi %mul3A_2, %add3A_81 : i32
    "tpu.region"() ({
      %run_scoped3A = tpu.sem_alloc : memref<!tpu.dma_semaphore, #tpu.memory_space<semaphore_mem>>
      %dma_start3A_143 = arith.constant 0 : i32
      %dma_start3A_144 = tpu.memref_slice %arg8[%add3A_82, %dma_start3A_143] : memref<2048x1024xf32, #tpu.memory_space<hbm>> -> memref<16x1024xf32, #tpu.memory_space<hbm>>
      %dma_start3A_145 = arith.constant 0 : i32
      %dma_start3A_146 = tpu.memref_slice %arg8[%add3A_82, %dma_start3A_145] : memref<2048x1024xf32, #tpu.memory_space<hbm>> -> memref<16x1024xf32, #tpu.memory_space<hbm>>
      tpu.enqueue_dma source(%arg23 : memref<16x1024xf32, #tpu.memory_space<vmem>>) target(%dma_start3A_146 : memref<16x1024xf32, #tpu.memory_space<hbm>>) target_semaphore(%run_scoped3A : memref<!tpu.dma_semaphore, #tpu.memory_space<semaphore_mem>>)
      %dma_wait3A_147 = arith.constant 0 : i32
      %dma_wait3A_148 = tpu.memref_slice %arg8[%add3A_82, %dma_wait3A_147] : memref<2048x1024xf32, #tpu.memory_space<hbm>> -> memref<16x1024xf32, #tpu.memory_space<hbm>>
      %dma_wait3A_149 = arith.constant 0 : i32
      %dma_wait3A_150 = tpu.memref_slice %arg8[%add3A_82, %dma_wait3A_149] : memref<2048x1024xf32, #tpu.memory_space<hbm>> -> memref<16x1024xf32, #tpu.memory_space<hbm>>
      tpu.wait_dma2 semaphore(%run_scoped3A : memref<!tpu.dma_semaphore, #tpu.memory_space<semaphore_mem>>) src(%arg23 : memref<16x1024xf32, #tpu.memory_space<vmem>>) dst(%dma_wait3A_150 : memref<16x1024xf32, #tpu.memory_space<hbm>>)
      tpu.yield
    }) : () -> ()
    %add3A_83 = arith.constant 48 : i32
    %add3A_84 = arith.addi %mul3A_2, %add3A_83 : i32
    "tpu.region"() ({
      %run_scoped3A = tpu.sem_alloc : memref<!tpu.dma_semaphore, #tpu.memory_space<semaphore_mem>>
      %dma_start3A_143 = tpu.memref_slice %arg3[%add3A_84] : memref<2048xi32, #tpu.memory_space<hbm>> -> memref<16xi32, #tpu.memory_space<hbm>>
      %dma_start3A_144 = tpu.memref_slice %arg3[%add3A_84] : memref<2048xi32, #tpu.memory_space<hbm>> -> memref<16xi32, #tpu.memory_space<hbm>>
      tpu.enqueue_dma source(%dma_start3A_144 : memref<16xi32, #tpu.memory_space<hbm>>) target(%arg16 : memref<16xi32, #tpu.memory_space<vmem>>) target_semaphore(%run_scoped3A : memref<!tpu.dma_semaphore, #tpu.memory_space<semaphore_mem>>)
      %dma_wait3A_145 = tpu.memref_slice %arg3[%add3A_84] : memref<2048xi32, #tpu.memory_space<hbm>> -> memref<16xi32, #tpu.memory_space<hbm>>
      %dma_wait3A_146 = tpu.memref_slice %arg3[%add3A_84] : memref<2048xi32, #tpu.memory_space<hbm>> -> memref<16xi32, #tpu.memory_space<hbm>>
      tpu.wait_dma2 semaphore(%run_scoped3A : memref<!tpu.dma_semaphore, #tpu.memory_space<semaphore_mem>>) src(%dma_wait3A_146 : memref<16xi32, #tpu.memory_space<hbm>>) dst(%arg16 : memref<16xi32, #tpu.memory_space<vmem>>)
      tpu.yield
    }) : () -> ()
    "tpu.region"() ({
      %run_scoped3A = tpu.sem_alloc : memref<!tpu.dma_semaphore, #tpu.memory_space<semaphore_mem>>
      %dma_start3A_143 = tpu.memref_slice %arg4[%add3A_84] : memref<2048xi32, #tpu.memory_space<hbm>> -> memref<16xi32, #tpu.memory_space<hbm>>
      %dma_start3A_144 = tpu.memref_slice %arg4[%add3A_84] : memref<2048xi32, #tpu.memory_space<hbm>> -> memref<16xi32, #tpu.memory_space<hbm>>
      tpu.enqueue_dma source(%dma_start3A_144 : memref<16xi32, #tpu.memory_space<hbm>>) target(%arg17 : memref<16xi32, #tpu.memory_space<vmem>>) target_semaphore(%run_scoped3A : memref<!tpu.dma_semaphore, #tpu.memory_space<semaphore_mem>>)
      %dma_wait3A_145 = tpu.memref_slice %arg4[%add3A_84] : memref<2048xi32, #tpu.memory_space<hbm>> -> memref<16xi32, #tpu.memory_space<hbm>>
      %dma_wait3A_146 = tpu.memref_slice %arg4[%add3A_84] : memref<2048xi32, #tpu.memory_space<hbm>> -> memref<16xi32, #tpu.memory_space<hbm>>
      tpu.wait_dma2 semaphore(%run_scoped3A : memref<!tpu.dma_semaphore, #tpu.memory_space<semaphore_mem>>) src(%dma_wait3A_146 : memref<16xi32, #tpu.memory_space<hbm>>) dst(%arg17 : memref<16xi32, #tpu.memory_space<vmem>>)
      tpu.yield
    }) : () -> ()
    "tpu.region"() ({
      %run_scoped3A = tpu.sem_alloc : memref<!tpu.dma_semaphore, #tpu.memory_space<semaphore_mem>>
      %dma_start3A_143 = tpu.memref_slice %arg5[%add3A_84] : memref<2048xf32, #tpu.memory_space<hbm>> -> memref<16xf32, #tpu.memory_space<hbm>>
      %dma_start3A_144 = tpu.memref_slice %arg5[%add3A_84] : memref<2048xf32, #tpu.memory_space<hbm>> -> memref<16xf32, #tpu.memory_space<hbm>>
      tpu.enqueue_dma source(%dma_start3A_144 : memref<16xf32, #tpu.memory_space<hbm>>) target(%arg18 : memref<16xf32, #tpu.memory_space<vmem>>) target_semaphore(%run_scoped3A : memref<!tpu.dma_semaphore, #tpu.memory_space<semaphore_mem>>)
      %dma_wait3A_145 = tpu.memref_slice %arg5[%add3A_84] : memref<2048xf32, #tpu.memory_space<hbm>> -> memref<16xf32, #tpu.memory_space<hbm>>
      %dma_wait3A_146 = tpu.memref_slice %arg5[%add3A_84] : memref<2048xf32, #tpu.memory_space<hbm>> -> memref<16xf32, #tpu.memory_space<hbm>>
      tpu.wait_dma2 semaphore(%run_scoped3A : memref<!tpu.dma_semaphore, #tpu.memory_space<semaphore_mem>>) src(%dma_wait3A_146 : memref<16xf32, #tpu.memory_space<hbm>>) dst(%arg18 : memref<16xf32, #tpu.memory_space<vmem>>)
      tpu.yield
    }) : () -> ()
    "tpu.region"() ({
      %run_scoped3A = tpu.sem_alloc : memref<!tpu.dma_semaphore, #tpu.memory_space<semaphore_mem>>
      %dma_start3A_143 = tpu.memref_slice %arg6[%add3A_84] : memref<2048xf32, #tpu.memory_space<hbm>> -> memref<16xf32, #tpu.memory_space<hbm>>
      %dma_start3A_144 = tpu.memref_slice %arg6[%add3A_84] : memref<2048xf32, #tpu.memory_space<hbm>> -> memref<16xf32, #tpu.memory_space<hbm>>
      tpu.enqueue_dma source(%dma_start3A_144 : memref<16xf32, #tpu.memory_space<hbm>>) target(%arg19 : memref<16xf32, #tpu.memory_space<vmem>>) target_semaphore(%run_scoped3A : memref<!tpu.dma_semaphore, #tpu.memory_space<semaphore_mem>>)
      %dma_wait3A_145 = tpu.memref_slice %arg6[%add3A_84] : memref<2048xf32, #tpu.memory_space<hbm>> -> memref<16xf32, #tpu.memory_space<hbm>>
      %dma_wait3A_146 = tpu.memref_slice %arg6[%add3A_84] : memref<2048xf32, #tpu.memory_space<hbm>> -> memref<16xf32, #tpu.memory_space<hbm>>
      tpu.wait_dma2 semaphore(%run_scoped3A : memref<!tpu.dma_semaphore, #tpu.memory_space<semaphore_mem>>) src(%dma_wait3A_146 : memref<16xf32, #tpu.memory_space<hbm>>) dst(%arg19 : memref<16xf32, #tpu.memory_space<vmem>>)
      tpu.yield
    }) : () -> ()
    %dma_start3A_85 = arith.constant 0 : i32
    %dma_start3A_86 = arith.constant 0 : i32
    %dma_start3A_87 = tpu.memref_slice %arg2[%dma_start3A_85, %dma_start3A_86] : memref<8192x1024xf32, #tpu.memory_space<hbm>> -> memref<8192x1024xf32, #tpu.memory_space<hbm>>
    tpu.enqueue_indirect_dma source(%dma_start3A_87 : memref<8192x1024xf32, #tpu.memory_space<hbm>>) target(%arg20 : memref<16x1024xf32, #tpu.memory_space<vmem>>) offsets(%arg16 : memref<16xi32, #tpu.memory_space<vmem>>) semaphore(%arg25 : memref<!tpu.dma_semaphore, #tpu.memory_space<semaphore_mem>>)
    %dma_start3A_88 = arith.constant 0 : i32
    %dma_start3A_89 = arith.constant 0 : i32
    %dma_start3A_90 = tpu.memref_slice %arg2[%dma_start3A_88, %dma_start3A_89] : memref<8192x1024xf32, #tpu.memory_space<hbm>> -> memref<8192x1024xf32, #tpu.memory_space<hbm>>
    tpu.enqueue_indirect_dma source(%dma_start3A_90 : memref<8192x1024xf32, #tpu.memory_space<hbm>>) target(%arg21 : memref<16x1024xf32, #tpu.memory_space<vmem>>) offsets(%arg17 : memref<16xi32, #tpu.memory_space<vmem>>) semaphore(%arg25 : memref<!tpu.dma_semaphore, #tpu.memory_space<semaphore_mem>>)
    %dma_start3A_91 = arith.constant 0 : i32
    %dma_start3A_92 = tpu.memref_slice %arg7[%add3A_84, %dma_start3A_91] : memref<2048x1024xf32, #tpu.memory_space<hbm>> -> memref<16x1024xf32, #tpu.memory_space<hbm>>
    %dma_start3A_93 = arith.constant 0 : i32
    %dma_start3A_94 = tpu.memref_slice %arg7[%add3A_84, %dma_start3A_93] : memref<2048x1024xf32, #tpu.memory_space<hbm>> -> memref<16x1024xf32, #tpu.memory_space<hbm>>
    tpu.enqueue_dma source(%dma_start3A_94 : memref<16x1024xf32, #tpu.memory_space<hbm>>) target(%arg22 : memref<16x1024xf32, #tpu.memory_space<vmem>>) target_semaphore(%arg25 : memref<!tpu.dma_semaphore, #tpu.memory_space<semaphore_mem>>)
    %dma_wait3A_95 = arith.constant 0 : i32
    %dma_wait3A_96 = arith.constant 0 : i32
    %dma_wait3A_97 = tpu.memref_slice %arg2[%dma_wait3A_95, %dma_wait3A_96] : memref<8192x1024xf32, #tpu.memory_space<hbm>> -> memref<8192x1024xf32, #tpu.memory_space<hbm>>
    tpu.wait_indirect_dma semaphore(%arg24 : memref<!tpu.dma_semaphore, #tpu.memory_space<semaphore_mem>>) src(%dma_wait3A_97 : memref<8192x1024xf32, #tpu.memory_space<hbm>>) dst(%arg13 : memref<16x1024xf32, #tpu.memory_space<vmem>>)
    %dma_wait3A_98 = arith.constant 0 : i32
    %dma_wait3A_99 = arith.constant 0 : i32
    %dma_wait3A_100 = tpu.memref_slice %arg2[%dma_wait3A_98, %dma_wait3A_99] : memref<8192x1024xf32, #tpu.memory_space<hbm>> -> memref<8192x1024xf32, #tpu.memory_space<hbm>>
    tpu.wait_indirect_dma semaphore(%arg24 : memref<!tpu.dma_semaphore, #tpu.memory_space<semaphore_mem>>) src(%dma_wait3A_100 : memref<8192x1024xf32, #tpu.memory_space<hbm>>) dst(%arg14 : memref<16x1024xf32, #tpu.memory_space<vmem>>)
    %dma_wait3A_101 = arith.constant 0 : i32
    %dma_wait3A_102 = tpu.memref_slice %arg7[%add3A_48, %dma_wait3A_101] : memref<2048x1024xf32, #tpu.memory_space<hbm>> -> memref<16x1024xf32, #tpu.memory_space<hbm>>
    %dma_wait3A_103 = arith.constant 0 : i32
    %dma_wait3A_104 = tpu.memref_slice %arg7[%add3A_48, %dma_wait3A_103] : memref<2048x1024xf32, #tpu.memory_space<hbm>> -> memref<16x1024xf32, #tpu.memory_space<hbm>>
    tpu.wait_dma2 semaphore(%arg24 : memref<!tpu.dma_semaphore, #tpu.memory_space<semaphore_mem>>) src(%dma_wait3A_104 : memref<16x1024xf32, #tpu.memory_space<hbm>>) dst(%arg15 : memref<16x1024xf32, #tpu.memory_space<vmem>>)
    %get3A_105 = arith.constant 0 : index
    %get3A_106 = tpu.vector_load %arg11[%get3A_105] {strides = array<i32>} : memref<16xf32, #tpu.memory_space<vmem>>, vector<16xf32>,
    %get3A_107 = vector.shape_cast %get3A_106 : vector<16xf32> to vector<16xf32>
    %get3A_108 = arith.constant 0 : index
    %get3A_109 = tpu.vector_load %arg12[%get3A_108] {strides = array<i32>} : memref<16xf32, #tpu.memory_space<vmem>>, vector<16xf32>,
    %get3A_110 = vector.shape_cast %get3A_109 : vector<16xf32> to vector<16xf32>
    %scan3A_111 = arith.constant 0 : i32
    %scan3A_112 = arith.constant 0 : i32
    %scan3A_113 = arith.constant 64 : i32
    %scan3A_114 = arith.addi %scan3A_112, %scan3A_113 : i32
    %scan3A_115 = arith.constant 1 : i32
    scf.for %scan3A_143 = %scan3A_112 to %scan3A_114 step %scan3A_115  : i32 {
      %mul3A_144 = arith.constant 16 : i32
      %mul3A_145 = arith.muli %scan3A_143, %mul3A_144 : i32
      %get3A_146 = arith.constant 0 : i32
      %get3A_147 = arith.index_cast %get3A_146 : i32 to index
      %get3A_148 = arith.index_cast %mul3A_145 : i32 to index
      %get3A_149 = tpu.vector_load %arg13[%get3A_147, %get3A_148] {strides = array<i32>} : memref<16x1024xf32, #tpu.memory_space<vmem>>, vector<1x16xf32>,
      %get3A_150 = vector.shape_cast %get3A_149 : vector<1x16xf32> to vector<16xf32>
      %slice3A = vector.extract_strided_slice %get3A_107 {offsets = [0], sizes = [1], strides = [1]} : vector<16xf32> to vector<1xf32>
      %squeeze3A = vector.extract %slice3A[0] : f32 from vector<1xf32>
      %mul3A_151 = vector.broadcast %squeeze3A : f32 to vector<16xf32>
      %mul3A_152 = arith.mulf %get3A_150, %mul3A_151 : vector<16xf32>
      %get3A_153 = arith.constant 0 : i32
      %get3A_154 = arith.index_cast %get3A_153 : i32 to index
      %get3A_155 = arith.index_cast %mul3A_145 : i32 to index
      %get3A_156 = tpu.vector_load %arg14[%get3A_154, %get3A_155] {strides = array<i32>} : memref<16x1024xf32, #tpu.memory_space<vmem>>, vector<1x16xf32>,
      %get3A_157 = vector.shape_cast %get3A_156 : vector<1x16xf32> to vector<16xf32>
      %slice3A_158 = vector.extract_strided_slice %get3A_110 {offsets = [0], sizes = [1], strides = [1]} : vector<16xf32> to vector<1xf32>
      %squeeze3A_159 = vector.extract %slice3A_158[0] : f32 from vector<1xf32>
      %mul3A_160 = vector.broadcast %squeeze3A_159 : f32 to vector<16xf32>
      %mul3A_161 = arith.mulf %get3A_157, %mul3A_160 : vector<16xf32>
      %add3A_162 = arith.addf %mul3A_152, %mul3A_161 : vector<16xf32>
      %get3A_163 = arith.constant 0 : i32
      %get3A_164 = arith.index_cast %get3A_163 : i32 to index
      %get3A_165 = arith.index_cast %mul3A_145 : i32 to index
      %get3A_166 = tpu.vector_load %arg15[%get3A_164, %get3A_165] {strides = array<i32>} : memref<16x1024xf32, #tpu.memory_space<vmem>>, vector<1x16xf32>,
      %get3A_167 = vector.shape_cast %get3A_166 : vector<1x16xf32> to vector<16xf32>
      %add3A_168 = arith.addf %add3A_162, %get3A_167 : vector<16xf32>
      %swap3A = arith.constant 0 : i32
      %swap3A_169 = arith.index_cast %swap3A : i32 to index
      %swap3A_170 = arith.index_cast %mul3A_145 : i32 to index
      %swap3A_171 = tpu.vector_load %arg23[%swap3A_169, %swap3A_170] {strides = array<i32>} : memref<16x1024xf32, #tpu.memory_space<vmem>>, vector<1x16xf32>,
      %swap3A_172 = vector.shape_cast %swap3A_171 : vector<1x16xf32> to vector<16xf32>
      %swap3A_173 = vector.shape_cast %add3A_168 : vector<16xf32> to vector<1x16xf32>
      tpu.vector_store %arg23[%swap3A_169, %swap3A_170], %swap3A_173 {strides = array<i32>} : memref<16x1024xf32, #tpu.memory_space<vmem>>, vector<1x16xf32>,
      %get3A_174 = arith.constant 1 : i32
      %get3A_175 = arith.index_cast %get3A_174 : i32 to index
      %get3A_176 = arith.index_cast %mul3A_145 : i32 to index
      %get3A_177 = tpu.vector_load %arg13[%get3A_175, %get3A_176] {strides = array<i32>} : memref<16x1024xf32, #tpu.memory_space<vmem>>, vector<1x16xf32>,
      %get3A_178 = vector.shape_cast %get3A_177 : vector<1x16xf32> to vector<16xf32>
      %slice3A_179 = vector.extract_strided_slice %get3A_107 {offsets = [1], sizes = [1], strides = [1]} : vector<16xf32> to vector<1xf32>
      %squeeze3A_180 = vector.extract %slice3A_179[0] : f32 from vector<1xf32>
      %mul3A_181 = vector.broadcast %squeeze3A_180 : f32 to vector<16xf32>
      %mul3A_182 = arith.mulf %get3A_178, %mul3A_181 : vector<16xf32>
      %get3A_183 = arith.constant 1 : i32
      %get3A_184 = arith.index_cast %get3A_183 : i32 to index
      %get3A_185 = arith.index_cast %mul3A_145 : i32 to index
      %get3A_186 = tpu.vector_load %arg14[%get3A_184, %get3A_185] {strides = array<i32>} : memref<16x1024xf32, #tpu.memory_space<vmem>>, vector<1x16xf32>,
      %get3A_187 = vector.shape_cast %get3A_186 : vector<1x16xf32> to vector<16xf32>
      %slice3A_188 = vector.extract_strided_slice %get3A_110 {offsets = [1], sizes = [1], strides = [1]} : vector<16xf32> to vector<1xf32>
      %squeeze3A_189 = vector.extract %slice3A_188[0] : f32 from vector<1xf32>
      %mul3A_190 = vector.broadcast %squeeze3A_189 : f32 to vector<16xf32>
      %mul3A_191 = arith.mulf %get3A_187, %mul3A_190 : vector<16xf32>
      %add3A_192 = arith.addf %mul3A_182, %mul3A_191 : vector<16xf32>
      %get3A_193 = arith.constant 1 : i32
      %get3A_194 = arith.index_cast %get3A_193 : i32 to index
      %get3A_195 = arith.index_cast %mul3A_145 : i32 to index
      %get3A_196 = tpu.vector_load %arg15[%get3A_194, %get3A_195] {strides = array<i32>} : memref<16x1024xf32, #tpu.memory_space<vmem>>, vector<1x16xf32>,
      %get3A_197 = vector.shape_cast %get3A_196 : vector<1x16xf32> to vector<16xf32>
      %add3A_198 = arith.addf %add3A_192, %get3A_197 : vector<16xf32>
      %swap3A_199 = arith.constant 1 : i32
      %swap3A_200 = arith.index_cast %swap3A_199 : i32 to index
      %swap3A_201 = arith.index_cast %mul3A_145 : i32 to index
      %swap3A_202 = tpu.vector_load %arg23[%swap3A_200, %swap3A_201] {strides = array<i32>} : memref<16x1024xf32, #tpu.memory_space<vmem>>, vector<1x16xf32>,
      %swap3A_203 = vector.shape_cast %swap3A_202 : vector<1x16xf32> to vector<16xf32>
      %swap3A_204 = vector.shape_cast %add3A_198 : vector<16xf32> to vector<1x16xf32>
      tpu.vector_store %arg23[%swap3A_200, %swap3A_201], %swap3A_204 {strides = array<i32>} : memref<16x1024xf32, #tpu.memory_space<vmem>>, vector<1x16xf32>,
      %get3A_205 = arith.constant 2 : i32
      %get3A_206 = arith.index_cast %get3A_205 : i32 to index
      %get3A_207 = arith.index_cast %mul3A_145 : i32 to index
      %get3A_208 = tpu.vector_load %arg13[%get3A_206, %get3A_207] {strides = array<i32>} : memref<16x1024xf32, #tpu.memory_space<vmem>>, vector<1x16xf32>,
      %get3A_209 = vector.shape_cast %get3A_208 : vector<1x16xf32> to vector<16xf32>
      %slice3A_210 = vector.extract_strided_slice %get3A_107 {offsets = [2], sizes = [1], strides = [1]} : vector<16xf32> to vector<1xf32>
      %squeeze3A_211 = vector.extract %slice3A_210[0] : f32 from vector<1xf32>
      %mul3A_212 = vector.broadcast %squeeze3A_211 : f32 to vector<16xf32>
      %mul3A_213 = arith.mulf %get3A_209, %mul3A_212 : vector<16xf32>
      %get3A_214 = arith.constant 2 : i32
      %get3A_215 = arith.index_cast %get3A_214 : i32 to index
      %get3A_216 = arith.index_cast %mul3A_145 : i32 to index
      %get3A_217 = tpu.vector_load %arg14[%get3A_215, %get3A_216] {strides = array<i32>} : memref<16x1024xf32, #tpu.memory_space<vmem>>, vector<1x16xf32>,
      %get3A_218 = vector.shape_cast %get3A_217 : vector<1x16xf32> to vector<16xf32>
      %slice3A_219 = vector.extract_strided_slice %get3A_110 {offsets = [2], sizes = [1], strides = [1]} : vector<16xf32> to vector<1xf32>
      %squeeze3A_220 = vector.extract %slice3A_219[0] : f32 from vector<1xf32>
      %mul3A_221 = vector.broadcast %squeeze3A_220 : f32 to vector<16xf32>
      %mul3A_222 = arith.mulf %get3A_218, %mul3A_221 : vector<16xf32>
      %add3A_223 = arith.addf %mul3A_213, %mul3A_222 : vector<16xf32>
      %get3A_224 = arith.constant 2 : i32
      %get3A_225 = arith.index_cast %get3A_224 : i32 to index
      %get3A_226 = arith.index_cast %mul3A_145 : i32 to index
      %get3A_227 = tpu.vector_load %arg15[%get3A_225, %get3A_226] {strides = array<i32>} : memref<16x1024xf32, #tpu.memory_space<vmem>>, vector<1x16xf32>,
      %get3A_228 = vector.shape_cast %get3A_227 : vector<1x16xf32> to vector<16xf32>
      %add3A_229 = arith.addf %add3A_223, %get3A_228 : vector<16xf32>
      %swap3A_230 = arith.constant 2 : i32
      %swap3A_231 = arith.index_cast %swap3A_230 : i32 to index
      %swap3A_232 = arith.index_cast %mul3A_145 : i32 to index
      %swap3A_233 = tpu.vector_load %arg23[%swap3A_231, %swap3A_232] {strides = array<i32>} : memref<16x1024xf32, #tpu.memory_space<vmem>>, vector<1x16xf32>,
      %swap3A_234 = vector.shape_cast %swap3A_233 : vector<1x16xf32> to vector<16xf32>
      %swap3A_235 = vector.shape_cast %add3A_229 : vector<16xf32> to vector<1x16xf32>
      tpu.vector_store %arg23[%swap3A_231, %swap3A_232], %swap3A_235 {strides = array<i32>} : memref<16x1024xf32, #tpu.memory_space<vmem>>, vector<1x16xf32>,
      %get3A_236 = arith.constant 3 : i32
      %get3A_237 = arith.index_cast %get3A_236 : i32 to index
      %get3A_238 = arith.index_cast %mul3A_145 : i32 to index
      %get3A_239 = tpu.vector_load %arg13[%get3A_237, %get3A_238] {strides = array<i32>} : memref<16x1024xf32, #tpu.memory_space<vmem>>, vector<1x16xf32>,
      %get3A_240 = vector.shape_cast %get3A_239 : vector<1x16xf32> to vector<16xf32>
      %slice3A_241 = vector.extract_strided_slice %get3A_107 {offsets = [3], sizes = [1], strides = [1]} : vector<16xf32> to vector<1xf32>
      %squeeze3A_242 = vector.extract %slice3A_241[0] : f32 from vector<1xf32>
      %mul3A_243 = vector.broadcast %squeeze3A_242 : f32 to vector<16xf32>
      %mul3A_244 = arith.mulf %get3A_240, %mul3A_243 : vector<16xf32>
      %get3A_245 = arith.constant 3 : i32
      %get3A_246 = arith.index_cast %get3A_245 : i32 to index
      %get3A_247 = arith.index_cast %mul3A_145 : i32 to index
      %get3A_248 = tpu.vector_load %arg14[%get3A_246, %get3A_247] {strides = array<i32>} : memref<16x1024xf32, #tpu.memory_space<vmem>>, vector<1x16xf32>,
      %get3A_249 = vector.shape_cast %get3A_248 : vector<1x16xf32> to vector<16xf32>
      %slice3A_250 = vector.extract_strided_slice %get3A_110 {offsets = [3], sizes = [1], strides = [1]} : vector<16xf32> to vector<1xf32>
      %squeeze3A_251 = vector.extract %slice3A_250[0] : f32 from vector<1xf32>
      %mul3A_252 = vector.broadcast %squeeze3A_251 : f32 to vector<16xf32>
      %mul3A_253 = arith.mulf %get3A_249, %mul3A_252 : vector<16xf32>
      %add3A_254 = arith.addf %mul3A_244, %mul3A_253 : vector<16xf32>
      %get3A_255 = arith.constant 3 : i32
      %get3A_256 = arith.index_cast %get3A_255 : i32 to index
      %get3A_257 = arith.index_cast %mul3A_145 : i32 to index
      %get3A_258 = tpu.vector_load %arg15[%get3A_256, %get3A_257] {strides = array<i32>} : memref<16x1024xf32, #tpu.memory_space<vmem>>, vector<1x16xf32>,
      %get3A_259 = vector.shape_cast %get3A_258 : vector<1x16xf32> to vector<16xf32>
      %add3A_260 = arith.addf %add3A_254, %get3A_259 : vector<16xf32>
      %swap3A_261 = arith.constant 3 : i32
      %swap3A_262 = arith.index_cast %swap3A_261 : i32 to index
      %swap3A_263 = arith.index_cast %mul3A_145 : i32 to index
      %swap3A_264 = tpu.vector_load %arg23[%swap3A_262, %swap3A_263] {strides = array<i32>} : memref<16x1024xf32, #tpu.memory_space<vmem>>, vector<1x16xf32>,
      %swap3A_265 = vector.shape_cast %swap3A_264 : vector<1x16xf32> to vector<16xf32>
      %swap3A_266 = vector.shape_cast %add3A_260 : vector<16xf32> to vector<1x16xf32>
      tpu.vector_store %arg23[%swap3A_262, %swap3A_263], %swap3A_266 {strides = array<i32>} : memref<16x1024xf32, #tpu.memory_space<vmem>>, vector<1x16xf32>,
      %get3A_267 = arith.constant 4 : i32
      %get3A_268 = arith.index_cast %get3A_267 : i32 to index
      %get3A_269 = arith.index_cast %mul3A_145 : i32 to index
      %get3A_270 = tpu.vector_load %arg13[%get3A_268, %get3A_269] {strides = array<i32>} : memref<16x1024xf32, #tpu.memory_space<vmem>>, vector<1x16xf32>,
      %get3A_271 = vector.shape_cast %get3A_270 : vector<1x16xf32> to vector<16xf32>
      %slice3A_272 = vector.extract_strided_slice %get3A_107 {offsets = [4], sizes = [1], strides = [1]} : vector<16xf32> to vector<1xf32>
      %squeeze3A_273 = vector.extract %slice3A_272[0] : f32 from vector<1xf32>
      %mul3A_274 = vector.broadcast %squeeze3A_273 : f32 to vector<16xf32>
      %mul3A_275 = arith.mulf %get3A_271, %mul3A_274 : vector<16xf32>
      %get3A_276 = arith.constant 4 : i32
      %get3A_277 = arith.index_cast %get3A_276 : i32 to index
      %get3A_278 = arith.index_cast %mul3A_145 : i32 to index
      %get3A_279 = tpu.vector_load %arg14[%get3A_277, %get3A_278] {strides = array<i32>} : memref<16x1024xf32, #tpu.memory_space<vmem>>, vector<1x16xf32>,
      %get3A_280 = vector.shape_cast %get3A_279 : vector<1x16xf32> to vector<16xf32>
      %slice3A_281 = vector.extract_strided_slice %get3A_110 {offsets = [4], sizes = [1], strides = [1]} : vector<16xf32> to vector<1xf32>
      %squeeze3A_282 = vector.extract %slice3A_281[0] : f32 from vector<1xf32>
      %mul3A_283 = vector.broadcast %squeeze3A_282 : f32 to vector<16xf32>
      %mul3A_284 = arith.mulf %get3A_280, %mul3A_283 : vector<16xf32>
      %add3A_285 = arith.addf %mul3A_275, %mul3A_284 : vector<16xf32>
      %get3A_286 = arith.constant 4 : i32
      %get3A_287 = arith.index_cast %get3A_286 : i32 to index
      %get3A_288 = arith.index_cast %mul3A_145 : i32 to index
      %get3A_289 = tpu.vector_load %arg15[%get3A_287, %get3A_288] {strides = array<i32>} : memref<16x1024xf32, #tpu.memory_space<vmem>>, vector<1x16xf32>,
      %get3A_290 = vector.shape_cast %get3A_289 : vector<1x16xf32> to vector<16xf32>
      %add3A_291 = arith.addf %add3A_285, %get3A_290 : vector<16xf32>
      %swap3A_292 = arith.constant 4 : i32
      %swap3A_293 = arith.index_cast %swap3A_292 : i32 to index
      %swap3A_294 = arith.index_cast %mul3A_145 : i32 to index
      %swap3A_295 = tpu.vector_load %arg23[%swap3A_293, %swap3A_294] {strides = array<i32>} : memref<16x1024xf32, #tpu.memory_space<vmem>>, vector<1x16xf32>,
      %swap3A_296 = vector.shape_cast %swap3A_295 : vector<1x16xf32> to vector<16xf32>
      %swap3A_297 = vector.shape_cast %add3A_291 : vector<16xf32> to vector<1x16xf32>
      tpu.vector_store %arg23[%swap3A_293, %swap3A_294], %swap3A_297 {strides = array<i32>} : memref<16x1024xf32, #tpu.memory_space<vmem>>, vector<1x16xf32>,
      %get3A_298 = arith.constant 5 : i32
      %get3A_299 = arith.index_cast %get3A_298 : i32 to index
      %get3A_300 = arith.index_cast %mul3A_145 : i32 to index
      %get3A_301 = tpu.vector_load %arg13[%get3A_299, %get3A_300] {strides = array<i32>} : memref<16x1024xf32, #tpu.memory_space<vmem>>, vector<1x16xf32>,
      %get3A_302 = vector.shape_cast %get3A_301 : vector<1x16xf32> to vector<16xf32>
      %slice3A_303 = vector.extract_strided_slice %get3A_107 {offsets = [5], sizes = [1], strides = [1]} : vector<16xf32> to vector<1xf32>
      %squeeze3A_304 = vector.extract %slice3A_303[0] : f32 from vector<1xf32>
      %mul3A_305 = vector.broadcast %squeeze3A_304 : f32 to vector<16xf32>
      %mul3A_306 = arith.mulf %get3A_302, %mul3A_305 : vector<16xf32>
      %get3A_307 = arith.constant 5 : i32
      %get3A_308 = arith.index_cast %get3A_307 : i32 to index
      %get3A_309 = arith.index_cast %mul3A_145 : i32 to index
      %get3A_310 = tpu.vector_load %arg14[%get3A_308, %get3A_309] {strides = array<i32>} : memref<16x1024xf32, #tpu.memory_space<vmem>>, vector<1x16xf32>,
      %get3A_311 = vector.shape_cast %get3A_310 : vector<1x16xf32> to vector<16xf32>
      %slice3A_312 = vector.extract_strided_slice %get3A_110 {offsets = [5], sizes = [1], strides = [1]} : vector<16xf32> to vector<1xf32>
      %squeeze3A_313 = vector.extract %slice3A_312[0] : f32 from vector<1xf32>
      %mul3A_314 = vector.broadcast %squeeze3A_313 : f32 to vector<16xf32>
      %mul3A_315 = arith.mulf %get3A_311, %mul3A_314 : vector<16xf32>
      %add3A_316 = arith.addf %mul3A_306, %mul3A_315 : vector<16xf32>
      %get3A_317 = arith.constant 5 : i32
      %get3A_318 = arith.index_cast %get3A_317 : i32 to index
      %get3A_319 = arith.index_cast %mul3A_145 : i32 to index
      %get3A_320 = tpu.vector_load %arg15[%get3A_318, %get3A_319] {strides = array<i32>} : memref<16x1024xf32, #tpu.memory_space<vmem>>, vector<1x16xf32>,
      %get3A_321 = vector.shape_cast %get3A_320 : vector<1x16xf32> to vector<16xf32>
      %add3A_322 = arith.addf %add3A_316, %get3A_321 : vector<16xf32>
      %swap3A_323 = arith.constant 5 : i32
      %swap3A_324 = arith.index_cast %swap3A_323 : i32 to index
      %swap3A_325 = arith.index_cast %mul3A_145 : i32 to index
      %swap3A_326 = tpu.vector_load %arg23[%swap3A_324, %swap3A_325] {strides = array<i32>} : memref<16x1024xf32, #tpu.memory_space<vmem>>, vector<1x16xf32>,
      %swap3A_327 = vector.shape_cast %swap3A_326 : vector<1x16xf32> to vector<16xf32>
      %swap3A_328 = vector.shape_cast %add3A_322 : vector<16xf32> to vector<1x16xf32>
      tpu.vector_store %arg23[%swap3A_324, %swap3A_325], %swap3A_328 {strides = array<i32>} : memref<16x1024xf32, #tpu.memory_space<vmem>>, vector<1x16xf32>,
      %get3A_329 = arith.constant 6 : i32
      %get3A_330 = arith.index_cast %get3A_329 : i32 to index
      %get3A_331 = arith.index_cast %mul3A_145 : i32 to index
      %get3A_332 = tpu.vector_load %arg13[%get3A_330, %get3A_331] {strides = array<i32>} : memref<16x1024xf32, #tpu.memory_space<vmem>>, vector<1x16xf32>,
      %get3A_333 = vector.shape_cast %get3A_332 : vector<1x16xf32> to vector<16xf32>
      %slice3A_334 = vector.extract_strided_slice %get3A_107 {offsets = [6], sizes = [1], strides = [1]} : vector<16xf32> to vector<1xf32>
      %squeeze3A_335 = vector.extract %slice3A_334[0] : f32 from vector<1xf32>
      %mul3A_336 = vector.broadcast %squeeze3A_335 : f32 to vector<16xf32>
      %mul3A_337 = arith.mulf %get3A_333, %mul3A_336 : vector<16xf32>
      %get3A_338 = arith.constant 6 : i32
      %get3A_339 = arith.index_cast %get3A_338 : i32 to index
      %get3A_340 = arith.index_cast %mul3A_145 : i32 to index
      %get3A_341 = tpu.vector_load %arg14[%get3A_339, %get3A_340] {strides = array<i32>} : memref<16x1024xf32, #tpu.memory_space<vmem>>, vector<1x16xf32>,
      %get3A_342 = vector.shape_cast %get3A_341 : vector<1x16xf32> to vector<16xf32>
      %slice3A_343 = vector.extract_strided_slice %get3A_110 {offsets = [6], sizes = [1], strides = [1]} : vector<16xf32> to vector<1xf32>
      %squeeze3A_344 = vector.extract %slice3A_343[0] : f32 from vector<1xf32>
      %mul3A_345 = vector.broadcast %squeeze3A_344 : f32 to vector<16xf32>
      %mul3A_346 = arith.mulf %get3A_342, %mul3A_345 : vector<16xf32>
      %add3A_347 = arith.addf %mul3A_337, %mul3A_346 : vector<16xf32>
      %get3A_348 = arith.constant 6 : i32
      %get3A_349 = arith.index_cast %get3A_348 : i32 to index
      %get3A_350 = arith.index_cast %mul3A_145 : i32 to index
      %get3A_351 = tpu.vector_load %arg15[%get3A_349, %get3A_350] {strides = array<i32>} : memref<16x1024xf32, #tpu.memory_space<vmem>>, vector<1x16xf32>,
      %get3A_352 = vector.shape_cast %get3A_351 : vector<1x16xf32> to vector<16xf32>
      %add3A_353 = arith.addf %add3A_347, %get3A_352 : vector<16xf32>
      %swap3A_354 = arith.constant 6 : i32
      %swap3A_355 = arith.index_cast %swap3A_354 : i32 to index
      %swap3A_356 = arith.index_cast %mul3A_145 : i32 to index
      %swap3A_357 = tpu.vector_load %arg23[%swap3A_355, %swap3A_356] {strides = array<i32>} : memref<16x1024xf32, #tpu.memory_space<vmem>>, vector<1x16xf32>,
      %swap3A_358 = vector.shape_cast %swap3A_357 : vector<1x16xf32> to vector<16xf32>
      %swap3A_359 = vector.shape_cast %add3A_353 : vector<16xf32> to vector<1x16xf32>
      tpu.vector_store %arg23[%swap3A_355, %swap3A_356], %swap3A_359 {strides = array<i32>} : memref<16x1024xf32, #tpu.memory_space<vmem>>, vector<1x16xf32>,
      %get3A_360 = arith.constant 7 : i32
      %get3A_361 = arith.index_cast %get3A_360 : i32 to index
      %get3A_362 = arith.index_cast %mul3A_145 : i32 to index
      %get3A_363 = tpu.vector_load %arg13[%get3A_361, %get3A_362] {strides = array<i32>} : memref<16x1024xf32, #tpu.memory_space<vmem>>, vector<1x16xf32>,
      %get3A_364 = vector.shape_cast %get3A_363 : vector<1x16xf32> to vector<16xf32>
      %slice3A_365 = vector.extract_strided_slice %get3A_107 {offsets = [7], sizes = [1], strides = [1]} : vector<16xf32> to vector<1xf32>
      %squeeze3A_366 = vector.extract %slice3A_365[0] : f32 from vector<1xf32>
      %mul3A_367 = vector.broadcast %squeeze3A_366 : f32 to vector<16xf32>
      %mul3A_368 = arith.mulf %get3A_364, %mul3A_367 : vector<16xf32>
      %get3A_369 = arith.constant 7 : i32
      %get3A_370 = arith.index_cast %get3A_369 : i32 to index
      %get3A_371 = arith.index_cast %mul3A_145 : i32 to index
      %get3A_372 = tpu.vector_load %arg14[%get3A_370, %get3A_371] {strides = array<i32>} : memref<16x1024xf32, #tpu.memory_space<vmem>>, vector<1x16xf32>,
      %get3A_373 = vector.shape_cast %get3A_372 : vector<1x16xf32> to vector<16xf32>
      %slice3A_374 = vector.extract_strided_slice %get3A_110 {offsets = [7], sizes = [1], strides = [1]} : vector<16xf32> to vector<1xf32>
      %squeeze3A_375 = vector.extract %slice3A_374[0] : f32 from vector<1xf32>
      %mul3A_376 = vector.broadcast %squeeze3A_375 : f32 to vector<16xf32>
      %mul3A_377 = arith.mulf %get3A_373, %mul3A_376 : vector<16xf32>
      %add3A_378 = arith.addf %mul3A_368, %mul3A_377 : vector<16xf32>
      %get3A_379 = arith.constant 7 : i32
      %get3A_380 = arith.index_cast %get3A_379 : i32 to index
      %get3A_381 = arith.index_cast %mul3A_145 : i32 to index
      %get3A_382 = tpu.vector_load %arg15[%get3A_380, %get3A_381] {strides = array<i32>} : memref<16x1024xf32, #tpu.memory_space<vmem>>, vector<1x16xf32>,
      %get3A_383 = vector.shape_cast %get3A_382 : vector<1x16xf32> to vector<16xf32>
      %add3A_384 = arith.addf %add3A_378, %get3A_383 : vector<16xf32>
      %swap3A_385 = arith.constant 7 : i32
      %swap3A_386 = arith.index_cast %swap3A_385 : i32 to index
      %swap3A_387 = arith.index_cast %mul3A_145 : i32 to index
      %swap3A_388 = tpu.vector_load %arg23[%swap3A_386, %swap3A_387] {strides = array<i32>} : memref<16x1024xf32, #tpu.memory_space<vmem>>, vector<1x16xf32>,
      %swap3A_389 = vector.shape_cast %swap3A_388 : vector<1x16xf32> to vector<16xf32>
      %swap3A_390 = vector.shape_cast %add3A_384 : vector<16xf32> to vector<1x16xf32>
      tpu.vector_store %arg23[%swap3A_386, %swap3A_387], %swap3A_390 {strides = array<i32>} : memref<16x1024xf32, #tpu.memory_space<vmem>>, vector<1x16xf32>,
      %get3A_391 = arith.constant 8 : i32
      %get3A_392 = arith.index_cast %get3A_391 : i32 to index
      %get3A_393 = arith.index_cast %mul3A_145 : i32 to index
      %get3A_394 = tpu.vector_load %arg13[%get3A_392, %get3A_393] {strides = array<i32>} : memref<16x1024xf32, #tpu.memory_space<vmem>>, vector<1x16xf32>,
      %get3A_395 = vector.shape_cast %get3A_394 : vector<1x16xf32> to vector<16xf32>
      %slice3A_396 = vector.extract_strided_slice %get3A_107 {offsets = [8], sizes = [1], strides = [1]} : vector<16xf32> to vector<1xf32>
      %squeeze3A_397 = vector.extract %slice3A_396[0] : f32 from vector<1xf32>
      %mul3A_398 = vector.broadcast %squeeze3A_397 : f32 to vector<16xf32>
      %mul3A_399 = arith.mulf %get3A_395, %mul3A_398 : vector<16xf32>
      %get3A_400 = arith.constant 8 : i32
      %get3A_401 = arith.index_cast %get3A_400 : i32 to index
      %get3A_402 = arith.index_cast %mul3A_145 : i32 to index
      %get3A_403 = tpu.vector_load %arg14[%get3A_401, %get3A_402] {strides = array<i32>} : memref<16x1024xf32, #tpu.memory_space<vmem>>, vector<1x16xf32>,
      %get3A_404 = vector.shape_cast %get3A_403 : vector<1x16xf32> to vector<16xf32>
      %slice3A_405 = vector.extract_strided_slice %get3A_110 {offsets = [8], sizes = [1], strides = [1]} : vector<16xf32> to vector<1xf32>
      %squeeze3A_406 = vector.extract %slice3A_405[0] : f32 from vector<1xf32>
      %mul3A_407 = vector.broadcast %squeeze3A_406 : f32 to vector<16xf32>
      %mul3A_408 = arith.mulf %get3A_404, %mul3A_407 : vector<16xf32>
      %add3A_409 = arith.addf %mul3A_399, %mul3A_408 : vector<16xf32>
      %get3A_410 = arith.constant 8 : i32
      %get3A_411 = arith.index_cast %get3A_410 : i32 to index
      %get3A_412 = arith.index_cast %mul3A_145 : i32 to index
      %get3A_413 = tpu.vector_load %arg15[%get3A_411, %get3A_412] {strides = array<i32>} : memref<16x1024xf32, #tpu.memory_space<vmem>>, vector<1x16xf32>,
      %get3A_414 = vector.shape_cast %get3A_413 : vector<1x16xf32> to vector<16xf32>
      %add3A_415 = arith.addf %add3A_409, %get3A_414 : vector<16xf32>
      %swap3A_416 = arith.constant 8 : i32
      %swap3A_417 = arith.index_cast %swap3A_416 : i32 to index
      %swap3A_418 = arith.index_cast %mul3A_145 : i32 to index
      %swap3A_419 = tpu.vector_load %arg23[%swap3A_417, %swap3A_418] {strides = array<i32>} : memref<16x1024xf32, #tpu.memory_space<vmem>>, vector<1x16xf32>,
      %swap3A_420 = vector.shape_cast %swap3A_419 : vector<1x16xf32> to vector<16xf32>
      %swap3A_421 = vector.shape_cast %add3A_415 : vector<16xf32> to vector<1x16xf32>
      tpu.vector_store %arg23[%swap3A_417, %swap3A_418], %swap3A_421 {strides = array<i32>} : memref<16x1024xf32, #tpu.memory_space<vmem>>, vector<1x16xf32>,
      %get3A_422 = arith.constant 9 : i32
      %get3A_423 = arith.index_cast %get3A_422 : i32 to index
      %get3A_424 = arith.index_cast %mul3A_145 : i32 to index
      %get3A_425 = tpu.vector_load %arg13[%get3A_423, %get3A_424] {strides = array<i32>} : memref<16x1024xf32, #tpu.memory_space<vmem>>, vector<1x16xf32>,
      %get3A_426 = vector.shape_cast %get3A_425 : vector<1x16xf32> to vector<16xf32>
      %slice3A_427 = vector.extract_strided_slice %get3A_107 {offsets = [9], sizes = [1], strides = [1]} : vector<16xf32> to vector<1xf32>
      %squeeze3A_428 = vector.extract %slice3A_427[0] : f32 from vector<1xf32>
      %mul3A_429 = vector.broadcast %squeeze3A_428 : f32 to vector<16xf32>
      %mul3A_430 = arith.mulf %get3A_426, %mul3A_429 : vector<16xf32>
      %get3A_431 = arith.constant 9 : i32
      %get3A_432 = arith.index_cast %get3A_431 : i32 to index
      %get3A_433 = arith.index_cast %mul3A_145 : i32 to index
      %get3A_434 = tpu.vector_load %arg14[%get3A_432, %get3A_433] {strides = array<i32>} : memref<16x1024xf32, #tpu.memory_space<vmem>>, vector<1x16xf32>,
      %get3A_435 = vector.shape_cast %get3A_434 : vector<1x16xf32> to vector<16xf32>
      %slice3A_436 = vector.extract_strided_slice %get3A_110 {offsets = [9], sizes = [1], strides = [1]} : vector<16xf32> to vector<1xf32>
      %squeeze3A_437 = vector.extract %slice3A_436[0] : f32 from vector<1xf32>
      %mul3A_438 = vector.broadcast %squeeze3A_437 : f32 to vector<16xf32>
      %mul3A_439 = arith.mulf %get3A_435, %mul3A_438 : vector<16xf32>
      %add3A_440 = arith.addf %mul3A_430, %mul3A_439 : vector<16xf32>
      %get3A_441 = arith.constant 9 : i32
      %get3A_442 = arith.index_cast %get3A_441 : i32 to index
      %get3A_443 = arith.index_cast %mul3A_145 : i32 to index
      %get3A_444 = tpu.vector_load %arg15[%get3A_442, %get3A_443] {strides = array<i32>} : memref<16x1024xf32, #tpu.memory_space<vmem>>, vector<1x16xf32>,
      %get3A_445 = vector.shape_cast %get3A_444 : vector<1x16xf32> to vector<16xf32>
      %add3A_446 = arith.addf %add3A_440, %get3A_445 : vector<16xf32>
      %swap3A_447 = arith.constant 9 : i32
      %swap3A_448 = arith.index_cast %swap3A_447 : i32 to index
      %swap3A_449 = arith.index_cast %mul3A_145 : i32 to index
      %swap3A_450 = tpu.vector_load %arg23[%swap3A_448, %swap3A_449] {strides = array<i32>} : memref<16x1024xf32, #tpu.memory_space<vmem>>, vector<1x16xf32>,
      %swap3A_451 = vector.shape_cast %swap3A_450 : vector<1x16xf32> to vector<16xf32>
      %swap3A_452 = vector.shape_cast %add3A_446 : vector<16xf32> to vector<1x16xf32>
      tpu.vector_store %arg23[%swap3A_448, %swap3A_449], %swap3A_452 {strides = array<i32>} : memref<16x1024xf32, #tpu.memory_space<vmem>>, vector<1x16xf32>,
      %get3A_453 = arith.constant 10 : i32
      %get3A_454 = arith.index_cast %get3A_453 : i32 to index
      %get3A_455 = arith.index_cast %mul3A_145 : i32 to index
      %get3A_456 = tpu.vector_load %arg13[%get3A_454, %get3A_455] {strides = array<i32>} : memref<16x1024xf32, #tpu.memory_space<vmem>>, vector<1x16xf32>,
      %get3A_457 = vector.shape_cast %get3A_456 : vector<1x16xf32> to vector<16xf32>
      %slice3A_458 = vector.extract_strided_slice %get3A_107 {offsets = [10], sizes = [1], strides = [1]} : vector<16xf32> to vector<1xf32>
      %squeeze3A_459 = vector.extract %slice3A_458[0] : f32 from vector<1xf32>
      %mul3A_460 = vector.broadcast %squeeze3A_459 : f32 to vector<16xf32>
      %mul3A_461 = arith.mulf %get3A_457, %mul3A_460 : vector<16xf32>
      %get3A_462 = arith.constant 10 : i32
      %get3A_463 = arith.index_cast %get3A_462 : i32 to index
      %get3A_464 = arith.index_cast %mul3A_145 : i32 to index
      %get3A_465 = tpu.vector_load %arg14[%get3A_463, %get3A_464] {strides = array<i32>} : memref<16x1024xf32, #tpu.memory_space<vmem>>, vector<1x16xf32>,
      %get3A_466 = vector.shape_cast %get3A_465 : vector<1x16xf32> to vector<16xf32>
      %slice3A_467 = vector.extract_strided_slice %get3A_110 {offsets = [10], sizes = [1], strides = [1]} : vector<16xf32> to vector<1xf32>
      %squeeze3A_468 = vector.extract %slice3A_467[0] : f32 from vector<1xf32>
      %mul3A_469 = vector.broadcast %squeeze3A_468 : f32 to vector<16xf32>
      %mul3A_470 = arith.mulf %get3A_466, %mul3A_469 : vector<16xf32>
      %add3A_471 = arith.addf %mul3A_461, %mul3A_470 : vector<16xf32>
      %get3A_472 = arith.constant 10 : i32
      %get3A_473 = arith.index_cast %get3A_472 : i32 to index
      %get3A_474 = arith.index_cast %mul3A_145 : i32 to index
      %get3A_475 = tpu.vector_load %arg15[%get3A_473, %get3A_474] {strides = array<i32>} : memref<16x1024xf32, #tpu.memory_space<vmem>>, vector<1x16xf32>,
      %get3A_476 = vector.shape_cast %get3A_475 : vector<1x16xf32> to vector<16xf32>
      %add3A_477 = arith.addf %add3A_471, %get3A_476 : vector<16xf32>
      %swap3A_478 = arith.constant 10 : i32
      %swap3A_479 = arith.index_cast %swap3A_478 : i32 to index
      %swap3A_480 = arith.index_cast %mul3A_145 : i32 to index
      %swap3A_481 = tpu.vector_load %arg23[%swap3A_479, %swap3A_480] {strides = array<i32>} : memref<16x1024xf32, #tpu.memory_space<vmem>>, vector<1x16xf32>,
      %swap3A_482 = vector.shape_cast %swap3A_481 : vector<1x16xf32> to vector<16xf32>
      %swap3A_483 = vector.shape_cast %add3A_477 : vector<16xf32> to vector<1x16xf32>
      tpu.vector_store %arg23[%swap3A_479, %swap3A_480], %swap3A_483 {strides = array<i32>} : memref<16x1024xf32, #tpu.memory_space<vmem>>, vector<1x16xf32>,
      %get3A_484 = arith.constant 11 : i32
      %get3A_485 = arith.index_cast %get3A_484 : i32 to index
      %get3A_486 = arith.index_cast %mul3A_145 : i32 to index
      %get3A_487 = tpu.vector_load %arg13[%get3A_485, %get3A_486] {strides = array<i32>} : memref<16x1024xf32, #tpu.memory_space<vmem>>, vector<1x16xf32>,
      %get3A_488 = vector.shape_cast %get3A_487 : vector<1x16xf32> to vector<16xf32>
      %slice3A_489 = vector.extract_strided_slice %get3A_107 {offsets = [11], sizes = [1], strides = [1]} : vector<16xf32> to vector<1xf32>
      %squeeze3A_490 = vector.extract %slice3A_489[0] : f32 from vector<1xf32>
      %mul3A_491 = vector.broadcast %squeeze3A_490 : f32 to vector<16xf32>
      %mul3A_492 = arith.mulf %get3A_488, %mul3A_491 : vector<16xf32>
      %get3A_493 = arith.constant 11 : i32
      %get3A_494 = arith.index_cast %get3A_493 : i32 to index
      %get3A_495 = arith.index_cast %mul3A_145 : i32 to index
      %get3A_496 = tpu.vector_load %arg14[%get3A_494, %get3A_495] {strides = array<i32>} : memref<16x1024xf32, #tpu.memory_space<vmem>>, vector<1x16xf32>,
      %get3A_497 = vector.shape_cast %get3A_496 : vector<1x16xf32> to vector<16xf32>
      %slice3A_498 = vector.extract_strided_slice %get3A_110 {offsets = [11], sizes = [1], strides = [1]} : vector<16xf32> to vector<1xf32>
      %squeeze3A_499 = vector.extract %slice3A_498[0] : f32 from vector<1xf32>
      %mul3A_500 = vector.broadcast %squeeze3A_499 : f32 to vector<16xf32>
      %mul3A_501 = arith.mulf %get3A_497, %mul3A_500 : vector<16xf32>
      %add3A_502 = arith.addf %mul3A_492, %mul3A_501 : vector<16xf32>
      %get3A_503 = arith.constant 11 : i32
      %get3A_504 = arith.index_cast %get3A_503 : i32 to index
      %get3A_505 = arith.index_cast %mul3A_145 : i32 to index
      %get3A_506 = tpu.vector_load %arg15[%get3A_504, %get3A_505] {strides = array<i32>} : memref<16x1024xf32, #tpu.memory_space<vmem>>, vector<1x16xf32>,
      %get3A_507 = vector.shape_cast %get3A_506 : vector<1x16xf32> to vector<16xf32>
      %add3A_508 = arith.addf %add3A_502, %get3A_507 : vector<16xf32>
      %swap3A_509 = arith.constant 11 : i32
      %swap3A_510 = arith.index_cast %swap3A_509 : i32 to index
      %swap3A_511 = arith.index_cast %mul3A_145 : i32 to index
      %swap3A_512 = tpu.vector_load %arg23[%swap3A_510, %swap3A_511] {strides = array<i32>} : memref<16x1024xf32, #tpu.memory_space<vmem>>, vector<1x16xf32>,
      %swap3A_513 = vector.shape_cast %swap3A_512 : vector<1x16xf32> to vector<16xf32>
      %swap3A_514 = vector.shape_cast %add3A_508 : vector<16xf32> to vector<1x16xf32>
      tpu.vector_store %arg23[%swap3A_510, %swap3A_511], %swap3A_514 {strides = array<i32>} : memref<16x1024xf32, #tpu.memory_space<vmem>>, vector<1x16xf32>,
      %get3A_515 = arith.constant 12 : i32
      %get3A_516 = arith.index_cast %get3A_515 : i32 to index
      %get3A_517 = arith.index_cast %mul3A_145 : i32 to index
      %get3A_518 = tpu.vector_load %arg13[%get3A_516, %get3A_517] {strides = array<i32>} : memref<16x1024xf32, #tpu.memory_space<vmem>>, vector<1x16xf32>,
      %get3A_519 = vector.shape_cast %get3A_518 : vector<1x16xf32> to vector<16xf32>
      %slice3A_520 = vector.extract_strided_slice %get3A_107 {offsets = [12], sizes = [1], strides = [1]} : vector<16xf32> to vector<1xf32>
      %squeeze3A_521 = vector.extract %slice3A_520[0] : f32 from vector<1xf32>
      %mul3A_522 = vector.broadcast %squeeze3A_521 : f32 to vector<16xf32>
      %mul3A_523 = arith.mulf %get3A_519, %mul3A_522 : vector<16xf32>
      %get3A_524 = arith.constant 12 : i32
      %get3A_525 = arith.index_cast %get3A_524 : i32 to index
      %get3A_526 = arith.index_cast %mul3A_145 : i32 to index
      %get3A_527 = tpu.vector_load %arg14[%get3A_525, %get3A_526] {strides = array<i32>} : memref<16x1024xf32, #tpu.memory_space<vmem>>, vector<1x16xf32>,
      %get3A_528 = vector.shape_cast %get3A_527 : vector<1x16xf32> to vector<16xf32>
      %slice3A_529 = vector.extract_strided_slice %get3A_110 {offsets = [12], sizes = [1], strides = [1]} : vector<16xf32> to vector<1xf32>
      %squeeze3A_530 = vector.extract %slice3A_529[0] : f32 from vector<1xf32>
      %mul3A_531 = vector.broadcast %squeeze3A_530 : f32 to vector<16xf32>
      %mul3A_532 = arith.mulf %get3A_528, %mul3A_531 : vector<16xf32>
      %add3A_533 = arith.addf %mul3A_523, %mul3A_532 : vector<16xf32>
      %get3A_534 = arith.constant 12 : i32
      %get3A_535 = arith.index_cast %get3A_534 : i32 to index
      %get3A_536 = arith.index_cast %mul3A_145 : i32 to index
      %get3A_537 = tpu.vector_load %arg15[%get3A_535, %get3A_536] {strides = array<i32>} : memref<16x1024xf32, #tpu.memory_space<vmem>>, vector<1x16xf32>,
      %get3A_538 = vector.shape_cast %get3A_537 : vector<1x16xf32> to vector<16xf32>
      %add3A_539 = arith.addf %add3A_533, %get3A_538 : vector<16xf32>
      %swap3A_540 = arith.constant 12 : i32
      %swap3A_541 = arith.index_cast %swap3A_540 : i32 to index
      %swap3A_542 = arith.index_cast %mul3A_145 : i32 to index
      %swap3A_543 = tpu.vector_load %arg23[%swap3A_541, %swap3A_542] {strides = array<i32>} : memref<16x1024xf32, #tpu.memory_space<vmem>>, vector<1x16xf32>,
      %swap3A_544 = vector.shape_cast %swap3A_543 : vector<1x16xf32> to vector<16xf32>
      %swap3A_545 = vector.shape_cast %add3A_539 : vector<16xf32> to vector<1x16xf32>
      tpu.vector_store %arg23[%swap3A_541, %swap3A_542], %swap3A_545 {strides = array<i32>} : memref<16x1024xf32, #tpu.memory_space<vmem>>, vector<1x16xf32>,
      %get3A_546 = arith.constant 13 : i32
      %get3A_547 = arith.index_cast %get3A_546 : i32 to index
      %get3A_548 = arith.index_cast %mul3A_145 : i32 to index
      %get3A_549 = tpu.vector_load %arg13[%get3A_547, %get3A_548] {strides = array<i32>} : memref<16x1024xf32, #tpu.memory_space<vmem>>, vector<1x16xf32>,
      %get3A_550 = vector.shape_cast %get3A_549 : vector<1x16xf32> to vector<16xf32>
      %slice3A_551 = vector.extract_strided_slice %get3A_107 {offsets = [13], sizes = [1], strides = [1]} : vector<16xf32> to vector<1xf32>
      %squeeze3A_552 = vector.extract %slice3A_551[0] : f32 from vector<1xf32>
      %mul3A_553 = vector.broadcast %squeeze3A_552 : f32 to vector<16xf32>
      %mul3A_554 = arith.mulf %get3A_550, %mul3A_553 : vector<16xf32>
      %get3A_555 = arith.constant 13 : i32
      %get3A_556 = arith.index_cast %get3A_555 : i32 to index
      %get3A_557 = arith.index_cast %mul3A_145 : i32 to index
      %get3A_558 = tpu.vector_load %arg14[%get3A_556, %get3A_557] {strides = array<i32>} : memref<16x1024xf32, #tpu.memory_space<vmem>>, vector<1x16xf32>,
      %get3A_559 = vector.shape_cast %get3A_558 : vector<1x16xf32> to vector<16xf32>
      %slice3A_560 = vector.extract_strided_slice %get3A_110 {offsets = [13], sizes = [1], strides = [1]} : vector<16xf32> to vector<1xf32>
      %squeeze3A_561 = vector.extract %slice3A_560[0] : f32 from vector<1xf32>
      %mul3A_562 = vector.broadcast %squeeze3A_561 : f32 to vector<16xf32>
      %mul3A_563 = arith.mulf %get3A_559, %mul3A_562 : vector<16xf32>
      %add3A_564 = arith.addf %mul3A_554, %mul3A_563 : vector<16xf32>
      %get3A_565 = arith.constant 13 : i32
      %get3A_566 = arith.index_cast %get3A_565 : i32 to index
      %get3A_567 = arith.index_cast %mul3A_145 : i32 to index
      %get3A_568 = tpu.vector_load %arg15[%get3A_566, %get3A_567] {strides = array<i32>} : memref<16x1024xf32, #tpu.memory_space<vmem>>, vector<1x16xf32>,
      %get3A_569 = vector.shape_cast %get3A_568 : vector<1x16xf32> to vector<16xf32>
      %add3A_570 = arith.addf %add3A_564, %get3A_569 : vector<16xf32>
      %swap3A_571 = arith.constant 13 : i32
      %swap3A_572 = arith.index_cast %swap3A_571 : i32 to index
      %swap3A_573 = arith.index_cast %mul3A_145 : i32 to index
      %swap3A_574 = tpu.vector_load %arg23[%swap3A_572, %swap3A_573] {strides = array<i32>} : memref<16x1024xf32, #tpu.memory_space<vmem>>, vector<1x16xf32>,
      %swap3A_575 = vector.shape_cast %swap3A_574 : vector<1x16xf32> to vector<16xf32>
      %swap3A_576 = vector.shape_cast %add3A_570 : vector<16xf32> to vector<1x16xf32>
      tpu.vector_store %arg23[%swap3A_572, %swap3A_573], %swap3A_576 {strides = array<i32>} : memref<16x1024xf32, #tpu.memory_space<vmem>>, vector<1x16xf32>,
      %get3A_577 = arith.constant 14 : i32
      %get3A_578 = arith.index_cast %get3A_577 : i32 to index
      %get3A_579 = arith.index_cast %mul3A_145 : i32 to index
      %get3A_580 = tpu.vector_load %arg13[%get3A_578, %get3A_579] {strides = array<i32>} : memref<16x1024xf32, #tpu.memory_space<vmem>>, vector<1x16xf32>,
      %get3A_581 = vector.shape_cast %get3A_580 : vector<1x16xf32> to vector<16xf32>
      %slice3A_582 = vector.extract_strided_slice %get3A_107 {offsets = [14], sizes = [1], strides = [1]} : vector<16xf32> to vector<1xf32>
      %squeeze3A_583 = vector.extract %slice3A_582[0] : f32 from vector<1xf32>
      %mul3A_584 = vector.broadcast %squeeze3A_583 : f32 to vector<16xf32>
      %mul3A_585 = arith.mulf %get3A_581, %mul3A_584 : vector<16xf32>
      %get3A_586 = arith.constant 14 : i32
      %get3A_587 = arith.index_cast %get3A_586 : i32 to index
      %get3A_588 = arith.index_cast %mul3A_145 : i32 to index
      %get3A_589 = tpu.vector_load %arg14[%get3A_587, %get3A_588] {strides = array<i32>} : memref<16x1024xf32, #tpu.memory_space<vmem>>, vector<1x16xf32>,
      %get3A_590 = vector.shape_cast %get3A_589 : vector<1x16xf32> to vector<16xf32>
      %slice3A_591 = vector.extract_strided_slice %get3A_110 {offsets = [14], sizes = [1], strides = [1]} : vector<16xf32> to vector<1xf32>
      %squeeze3A_592 = vector.extract %slice3A_591[0] : f32 from vector<1xf32>
      %mul3A_593 = vector.broadcast %squeeze3A_592 : f32 to vector<16xf32>
      %mul3A_594 = arith.mulf %get3A_590, %mul3A_593 : vector<16xf32>
      %add3A_595 = arith.addf %mul3A_585, %mul3A_594 : vector<16xf32>
      %get3A_596 = arith.constant 14 : i32
      %get3A_597 = arith.index_cast %get3A_596 : i32 to index
      %get3A_598 = arith.index_cast %mul3A_145 : i32 to index
      %get3A_599 = tpu.vector_load %arg15[%get3A_597, %get3A_598] {strides = array<i32>} : memref<16x1024xf32, #tpu.memory_space<vmem>>, vector<1x16xf32>,
      %get3A_600 = vector.shape_cast %get3A_599 : vector<1x16xf32> to vector<16xf32>
      %add3A_601 = arith.addf %add3A_595, %get3A_600 : vector<16xf32>
      %swap3A_602 = arith.constant 14 : i32
      %swap3A_603 = arith.index_cast %swap3A_602 : i32 to index
      %swap3A_604 = arith.index_cast %mul3A_145 : i32 to index
      %swap3A_605 = tpu.vector_load %arg23[%swap3A_603, %swap3A_604] {strides = array<i32>} : memref<16x1024xf32, #tpu.memory_space<vmem>>, vector<1x16xf32>,
      %swap3A_606 = vector.shape_cast %swap3A_605 : vector<1x16xf32> to vector<16xf32>
      %swap3A_607 = vector.shape_cast %add3A_601 : vector<16xf32> to vector<1x16xf32>
      tpu.vector_store %arg23[%swap3A_603, %swap3A_604], %swap3A_607 {strides = array<i32>} : memref<16x1024xf32, #tpu.memory_space<vmem>>, vector<1x16xf32>,
      %get3A_608 = arith.constant 15 : i32
      %get3A_609 = arith.index_cast %get3A_608 : i32 to index
      %get3A_610 = arith.index_cast %mul3A_145 : i32 to index
      %get3A_611 = tpu.vector_load %arg13[%get3A_609, %get3A_610] {strides = array<i32>} : memref<16x1024xf32, #tpu.memory_space<vmem>>, vector<1x16xf32>,
      %get3A_612 = vector.shape_cast %get3A_611 : vector<1x16xf32> to vector<16xf32>
      %slice3A_613 = vector.extract_strided_slice %get3A_107 {offsets = [15], sizes = [1], strides = [1]} : vector<16xf32> to vector<1xf32>
      %squeeze3A_614 = vector.extract %slice3A_613[0] : f32 from vector<1xf32>
      %mul3A_615 = vector.broadcast %squeeze3A_614 : f32 to vector<16xf32>
      %mul3A_616 = arith.mulf %get3A_612, %mul3A_615 : vector<16xf32>
      %get3A_617 = arith.constant 15 : i32
      %get3A_618 = arith.index_cast %get3A_617 : i32 to index
      %get3A_619 = arith.index_cast %mul3A_145 : i32 to index
      %get3A_620 = tpu.vector_load %arg14[%get3A_618, %get3A_619] {strides = array<i32>} : memref<16x1024xf32, #tpu.memory_space<vmem>>, vector<1x16xf32>,
      %get3A_621 = vector.shape_cast %get3A_620 : vector<1x16xf32> to vector<16xf32>
      %slice3A_622 = vector.extract_strided_slice %get3A_110 {offsets = [15], sizes = [1], strides = [1]} : vector<16xf32> to vector<1xf32>
      %squeeze3A_623 = vector.extract %slice3A_622[0] : f32 from vector<1xf32>
      %mul3A_624 = vector.broadcast %squeeze3A_623 : f32 to vector<16xf32>
      %mul3A_625 = arith.mulf %get3A_621, %mul3A_624 : vector<16xf32>
      %add3A_626 = arith.addf %mul3A_616, %mul3A_625 : vector<16xf32>
      %get3A_627 = arith.constant 15 : i32
      %get3A_628 = arith.index_cast %get3A_627 : i32 to index
      %get3A_629 = arith.index_cast %mul3A_145 : i32 to index
      %get3A_630 = tpu.vector_load %arg15[%get3A_628, %get3A_629] {strides = array<i32>} : memref<16x1024xf32, #tpu.memory_space<vmem>>, vector<1x16xf32>,
      %get3A_631 = vector.shape_cast %get3A_630 : vector<1x16xf32> to vector<16xf32>
      %add3A_632 = arith.addf %add3A_626, %get3A_631 : vector<16xf32>
      %swap3A_633 = arith.constant 15 : i32
      %swap3A_634 = arith.index_cast %swap3A_633 : i32 to index
      %swap3A_635 = arith.index_cast %mul3A_145 : i32 to index
      %swap3A_636 = tpu.vector_load %arg23[%swap3A_634, %swap3A_635] {strides = array<i32>} : memref<16x1024xf32, #tpu.memory_space<vmem>>, vector<1x16xf32>,
      %swap3A_637 = vector.shape_cast %swap3A_636 : vector<1x16xf32> to vector<16xf32>
      %swap3A_638 = vector.shape_cast %add3A_632 : vector<16xf32> to vector<1x16xf32>
      tpu.vector_store %arg23[%swap3A_634, %swap3A_635], %swap3A_638 {strides = array<i32>} : memref<16x1024xf32, #tpu.memory_space<vmem>>, vector<1x16xf32>,
    }
    %scan3A_116 = arith.constant 64 : i32
    %add3A_117 = arith.constant 32 : i32
    %add3A_118 = arith.addi %mul3A_2, %add3A_117 : i32
    "tpu.region"() ({
      %run_scoped3A = tpu.sem_alloc : memref<!tpu.dma_semaphore, #tpu.memory_space<semaphore_mem>>
      %dma_start3A_143 = arith.constant 0 : i32
      %dma_start3A_144 = tpu.memref_slice %arg8[%add3A_118, %dma_start3A_143] : memref<2048x1024xf32, #tpu.memory_space<hbm>> -> memref<16x1024xf32, #tpu.memory_space<hbm>>
      %dma_start3A_145 = arith.constant 0 : i32
      %dma_start3A_146 = tpu.memref_slice %arg8[%add3A_118, %dma_start3A_145] : memref<2048x1024xf32, #tpu.memory_space<hbm>> -> memref<16x1024xf32, #tpu.memory_space<hbm>>
      tpu.enqueue_dma source(%arg23 : memref<16x1024xf32, #tpu.memory_space<vmem>>) target(%dma_start3A_146 : memref<16x1024xf32, #tpu.memory_space<hbm>>) target_semaphore(%run_scoped3A : memref<!tpu.dma_semaphore, #tpu.memory_space<semaphore_mem>>)
      %dma_wait3A_147 = arith.constant 0 : i32
      %dma_wait3A_148 = tpu.memref_slice %arg8[%add3A_118, %dma_wait3A_147] : memref<2048x1024xf32, #tpu.memory_space<hbm>> -> memref<16x1024xf32, #tpu.memory_space<hbm>>
      %dma_wait3A_149 = arith.constant 0 : i32
      %dma_wait3A_150 = tpu.memref_slice %arg8[%add3A_118, %dma_wait3A_149] : memref<2048x1024xf32, #tpu.memory_space<hbm>> -> memref<16x1024xf32, #tpu.memory_space<hbm>>
      tpu.wait_dma2 semaphore(%run_scoped3A : memref<!tpu.dma_semaphore, #tpu.memory_space<semaphore_mem>>) src(%arg23 : memref<16x1024xf32, #tpu.memory_space<vmem>>) dst(%dma_wait3A_150 : memref<16x1024xf32, #tpu.memory_space<hbm>>)
      tpu.yield
    }) : () -> ()
    %dma_wait3A_119 = arith.constant 0 : i32
    %dma_wait3A_120 = arith.constant 0 : i32
    %dma_wait3A_121 = tpu.memref_slice %arg2[%dma_wait3A_119, %dma_wait3A_120] : memref<8192x1024xf32, #tpu.memory_space<hbm>> -> memref<8192x1024xf32, #tpu.memory_space<hbm>>
    tpu.wait_indirect_dma semaphore(%arg25 : memref<!tpu.dma_semaphore, #tpu.memory_space<semaphore_mem>>) src(%dma_wait3A_121 : memref<8192x1024xf32, #tpu.memory_space<hbm>>) dst(%arg20 : memref<16x1024xf32, #tpu.memory_space<vmem>>)
    %dma_wait3A_122 = arith.constant 0 : i32
    %dma_wait3A_123 = arith.constant 0 : i32
    %dma_wait3A_124 = tpu.memref_slice %arg2[%dma_wait3A_122, %dma_wait3A_123] : memref<8192x1024xf32, #tpu.memory_space<hbm>> -> memref<8192x1024xf32, #tpu.memory_space<hbm>>
    tpu.wait_indirect_dma semaphore(%arg25 : memref<!tpu.dma_semaphore, #tpu.memory_space<semaphore_mem>>) src(%dma_wait3A_124 : memref<8192x1024xf32, #tpu.memory_space<hbm>>) dst(%arg21 : memref<16x1024xf32, #tpu.memory_space<vmem>>)
    %dma_wait3A_125 = arith.constant 0 : i32
    %dma_wait3A_126 = tpu.memref_slice %arg7[%add3A_84, %dma_wait3A_125] : memref<2048x1024xf32, #tpu.memory_space<hbm>> -> memref<16x1024xf32, #tpu.memory_space<hbm>>
    %dma_wait3A_127 = arith.constant 0 : i32
    %dma_wait3A_128 = tpu.memref_slice %arg7[%add3A_84, %dma_wait3A_127] : memref<2048x1024xf32, #tpu.memory_space<hbm>> -> memref<16x1024xf32, #tpu.memory_space<hbm>>
    tpu.wait_dma2 semaphore(%arg25 : memref<!tpu.dma_semaphore, #tpu.memory_space<semaphore_mem>>) src(%dma_wait3A_128 : memref<16x1024xf32, #tpu.memory_space<hbm>>) dst(%arg22 : memref<16x1024xf32, #tpu.memory_space<vmem>>)
    %get3A_129 = arith.constant 0 : index
    %get3A_130 = tpu.vector_load %arg18[%get3A_129] {strides = array<i32>} : memref<16xf32, #tpu.memory_space<vmem>>, vector<16xf32>,
    %get3A_131 = vector.shape_cast %get3A_130 : vector<16xf32> to vector<16xf32>
    %get3A_132 = arith.constant 0 : index
    %get3A_133 = tpu.vector_load %arg19[%get3A_132] {strides = array<i32>} : memref<16xf32, #tpu.memory_space<vmem>>, vector<16xf32>,
    %get3A_134 = vector.shape_cast %get3A_133 : vector<16xf32> to vector<16xf32>
    %scan3A_135 = arith.constant 0 : i32
    %scan3A_136 = arith.constant 0 : i32
    %scan3A_137 = arith.constant 64 : i32
    %scan3A_138 = arith.addi %scan3A_136, %scan3A_137 : i32
    %scan3A_139 = arith.constant 1 : i32
    scf.for %scan3A_143 = %scan3A_136 to %scan3A_138 step %scan3A_139  : i32 {
      %mul3A_144 = arith.constant 16 : i32
      %mul3A_145 = arith.muli %scan3A_143, %mul3A_144 : i32
      %get3A_146 = arith.constant 0 : i32
      %get3A_147 = arith.index_cast %get3A_146 : i32 to index
      %get3A_148 = arith.index_cast %mul3A_145 : i32 to index
      %get3A_149 = tpu.vector_load %arg20[%get3A_147, %get3A_148] {strides = array<i32>} : memref<16x1024xf32, #tpu.memory_space<vmem>>, vector<1x16xf32>,
      %get3A_150 = vector.shape_cast %get3A_149 : vector<1x16xf32> to vector<16xf32>
      %slice3A = vector.extract_strided_slice %get3A_131 {offsets = [0], sizes = [1], strides = [1]} : vector<16xf32> to vector<1xf32>
      %squeeze3A = vector.extract %slice3A[0] : f32 from vector<1xf32>
      %mul3A_151 = vector.broadcast %squeeze3A : f32 to vector<16xf32>
      %mul3A_152 = arith.mulf %get3A_150, %mul3A_151 : vector<16xf32>
      %get3A_153 = arith.constant 0 : i32
      %get3A_154 = arith.index_cast %get3A_153 : i32 to index
      %get3A_155 = arith.index_cast %mul3A_145 : i32 to index
      %get3A_156 = tpu.vector_load %arg21[%get3A_154, %get3A_155] {strides = array<i32>} : memref<16x1024xf32, #tpu.memory_space<vmem>>, vector<1x16xf32>,
      %get3A_157 = vector.shape_cast %get3A_156 : vector<1x16xf32> to vector<16xf32>
      %slice3A_158 = vector.extract_strided_slice %get3A_134 {offsets = [0], sizes = [1], strides = [1]} : vector<16xf32> to vector<1xf32>
      %squeeze3A_159 = vector.extract %slice3A_158[0] : f32 from vector<1xf32>
      %mul3A_160 = vector.broadcast %squeeze3A_159 : f32 to vector<16xf32>
      %mul3A_161 = arith.mulf %get3A_157, %mul3A_160 : vector<16xf32>
      %add3A_162 = arith.addf %mul3A_152, %mul3A_161 : vector<16xf32>
      %get3A_163 = arith.constant 0 : i32
      %get3A_164 = arith.index_cast %get3A_163 : i32 to index
      %get3A_165 = arith.index_cast %mul3A_145 : i32 to index
      %get3A_166 = tpu.vector_load %arg22[%get3A_164, %get3A_165] {strides = array<i32>} : memref<16x1024xf32, #tpu.memory_space<vmem>>, vector<1x16xf32>,
      %get3A_167 = vector.shape_cast %get3A_166 : vector<1x16xf32> to vector<16xf32>
      %add3A_168 = arith.addf %add3A_162, %get3A_167 : vector<16xf32>
      %swap3A = arith.constant 0 : i32
      %swap3A_169 = arith.index_cast %swap3A : i32 to index
      %swap3A_170 = arith.index_cast %mul3A_145 : i32 to index
      %swap3A_171 = tpu.vector_load %arg23[%swap3A_169, %swap3A_170] {strides = array<i32>} : memref<16x1024xf32, #tpu.memory_space<vmem>>, vector<1x16xf32>,
      %swap3A_172 = vector.shape_cast %swap3A_171 : vector<1x16xf32> to vector<16xf32>
      %swap3A_173 = vector.shape_cast %add3A_168 : vector<16xf32> to vector<1x16xf32>
      tpu.vector_store %arg23[%swap3A_169, %swap3A_170], %swap3A_173 {strides = array<i32>} : memref<16x1024xf32, #tpu.memory_space<vmem>>, vector<1x16xf32>,
      %get3A_174 = arith.constant 1 : i32
      %get3A_175 = arith.index_cast %get3A_174 : i32 to index
      %get3A_176 = arith.index_cast %mul3A_145 : i32 to index
      %get3A_177 = tpu.vector_load %arg20[%get3A_175, %get3A_176] {strides = array<i32>} : memref<16x1024xf32, #tpu.memory_space<vmem>>, vector<1x16xf32>,
      %get3A_178 = vector.shape_cast %get3A_177 : vector<1x16xf32> to vector<16xf32>
      %slice3A_179 = vector.extract_strided_slice %get3A_131 {offsets = [1], sizes = [1], strides = [1]} : vector<16xf32> to vector<1xf32>
      %squeeze3A_180 = vector.extract %slice3A_179[0] : f32 from vector<1xf32>
      %mul3A_181 = vector.broadcast %squeeze3A_180 : f32 to vector<16xf32>
      %mul3A_182 = arith.mulf %get3A_178, %mul3A_181 : vector<16xf32>
      %get3A_183 = arith.constant 1 : i32
      %get3A_184 = arith.index_cast %get3A_183 : i32 to index
      %get3A_185 = arith.index_cast %mul3A_145 : i32 to index
      %get3A_186 = tpu.vector_load %arg21[%get3A_184, %get3A_185] {strides = array<i32>} : memref<16x1024xf32, #tpu.memory_space<vmem>>, vector<1x16xf32>,
      %get3A_187 = vector.shape_cast %get3A_186 : vector<1x16xf32> to vector<16xf32>
      %slice3A_188 = vector.extract_strided_slice %get3A_134 {offsets = [1], sizes = [1], strides = [1]} : vector<16xf32> to vector<1xf32>
      %squeeze3A_189 = vector.extract %slice3A_188[0] : f32 from vector<1xf32>
      %mul3A_190 = vector.broadcast %squeeze3A_189 : f32 to vector<16xf32>
      %mul3A_191 = arith.mulf %get3A_187, %mul3A_190 : vector<16xf32>
      %add3A_192 = arith.addf %mul3A_182, %mul3A_191 : vector<16xf32>
      %get3A_193 = arith.constant 1 : i32
      %get3A_194 = arith.index_cast %get3A_193 : i32 to index
      %get3A_195 = arith.index_cast %mul3A_145 : i32 to index
      %get3A_196 = tpu.vector_load %arg22[%get3A_194, %get3A_195] {strides = array<i32>} : memref<16x1024xf32, #tpu.memory_space<vmem>>, vector<1x16xf32>,
      %get3A_197 = vector.shape_cast %get3A_196 : vector<1x16xf32> to vector<16xf32>
      %add3A_198 = arith.addf %add3A_192, %get3A_197 : vector<16xf32>
      %swap3A_199 = arith.constant 1 : i32
      %swap3A_200 = arith.index_cast %swap3A_199 : i32 to index
      %swap3A_201 = arith.index_cast %mul3A_145 : i32 to index
      %swap3A_202 = tpu.vector_load %arg23[%swap3A_200, %swap3A_201] {strides = array<i32>} : memref<16x1024xf32, #tpu.memory_space<vmem>>, vector<1x16xf32>,
      %swap3A_203 = vector.shape_cast %swap3A_202 : vector<1x16xf32> to vector<16xf32>
      %swap3A_204 = vector.shape_cast %add3A_198 : vector<16xf32> to vector<1x16xf32>
      tpu.vector_store %arg23[%swap3A_200, %swap3A_201], %swap3A_204 {strides = array<i32>} : memref<16x1024xf32, #tpu.memory_space<vmem>>, vector<1x16xf32>,
      %get3A_205 = arith.constant 2 : i32
      %get3A_206 = arith.index_cast %get3A_205 : i32 to index
      %get3A_207 = arith.index_cast %mul3A_145 : i32 to index
      %get3A_208 = tpu.vector_load %arg20[%get3A_206, %get3A_207] {strides = array<i32>} : memref<16x1024xf32, #tpu.memory_space<vmem>>, vector<1x16xf32>,
      %get3A_209 = vector.shape_cast %get3A_208 : vector<1x16xf32> to vector<16xf32>
      %slice3A_210 = vector.extract_strided_slice %get3A_131 {offsets = [2], sizes = [1], strides = [1]} : vector<16xf32> to vector<1xf32>
      %squeeze3A_211 = vector.extract %slice3A_210[0] : f32 from vector<1xf32>
      %mul3A_212 = vector.broadcast %squeeze3A_211 : f32 to vector<16xf32>
      %mul3A_213 = arith.mulf %get3A_209, %mul3A_212 : vector<16xf32>
      %get3A_214 = arith.constant 2 : i32
      %get3A_215 = arith.index_cast %get3A_214 : i32 to index
      %get3A_216 = arith.index_cast %mul3A_145 : i32 to index
      %get3A_217 = tpu.vector_load %arg21[%get3A_215, %get3A_216] {strides = array<i32>} : memref<16x1024xf32, #tpu.memory_space<vmem>>, vector<1x16xf32>,
      %get3A_218 = vector.shape_cast %get3A_217 : vector<1x16xf32> to vector<16xf32>
      %slice3A_219 = vector.extract_strided_slice %get3A_134 {offsets = [2], sizes = [1], strides = [1]} : vector<16xf32> to vector<1xf32>
      %squeeze3A_220 = vector.extract %slice3A_219[0] : f32 from vector<1xf32>
      %mul3A_221 = vector.broadcast %squeeze3A_220 : f32 to vector<16xf32>
      %mul3A_222 = arith.mulf %get3A_218, %mul3A_221 : vector<16xf32>
      %add3A_223 = arith.addf %mul3A_213, %mul3A_222 : vector<16xf32>
      %get3A_224 = arith.constant 2 : i32
      %get3A_225 = arith.index_cast %get3A_224 : i32 to index
      %get3A_226 = arith.index_cast %mul3A_145 : i32 to index
      %get3A_227 = tpu.vector_load %arg22[%get3A_225, %get3A_226] {strides = array<i32>} : memref<16x1024xf32, #tpu.memory_space<vmem>>, vector<1x16xf32>,
      %get3A_228 = vector.shape_cast %get3A_227 : vector<1x16xf32> to vector<16xf32>
      %add3A_229 = arith.addf %add3A_223, %get3A_228 : vector<16xf32>
      %swap3A_230 = arith.constant 2 : i32
      %swap3A_231 = arith.index_cast %swap3A_230 : i32 to index
      %swap3A_232 = arith.index_cast %mul3A_145 : i32 to index
      %swap3A_233 = tpu.vector_load %arg23[%swap3A_231, %swap3A_232] {strides = array<i32>} : memref<16x1024xf32, #tpu.memory_space<vmem>>, vector<1x16xf32>,
      %swap3A_234 = vector.shape_cast %swap3A_233 : vector<1x16xf32> to vector<16xf32>
      %swap3A_235 = vector.shape_cast %add3A_229 : vector<16xf32> to vector<1x16xf32>
      tpu.vector_store %arg23[%swap3A_231, %swap3A_232], %swap3A_235 {strides = array<i32>} : memref<16x1024xf32, #tpu.memory_space<vmem>>, vector<1x16xf32>,
      %get3A_236 = arith.constant 3 : i32
      %get3A_237 = arith.index_cast %get3A_236 : i32 to index
      %get3A_238 = arith.index_cast %mul3A_145 : i32 to index
      %get3A_239 = tpu.vector_load %arg20[%get3A_237, %get3A_238] {strides = array<i32>} : memref<16x1024xf32, #tpu.memory_space<vmem>>, vector<1x16xf32>,
      %get3A_240 = vector.shape_cast %get3A_239 : vector<1x16xf32> to vector<16xf32>
      %slice3A_241 = vector.extract_strided_slice %get3A_131 {offsets = [3], sizes = [1], strides = [1]} : vector<16xf32> to vector<1xf32>
      %squeeze3A_242 = vector.extract %slice3A_241[0] : f32 from vector<1xf32>
      %mul3A_243 = vector.broadcast %squeeze3A_242 : f32 to vector<16xf32>
      %mul3A_244 = arith.mulf %get3A_240, %mul3A_243 : vector<16xf32>
      %get3A_245 = arith.constant 3 : i32
      %get3A_246 = arith.index_cast %get3A_245 : i32 to index
      %get3A_247 = arith.index_cast %mul3A_145 : i32 to index
      %get3A_248 = tpu.vector_load %arg21[%get3A_246, %get3A_247] {strides = array<i32>} : memref<16x1024xf32, #tpu.memory_space<vmem>>, vector<1x16xf32>,
      %get3A_249 = vector.shape_cast %get3A_248 : vector<1x16xf32> to vector<16xf32>
      %slice3A_250 = vector.extract_strided_slice %get3A_134 {offsets = [3], sizes = [1], strides = [1]} : vector<16xf32> to vector<1xf32>
      %squeeze3A_251 = vector.extract %slice3A_250[0] : f32 from vector<1xf32>
      %mul3A_252 = vector.broadcast %squeeze3A_251 : f32 to vector<16xf32>
      %mul3A_253 = arith.mulf %get3A_249, %mul3A_252 : vector<16xf32>
      %add3A_254 = arith.addf %mul3A_244, %mul3A_253 : vector<16xf32>
      %get3A_255 = arith.constant 3 : i32
      %get3A_256 = arith.index_cast %get3A_255 : i32 to index
      %get3A_257 = arith.index_cast %mul3A_145 : i32 to index
      %get3A_258 = tpu.vector_load %arg22[%get3A_256, %get3A_257] {strides = array<i32>} : memref<16x1024xf32, #tpu.memory_space<vmem>>, vector<1x16xf32>,
      %get3A_259 = vector.shape_cast %get3A_258 : vector<1x16xf32> to vector<16xf32>
      %add3A_260 = arith.addf %add3A_254, %get3A_259 : vector<16xf32>
      %swap3A_261 = arith.constant 3 : i32
      %swap3A_262 = arith.index_cast %swap3A_261 : i32 to index
      %swap3A_263 = arith.index_cast %mul3A_145 : i32 to index
      %swap3A_264 = tpu.vector_load %arg23[%swap3A_262, %swap3A_263] {strides = array<i32>} : memref<16x1024xf32, #tpu.memory_space<vmem>>, vector<1x16xf32>,
      %swap3A_265 = vector.shape_cast %swap3A_264 : vector<1x16xf32> to vector<16xf32>
      %swap3A_266 = vector.shape_cast %add3A_260 : vector<16xf32> to vector<1x16xf32>
      tpu.vector_store %arg23[%swap3A_262, %swap3A_263], %swap3A_266 {strides = array<i32>} : memref<16x1024xf32, #tpu.memory_space<vmem>>, vector<1x16xf32>,
      %get3A_267 = arith.constant 4 : i32
      %get3A_268 = arith.index_cast %get3A_267 : i32 to index
      %get3A_269 = arith.index_cast %mul3A_145 : i32 to index
      %get3A_270 = tpu.vector_load %arg20[%get3A_268, %get3A_269] {strides = array<i32>} : memref<16x1024xf32, #tpu.memory_space<vmem>>, vector<1x16xf32>,
      %get3A_271 = vector.shape_cast %get3A_270 : vector<1x16xf32> to vector<16xf32>
      %slice3A_272 = vector.extract_strided_slice %get3A_131 {offsets = [4], sizes = [1], strides = [1]} : vector<16xf32> to vector<1xf32>
      %squeeze3A_273 = vector.extract %slice3A_272[0] : f32 from vector<1xf32>
      %mul3A_274 = vector.broadcast %squeeze3A_273 : f32 to vector<16xf32>
      %mul3A_275 = arith.mulf %get3A_271, %mul3A_274 : vector<16xf32>
      %get3A_276 = arith.constant 4 : i32
      %get3A_277 = arith.index_cast %get3A_276 : i32 to index
      %get3A_278 = arith.index_cast %mul3A_145 : i32 to index
      %get3A_279 = tpu.vector_load %arg21[%get3A_277, %get3A_278] {strides = array<i32>} : memref<16x1024xf32, #tpu.memory_space<vmem>>, vector<1x16xf32>,
      %get3A_280 = vector.shape_cast %get3A_279 : vector<1x16xf32> to vector<16xf32>
      %slice3A_281 = vector.extract_strided_slice %get3A_134 {offsets = [4], sizes = [1], strides = [1]} : vector<16xf32> to vector<1xf32>
      %squeeze3A_282 = vector.extract %slice3A_281[0] : f32 from vector<1xf32>
      %mul3A_283 = vector.broadcast %squeeze3A_282 : f32 to vector<16xf32>
      %mul3A_284 = arith.mulf %get3A_280, %mul3A_283 : vector<16xf32>
      %add3A_285 = arith.addf %mul3A_275, %mul3A_284 : vector<16xf32>
      %get3A_286 = arith.constant 4 : i32
      %get3A_287 = arith.index_cast %get3A_286 : i32 to index
      %get3A_288 = arith.index_cast %mul3A_145 : i32 to index
      %get3A_289 = tpu.vector_load %arg22[%get3A_287, %get3A_288] {strides = array<i32>} : memref<16x1024xf32, #tpu.memory_space<vmem>>, vector<1x16xf32>,
      %get3A_290 = vector.shape_cast %get3A_289 : vector<1x16xf32> to vector<16xf32>
      %add3A_291 = arith.addf %add3A_285, %get3A_290 : vector<16xf32>
      %swap3A_292 = arith.constant 4 : i32
      %swap3A_293 = arith.index_cast %swap3A_292 : i32 to index
      %swap3A_294 = arith.index_cast %mul3A_145 : i32 to index
      %swap3A_295 = tpu.vector_load %arg23[%swap3A_293, %swap3A_294] {strides = array<i32>} : memref<16x1024xf32, #tpu.memory_space<vmem>>, vector<1x16xf32>,
      %swap3A_296 = vector.shape_cast %swap3A_295 : vector<1x16xf32> to vector<16xf32>
      %swap3A_297 = vector.shape_cast %add3A_291 : vector<16xf32> to vector<1x16xf32>
      tpu.vector_store %arg23[%swap3A_293, %swap3A_294], %swap3A_297 {strides = array<i32>} : memref<16x1024xf32, #tpu.memory_space<vmem>>, vector<1x16xf32>,
      %get3A_298 = arith.constant 5 : i32
      %get3A_299 = arith.index_cast %get3A_298 : i32 to index
      %get3A_300 = arith.index_cast %mul3A_145 : i32 to index
      %get3A_301 = tpu.vector_load %arg20[%get3A_299, %get3A_300] {strides = array<i32>} : memref<16x1024xf32, #tpu.memory_space<vmem>>, vector<1x16xf32>,
      %get3A_302 = vector.shape_cast %get3A_301 : vector<1x16xf32> to vector<16xf32>
      %slice3A_303 = vector.extract_strided_slice %get3A_131 {offsets = [5], sizes = [1], strides = [1]} : vector<16xf32> to vector<1xf32>
      %squeeze3A_304 = vector.extract %slice3A_303[0] : f32 from vector<1xf32>
      %mul3A_305 = vector.broadcast %squeeze3A_304 : f32 to vector<16xf32>
      %mul3A_306 = arith.mulf %get3A_302, %mul3A_305 : vector<16xf32>
      %get3A_307 = arith.constant 5 : i32
      %get3A_308 = arith.index_cast %get3A_307 : i32 to index
      %get3A_309 = arith.index_cast %mul3A_145 : i32 to index
      %get3A_310 = tpu.vector_load %arg21[%get3A_308, %get3A_309] {strides = array<i32>} : memref<16x1024xf32, #tpu.memory_space<vmem>>, vector<1x16xf32>,
      %get3A_311 = vector.shape_cast %get3A_310 : vector<1x16xf32> to vector<16xf32>
      %slice3A_312 = vector.extract_strided_slice %get3A_134 {offsets = [5], sizes = [1], strides = [1]} : vector<16xf32> to vector<1xf32>
      %squeeze3A_313 = vector.extract %slice3A_312[0] : f32 from vector<1xf32>
      %mul3A_314 = vector.broadcast %squeeze3A_313 : f32 to vector<16xf32>
      %mul3A_315 = arith.mulf %get3A_311, %mul3A_314 : vector<16xf32>
      %add3A_316 = arith.addf %mul3A_306, %mul3A_315 : vector<16xf32>
      %get3A_317 = arith.constant 5 : i32
      %get3A_318 = arith.index_cast %get3A_317 : i32 to index
      %get3A_319 = arith.index_cast %mul3A_145 : i32 to index
      %get3A_320 = tpu.vector_load %arg22[%get3A_318, %get3A_319] {strides = array<i32>} : memref<16x1024xf32, #tpu.memory_space<vmem>>, vector<1x16xf32>,
      %get3A_321 = vector.shape_cast %get3A_320 : vector<1x16xf32> to vector<16xf32>
      %add3A_322 = arith.addf %add3A_316, %get3A_321 : vector<16xf32>
      %swap3A_323 = arith.constant 5 : i32
      %swap3A_324 = arith.index_cast %swap3A_323 : i32 to index
      %swap3A_325 = arith.index_cast %mul3A_145 : i32 to index
      %swap3A_326 = tpu.vector_load %arg23[%swap3A_324, %swap3A_325] {strides = array<i32>} : memref<16x1024xf32, #tpu.memory_space<vmem>>, vector<1x16xf32>,
      %swap3A_327 = vector.shape_cast %swap3A_326 : vector<1x16xf32> to vector<16xf32>
      %swap3A_328 = vector.shape_cast %add3A_322 : vector<16xf32> to vector<1x16xf32>
      tpu.vector_store %arg23[%swap3A_324, %swap3A_325], %swap3A_328 {strides = array<i32>} : memref<16x1024xf32, #tpu.memory_space<vmem>>, vector<1x16xf32>,
      %get3A_329 = arith.constant 6 : i32
      %get3A_330 = arith.index_cast %get3A_329 : i32 to index
      %get3A_331 = arith.index_cast %mul3A_145 : i32 to index
      %get3A_332 = tpu.vector_load %arg20[%get3A_330, %get3A_331] {strides = array<i32>} : memref<16x1024xf32, #tpu.memory_space<vmem>>, vector<1x16xf32>,
      %get3A_333 = vector.shape_cast %get3A_332 : vector<1x16xf32> to vector<16xf32>
      %slice3A_334 = vector.extract_strided_slice %get3A_131 {offsets = [6], sizes = [1], strides = [1]} : vector<16xf32> to vector<1xf32>
      %squeeze3A_335 = vector.extract %slice3A_334[0] : f32 from vector<1xf32>
      %mul3A_336 = vector.broadcast %squeeze3A_335 : f32 to vector<16xf32>
      %mul3A_337 = arith.mulf %get3A_333, %mul3A_336 : vector<16xf32>
      %get3A_338 = arith.constant 6 : i32
      %get3A_339 = arith.index_cast %get3A_338 : i32 to index
      %get3A_340 = arith.index_cast %mul3A_145 : i32 to index
      %get3A_341 = tpu.vector_load %arg21[%get3A_339, %get3A_340] {strides = array<i32>} : memref<16x1024xf32, #tpu.memory_space<vmem>>, vector<1x16xf32>,
      %get3A_342 = vector.shape_cast %get3A_341 : vector<1x16xf32> to vector<16xf32>
      %slice3A_343 = vector.extract_strided_slice %get3A_134 {offsets = [6], sizes = [1], strides = [1]} : vector<16xf32> to vector<1xf32>
      %squeeze3A_344 = vector.extract %slice3A_343[0] : f32 from vector<1xf32>
      %mul3A_345 = vector.broadcast %squeeze3A_344 : f32 to vector<16xf32>
      %mul3A_346 = arith.mulf %get3A_342, %mul3A_345 : vector<16xf32>
      %add3A_347 = arith.addf %mul3A_337, %mul3A_346 : vector<16xf32>
      %get3A_348 = arith.constant 6 : i32
      %get3A_349 = arith.index_cast %get3A_348 : i32 to index
      %get3A_350 = arith.index_cast %mul3A_145 : i32 to index
      %get3A_351 = tpu.vector_load %arg22[%get3A_349, %get3A_350] {strides = array<i32>} : memref<16x1024xf32, #tpu.memory_space<vmem>>, vector<1x16xf32>,
      %get3A_352 = vector.shape_cast %get3A_351 : vector<1x16xf32> to vector<16xf32>
      %add3A_353 = arith.addf %add3A_347, %get3A_352 : vector<16xf32>
      %swap3A_354 = arith.constant 6 : i32
      %swap3A_355 = arith.index_cast %swap3A_354 : i32 to index
      %swap3A_356 = arith.index_cast %mul3A_145 : i32 to index
      %swap3A_357 = tpu.vector_load %arg23[%swap3A_355, %swap3A_356] {strides = array<i32>} : memref<16x1024xf32, #tpu.memory_space<vmem>>, vector<1x16xf32>,
      %swap3A_358 = vector.shape_cast %swap3A_357 : vector<1x16xf32> to vector<16xf32>
      %swap3A_359 = vector.shape_cast %add3A_353 : vector<16xf32> to vector<1x16xf32>
      tpu.vector_store %arg23[%swap3A_355, %swap3A_356], %swap3A_359 {strides = array<i32>} : memref<16x1024xf32, #tpu.memory_space<vmem>>, vector<1x16xf32>,
      %get3A_360 = arith.constant 7 : i32
      %get3A_361 = arith.index_cast %get3A_360 : i32 to index
      %get3A_362 = arith.index_cast %mul3A_145 : i32 to index
      %get3A_363 = tpu.vector_load %arg20[%get3A_361, %get3A_362] {strides = array<i32>} : memref<16x1024xf32, #tpu.memory_space<vmem>>, vector<1x16xf32>,
      %get3A_364 = vector.shape_cast %get3A_363 : vector<1x16xf32> to vector<16xf32>
      %slice3A_365 = vector.extract_strided_slice %get3A_131 {offsets = [7], sizes = [1], strides = [1]} : vector<16xf32> to vector<1xf32>
      %squeeze3A_366 = vector.extract %slice3A_365[0] : f32 from vector<1xf32>
      %mul3A_367 = vector.broadcast %squeeze3A_366 : f32 to vector<16xf32>
      %mul3A_368 = arith.mulf %get3A_364, %mul3A_367 : vector<16xf32>
      %get3A_369 = arith.constant 7 : i32
      %get3A_370 = arith.index_cast %get3A_369 : i32 to index
      %get3A_371 = arith.index_cast %mul3A_145 : i32 to index
      %get3A_372 = tpu.vector_load %arg21[%get3A_370, %get3A_371] {strides = array<i32>} : memref<16x1024xf32, #tpu.memory_space<vmem>>, vector<1x16xf32>,
      %get3A_373 = vector.shape_cast %get3A_372 : vector<1x16xf32> to vector<16xf32>
      %slice3A_374 = vector.extract_strided_slice %get3A_134 {offsets = [7], sizes = [1], strides = [1]} : vector<16xf32> to vector<1xf32>
      %squeeze3A_375 = vector.extract %slice3A_374[0] : f32 from vector<1xf32>
      %mul3A_376 = vector.broadcast %squeeze3A_375 : f32 to vector<16xf32>
      %mul3A_377 = arith.mulf %get3A_373, %mul3A_376 : vector<16xf32>
      %add3A_378 = arith.addf %mul3A_368, %mul3A_377 : vector<16xf32>
      %get3A_379 = arith.constant 7 : i32
      %get3A_380 = arith.index_cast %get3A_379 : i32 to index
      %get3A_381 = arith.index_cast %mul3A_145 : i32 to index
      %get3A_382 = tpu.vector_load %arg22[%get3A_380, %get3A_381] {strides = array<i32>} : memref<16x1024xf32, #tpu.memory_space<vmem>>, vector<1x16xf32>,
      %get3A_383 = vector.shape_cast %get3A_382 : vector<1x16xf32> to vector<16xf32>
      %add3A_384 = arith.addf %add3A_378, %get3A_383 : vector<16xf32>
      %swap3A_385 = arith.constant 7 : i32
      %swap3A_386 = arith.index_cast %swap3A_385 : i32 to index
      %swap3A_387 = arith.index_cast %mul3A_145 : i32 to index
      %swap3A_388 = tpu.vector_load %arg23[%swap3A_386, %swap3A_387] {strides = array<i32>} : memref<16x1024xf32, #tpu.memory_space<vmem>>, vector<1x16xf32>,
      %swap3A_389 = vector.shape_cast %swap3A_388 : vector<1x16xf32> to vector<16xf32>
      %swap3A_390 = vector.shape_cast %add3A_384 : vector<16xf32> to vector<1x16xf32>
      tpu.vector_store %arg23[%swap3A_386, %swap3A_387], %swap3A_390 {strides = array<i32>} : memref<16x1024xf32, #tpu.memory_space<vmem>>, vector<1x16xf32>,
      %get3A_391 = arith.constant 8 : i32
      %get3A_392 = arith.index_cast %get3A_391 : i32 to index
      %get3A_393 = arith.index_cast %mul3A_145 : i32 to index
      %get3A_394 = tpu.vector_load %arg20[%get3A_392, %get3A_393] {strides = array<i32>} : memref<16x1024xf32, #tpu.memory_space<vmem>>, vector<1x16xf32>,
      %get3A_395 = vector.shape_cast %get3A_394 : vector<1x16xf32> to vector<16xf32>
      %slice3A_396 = vector.extract_strided_slice %get3A_131 {offsets = [8], sizes = [1], strides = [1]} : vector<16xf32> to vector<1xf32>
      %squeeze3A_397 = vector.extract %slice3A_396[0] : f32 from vector<1xf32>
      %mul3A_398 = vector.broadcast %squeeze3A_397 : f32 to vector<16xf32>
      %mul3A_399 = arith.mulf %get3A_395, %mul3A_398 : vector<16xf32>
      %get3A_400 = arith.constant 8 : i32
      %get3A_401 = arith.index_cast %get3A_400 : i32 to index
      %get3A_402 = arith.index_cast %mul3A_145 : i32 to index
      %get3A_403 = tpu.vector_load %arg21[%get3A_401, %get3A_402] {strides = array<i32>} : memref<16x1024xf32, #tpu.memory_space<vmem>>, vector<1x16xf32>,
      %get3A_404 = vector.shape_cast %get3A_403 : vector<1x16xf32> to vector<16xf32>
      %slice3A_405 = vector.extract_strided_slice %get3A_134 {offsets = [8], sizes = [1], strides = [1]} : vector<16xf32> to vector<1xf32>
      %squeeze3A_406 = vector.extract %slice3A_405[0] : f32 from vector<1xf32>
      %mul3A_407 = vector.broadcast %squeeze3A_406 : f32 to vector<16xf32>
      %mul3A_408 = arith.mulf %get3A_404, %mul3A_407 : vector<16xf32>
      %add3A_409 = arith.addf %mul3A_399, %mul3A_408 : vector<16xf32>
      %get3A_410 = arith.constant 8 : i32
      %get3A_411 = arith.index_cast %get3A_410 : i32 to index
      %get3A_412 = arith.index_cast %mul3A_145 : i32 to index
      %get3A_413 = tpu.vector_load %arg22[%get3A_411, %get3A_412] {strides = array<i32>} : memref<16x1024xf32, #tpu.memory_space<vmem>>, vector<1x16xf32>,
      %get3A_414 = vector.shape_cast %get3A_413 : vector<1x16xf32> to vector<16xf32>
      %add3A_415 = arith.addf %add3A_409, %get3A_414 : vector<16xf32>
      %swap3A_416 = arith.constant 8 : i32
      %swap3A_417 = arith.index_cast %swap3A_416 : i32 to index
      %swap3A_418 = arith.index_cast %mul3A_145 : i32 to index
      %swap3A_419 = tpu.vector_load %arg23[%swap3A_417, %swap3A_418] {strides = array<i32>} : memref<16x1024xf32, #tpu.memory_space<vmem>>, vector<1x16xf32>,
      %swap3A_420 = vector.shape_cast %swap3A_419 : vector<1x16xf32> to vector<16xf32>
      %swap3A_421 = vector.shape_cast %add3A_415 : vector<16xf32> to vector<1x16xf32>
      tpu.vector_store %arg23[%swap3A_417, %swap3A_418], %swap3A_421 {strides = array<i32>} : memref<16x1024xf32, #tpu.memory_space<vmem>>, vector<1x16xf32>,
      %get3A_422 = arith.constant 9 : i32
      %get3A_423 = arith.index_cast %get3A_422 : i32 to index
      %get3A_424 = arith.index_cast %mul3A_145 : i32 to index
      %get3A_425 = tpu.vector_load %arg20[%get3A_423, %get3A_424] {strides = array<i32>} : memref<16x1024xf32, #tpu.memory_space<vmem>>, vector<1x16xf32>,
      %get3A_426 = vector.shape_cast %get3A_425 : vector<1x16xf32> to vector<16xf32>
      %slice3A_427 = vector.extract_strided_slice %get3A_131 {offsets = [9], sizes = [1], strides = [1]} : vector<16xf32> to vector<1xf32>
      %squeeze3A_428 = vector.extract %slice3A_427[0] : f32 from vector<1xf32>
      %mul3A_429 = vector.broadcast %squeeze3A_428 : f32 to vector<16xf32>
      %mul3A_430 = arith.mulf %get3A_426, %mul3A_429 : vector<16xf32>
      %get3A_431 = arith.constant 9 : i32
      %get3A_432 = arith.index_cast %get3A_431 : i32 to index
      %get3A_433 = arith.index_cast %mul3A_145 : i32 to index
      %get3A_434 = tpu.vector_load %arg21[%get3A_432, %get3A_433] {strides = array<i32>} : memref<16x1024xf32, #tpu.memory_space<vmem>>, vector<1x16xf32>,
      %get3A_435 = vector.shape_cast %get3A_434 : vector<1x16xf32> to vector<16xf32>
      %slice3A_436 = vector.extract_strided_slice %get3A_134 {offsets = [9], sizes = [1], strides = [1]} : vector<16xf32> to vector<1xf32>
      %squeeze3A_437 = vector.extract %slice3A_436[0] : f32 from vector<1xf32>
      %mul3A_438 = vector.broadcast %squeeze3A_437 : f32 to vector<16xf32>
      %mul3A_439 = arith.mulf %get3A_435, %mul3A_438 : vector<16xf32>
      %add3A_440 = arith.addf %mul3A_430, %mul3A_439 : vector<16xf32>
      %get3A_441 = arith.constant 9 : i32
      %get3A_442 = arith.index_cast %get3A_441 : i32 to index
      %get3A_443 = arith.index_cast %mul3A_145 : i32 to index
      %get3A_444 = tpu.vector_load %arg22[%get3A_442, %get3A_443] {strides = array<i32>} : memref<16x1024xf32, #tpu.memory_space<vmem>>, vector<1x16xf32>,
      %get3A_445 = vector.shape_cast %get3A_444 : vector<1x16xf32> to vector<16xf32>
      %add3A_446 = arith.addf %add3A_440, %get3A_445 : vector<16xf32>
      %swap3A_447 = arith.constant 9 : i32
      %swap3A_448 = arith.index_cast %swap3A_447 : i32 to index
      %swap3A_449 = arith.index_cast %mul3A_145 : i32 to index
      %swap3A_450 = tpu.vector_load %arg23[%swap3A_448, %swap3A_449] {strides = array<i32>} : memref<16x1024xf32, #tpu.memory_space<vmem>>, vector<1x16xf32>,
      %swap3A_451 = vector.shape_cast %swap3A_450 : vector<1x16xf32> to vector<16xf32>
      %swap3A_452 = vector.shape_cast %add3A_446 : vector<16xf32> to vector<1x16xf32>
      tpu.vector_store %arg23[%swap3A_448, %swap3A_449], %swap3A_452 {strides = array<i32>} : memref<16x1024xf32, #tpu.memory_space<vmem>>, vector<1x16xf32>,
      %get3A_453 = arith.constant 10 : i32
      %get3A_454 = arith.index_cast %get3A_453 : i32 to index
      %get3A_455 = arith.index_cast %mul3A_145 : i32 to index
      %get3A_456 = tpu.vector_load %arg20[%get3A_454, %get3A_455] {strides = array<i32>} : memref<16x1024xf32, #tpu.memory_space<vmem>>, vector<1x16xf32>,
      %get3A_457 = vector.shape_cast %get3A_456 : vector<1x16xf32> to vector<16xf32>
      %slice3A_458 = vector.extract_strided_slice %get3A_131 {offsets = [10], sizes = [1], strides = [1]} : vector<16xf32> to vector<1xf32>
      %squeeze3A_459 = vector.extract %slice3A_458[0] : f32 from vector<1xf32>
      %mul3A_460 = vector.broadcast %squeeze3A_459 : f32 to vector<16xf32>
      %mul3A_461 = arith.mulf %get3A_457, %mul3A_460 : vector<16xf32>
      %get3A_462 = arith.constant 10 : i32
      %get3A_463 = arith.index_cast %get3A_462 : i32 to index
      %get3A_464 = arith.index_cast %mul3A_145 : i32 to index
      %get3A_465 = tpu.vector_load %arg21[%get3A_463, %get3A_464] {strides = array<i32>} : memref<16x1024xf32, #tpu.memory_space<vmem>>, vector<1x16xf32>,
      %get3A_466 = vector.shape_cast %get3A_465 : vector<1x16xf32> to vector<16xf32>
      %slice3A_467 = vector.extract_strided_slice %get3A_134 {offsets = [10], sizes = [1], strides = [1]} : vector<16xf32> to vector<1xf32>
      %squeeze3A_468 = vector.extract %slice3A_467[0] : f32 from vector<1xf32>
      %mul3A_469 = vector.broadcast %squeeze3A_468 : f32 to vector<16xf32>
      %mul3A_470 = arith.mulf %get3A_466, %mul3A_469 : vector<16xf32>
      %add3A_471 = arith.addf %mul3A_461, %mul3A_470 : vector<16xf32>
      %get3A_472 = arith.constant 10 : i32
      %get3A_473 = arith.index_cast %get3A_472 : i32 to index
      %get3A_474 = arith.index_cast %mul3A_145 : i32 to index
      %get3A_475 = tpu.vector_load %arg22[%get3A_473, %get3A_474] {strides = array<i32>} : memref<16x1024xf32, #tpu.memory_space<vmem>>, vector<1x16xf32>,
      %get3A_476 = vector.shape_cast %get3A_475 : vector<1x16xf32> to vector<16xf32>
      %add3A_477 = arith.addf %add3A_471, %get3A_476 : vector<16xf32>
      %swap3A_478 = arith.constant 10 : i32
      %swap3A_479 = arith.index_cast %swap3A_478 : i32 to index
      %swap3A_480 = arith.index_cast %mul3A_145 : i32 to index
      %swap3A_481 = tpu.vector_load %arg23[%swap3A_479, %swap3A_480] {strides = array<i32>} : memref<16x1024xf32, #tpu.memory_space<vmem>>, vector<1x16xf32>,
      %swap3A_482 = vector.shape_cast %swap3A_481 : vector<1x16xf32> to vector<16xf32>
      %swap3A_483 = vector.shape_cast %add3A_477 : vector<16xf32> to vector<1x16xf32>
      tpu.vector_store %arg23[%swap3A_479, %swap3A_480], %swap3A_483 {strides = array<i32>} : memref<16x1024xf32, #tpu.memory_space<vmem>>, vector<1x16xf32>,
      %get3A_484 = arith.constant 11 : i32
      %get3A_485 = arith.index_cast %get3A_484 : i32 to index
      %get3A_486 = arith.index_cast %mul3A_145 : i32 to index
      %get3A_487 = tpu.vector_load %arg20[%get3A_485, %get3A_486] {strides = array<i32>} : memref<16x1024xf32, #tpu.memory_space<vmem>>, vector<1x16xf32>,
      %get3A_488 = vector.shape_cast %get3A_487 : vector<1x16xf32> to vector<16xf32>
      %slice3A_489 = vector.extract_strided_slice %get3A_131 {offsets = [11], sizes = [1], strides = [1]} : vector<16xf32> to vector<1xf32>
      %squeeze3A_490 = vector.extract %slice3A_489[0] : f32 from vector<1xf32>
      %mul3A_491 = vector.broadcast %squeeze3A_490 : f32 to vector<16xf32>
      %mul3A_492 = arith.mulf %get3A_488, %mul3A_491 : vector<16xf32>
      %get3A_493 = arith.constant 11 : i32
      %get3A_494 = arith.index_cast %get3A_493 : i32 to index
      %get3A_495 = arith.index_cast %mul3A_145 : i32 to index
      %get3A_496 = tpu.vector_load %arg21[%get3A_494, %get3A_495] {strides = array<i32>} : memref<16x1024xf32, #tpu.memory_space<vmem>>, vector<1x16xf32>,
      %get3A_497 = vector.shape_cast %get3A_496 : vector<1x16xf32> to vector<16xf32>
      %slice3A_498 = vector.extract_strided_slice %get3A_134 {offsets = [11], sizes = [1], strides = [1]} : vector<16xf32> to vector<1xf32>
      %squeeze3A_499 = vector.extract %slice3A_498[0] : f32 from vector<1xf32>
      %mul3A_500 = vector.broadcast %squeeze3A_499 : f32 to vector<16xf32>
      %mul3A_501 = arith.mulf %get3A_497, %mul3A_500 : vector<16xf32>
      %add3A_502 = arith.addf %mul3A_492, %mul3A_501 : vector<16xf32>
      %get3A_503 = arith.constant 11 : i32
      %get3A_504 = arith.index_cast %get3A_503 : i32 to index
      %get3A_505 = arith.index_cast %mul3A_145 : i32 to index
      %get3A_506 = tpu.vector_load %arg22[%get3A_504, %get3A_505] {strides = array<i32>} : memref<16x1024xf32, #tpu.memory_space<vmem>>, vector<1x16xf32>,
      %get3A_507 = vector.shape_cast %get3A_506 : vector<1x16xf32> to vector<16xf32>
      %add3A_508 = arith.addf %add3A_502, %get3A_507 : vector<16xf32>
      %swap3A_509 = arith.constant 11 : i32
      %swap3A_510 = arith.index_cast %swap3A_509 : i32 to index
      %swap3A_511 = arith.index_cast %mul3A_145 : i32 to index
      %swap3A_512 = tpu.vector_load %arg23[%swap3A_510, %swap3A_511] {strides = array<i32>} : memref<16x1024xf32, #tpu.memory_space<vmem>>, vector<1x16xf32>,
      %swap3A_513 = vector.shape_cast %swap3A_512 : vector<1x16xf32> to vector<16xf32>
      %swap3A_514 = vector.shape_cast %add3A_508 : vector<16xf32> to vector<1x16xf32>
      tpu.vector_store %arg23[%swap3A_510, %swap3A_511], %swap3A_514 {strides = array<i32>} : memref<16x1024xf32, #tpu.memory_space<vmem>>, vector<1x16xf32>,
      %get3A_515 = arith.constant 12 : i32
      %get3A_516 = arith.index_cast %get3A_515 : i32 to index
      %get3A_517 = arith.index_cast %mul3A_145 : i32 to index
      %get3A_518 = tpu.vector_load %arg20[%get3A_516, %get3A_517] {strides = array<i32>} : memref<16x1024xf32, #tpu.memory_space<vmem>>, vector<1x16xf32>,
      %get3A_519 = vector.shape_cast %get3A_518 : vector<1x16xf32> to vector<16xf32>
      %slice3A_520 = vector.extract_strided_slice %get3A_131 {offsets = [12], sizes = [1], strides = [1]} : vector<16xf32> to vector<1xf32>
      %squeeze3A_521 = vector.extract %slice3A_520[0] : f32 from vector<1xf32>
      %mul3A_522 = vector.broadcast %squeeze3A_521 : f32 to vector<16xf32>
      %mul3A_523 = arith.mulf %get3A_519, %mul3A_522 : vector<16xf32>
      %get3A_524 = arith.constant 12 : i32
      %get3A_525 = arith.index_cast %get3A_524 : i32 to index
      %get3A_526 = arith.index_cast %mul3A_145 : i32 to index
      %get3A_527 = tpu.vector_load %arg21[%get3A_525, %get3A_526] {strides = array<i32>} : memref<16x1024xf32, #tpu.memory_space<vmem>>, vector<1x16xf32>,
      %get3A_528 = vector.shape_cast %get3A_527 : vector<1x16xf32> to vector<16xf32>
      %slice3A_529 = vector.extract_strided_slice %get3A_134 {offsets = [12], sizes = [1], strides = [1]} : vector<16xf32> to vector<1xf32>
      %squeeze3A_530 = vector.extract %slice3A_529[0] : f32 from vector<1xf32>
      %mul3A_531 = vector.broadcast %squeeze3A_530 : f32 to vector<16xf32>
      %mul3A_532 = arith.mulf %get3A_528, %mul3A_531 : vector<16xf32>
      %add3A_533 = arith.addf %mul3A_523, %mul3A_532 : vector<16xf32>
      %get3A_534 = arith.constant 12 : i32
      %get3A_535 = arith.index_cast %get3A_534 : i32 to index
      %get3A_536 = arith.index_cast %mul3A_145 : i32 to index
      %get3A_537 = tpu.vector_load %arg22[%get3A_535, %get3A_536] {strides = array<i32>} : memref<16x1024xf32, #tpu.memory_space<vmem>>, vector<1x16xf32>,
      %get3A_538 = vector.shape_cast %get3A_537 : vector<1x16xf32> to vector<16xf32>
      %add3A_539 = arith.addf %add3A_533, %get3A_538 : vector<16xf32>
      %swap3A_540 = arith.constant 12 : i32
      %swap3A_541 = arith.index_cast %swap3A_540 : i32 to index
      %swap3A_542 = arith.index_cast %mul3A_145 : i32 to index
      %swap3A_543 = tpu.vector_load %arg23[%swap3A_541, %swap3A_542] {strides = array<i32>} : memref<16x1024xf32, #tpu.memory_space<vmem>>, vector<1x16xf32>,
      %swap3A_544 = vector.shape_cast %swap3A_543 : vector<1x16xf32> to vector<16xf32>
      %swap3A_545 = vector.shape_cast %add3A_539 : vector<16xf32> to vector<1x16xf32>
      tpu.vector_store %arg23[%swap3A_541, %swap3A_542], %swap3A_545 {strides = array<i32>} : memref<16x1024xf32, #tpu.memory_space<vmem>>, vector<1x16xf32>,
      %get3A_546 = arith.constant 13 : i32
      %get3A_547 = arith.index_cast %get3A_546 : i32 to index
      %get3A_548 = arith.index_cast %mul3A_145 : i32 to index
      %get3A_549 = tpu.vector_load %arg20[%get3A_547, %get3A_548] {strides = array<i32>} : memref<16x1024xf32, #tpu.memory_space<vmem>>, vector<1x16xf32>,
      %get3A_550 = vector.shape_cast %get3A_549 : vector<1x16xf32> to vector<16xf32>
      %slice3A_551 = vector.extract_strided_slice %get3A_131 {offsets = [13], sizes = [1], strides = [1]} : vector<16xf32> to vector<1xf32>
      %squeeze3A_552 = vector.extract %slice3A_551[0] : f32 from vector<1xf32>
      %mul3A_553 = vector.broadcast %squeeze3A_552 : f32 to vector<16xf32>
      %mul3A_554 = arith.mulf %get3A_550, %mul3A_553 : vector<16xf32>
      %get3A_555 = arith.constant 13 : i32
      %get3A_556 = arith.index_cast %get3A_555 : i32 to index
      %get3A_557 = arith.index_cast %mul3A_145 : i32 to index
      %get3A_558 = tpu.vector_load %arg21[%get3A_556, %get3A_557] {strides = array<i32>} : memref<16x1024xf32, #tpu.memory_space<vmem>>, vector<1x16xf32>,
      %get3A_559 = vector.shape_cast %get3A_558 : vector<1x16xf32> to vector<16xf32>
      %slice3A_560 = vector.extract_strided_slice %get3A_134 {offsets = [13], sizes = [1], strides = [1]} : vector<16xf32> to vector<1xf32>
      %squeeze3A_561 = vector.extract %slice3A_560[0] : f32 from vector<1xf32>
      %mul3A_562 = vector.broadcast %squeeze3A_561 : f32 to vector<16xf32>
      %mul3A_563 = arith.mulf %get3A_559, %mul3A_562 : vector<16xf32>
      %add3A_564 = arith.addf %mul3A_554, %mul3A_563 : vector<16xf32>
      %get3A_565 = arith.constant 13 : i32
      %get3A_566 = arith.index_cast %get3A_565 : i32 to index
      %get3A_567 = arith.index_cast %mul3A_145 : i32 to index
      %get3A_568 = tpu.vector_load %arg22[%get3A_566, %get3A_567] {strides = array<i32>} : memref<16x1024xf32, #tpu.memory_space<vmem>>, vector<1x16xf32>,
      %get3A_569 = vector.shape_cast %get3A_568 : vector<1x16xf32> to vector<16xf32>
      %add3A_570 = arith.addf %add3A_564, %get3A_569 : vector<16xf32>
      %swap3A_571 = arith.constant 13 : i32
      %swap3A_572 = arith.index_cast %swap3A_571 : i32 to index
      %swap3A_573 = arith.index_cast %mul3A_145 : i32 to index
      %swap3A_574 = tpu.vector_load %arg23[%swap3A_572, %swap3A_573] {strides = array<i32>} : memref<16x1024xf32, #tpu.memory_space<vmem>>, vector<1x16xf32>,
      %swap3A_575 = vector.shape_cast %swap3A_574 : vector<1x16xf32> to vector<16xf32>
      %swap3A_576 = vector.shape_cast %add3A_570 : vector<16xf32> to vector<1x16xf32>
      tpu.vector_store %arg23[%swap3A_572, %swap3A_573], %swap3A_576 {strides = array<i32>} : memref<16x1024xf32, #tpu.memory_space<vmem>>, vector<1x16xf32>,
      %get3A_577 = arith.constant 14 : i32
      %get3A_578 = arith.index_cast %get3A_577 : i32 to index
      %get3A_579 = arith.index_cast %mul3A_145 : i32 to index
      %get3A_580 = tpu.vector_load %arg20[%get3A_578, %get3A_579] {strides = array<i32>} : memref<16x1024xf32, #tpu.memory_space<vmem>>, vector<1x16xf32>,
      %get3A_581 = vector.shape_cast %get3A_580 : vector<1x16xf32> to vector<16xf32>
      %slice3A_582 = vector.extract_strided_slice %get3A_131 {offsets = [14], sizes = [1], strides = [1]} : vector<16xf32> to vector<1xf32>
      %squeeze3A_583 = vector.extract %slice3A_582[0] : f32 from vector<1xf32>
      %mul3A_584 = vector.broadcast %squeeze3A_583 : f32 to vector<16xf32>
      %mul3A_585 = arith.mulf %get3A_581, %mul3A_584 : vector<16xf32>
      %get3A_586 = arith.constant 14 : i32
      %get3A_587 = arith.index_cast %get3A_586 : i32 to index
      %get3A_588 = arith.index_cast %mul3A_145 : i32 to index
      %get3A_589 = tpu.vector_load %arg21[%get3A_587, %get3A_588] {strides = array<i32>} : memref<16x1024xf32, #tpu.memory_space<vmem>>, vector<1x16xf32>,
      %get3A_590 = vector.shape_cast %get3A_589 : vector<1x16xf32> to vector<16xf32>
      %slice3A_591 = vector.extract_strided_slice %get3A_134 {offsets = [14], sizes = [1], strides = [1]} : vector<16xf32> to vector<1xf32>
      %squeeze3A_592 = vector.extract %slice3A_591[0] : f32 from vector<1xf32>
      %mul3A_593 = vector.broadcast %squeeze3A_592 : f32 to vector<16xf32>
      %mul3A_594 = arith.mulf %get3A_590, %mul3A_593 : vector<16xf32>
      %add3A_595 = arith.addf %mul3A_585, %mul3A_594 : vector<16xf32>
      %get3A_596 = arith.constant 14 : i32
      %get3A_597 = arith.index_cast %get3A_596 : i32 to index
      %get3A_598 = arith.index_cast %mul3A_145 : i32 to index
      %get3A_599 = tpu.vector_load %arg22[%get3A_597, %get3A_598] {strides = array<i32>} : memref<16x1024xf32, #tpu.memory_space<vmem>>, vector<1x16xf32>,
      %get3A_600 = vector.shape_cast %get3A_599 : vector<1x16xf32> to vector<16xf32>
      %add3A_601 = arith.addf %add3A_595, %get3A_600 : vector<16xf32>
      %swap3A_602 = arith.constant 14 : i32
      %swap3A_603 = arith.index_cast %swap3A_602 : i32 to index
      %swap3A_604 = arith.index_cast %mul3A_145 : i32 to index
      %swap3A_605 = tpu.vector_load %arg23[%swap3A_603, %swap3A_604] {strides = array<i32>} : memref<16x1024xf32, #tpu.memory_space<vmem>>, vector<1x16xf32>,
      %swap3A_606 = vector.shape_cast %swap3A_605 : vector<1x16xf32> to vector<16xf32>
      %swap3A_607 = vector.shape_cast %add3A_601 : vector<16xf32> to vector<1x16xf32>
      tpu.vector_store %arg23[%swap3A_603, %swap3A_604], %swap3A_607 {strides = array<i32>} : memref<16x1024xf32, #tpu.memory_space<vmem>>, vector<1x16xf32>,
      %get3A_608 = arith.constant 15 : i32
      %get3A_609 = arith.index_cast %get3A_608 : i32 to index
      %get3A_610 = arith.index_cast %mul3A_145 : i32 to index
      %get3A_611 = tpu.vector_load %arg20[%get3A_609, %get3A_610] {strides = array<i32>} : memref<16x1024xf32, #tpu.memory_space<vmem>>, vector<1x16xf32>,
      %get3A_612 = vector.shape_cast %get3A_611 : vector<1x16xf32> to vector<16xf32>
      %slice3A_613 = vector.extract_strided_slice %get3A_131 {offsets = [15], sizes = [1], strides = [1]} : vector<16xf32> to vector<1xf32>
      %squeeze3A_614 = vector.extract %slice3A_613[0] : f32 from vector<1xf32>
      %mul3A_615 = vector.broadcast %squeeze3A_614 : f32 to vector<16xf32>
      %mul3A_616 = arith.mulf %get3A_612, %mul3A_615 : vector<16xf32>
      %get3A_617 = arith.constant 15 : i32
      %get3A_618 = arith.index_cast %get3A_617 : i32 to index
      %get3A_619 = arith.index_cast %mul3A_145 : i32 to index
      %get3A_620 = tpu.vector_load %arg21[%get3A_618, %get3A_619] {strides = array<i32>} : memref<16x1024xf32, #tpu.memory_space<vmem>>, vector<1x16xf32>,
      %get3A_621 = vector.shape_cast %get3A_620 : vector<1x16xf32> to vector<16xf32>
      %slice3A_622 = vector.extract_strided_slice %get3A_134 {offsets = [15], sizes = [1], strides = [1]} : vector<16xf32> to vector<1xf32>
      %squeeze3A_623 = vector.extract %slice3A_622[0] : f32 from vector<1xf32>
      %mul3A_624 = vector.broadcast %squeeze3A_623 : f32 to vector<16xf32>
      %mul3A_625 = arith.mulf %get3A_621, %mul3A_624 : vector<16xf32>
      %add3A_626 = arith.addf %mul3A_616, %mul3A_625 : vector<16xf32>
      %get3A_627 = arith.constant 15 : i32
      %get3A_628 = arith.index_cast %get3A_627 : i32 to index
      %get3A_629 = arith.index_cast %mul3A_145 : i32 to index
      %get3A_630 = tpu.vector_load %arg22[%get3A_628, %get3A_629] {strides = array<i32>} : memref<16x1024xf32, #tpu.memory_space<vmem>>, vector<1x16xf32>,
      %get3A_631 = vector.shape_cast %get3A_630 : vector<1x16xf32> to vector<16xf32>
      %add3A_632 = arith.addf %add3A_626, %get3A_631 : vector<16xf32>
      %swap3A_633 = arith.constant 15 : i32
      %swap3A_634 = arith.index_cast %swap3A_633 : i32 to index
      %swap3A_635 = arith.index_cast %mul3A_145 : i32 to index
      %swap3A_636 = tpu.vector_load %arg23[%swap3A_634, %swap3A_635] {strides = array<i32>} : memref<16x1024xf32, #tpu.memory_space<vmem>>, vector<1x16xf32>,
      %swap3A_637 = vector.shape_cast %swap3A_636 : vector<1x16xf32> to vector<16xf32>
      %swap3A_638 = vector.shape_cast %add3A_632 : vector<16xf32> to vector<1x16xf32>
      tpu.vector_store %arg23[%swap3A_634, %swap3A_635], %swap3A_638 {strides = array<i32>} : memref<16x1024xf32, #tpu.memory_space<vmem>>, vector<1x16xf32>,
    }
    %scan3A_140 = arith.constant 64 : i32
    %add3A_141 = arith.constant 48 : i32
    %add3A_142 = arith.addi %mul3A_2, %add3A_141 : i32
    "tpu.region"() ({
      %run_scoped3A = tpu.sem_alloc : memref<!tpu.dma_semaphore, #tpu.memory_space<semaphore_mem>>
      %dma_start3A_143 = arith.constant 0 : i32
      %dma_start3A_144 = tpu.memref_slice %arg8[%add3A_142, %dma_start3A_143] : memref<2048x1024xf32, #tpu.memory_space<hbm>> -> memref<16x1024xf32, #tpu.memory_space<hbm>>
      %dma_start3A_145 = arith.constant 0 : i32
      %dma_start3A_146 = tpu.memref_slice %arg8[%add3A_142, %dma_start3A_145] : memref<2048x1024xf32, #tpu.memory_space<hbm>> -> memref<16x1024xf32, #tpu.memory_space<hbm>>
      tpu.enqueue_dma source(%arg23 : memref<16x1024xf32, #tpu.memory_space<vmem>>) target(%dma_start3A_146 : memref<16x1024xf32, #tpu.memory_space<hbm>>) target_semaphore(%run_scoped3A : memref<!tpu.dma_semaphore, #tpu.memory_space<semaphore_mem>>)
      %dma_wait3A_147 = arith.constant 0 : i32
      %dma_wait3A_148 = tpu.memref_slice %arg8[%add3A_142, %dma_wait3A_147] : memref<2048x1024xf32, #tpu.memory_space<hbm>> -> memref<16x1024xf32, #tpu.memory_space<hbm>>
      %dma_wait3A_149 = arith.constant 0 : i32
      %dma_wait3A_150 = tpu.memref_slice %arg8[%add3A_142, %dma_wait3A_149] : memref<2048x1024xf32, #tpu.memory_space<hbm>> -> memref<16x1024xf32, #tpu.memory_space<hbm>>
      tpu.wait_dma2 semaphore(%run_scoped3A : memref<!tpu.dma_semaphore, #tpu.memory_space<semaphore_mem>>) src(%arg23 : memref<16x1024xf32, #tpu.memory_space<vmem>>) dst(%dma_wait3A_150 : memref<16x1024xf32, #tpu.memory_space<hbm>>)
      tpu.yield
    }) : () -> ()
    return
  }
}

#map = affine_map<(d0, d1) -> (0, 0)>
#map1 = affine_map<(d0, d1) -> (0)>
module attributes {stable_mosaic.version = 14 : i64} {
  func.func @_scatter_body(%arg0: i32, %arg1: i32, %arg2: memref<2048x512xi32, #tpu.memory_space<hbm>>, %arg3: memref<2048xi32, #tpu.memory_space<hbm>>, %arg4: memref<2048xi32, #tpu.memory_space<hbm>>, %arg5: memref<8192x512xi32, #tpu.memory_space<hbm>>, %arg6: memref<64xi32, #tpu.memory_space<vmem>>, %arg7: memref<64xi32, #tpu.memory_space<vmem>>, %arg8: memref<64x512xi32, #tpu.memory_space<vmem>>, %arg9: memref<!tpu.dma_semaphore, #tpu.memory_space<semaphore_mem>>, %arg10: memref<!tpu.dma_semaphore, #tpu.memory_space<semaphore_mem>>) attributes {dimension_semantics = [#tpu.dimension_semantics<core_parallel>, #tpu.dimension_semantics<subcore_parallel>], iteration_bounds = array<i64: 2, 16>, scalar_prefetch = 0 : i64, scratch_operands = 5 : i64, tpu.core_type = #tpu.core_type<sc_vector_subcore>, window_params = [{transform_indices = #map}, {transform_indices = #map1}, {transform_indices = #map1}, {transform_indices = #map}]} {
    %mul3A = arith.constant 2 : i32
    %mul3A_0 = arith.muli %arg1, %mul3A : i32
    %add3A = arith.addi %mul3A_0, %arg0 : i32
    %mul3A_1 = arith.constant 64 : i32
    %mul3A_2 = arith.muli %add3A, %mul3A_1 : i32
    "tpu.region"() ({
      %run_scoped3A = tpu.sem_alloc : memref<!tpu.dma_semaphore, #tpu.memory_space<semaphore_mem>>
      %dma_start3A_13 = tpu.memref_slice %arg3[%mul3A_2] : memref<2048xi32, #tpu.memory_space<hbm>> -> memref<64xi32, #tpu.memory_space<hbm>>
      %dma_start3A_14 = tpu.memref_slice %arg3[%mul3A_2] : memref<2048xi32, #tpu.memory_space<hbm>> -> memref<64xi32, #tpu.memory_space<hbm>>
      tpu.enqueue_dma source(%dma_start3A_14 : memref<64xi32, #tpu.memory_space<hbm>>) target(%arg6 : memref<64xi32, #tpu.memory_space<vmem>>) target_semaphore(%run_scoped3A : memref<!tpu.dma_semaphore, #tpu.memory_space<semaphore_mem>>)
      %dma_wait3A_15 = tpu.memref_slice %arg3[%mul3A_2] : memref<2048xi32, #tpu.memory_space<hbm>> -> memref<64xi32, #tpu.memory_space<hbm>>
      %dma_wait3A_16 = tpu.memref_slice %arg3[%mul3A_2] : memref<2048xi32, #tpu.memory_space<hbm>> -> memref<64xi32, #tpu.memory_space<hbm>>
      tpu.wait_dma2 semaphore(%run_scoped3A : memref<!tpu.dma_semaphore, #tpu.memory_space<semaphore_mem>>) src(%dma_wait3A_16 : memref<64xi32, #tpu.memory_space<hbm>>) dst(%arg6 : memref<64xi32, #tpu.memory_space<vmem>>)
      tpu.yield
    }) : () -> ()
    "tpu.region"() ({
      %run_scoped3A = tpu.sem_alloc : memref<!tpu.dma_semaphore, #tpu.memory_space<semaphore_mem>>
      %dma_start3A_13 = tpu.memref_slice %arg4[%mul3A_2] : memref<2048xi32, #tpu.memory_space<hbm>> -> memref<64xi32, #tpu.memory_space<hbm>>
      %dma_start3A_14 = tpu.memref_slice %arg4[%mul3A_2] : memref<2048xi32, #tpu.memory_space<hbm>> -> memref<64xi32, #tpu.memory_space<hbm>>
      tpu.enqueue_dma source(%dma_start3A_14 : memref<64xi32, #tpu.memory_space<hbm>>) target(%arg7 : memref<64xi32, #tpu.memory_space<vmem>>) target_semaphore(%run_scoped3A : memref<!tpu.dma_semaphore, #tpu.memory_space<semaphore_mem>>)
      %dma_wait3A_15 = tpu.memref_slice %arg4[%mul3A_2] : memref<2048xi32, #tpu.memory_space<hbm>> -> memref<64xi32, #tpu.memory_space<hbm>>
      %dma_wait3A_16 = tpu.memref_slice %arg4[%mul3A_2] : memref<2048xi32, #tpu.memory_space<hbm>> -> memref<64xi32, #tpu.memory_space<hbm>>
      tpu.wait_dma2 semaphore(%run_scoped3A : memref<!tpu.dma_semaphore, #tpu.memory_space<semaphore_mem>>) src(%dma_wait3A_16 : memref<64xi32, #tpu.memory_space<hbm>>) dst(%arg7 : memref<64xi32, #tpu.memory_space<vmem>>)
      tpu.yield
    }) : () -> ()
    "tpu.region"() ({
      %run_scoped3A = tpu.sem_alloc : memref<!tpu.dma_semaphore, #tpu.memory_space<semaphore_mem>>
      %dma_start3A_13 = arith.constant 0 : i32
      %dma_start3A_14 = tpu.memref_slice %arg2[%mul3A_2, %dma_start3A_13] : memref<2048x512xi32, #tpu.memory_space<hbm>> -> memref<64x512xi32, #tpu.memory_space<hbm>>
      %dma_start3A_15 = arith.constant 0 : i32
      %dma_start3A_16 = tpu.memref_slice %arg2[%mul3A_2, %dma_start3A_15] : memref<2048x512xi32, #tpu.memory_space<hbm>> -> memref<64x512xi32, #tpu.memory_space<hbm>>
      tpu.enqueue_dma source(%dma_start3A_16 : memref<64x512xi32, #tpu.memory_space<hbm>>) target(%arg8 : memref<64x512xi32, #tpu.memory_space<vmem>>) target_semaphore(%run_scoped3A : memref<!tpu.dma_semaphore, #tpu.memory_space<semaphore_mem>>)
      %dma_wait3A_17 = arith.constant 0 : i32
      %dma_wait3A_18 = tpu.memref_slice %arg2[%mul3A_2, %dma_wait3A_17] : memref<2048x512xi32, #tpu.memory_space<hbm>> -> memref<64x512xi32, #tpu.memory_space<hbm>>
      %dma_wait3A_19 = arith.constant 0 : i32
      %dma_wait3A_20 = tpu.memref_slice %arg2[%mul3A_2, %dma_wait3A_19] : memref<2048x512xi32, #tpu.memory_space<hbm>> -> memref<64x512xi32, #tpu.memory_space<hbm>>
      tpu.wait_dma2 semaphore(%run_scoped3A : memref<!tpu.dma_semaphore, #tpu.memory_space<semaphore_mem>>) src(%dma_wait3A_20 : memref<64x512xi32, #tpu.memory_space<hbm>>) dst(%arg8 : memref<64x512xi32, #tpu.memory_space<vmem>>)
      tpu.yield
    }) : () -> ()
    %dma_start3A = arith.constant 0 : i32
    %dma_start3A_3 = arith.constant 0 : i32
    %dma_start3A_4 = tpu.memref_slice %arg5[%dma_start3A, %dma_start3A_3] : memref<8192x512xi32, #tpu.memory_space<hbm>> -> memref<8192x512xi32, #tpu.memory_space<hbm>>
    tpu.enqueue_indirect_dma source(%arg8 : memref<64x512xi32, #tpu.memory_space<vmem>>) target(%dma_start3A_4 : memref<8192x512xi32, #tpu.memory_space<hbm>>) offsets(%arg6 : memref<64xi32, #tpu.memory_space<vmem>>) semaphore(%arg9 : memref<!tpu.dma_semaphore, #tpu.memory_space<semaphore_mem>>)
    %dma_start3A_5 = arith.constant 0 : i32
    %dma_start3A_6 = arith.constant 0 : i32
    %dma_start3A_7 = tpu.memref_slice %arg5[%dma_start3A_5, %dma_start3A_6] : memref<8192x512xi32, #tpu.memory_space<hbm>> -> memref<8192x512xi32, #tpu.memory_space<hbm>>
    tpu.enqueue_indirect_dma source(%arg8 : memref<64x512xi32, #tpu.memory_space<vmem>>) target(%dma_start3A_7 : memref<8192x512xi32, #tpu.memory_space<hbm>>) offsets(%arg7 : memref<64xi32, #tpu.memory_space<vmem>>) semaphore(%arg10 : memref<!tpu.dma_semaphore, #tpu.memory_space<semaphore_mem>>)
    %dma_wait3A = arith.constant 0 : i32
    %dma_wait3A_8 = arith.constant 0 : i32
    %dma_wait3A_9 = tpu.memref_slice %arg5[%dma_wait3A, %dma_wait3A_8] : memref<8192x512xi32, #tpu.memory_space<hbm>> -> memref<8192x512xi32, #tpu.memory_space<hbm>>
    tpu.wait_indirect_dma semaphore(%arg9 : memref<!tpu.dma_semaphore, #tpu.memory_space<semaphore_mem>>) src(%arg8 : memref<64x512xi32, #tpu.memory_space<vmem>>) dst(%dma_wait3A_9 : memref<8192x512xi32, #tpu.memory_space<hbm>>)
    %dma_wait3A_10 = arith.constant 0 : i32
    %dma_wait3A_11 = arith.constant 0 : i32
    %dma_wait3A_12 = tpu.memref_slice %arg5[%dma_wait3A_10, %dma_wait3A_11] : memref<8192x512xi32, #tpu.memory_space<hbm>> -> memref<8192x512xi32, #tpu.memory_space<hbm>>
    tpu.wait_indirect_dma semaphore(%arg10 : memref<!tpu.dma_semaphore, #tpu.memory_space<semaphore_mem>>) src(%arg8 : memref<64x512xi32, #tpu.memory_space<vmem>>) dst(%dma_wait3A_12 : memref<8192x512xi32, #tpu.memory_space<hbm>>)
    return
  }
}

module attributes {stable_mosaic.version = 14 : i64} {
  func.func @_routing_body(%arg0: memref<2048x1024xf32, #tpu.memory_space<vmem>>, %arg1: memref<16x1024xf32, #tpu.memory_space<vmem>>, %arg2: memref<1x16xf32, #tpu.memory_space<vmem>>, %arg3: memref<2048x1xi32, #tpu.memory_space<vmem>>, %arg4: memref<2048x1xi32, #tpu.memory_space<vmem>>, %arg5: memref<2048x1xf32, #tpu.memory_space<vmem>>, %arg6: memref<2048x1xf32, #tpu.memory_space<vmem>>, %arg7: memref<32x1xi32, #tpu.memory_space<vmem>>, %arg8: memref<1x1xi32, #tpu.memory_space<vmem>>, %arg9: memref<2048x512xi32, #tpu.memory_space<vmem>>) attributes {dimension_semantics = [], scalar_prefetch = 0 : i64, scratch_operands = 0 : i64, tpu.core_type = #tpu.core_type<tc>} {
    %get3A = arith.constant 0 : index
    %get3A_0 = arith.constant 0 : index
    %get3A_1 = vector.load %arg0[%get3A, %get3A_0] : memref<2048x1024xf32, #tpu.memory_space<vmem>>, vector<2048x1024xf32>
    %get3A_2 = arith.constant 0 : index
    %get3A_3 = arith.constant 0 : index
    %get3A_4 = vector.load %arg1[%get3A_2, %get3A_3] : memref<16x1024xf32, #tpu.memory_space<vmem>>, vector<16x1024xf32>
    %get3A_5 = arith.constant 0 : index
    %get3A_6 = arith.constant 0 : index
    %get3A_7 = vector.load %arg2[%get3A_5, %get3A_6] : memref<1x16xf32, #tpu.memory_space<vmem>>, vector<1x16xf32>
    %dot_general3A = arith.constant dense<0.000000e+00> : vector<2048x16xf32>
    %dot_general3A_8 = tpu.matmul %get3A_1, %get3A_4, %dot_general3A {dimension_numbers = #tpu.dot_dimension_numbers<[1], [1], [0], [0], [0, 0, 1, 0], [], []>, transpose_lhs_hint = false} : vector<2048x1024xf32>, vector<16x1024xf32>, vector<2048x16xf32> -> vector<2048x16xf32>
    %add3A = vector.broadcast %get3A_7 : vector<1x16xf32> to vector<2048x16xf32>
    %add3A_9 = arith.addf %dot_general3A_8, %add3A : vector<2048x16xf32>
    %logistic3A = arith.negf %add3A_9 : vector<2048x16xf32>
    %logistic3A_10 = math.exp %logistic3A : vector<2048x16xf32>
    %logistic3A_11 = arith.constant 1.000000e+00 : f32
    %logistic3A_12 = vector.broadcast %logistic3A_11 : f32 to vector<2048x16xf32>
    %logistic3A_13 = arith.addf %logistic3A_12, %logistic3A_10 : vector<2048x16xf32>
    %logistic3A_14 = arith.divf %logistic3A_12, %logistic3A_13 : vector<2048x16xf32>
    %add3A_15 = vector.broadcast %get3A_7 : vector<1x16xf32> to vector<2048x16xf32>
    %add3A_16 = arith.addf %logistic3A_14, %add3A_15 : vector<2048x16xf32>
    %iota3A = tpu.iota {dimensions = array<i32: 1>} : vector<2048x16xi32>
    %jit3A = arith.constant 4 : i32
    %div3A = vector.broadcast %jit3A : i32 to vector<2048x16xi32>
    %div3A_17 = arith.divsi %iota3A, %div3A : vector<2048x16xi32>
    %sign3A = arith.constant 0 : i32
    %sign3A_18 = vector.broadcast %sign3A : i32 to vector<2048x16xi32>
    %sign3A_19 = arith.cmpi sgt, %iota3A, %sign3A_18 : vector<2048x16xi32>
    %sign3A_20 = arith.extui %sign3A_19 : vector<2048x16xi1> to vector<2048x16xi32>
    %sign3A_21 = arith.constant 0 : i32
    %sign3A_22 = vector.broadcast %sign3A_21 : i32 to vector<2048x16xi32>
    %sign3A_23 = arith.cmpi slt, %iota3A, %sign3A_22 : vector<2048x16xi32>
    %sign3A_24 = arith.extui %sign3A_23 : vector<2048x16xi1> to vector<2048x16xi32>
    %sign3A_25 = arith.subi %sign3A_20, %sign3A_24 : vector<2048x16xi32>
    %sign3A_26 = arith.constant 0 : i32
    %sign3A_27 = arith.cmpi sgt, %jit3A, %sign3A_26 : i32
    %sign3A_28 = arith.extui %sign3A_27 : i1 to i32
    %sign3A_29 = arith.constant 0 : i32
    %sign3A_30 = arith.cmpi slt, %jit3A, %sign3A_29 : i32
    %sign3A_31 = arith.extui %sign3A_30 : i1 to i32
    %sign3A_32 = arith.subi %sign3A_28, %sign3A_31 : i32
    %ne3A = vector.broadcast %sign3A_32 : i32 to vector<2048x16xi32>
    %ne3A_33 = arith.cmpi ne, %sign3A_25, %ne3A : vector<2048x16xi32>
    %rem3A = vector.broadcast %jit3A : i32 to vector<2048x16xi32>
    %rem3A_34 = arith.remsi %iota3A, %rem3A : vector<2048x16xi32>
    %ne3A_35 = arith.constant 0 : i32
    %ne3A_36 = vector.broadcast %ne3A_35 : i32 to vector<2048x16xi32>
    %ne3A_37 = arith.cmpi ne, %rem3A_34, %ne3A_36 : vector<2048x16xi32>
    %and3A = arith.andi %ne3A_33, %ne3A_37 : vector<2048x16xi1>
    %sub3A = arith.constant 1 : i32
    %sub3A_38 = vector.broadcast %sub3A : i32 to vector<2048x16xi32>
    %sub3A_39 = arith.subi %div3A_17, %sub3A_38 : vector<2048x16xi32>
    %select_n3A = arith.select %and3A, %sub3A_39, %div3A_17 : vector<2048x16xi1>, vector<2048x16xi32>
    %eq3A = arith.constant 0 : i32
    %eq3A_40 = vector.broadcast %eq3A : i32 to vector<2048x16xi32>
    %eq3A_41 = arith.cmpi eq, %select_n3A, %eq3A_40 : vector<2048x16xi32>
    %jit3A_42 = arith.constant -1.000000e+30 : f32
    %broadcast_in_dim3A = vector.broadcast %jit3A_42 : f32 to vector<2048x16xf32>
    %select_n3A_43 = arith.select %eq3A_41, %add3A_16, %broadcast_in_dim3A : vector<2048x16xi1>, vector<2048x16xf32>
    %reduce_max3A = arith.constant dense<0xFF800000> : vector<2048xf32>
    %reduce_max3A_44 = vector.multi_reduction <maximumf>, %select_n3A_43, %reduce_max3A [1] : vector<2048x16xf32> to vector<2048xf32>
    %broadcast_in_dim3A_45 = vector.shape_cast %reduce_max3A_44 : vector<2048xf32> to vector<2048x1xf32>
    %eq3A_46 = vector.broadcast %broadcast_in_dim3A_45 : vector<2048x1xf32> to vector<2048x16xf32>
    %eq3A_47 = arith.cmpf oeq, %add3A_16, %eq3A_46 : vector<2048x16xf32>
    %and3A_48 = arith.andi %eq3A_41, %eq3A_47 : vector<2048x16xi1>
    %jit3A_49 = arith.constant 99 : i32
    %broadcast_in_dim3A_50 = vector.broadcast %jit3A_49 : i32 to vector<2048x16xi32>
    %select_n3A_51 = arith.select %and3A_48, %iota3A, %broadcast_in_dim3A_50 : vector<2048x16xi1>, vector<2048x16xi32>
    %reduce_min3A = arith.constant dense<2147483647> : vector<2048xi32>
    %reduce_min3A_52 = vector.multi_reduction <minsi>, %select_n3A_51, %reduce_min3A [1] : vector<2048x16xi32> to vector<2048xi32>
    %broadcast_in_dim3A_53 = vector.shape_cast %reduce_min3A_52 : vector<2048xi32> to vector<2048x1xi32>
    %ne3A_54 = vector.broadcast %broadcast_in_dim3A_53 : vector<2048x1xi32> to vector<2048x16xi32>
    %ne3A_55 = arith.cmpi ne, %iota3A, %ne3A_54 : vector<2048x16xi32>
    %and3A_56 = arith.andi %eq3A_41, %ne3A_55 : vector<2048x16xi1>
    %jit3A_57 = arith.constant -1.000000e+30 : f32
    %broadcast_in_dim3A_58 = vector.broadcast %jit3A_57 : f32 to vector<2048x16xf32>
    %select_n3A_59 = arith.select %and3A_56, %add3A_16, %broadcast_in_dim3A_58 : vector<2048x16xi1>, vector<2048x16xf32>
    %reduce_max3A_60 = arith.constant dense<0xFF800000> : vector<2048xf32>
    %reduce_max3A_61 = vector.multi_reduction <maximumf>, %select_n3A_59, %reduce_max3A_60 [1] : vector<2048x16xf32> to vector<2048xf32>
    %broadcast_in_dim3A_62 = vector.shape_cast %reduce_max3A_61 : vector<2048xf32> to vector<2048x1xf32>
    %add3A_63 = arith.addf %broadcast_in_dim3A_45, %broadcast_in_dim3A_62 : vector<2048x1xf32>
    %eq3A_64 = arith.constant 1 : i32
    %eq3A_65 = vector.broadcast %eq3A_64 : i32 to vector<2048x16xi32>
    %eq3A_66 = arith.cmpi eq, %select_n3A, %eq3A_65 : vector<2048x16xi32>
    %jit3A_67 = arith.constant -1.000000e+30 : f32
    %broadcast_in_dim3A_68 = vector.broadcast %jit3A_67 : f32 to vector<2048x16xf32>
    %select_n3A_69 = arith.select %eq3A_66, %add3A_16, %broadcast_in_dim3A_68 : vector<2048x16xi1>, vector<2048x16xf32>
    %reduce_max3A_70 = arith.constant dense<0xFF800000> : vector<2048xf32>
    %reduce_max3A_71 = vector.multi_reduction <maximumf>, %select_n3A_69, %reduce_max3A_70 [1] : vector<2048x16xf32> to vector<2048xf32>
    %broadcast_in_dim3A_72 = vector.shape_cast %reduce_max3A_71 : vector<2048xf32> to vector<2048x1xf32>
    %eq3A_73 = vector.broadcast %broadcast_in_dim3A_72 : vector<2048x1xf32> to vector<2048x16xf32>
    %eq3A_74 = arith.cmpf oeq, %add3A_16, %eq3A_73 : vector<2048x16xf32>
    %and3A_75 = arith.andi %eq3A_66, %eq3A_74 : vector<2048x16xi1>
    %jit3A_76 = arith.constant 99 : i32
    %broadcast_in_dim3A_77 = vector.broadcast %jit3A_76 : i32 to vector<2048x16xi32>
    %select_n3A_78 = arith.select %and3A_75, %iota3A, %broadcast_in_dim3A_77 : vector<2048x16xi1>, vector<2048x16xi32>
    %reduce_min3A_79 = arith.constant dense<2147483647> : vector<2048xi32>
    %reduce_min3A_80 = vector.multi_reduction <minsi>, %select_n3A_78, %reduce_min3A_79 [1] : vector<2048x16xi32> to vector<2048xi32>
    %broadcast_in_dim3A_81 = vector.shape_cast %reduce_min3A_80 : vector<2048xi32> to vector<2048x1xi32>
    %ne3A_82 = vector.broadcast %broadcast_in_dim3A_81 : vector<2048x1xi32> to vector<2048x16xi32>
    %ne3A_83 = arith.cmpi ne, %iota3A, %ne3A_82 : vector<2048x16xi32>
    %and3A_84 = arith.andi %eq3A_66, %ne3A_83 : vector<2048x16xi1>
    %jit3A_85 = arith.constant -1.000000e+30 : f32
    %broadcast_in_dim3A_86 = vector.broadcast %jit3A_85 : f32 to vector<2048x16xf32>
    %select_n3A_87 = arith.select %and3A_84, %add3A_16, %broadcast_in_dim3A_86 : vector<2048x16xi1>, vector<2048x16xf32>
    %reduce_max3A_88 = arith.constant dense<0xFF800000> : vector<2048xf32>
    %reduce_max3A_89 = vector.multi_reduction <maximumf>, %select_n3A_87, %reduce_max3A_88 [1] : vector<2048x16xf32> to vector<2048xf32>
    %broadcast_in_dim3A_90 = vector.shape_cast %reduce_max3A_89 : vector<2048xf32> to vector<2048x1xf32>
    %add3A_91 = arith.addf %broadcast_in_dim3A_72, %broadcast_in_dim3A_90 : vector<2048x1xf32>
    %eq3A_92 = arith.constant 2 : i32
    %eq3A_93 = vector.broadcast %eq3A_92 : i32 to vector<2048x16xi32>
    %eq3A_94 = arith.cmpi eq, %select_n3A, %eq3A_93 : vector<2048x16xi32>
    %jit3A_95 = arith.constant -1.000000e+30 : f32
    %broadcast_in_dim3A_96 = vector.broadcast %jit3A_95 : f32 to vector<2048x16xf32>
    %select_n3A_97 = arith.select %eq3A_94, %add3A_16, %broadcast_in_dim3A_96 : vector<2048x16xi1>, vector<2048x16xf32>
    %reduce_max3A_98 = arith.constant dense<0xFF800000> : vector<2048xf32>
    %reduce_max3A_99 = vector.multi_reduction <maximumf>, %select_n3A_97, %reduce_max3A_98 [1] : vector<2048x16xf32> to vector<2048xf32>
    %broadcast_in_dim3A_100 = vector.shape_cast %reduce_max3A_99 : vector<2048xf32> to vector<2048x1xf32>
    %eq3A_101 = vector.broadcast %broadcast_in_dim3A_100 : vector<2048x1xf32> to vector<2048x16xf32>
    %eq3A_102 = arith.cmpf oeq, %add3A_16, %eq3A_101 : vector<2048x16xf32>
    %and3A_103 = arith.andi %eq3A_94, %eq3A_102 : vector<2048x16xi1>
    %jit3A_104 = arith.constant 99 : i32
    %broadcast_in_dim3A_105 = vector.broadcast %jit3A_104 : i32 to vector<2048x16xi32>
    %select_n3A_106 = arith.select %and3A_103, %iota3A, %broadcast_in_dim3A_105 : vector<2048x16xi1>, vector<2048x16xi32>
    %reduce_min3A_107 = arith.constant dense<2147483647> : vector<2048xi32>
    %reduce_min3A_108 = vector.multi_reduction <minsi>, %select_n3A_106, %reduce_min3A_107 [1] : vector<2048x16xi32> to vector<2048xi32>
    %broadcast_in_dim3A_109 = vector.shape_cast %reduce_min3A_108 : vector<2048xi32> to vector<2048x1xi32>
    %ne3A_110 = vector.broadcast %broadcast_in_dim3A_109 : vector<2048x1xi32> to vector<2048x16xi32>
    %ne3A_111 = arith.cmpi ne, %iota3A, %ne3A_110 : vector<2048x16xi32>
    %and3A_112 = arith.andi %eq3A_94, %ne3A_111 : vector<2048x16xi1>
    %jit3A_113 = arith.constant -1.000000e+30 : f32
    %broadcast_in_dim3A_114 = vector.broadcast %jit3A_113 : f32 to vector<2048x16xf32>
    %select_n3A_115 = arith.select %and3A_112, %add3A_16, %broadcast_in_dim3A_114 : vector<2048x16xi1>, vector<2048x16xf32>
    %reduce_max3A_116 = arith.constant dense<0xFF800000> : vector<2048xf32>
    %reduce_max3A_117 = vector.multi_reduction <maximumf>, %select_n3A_115, %reduce_max3A_116 [1] : vector<2048x16xf32> to vector<2048xf32>
    %broadcast_in_dim3A_118 = vector.shape_cast %reduce_max3A_117 : vector<2048xf32> to vector<2048x1xf32>
    %add3A_119 = arith.addf %broadcast_in_dim3A_100, %broadcast_in_dim3A_118 : vector<2048x1xf32>
    %eq3A_120 = arith.constant 3 : i32
    %eq3A_121 = vector.broadcast %eq3A_120 : i32 to vector<2048x16xi32>
    %eq3A_122 = arith.cmpi eq, %select_n3A, %eq3A_121 : vector<2048x16xi32>
    %jit3A_123 = arith.constant -1.000000e+30 : f32
    %broadcast_in_dim3A_124 = vector.broadcast %jit3A_123 : f32 to vector<2048x16xf32>
    %select_n3A_125 = arith.select %eq3A_122, %add3A_16, %broadcast_in_dim3A_124 : vector<2048x16xi1>, vector<2048x16xf32>
    %reduce_max3A_126 = arith.constant dense<0xFF800000> : vector<2048xf32>
    %reduce_max3A_127 = vector.multi_reduction <maximumf>, %select_n3A_125, %reduce_max3A_126 [1] : vector<2048x16xf32> to vector<2048xf32>
    %broadcast_in_dim3A_128 = vector.shape_cast %reduce_max3A_127 : vector<2048xf32> to vector<2048x1xf32>
    %eq3A_129 = vector.broadcast %broadcast_in_dim3A_128 : vector<2048x1xf32> to vector<2048x16xf32>
    %eq3A_130 = arith.cmpf oeq, %add3A_16, %eq3A_129 : vector<2048x16xf32>
    %and3A_131 = arith.andi %eq3A_122, %eq3A_130 : vector<2048x16xi1>
    %jit3A_132 = arith.constant 99 : i32
    %broadcast_in_dim3A_133 = vector.broadcast %jit3A_132 : i32 to vector<2048x16xi32>
    %select_n3A_134 = arith.select %and3A_131, %iota3A, %broadcast_in_dim3A_133 : vector<2048x16xi1>, vector<2048x16xi32>
    %reduce_min3A_135 = arith.constant dense<2147483647> : vector<2048xi32>
    %reduce_min3A_136 = vector.multi_reduction <minsi>, %select_n3A_134, %reduce_min3A_135 [1] : vector<2048x16xi32> to vector<2048xi32>
    %broadcast_in_dim3A_137 = vector.shape_cast %reduce_min3A_136 : vector<2048xi32> to vector<2048x1xi32>
    %ne3A_138 = vector.broadcast %broadcast_in_dim3A_137 : vector<2048x1xi32> to vector<2048x16xi32>
    %ne3A_139 = arith.cmpi ne, %iota3A, %ne3A_138 : vector<2048x16xi32>
    %and3A_140 = arith.andi %eq3A_122, %ne3A_139 : vector<2048x16xi1>
    %jit3A_141 = arith.constant -1.000000e+30 : f32
    %broadcast_in_dim3A_142 = vector.broadcast %jit3A_141 : f32 to vector<2048x16xf32>
    %select_n3A_143 = arith.select %and3A_140, %add3A_16, %broadcast_in_dim3A_142 : vector<2048x16xi1>, vector<2048x16xf32>
    %reduce_max3A_144 = arith.constant dense<0xFF800000> : vector<2048xf32>
    %reduce_max3A_145 = vector.multi_reduction <maximumf>, %select_n3A_143, %reduce_max3A_144 [1] : vector<2048x16xf32> to vector<2048xf32>
    %broadcast_in_dim3A_146 = vector.shape_cast %reduce_max3A_145 : vector<2048xf32> to vector<2048x1xf32>
    %add3A_147 = arith.addf %broadcast_in_dim3A_128, %broadcast_in_dim3A_146 : vector<2048x1xf32>
    %concatenate3A = tpu.concatenate %add3A_63, %add3A_91, %add3A_119, %add3A_147 in 1 : vector<2048x1xf32>, vector<2048x1xf32>, vector<2048x1xf32>, vector<2048x1xf32> -> vector<2048x4xf32>
    %iota3A_148 = tpu.iota {dimensions = array<i32: 1>} : vector<2048x4xi32>
    %reduce_max3A_149 = arith.constant dense<0xFF800000> : vector<2048xf32>
    %reduce_max3A_150 = vector.multi_reduction <maximumf>, %concatenate3A, %reduce_max3A_149 [1] : vector<2048x4xf32> to vector<2048xf32>
    %broadcast_in_dim3A_151 = vector.shape_cast %reduce_max3A_150 : vector<2048xf32> to vector<2048x1xf32>
    %eq3A_152 = vector.broadcast %broadcast_in_dim3A_151 : vector<2048x1xf32> to vector<2048x4xf32>
    %eq3A_153 = arith.cmpf oeq, %concatenate3A, %eq3A_152 : vector<2048x4xf32>
    %jit3A_154 = arith.constant 99 : i32
    %broadcast_in_dim3A_155 = vector.broadcast %jit3A_154 : i32 to vector<2048x4xi32>
    %select_n3A_156 = arith.select %eq3A_153, %iota3A_148, %broadcast_in_dim3A_155 : vector<2048x4xi1>, vector<2048x4xi32>
    %reduce_min3A_157 = arith.constant dense<2147483647> : vector<2048xi32>
    %reduce_min3A_158 = vector.multi_reduction <minsi>, %select_n3A_156, %reduce_min3A_157 [1] : vector<2048x4xi32> to vector<2048xi32>
    %broadcast_in_dim3A_159 = vector.shape_cast %reduce_min3A_158 : vector<2048xi32> to vector<2048x1xi32>
    %eq3A_160 = vector.broadcast %broadcast_in_dim3A_159 : vector<2048x1xi32> to vector<2048x4xi32>
    %eq3A_161 = arith.cmpi eq, %iota3A_148, %eq3A_160 : vector<2048x4xi32>
    %jit3A_162 = arith.constant -1.000000e+30 : f32
    %broadcast_in_dim3A_163 = vector.broadcast %jit3A_162 : f32 to vector<2048x4xf32>
    %select_n3A_164 = arith.select %eq3A_161, %broadcast_in_dim3A_163, %concatenate3A : vector<2048x4xi1>, vector<2048x4xf32>
    %reduce_max3A_165 = arith.constant dense<0xFF800000> : vector<2048xf32>
    %reduce_max3A_166 = vector.multi_reduction <maximumf>, %select_n3A_164, %reduce_max3A_165 [1] : vector<2048x4xf32> to vector<2048xf32>
    %broadcast_in_dim3A_167 = vector.shape_cast %reduce_max3A_166 : vector<2048xf32> to vector<2048x1xf32>
    %eq3A_168 = vector.broadcast %broadcast_in_dim3A_167 : vector<2048x1xf32> to vector<2048x4xf32>
    %eq3A_169 = arith.cmpf oeq, %select_n3A_164, %eq3A_168 : vector<2048x4xf32>
    %jit3A_170 = arith.constant 99 : i32
    %broadcast_in_dim3A_171 = vector.broadcast %jit3A_170 : i32 to vector<2048x4xi32>
    %select_n3A_172 = arith.select %eq3A_169, %iota3A_148, %broadcast_in_dim3A_171 : vector<2048x4xi1>, vector<2048x4xi32>
    %reduce_min3A_173 = arith.constant dense<2147483647> : vector<2048xi32>
    %reduce_min3A_174 = vector.multi_reduction <minsi>, %select_n3A_172, %reduce_min3A_173 [1] : vector<2048x4xi32> to vector<2048xi32>
    %broadcast_in_dim3A_175 = vector.shape_cast %reduce_min3A_174 : vector<2048xi32> to vector<2048x1xi32>
    %eq3A_176 = vector.broadcast %broadcast_in_dim3A_159 : vector<2048x1xi32> to vector<2048x16xi32>
    %eq3A_177 = arith.cmpi eq, %select_n3A, %eq3A_176 : vector<2048x16xi32>
    %eq3A_178 = vector.broadcast %broadcast_in_dim3A_175 : vector<2048x1xi32> to vector<2048x16xi32>
    %eq3A_179 = arith.cmpi eq, %select_n3A, %eq3A_178 : vector<2048x16xi32>
    %or3A = arith.ori %eq3A_177, %eq3A_179 : vector<2048x16xi1>
    %jit3A_180 = arith.constant -1.000000e+30 : f32
    %broadcast_in_dim3A_181 = vector.broadcast %jit3A_180 : f32 to vector<2048x16xf32>
    %select_n3A_182 = arith.select %or3A, %add3A_16, %broadcast_in_dim3A_181 : vector<2048x16xi1>, vector<2048x16xf32>
    %reduce_max3A_183 = arith.constant dense<0xFF800000> : vector<2048xf32>
    %reduce_max3A_184 = vector.multi_reduction <maximumf>, %select_n3A_182, %reduce_max3A_183 [1] : vector<2048x16xf32> to vector<2048xf32>
    %broadcast_in_dim3A_185 = vector.shape_cast %reduce_max3A_184 : vector<2048xf32> to vector<2048x1xf32>
    %eq3A_186 = vector.broadcast %broadcast_in_dim3A_185 : vector<2048x1xf32> to vector<2048x16xf32>
    %eq3A_187 = arith.cmpf oeq, %select_n3A_182, %eq3A_186 : vector<2048x16xf32>
    %jit3A_188 = arith.constant 99 : i32
    %broadcast_in_dim3A_189 = vector.broadcast %jit3A_188 : i32 to vector<2048x16xi32>
    %select_n3A_190 = arith.select %eq3A_187, %iota3A, %broadcast_in_dim3A_189 : vector<2048x16xi1>, vector<2048x16xi32>
    %reduce_min3A_191 = arith.constant dense<2147483647> : vector<2048xi32>
    %reduce_min3A_192 = vector.multi_reduction <minsi>, %select_n3A_190, %reduce_min3A_191 [1] : vector<2048x16xi32> to vector<2048xi32>
    %broadcast_in_dim3A_193 = vector.shape_cast %reduce_min3A_192 : vector<2048xi32> to vector<2048x1xi32>
    %eq3A_194 = vector.broadcast %broadcast_in_dim3A_193 : vector<2048x1xi32> to vector<2048x16xi32>
    %eq3A_195 = arith.cmpi eq, %iota3A, %eq3A_194 : vector<2048x16xi32>
    %jit3A_196 = arith.constant -1.000000e+30 : f32
    %broadcast_in_dim3A_197 = vector.broadcast %jit3A_196 : f32 to vector<2048x16xf32>
    %select_n3A_198 = arith.select %eq3A_195, %broadcast_in_dim3A_197, %select_n3A_182 : vector<2048x16xi1>, vector<2048x16xf32>
    %reduce_max3A_199 = arith.constant dense<0xFF800000> : vector<2048xf32>
    %reduce_max3A_200 = vector.multi_reduction <maximumf>, %select_n3A_198, %reduce_max3A_199 [1] : vector<2048x16xf32> to vector<2048xf32>
    %broadcast_in_dim3A_201 = vector.shape_cast %reduce_max3A_200 : vector<2048xf32> to vector<2048x1xf32>
    %eq3A_202 = vector.broadcast %broadcast_in_dim3A_201 : vector<2048x1xf32> to vector<2048x16xf32>
    %eq3A_203 = arith.cmpf oeq, %select_n3A_198, %eq3A_202 : vector<2048x16xf32>
    %jit3A_204 = arith.constant 99 : i32
    %broadcast_in_dim3A_205 = vector.broadcast %jit3A_204 : i32 to vector<2048x16xi32>
    %select_n3A_206 = arith.select %eq3A_203, %iota3A, %broadcast_in_dim3A_205 : vector<2048x16xi1>, vector<2048x16xi32>
    %reduce_min3A_207 = arith.constant dense<2147483647> : vector<2048xi32>
    %reduce_min3A_208 = vector.multi_reduction <minsi>, %select_n3A_206, %reduce_min3A_207 [1] : vector<2048x16xi32> to vector<2048xi32>
    %broadcast_in_dim3A_209 = vector.shape_cast %reduce_min3A_208 : vector<2048xi32> to vector<2048x1xi32>
    %eq3A_210 = vector.broadcast %broadcast_in_dim3A_193 : vector<2048x1xi32> to vector<2048x16xi32>
    %eq3A_211 = arith.cmpi eq, %iota3A, %eq3A_210 : vector<2048x16xi32>
    %jit3A_212 = arith.constant 0.000000e+00 : f32
    %broadcast_in_dim3A_213 = vector.broadcast %jit3A_212 : f32 to vector<2048x16xf32>
    %select_n3A_214 = arith.select %eq3A_211, %logistic3A_14, %broadcast_in_dim3A_213 : vector<2048x16xi1>, vector<2048x16xf32>
    %reduce_sum3A = arith.constant dense<0.000000e+00> : vector<2048xf32>
    %reduce_sum3A_215 = vector.multi_reduction <add>, %select_n3A_214, %reduce_sum3A [1] : vector<2048x16xf32> to vector<2048xf32>
    %broadcast_in_dim3A_216 = vector.shape_cast %reduce_sum3A_215 : vector<2048xf32> to vector<2048x1xf32>
    %eq3A_217 = vector.broadcast %broadcast_in_dim3A_209 : vector<2048x1xi32> to vector<2048x16xi32>
    %eq3A_218 = arith.cmpi eq, %iota3A, %eq3A_217 : vector<2048x16xi32>
    %jit3A_219 = arith.constant 0.000000e+00 : f32
    %broadcast_in_dim3A_220 = vector.broadcast %jit3A_219 : f32 to vector<2048x16xf32>
    %select_n3A_221 = arith.select %eq3A_218, %logistic3A_14, %broadcast_in_dim3A_220 : vector<2048x16xi1>, vector<2048x16xf32>
    %reduce_sum3A_222 = arith.constant dense<0.000000e+00> : vector<2048xf32>
    %reduce_sum3A_223 = vector.multi_reduction <add>, %select_n3A_221, %reduce_sum3A_222 [1] : vector<2048x16xf32> to vector<2048xf32>
    %broadcast_in_dim3A_224 = vector.shape_cast %reduce_sum3A_223 : vector<2048xf32> to vector<2048x1xf32>
    %add3A_225 = arith.addf %broadcast_in_dim3A_216, %broadcast_in_dim3A_224 : vector<2048x1xf32>
    %add3A_226 = arith.constant 9.99999968E-21 : f32
    %add3A_227 = vector.broadcast %add3A_226 : f32 to vector<2048x1xf32>
    %add3A_228 = arith.addf %add3A_225, %add3A_227 : vector<2048x1xf32>
    %mul3A = arith.constant 2.500000e+00 : f32
    %mul3A_229 = vector.broadcast %mul3A : f32 to vector<2048x1xf32>
    %mul3A_230 = arith.mulf %mul3A_229, %broadcast_in_dim3A_216 : vector<2048x1xf32>
    %div3A_231 = arith.divf %mul3A_230, %add3A_228 : vector<2048x1xf32>
    %swap3A = arith.constant 0 : index
    %swap3A_232 = arith.constant 0 : index
    %swap3A_233 = vector.load %arg5[%swap3A, %swap3A_232] : memref<2048x1xf32, #tpu.memory_space<vmem>>, vector<2048x1xf32>
    tpu.vector_store %arg5[%swap3A, %swap3A_232], %div3A_231 {strides = array<i32>} : memref<2048x1xf32, #tpu.memory_space<vmem>>, vector<2048x1xf32>,
    %mul3A_234 = arith.constant 2.500000e+00 : f32
    %mul3A_235 = vector.broadcast %mul3A_234 : f32 to vector<2048x1xf32>
    %mul3A_236 = arith.mulf %mul3A_235, %broadcast_in_dim3A_224 : vector<2048x1xf32>
    %div3A_237 = arith.divf %mul3A_236, %add3A_228 : vector<2048x1xf32>
    %swap3A_238 = arith.constant 0 : index
    %swap3A_239 = arith.constant 0 : index
    %swap3A_240 = vector.load %arg6[%swap3A_238, %swap3A_239] : memref<2048x1xf32, #tpu.memory_space<vmem>>, vector<2048x1xf32>
    tpu.vector_store %arg6[%swap3A_238, %swap3A_239], %div3A_237 {strides = array<i32>} : memref<2048x1xf32, #tpu.memory_space<vmem>>, vector<2048x1xf32>,
    %eq3A_241 = vector.broadcast %broadcast_in_dim3A_193 : vector<2048x1xi32> to vector<2048x16xi32>
    %eq3A_242 = arith.cmpi eq, %iota3A, %eq3A_241 : vector<2048x16xi32>
    %jit3A_243 = arith.constant 1.000000e+00 : f32
    %jit3A_244 = arith.constant 0.000000e+00 : f32
    %broadcast_in_dim3A_245 = vector.broadcast %jit3A_243 : f32 to vector<2048x16xf32>
    %broadcast_in_dim3A_246 = vector.broadcast %jit3A_244 : f32 to vector<2048x16xf32>
    %select_n3A_247 = arith.select %eq3A_242, %broadcast_in_dim3A_245, %broadcast_in_dim3A_246 : vector<2048x16xi1>, vector<2048x16xf32>
    %eq3A_248 = vector.broadcast %broadcast_in_dim3A_209 : vector<2048x1xi32> to vector<2048x16xi32>
    %eq3A_249 = arith.cmpi eq, %iota3A, %eq3A_248 : vector<2048x16xi32>
    %jit3A_250 = arith.constant 1.000000e+00 : f32
    %jit3A_251 = arith.constant 0.000000e+00 : f32
    %broadcast_in_dim3A_252 = vector.broadcast %jit3A_250 : f32 to vector<2048x16xf32>
    %broadcast_in_dim3A_253 = vector.broadcast %jit3A_251 : f32 to vector<2048x16xf32>
    %select_n3A_254 = arith.select %eq3A_249, %broadcast_in_dim3A_252, %broadcast_in_dim3A_253 : vector<2048x16xi1>, vector<2048x16xf32>
    %add3A_255 = arith.addf %select_n3A_247, %select_n3A_254 : vector<2048x16xf32>
    %broadcast_in_dim3A_256 = arith.constant 0.000000e+00 : f32
    %broadcast_in_dim3A_257 = vector.broadcast %broadcast_in_dim3A_256 : f32 to vector<1x16xf32>
    %slice3A = vector.extract_strided_slice %add3A_255 {offsets = [0, 0], sizes = [2047, 16], strides = [1, 1]} : vector<2048x16xf32> to vector<2047x16xf32>
    %concatenate3A_258 = tpu.concatenate %broadcast_in_dim3A_257, %slice3A in 0 : vector<1x16xf32>, vector<2047x16xf32> -> vector<2048x16xf32>
    %broadcast_in_dim3A_259 = arith.constant 0.000000e+00 : f32
    %broadcast_in_dim3A_260 = vector.broadcast %broadcast_in_dim3A_259 : f32 to vector<1x16xf32>
    %slice3A_261 = vector.extract_strided_slice %concatenate3A_258 {offsets = [0, 0], sizes = [2047, 16], strides = [1, 1]} : vector<2048x16xf32> to vector<2047x16xf32>
    %concatenate3A_262 = tpu.concatenate %broadcast_in_dim3A_260, %slice3A_261 in 0 : vector<1x16xf32>, vector<2047x16xf32> -> vector<2048x16xf32>
    %add3A_263 = arith.addf %concatenate3A_258, %concatenate3A_262 : vector<2048x16xf32>
    %broadcast_in_dim3A_264 = arith.constant 0.000000e+00 : f32
    %broadcast_in_dim3A_265 = vector.broadcast %broadcast_in_dim3A_264 : f32 to vector<2x16xf32>
    %slice3A_266 = vector.extract_strided_slice %add3A_263 {offsets = [0, 0], sizes = [2046, 16], strides = [1, 1]} : vector<2048x16xf32> to vector<2046x16xf32>
    %concatenate3A_267 = tpu.concatenate %broadcast_in_dim3A_265, %slice3A_266 in 0 : vector<2x16xf32>, vector<2046x16xf32> -> vector<2048x16xf32>
    %add3A_268 = arith.addf %add3A_263, %concatenate3A_267 : vector<2048x16xf32>
    %broadcast_in_dim3A_269 = arith.constant 0.000000e+00 : f32
    %broadcast_in_dim3A_270 = vector.broadcast %broadcast_in_dim3A_269 : f32 to vector<4x16xf32>
    %slice3A_271 = vector.extract_strided_slice %add3A_268 {offsets = [0, 0], sizes = [2044, 16], strides = [1, 1]} : vector<2048x16xf32> to vector<2044x16xf32>
    %concatenate3A_272 = tpu.concatenate %broadcast_in_dim3A_270, %slice3A_271 in 0 : vector<4x16xf32>, vector<2044x16xf32> -> vector<2048x16xf32>
    %add3A_273 = arith.addf %add3A_268, %concatenate3A_272 : vector<2048x16xf32>
    %broadcast_in_dim3A_274 = arith.constant 0.000000e+00 : f32
    %broadcast_in_dim3A_275 = vector.broadcast %broadcast_in_dim3A_274 : f32 to vector<8x16xf32>
    %slice3A_276 = vector.extract_strided_slice %add3A_273 {offsets = [0, 0], sizes = [2040, 16], strides = [1, 1]} : vector<2048x16xf32> to vector<2040x16xf32>
    %concatenate3A_277 = tpu.concatenate %broadcast_in_dim3A_275, %slice3A_276 in 0 : vector<8x16xf32>, vector<2040x16xf32> -> vector<2048x16xf32>
    %add3A_278 = arith.addf %add3A_273, %concatenate3A_277 : vector<2048x16xf32>
    %broadcast_in_dim3A_279 = arith.constant 0.000000e+00 : f32
    %broadcast_in_dim3A_280 = vector.broadcast %broadcast_in_dim3A_279 : f32 to vector<16x16xf32>
    %slice3A_281 = vector.extract_strided_slice %add3A_278 {offsets = [0, 0], sizes = [2032, 16], strides = [1, 1]} : vector<2048x16xf32> to vector<2032x16xf32>
    %concatenate3A_282 = tpu.concatenate %broadcast_in_dim3A_280, %slice3A_281 in 0 : vector<16x16xf32>, vector<2032x16xf32> -> vector<2048x16xf32>
    %add3A_283 = arith.addf %add3A_278, %concatenate3A_282 : vector<2048x16xf32>
    %broadcast_in_dim3A_284 = arith.constant 0.000000e+00 : f32
    %broadcast_in_dim3A_285 = vector.broadcast %broadcast_in_dim3A_284 : f32 to vector<32x16xf32>
    %slice3A_286 = vector.extract_strided_slice %add3A_283 {offsets = [0, 0], sizes = [2016, 16], strides = [1, 1]} : vector<2048x16xf32> to vector<2016x16xf32>
    %concatenate3A_287 = tpu.concatenate %broadcast_in_dim3A_285, %slice3A_286 in 0 : vector<32x16xf32>, vector<2016x16xf32> -> vector<2048x16xf32>
    %add3A_288 = arith.addf %add3A_283, %concatenate3A_287 : vector<2048x16xf32>
    %broadcast_in_dim3A_289 = arith.constant 0.000000e+00 : f32
    %broadcast_in_dim3A_290 = vector.broadcast %broadcast_in_dim3A_289 : f32 to vector<64x16xf32>
    %slice3A_291 = vector.extract_strided_slice %add3A_288 {offsets = [0, 0], sizes = [1984, 16], strides = [1, 1]} : vector<2048x16xf32> to vector<1984x16xf32>
    %concatenate3A_292 = tpu.concatenate %broadcast_in_dim3A_290, %slice3A_291 in 0 : vector<64x16xf32>, vector<1984x16xf32> -> vector<2048x16xf32>
    %add3A_293 = arith.addf %add3A_288, %concatenate3A_292 : vector<2048x16xf32>
    %broadcast_in_dim3A_294 = arith.constant 0.000000e+00 : f32
    %broadcast_in_dim3A_295 = vector.broadcast %broadcast_in_dim3A_294 : f32 to vector<128x16xf32>
    %slice3A_296 = vector.extract_strided_slice %add3A_293 {offsets = [0, 0], sizes = [1920, 16], strides = [1, 1]} : vector<2048x16xf32> to vector<1920x16xf32>
    %concatenate3A_297 = tpu.concatenate %broadcast_in_dim3A_295, %slice3A_296 in 0 : vector<128x16xf32>, vector<1920x16xf32> -> vector<2048x16xf32>
    %add3A_298 = arith.addf %add3A_293, %concatenate3A_297 : vector<2048x16xf32>
    %broadcast_in_dim3A_299 = arith.constant 0.000000e+00 : f32
    %broadcast_in_dim3A_300 = vector.broadcast %broadcast_in_dim3A_299 : f32 to vector<256x16xf32>
    %slice3A_301 = vector.extract_strided_slice %add3A_298 {offsets = [0, 0], sizes = [1792, 16], strides = [1, 1]} : vector<2048x16xf32> to vector<1792x16xf32>
    %concatenate3A_302 = tpu.concatenate %broadcast_in_dim3A_300, %slice3A_301 in 0 : vector<256x16xf32>, vector<1792x16xf32> -> vector<2048x16xf32>
    %add3A_303 = arith.addf %add3A_298, %concatenate3A_302 : vector<2048x16xf32>
    %broadcast_in_dim3A_304 = arith.constant 0.000000e+00 : f32
    %broadcast_in_dim3A_305 = vector.broadcast %broadcast_in_dim3A_304 : f32 to vector<512x16xf32>
    %slice3A_306 = vector.extract_strided_slice %add3A_303 {offsets = [0, 0], sizes = [1536, 16], strides = [1, 1]} : vector<2048x16xf32> to vector<1536x16xf32>
    %concatenate3A_307 = tpu.concatenate %broadcast_in_dim3A_305, %slice3A_306 in 0 : vector<512x16xf32>, vector<1536x16xf32> -> vector<2048x16xf32>
    %add3A_308 = arith.addf %add3A_303, %concatenate3A_307 : vector<2048x16xf32>
    %broadcast_in_dim3A_309 = arith.constant 0.000000e+00 : f32
    %broadcast_in_dim3A_310 = vector.broadcast %broadcast_in_dim3A_309 : f32 to vector<1024x16xf32>
    %slice3A_311 = vector.extract_strided_slice %add3A_308 {offsets = [0, 0], sizes = [1024, 16], strides = [1, 1]} : vector<2048x16xf32> to vector<1024x16xf32>
    %concatenate3A_312 = tpu.concatenate %broadcast_in_dim3A_310, %slice3A_311 in 0 : vector<1024x16xf32>, vector<1024x16xf32> -> vector<2048x16xf32>
    %add3A_313 = arith.addf %add3A_308, %concatenate3A_312 : vector<2048x16xf32>
    %reduce_sum3A_314 = arith.constant dense<0.000000e+00> : vector<16xf32>
    %reduce_sum3A_315 = vector.multi_reduction <add>, %add3A_255, %reduce_sum3A_314 [0] : vector<2048x16xf32> to vector<16xf32>
    %broadcast_in_dim3A_316 = vector.shape_cast %reduce_sum3A_315 : vector<16xf32> to vector<1x16xf32>
    %convert_element_type3A = arith.fptosi %broadcast_in_dim3A_316 : vector<1x16xf32> to vector<1x16xi32>
    %add3A_317 = arith.constant 255 : i32
    %add3A_318 = vector.broadcast %add3A_317 : i32 to vector<1x16xi32>
    %add3A_319 = arith.addi %convert_element_type3A, %add3A_318 : vector<1x16xi32>
    %jit3A_320 = arith.constant 256 : i32
    %div3A_321 = vector.broadcast %jit3A_320 : i32 to vector<1x16xi32>
    %div3A_322 = arith.divsi %add3A_319, %div3A_321 : vector<1x16xi32>
    %sign3A_323 = arith.constant 0 : i32
    %sign3A_324 = vector.broadcast %sign3A_323 : i32 to vector<1x16xi32>
    %sign3A_325 = arith.cmpi sgt, %add3A_319, %sign3A_324 : vector<1x16xi32>
    %sign3A_326 = arith.extui %sign3A_325 : vector<1x16xi1> to vector<1x16xi32>
    %sign3A_327 = arith.constant 0 : i32
    %sign3A_328 = vector.broadcast %sign3A_327 : i32 to vector<1x16xi32>
    %sign3A_329 = arith.cmpi slt, %add3A_319, %sign3A_328 : vector<1x16xi32>
    %sign3A_330 = arith.extui %sign3A_329 : vector<1x16xi1> to vector<1x16xi32>
    %sign3A_331 = arith.subi %sign3A_326, %sign3A_330 : vector<1x16xi32>
    %sign3A_332 = arith.constant 0 : i32
    %sign3A_333 = arith.cmpi sgt, %jit3A_320, %sign3A_332 : i32
    %sign3A_334 = arith.extui %sign3A_333 : i1 to i32
    %sign3A_335 = arith.constant 0 : i32
    %sign3A_336 = arith.cmpi slt, %jit3A_320, %sign3A_335 : i32
    %sign3A_337 = arith.extui %sign3A_336 : i1 to i32
    %sign3A_338 = arith.subi %sign3A_334, %sign3A_337 : i32
    %ne3A_339 = vector.broadcast %sign3A_338 : i32 to vector<1x16xi32>
    %ne3A_340 = arith.cmpi ne, %sign3A_331, %ne3A_339 : vector<1x16xi32>
    %rem3A_341 = vector.broadcast %jit3A_320 : i32 to vector<1x16xi32>
    %rem3A_342 = arith.remsi %add3A_319, %rem3A_341 : vector<1x16xi32>
    %ne3A_343 = arith.constant 0 : i32
    %ne3A_344 = vector.broadcast %ne3A_343 : i32 to vector<1x16xi32>
    %ne3A_345 = arith.cmpi ne, %rem3A_342, %ne3A_344 : vector<1x16xi32>
    %and3A_346 = arith.andi %ne3A_340, %ne3A_345 : vector<1x16xi1>
    %sub3A_347 = arith.constant 1 : i32
    %sub3A_348 = vector.broadcast %sub3A_347 : i32 to vector<1x16xi32>
    %sub3A_349 = arith.subi %div3A_322, %sub3A_348 : vector<1x16xi32>
    %select_n3A_350 = arith.select %and3A_346, %sub3A_349, %div3A_322 : vector<1x16xi1>, vector<1x16xi32>
    %convert_element_type3A_351 = arith.sitofp %select_n3A_350 : vector<1x16xi32> to vector<1x16xf32>
    %iota3A_352 = tpu.iota {dimensions = array<i32: 0>} : vector<16x16xi32>
    %iota3A_353 = tpu.iota {dimensions = array<i32: 1>} : vector<16x16xi32>
    %lt3A = arith.cmpi slt, %iota3A_352, %iota3A_353 : vector<16x16xi32>
    %jit3A_354 = arith.constant 1.000000e+00 : f32
    %jit3A_355 = arith.constant 0.000000e+00 : f32
    %broadcast_in_dim3A_356 = vector.broadcast %jit3A_354 : f32 to vector<16x16xf32>
    %broadcast_in_dim3A_357 = vector.broadcast %jit3A_355 : f32 to vector<16x16xf32>
    %select_n3A_358 = arith.select %lt3A, %broadcast_in_dim3A_356, %broadcast_in_dim3A_357 : vector<16x16xi1>, vector<16x16xf32>
    %dot_general3A_359 = arith.constant dense<0.000000e+00> : vector<1x16xf32>
    %dot_general3A_360 = tpu.matmul %convert_element_type3A_351, %select_n3A_358, %dot_general3A_359 {dimension_numbers = #tpu.dot_dimension_numbers<[1], [0], [0], [1], [0, 0, 1, 1], [], []>, transpose_lhs_hint = false} : vector<1x16xf32>, vector<16x16xf32>, vector<1x16xf32> -> vector<1x16xf32>
    %mul3A_361 = arith.constant 2.560000e+02 : f32
    %mul3A_362 = vector.broadcast %mul3A_361 : f32 to vector<1x16xf32>
    %mul3A_363 = arith.mulf %dot_general3A_360, %mul3A_362 : vector<1x16xf32>
    %eq3A_364 = vector.broadcast %broadcast_in_dim3A_193 : vector<2048x1xi32> to vector<2048x16xi32>
    %eq3A_365 = arith.cmpi eq, %iota3A, %eq3A_364 : vector<2048x16xi32>
    %jit3A_366 = arith.constant 0.000000e+00 : f32
    %broadcast_in_dim3A_367 = vector.broadcast %jit3A_366 : f32 to vector<2048x16xf32>
    %select_n3A_368 = arith.select %eq3A_365, %add3A_313, %broadcast_in_dim3A_367 : vector<2048x16xi1>, vector<2048x16xf32>
    %reduce_sum3A_369 = arith.constant dense<0.000000e+00> : vector<2048xf32>
    %reduce_sum3A_370 = vector.multi_reduction <add>, %select_n3A_368, %reduce_sum3A_369 [1] : vector<2048x16xf32> to vector<2048xf32>
    %broadcast_in_dim3A_371 = vector.shape_cast %reduce_sum3A_370 : vector<2048xf32> to vector<2048x1xf32>
    %eq3A_372 = vector.broadcast %broadcast_in_dim3A_193 : vector<2048x1xi32> to vector<2048x16xi32>
    %eq3A_373 = arith.cmpi eq, %iota3A, %eq3A_372 : vector<2048x16xi32>
    %jit3A_374 = arith.constant 0.000000e+00 : f32
    %broadcast_in_dim3A_375 = vector.shape_cast %mul3A_363 : vector<1x16xf32> to vector<1x16xf32>
    %broadcast_in_dim3A_376 = vector.broadcast %broadcast_in_dim3A_375 : vector<1x16xf32> to vector<2048x16xf32>
    %broadcast_in_dim3A_377 = vector.broadcast %jit3A_374 : f32 to vector<2048x16xf32>
    %select_n3A_378 = arith.select %eq3A_373, %broadcast_in_dim3A_376, %broadcast_in_dim3A_377 : vector<2048x16xi1>, vector<2048x16xf32>
    %reduce_sum3A_379 = arith.constant dense<0.000000e+00> : vector<2048xf32>
    %reduce_sum3A_380 = vector.multi_reduction <add>, %select_n3A_378, %reduce_sum3A_379 [1] : vector<2048x16xf32> to vector<2048xf32>
    %broadcast_in_dim3A_381 = vector.shape_cast %reduce_sum3A_380 : vector<2048xf32> to vector<2048x1xf32>
    %add3A_382 = arith.addf %broadcast_in_dim3A_371, %broadcast_in_dim3A_381 : vector<2048x1xf32>
    %convert_element_type3A_383 = arith.fptosi %add3A_382 : vector<2048x1xf32> to vector<2048x1xi32>
    %swap3A_384 = arith.constant 0 : index
    %swap3A_385 = arith.constant 0 : index
    %swap3A_386 = vector.load %arg3[%swap3A_384, %swap3A_385] : memref<2048x1xi32, #tpu.memory_space<vmem>>, vector<2048x1xi32>
    tpu.vector_store %arg3[%swap3A_384, %swap3A_385], %convert_element_type3A_383 {strides = array<i32>} : memref<2048x1xi32, #tpu.memory_space<vmem>>, vector<2048x1xi32>,
    %eq3A_387 = vector.broadcast %broadcast_in_dim3A_209 : vector<2048x1xi32> to vector<2048x16xi32>
    %eq3A_388 = arith.cmpi eq, %iota3A, %eq3A_387 : vector<2048x16xi32>
    %jit3A_389 = arith.constant 0.000000e+00 : f32
    %broadcast_in_dim3A_390 = vector.broadcast %jit3A_389 : f32 to vector<2048x16xf32>
    %select_n3A_391 = arith.select %eq3A_388, %add3A_313, %broadcast_in_dim3A_390 : vector<2048x16xi1>, vector<2048x16xf32>
    %reduce_sum3A_392 = arith.constant dense<0.000000e+00> : vector<2048xf32>
    %reduce_sum3A_393 = vector.multi_reduction <add>, %select_n3A_391, %reduce_sum3A_392 [1] : vector<2048x16xf32> to vector<2048xf32>
    %broadcast_in_dim3A_394 = vector.shape_cast %reduce_sum3A_393 : vector<2048xf32> to vector<2048x1xf32>
    %eq3A_395 = vector.broadcast %broadcast_in_dim3A_209 : vector<2048x1xi32> to vector<2048x16xi32>
    %eq3A_396 = arith.cmpi eq, %iota3A, %eq3A_395 : vector<2048x16xi32>
    %jit3A_397 = arith.constant 0.000000e+00 : f32
    %broadcast_in_dim3A_398 = vector.shape_cast %mul3A_363 : vector<1x16xf32> to vector<1x16xf32>
    %broadcast_in_dim3A_399 = vector.broadcast %broadcast_in_dim3A_398 : vector<1x16xf32> to vector<2048x16xf32>
    %broadcast_in_dim3A_400 = vector.broadcast %jit3A_397 : f32 to vector<2048x16xf32>
    %select_n3A_401 = arith.select %eq3A_396, %broadcast_in_dim3A_399, %broadcast_in_dim3A_400 : vector<2048x16xi1>, vector<2048x16xf32>
    %reduce_sum3A_402 = arith.constant dense<0.000000e+00> : vector<2048xf32>
    %reduce_sum3A_403 = vector.multi_reduction <add>, %select_n3A_401, %reduce_sum3A_402 [1] : vector<2048x16xf32> to vector<2048xf32>
    %broadcast_in_dim3A_404 = vector.shape_cast %reduce_sum3A_403 : vector<2048xf32> to vector<2048x1xf32>
    %add3A_405 = arith.addf %broadcast_in_dim3A_394, %broadcast_in_dim3A_404 : vector<2048x1xf32>
    %convert_element_type3A_406 = arith.fptosi %add3A_405 : vector<2048x1xf32> to vector<2048x1xi32>
    %swap3A_407 = arith.constant 0 : index
    %swap3A_408 = arith.constant 0 : index
    %swap3A_409 = vector.load %arg4[%swap3A_407, %swap3A_408] : memref<2048x1xi32, #tpu.memory_space<vmem>>, vector<2048x1xi32>
    tpu.vector_store %arg4[%swap3A_407, %swap3A_408], %convert_element_type3A_406 {strides = array<i32>} : memref<2048x1xi32, #tpu.memory_space<vmem>>, vector<2048x1xi32>,
    %reduce_sum3A_410 = arith.constant dense<0> : vector<1xi32>
    %reduce_sum3A_411 = vector.multi_reduction <add>, %select_n3A_350, %reduce_sum3A_410 [1] : vector<1x16xi32> to vector<1xi32>
    %broadcast_in_dim3A_412 = vector.shape_cast %reduce_sum3A_411 : vector<1xi32> to vector<1x1xi32>
    %swap3A_413 = arith.constant 0 : index
    %swap3A_414 = arith.constant 0 : index
    %swap3A_415 = vector.load %arg8[%swap3A_413, %swap3A_414] : memref<1x1xi32, #tpu.memory_space<vmem>>, vector<1x1xi32>
    tpu.vector_store %arg8[%swap3A_413, %swap3A_414], %broadcast_in_dim3A_412 {strides = array<i32>} : memref<1x1xi32, #tpu.memory_space<vmem>>, vector<1x1xi32>,
    %iota3A_416 = tpu.iota {dimensions = array<i32: 0>} : vector<32x1xi32>
    %convert_element_type3A_417 = arith.sitofp %iota3A_416 : vector<32x1xi32> to vector<32x1xf32>
    %le3A = vector.broadcast %dot_general3A_360 : vector<1x16xf32> to vector<32x16xf32>
    %le3A_418 = vector.broadcast %convert_element_type3A_417 : vector<32x1xf32> to vector<32x16xf32>
    %le3A_419 = arith.cmpf ole, %le3A, %le3A_418 : vector<32x16xf32>
    %jit3A_420 = arith.constant 1 : i32
    %jit3A_421 = arith.constant 0 : i32
    %broadcast_in_dim3A_422 = vector.broadcast %jit3A_420 : i32 to vector<32x16xi32>
    %broadcast_in_dim3A_423 = vector.broadcast %jit3A_421 : i32 to vector<32x16xi32>
    %select_n3A_424 = arith.select %le3A_419, %broadcast_in_dim3A_422, %broadcast_in_dim3A_423 : vector<32x16xi1>, vector<32x16xi32>
    %reduce_sum3A_425 = arith.constant dense<0> : vector<32xi32>
    %reduce_sum3A_426 = vector.multi_reduction <add>, %select_n3A_424, %reduce_sum3A_425 [1] : vector<32x16xi32> to vector<32xi32>
    %broadcast_in_dim3A_427 = vector.shape_cast %reduce_sum3A_426 : vector<32xi32> to vector<32x1xi32>
    %sub3A_428 = arith.constant 1 : i32
    %sub3A_429 = vector.broadcast %sub3A_428 : i32 to vector<32x1xi32>
    %sub3A_430 = arith.subi %broadcast_in_dim3A_427, %sub3A_429 : vector<32x1xi32>
    %swap3A_431 = arith.constant 0 : index
    %swap3A_432 = arith.constant 0 : index
    %swap3A_433 = vector.load %arg7[%swap3A_431, %swap3A_432] : memref<32x1xi32, #tpu.memory_space<vmem>>, vector<32x1xi32>
    tpu.vector_store %arg7[%swap3A_431, %swap3A_432], %sub3A_430 {strides = array<i32>} : memref<32x1xi32, #tpu.memory_space<vmem>>, vector<32x1xi32>,
    %slice3A_434 = vector.extract_strided_slice %get3A_1 {offsets = [0, 0], sizes = [2048, 512], strides = [1, 1]} : vector<2048x1024xf32> to vector<2048x512xf32>
    %convert_element_type3A_435 = arith.truncf %slice3A_434 : vector<2048x512xf32> to vector<2048x512xbf16>
    %convert_element_type3A_436 = arith.extf %convert_element_type3A_435 : vector<2048x512xbf16> to vector<2048x512xf32>
    %bitcast_convert_type3A = tpu.bitcast %convert_element_type3A_436 : vector<2048x512xf32> -> vector<2048x512xi32>
    %slice3A_437 = vector.extract_strided_slice %get3A_1 {offsets = [0, 512], sizes = [2048, 512], strides = [1, 1]} : vector<2048x1024xf32> to vector<2048x512xf32>
    %convert_element_type3A_438 = arith.truncf %slice3A_437 : vector<2048x512xf32> to vector<2048x512xbf16>
    %convert_element_type3A_439 = arith.extf %convert_element_type3A_438 : vector<2048x512xbf16> to vector<2048x512xf32>
    %bitcast_convert_type3A_440 = tpu.bitcast %convert_element_type3A_439 : vector<2048x512xf32> -> vector<2048x512xi32>
    %shift_right_logical3A = arith.constant 16 : i32
    %shift_right_logical3A_441 = vector.broadcast %shift_right_logical3A : i32 to vector<2048x512xi32>
    %shift_right_logical3A_442 = arith.shrui %bitcast_convert_type3A, %shift_right_logical3A_441 : vector<2048x512xi32>
    %or3A_443 = arith.ori %shift_right_logical3A_442, %bitcast_convert_type3A_440 : vector<2048x512xi32>
    %swap3A_444 = arith.constant 0 : index
    %swap3A_445 = arith.constant 0 : index
    %swap3A_446 = vector.load %arg9[%swap3A_444, %swap3A_445] : memref<2048x512xi32, #tpu.memory_space<vmem>>, vector<2048x512xi32>
    tpu.vector_store %arg9[%swap3A_444, %swap3A_445], %or3A_443 {strides = array<i32>} : memref<2048x512xi32, #tpu.memory_space<vmem>>, vector<2048x512xi32>,
    return
  }
}

module attributes {stable_mosaic.version = 14 : i64} {
  func.func @_shared_body(%arg0: i32, %arg1: memref<256x1024xbf16, #tpu.memory_space<vmem>>, %arg2: memref<2048x1024xbf16, #tpu.memory_space<vmem>>, %arg3: memref<1024x1024xbf16, #tpu.memory_space<vmem>>, %arg4: memref<256x1024xf32, #tpu.memory_space<vmem>>) attributes {dimension_semantics = [#tpu.dimension_semantics<arbitrary>], iteration_bounds = array<i64: 8>, scalar_prefetch = 0 : i64, scratch_operands = 0 : i64, tpu.core_type = #tpu.core_type<tc>, window_params = [{transform_indices = @transform_0, window_bounds = array<i64: 256, 1024>}, {pipeline_mode = #tpu.pipeline_mode<synchronous>, transform_indices = @transform_1, window_bounds = array<i64: 2048, 1024>}, {pipeline_mode = #tpu.pipeline_mode<synchronous>, transform_indices = @transform_2, window_bounds = array<i64: 1024, 1024>}, {transform_indices = @transform_3, window_bounds = array<i64: 256, 1024>}]} {
    %get3A = arith.constant 0 : index
    %get3A_0 = arith.constant 0 : index
    %get3A_1 = vector.load %arg1[%get3A, %get3A_0] : memref<256x1024xbf16, #tpu.memory_space<vmem>>, vector<256x1024xbf16>
    %get3A_2 = arith.constant 0 : index
    %get3A_3 = arith.constant 0 : index
    %get3A_4 = vector.load %arg2[%get3A_2, %get3A_3] : memref<2048x1024xbf16, #tpu.memory_space<vmem>>, vector<2048x1024xbf16>
    %dot_general3A = arith.constant dense<0.000000e+00> : vector<256x2048xf32>
    %dot_general3A_5 = tpu.matmul %get3A_1, %get3A_4, %dot_general3A {dimension_numbers = #tpu.dot_dimension_numbers<[1], [1], [0], [0], [0, 0, 1, 0], [], []>, transpose_lhs_hint = false} : vector<256x1024xbf16>, vector<2048x1024xbf16>, vector<256x2048xf32> -> vector<256x2048xf32>
    %slice3A = vector.extract_strided_slice %dot_general3A_5 {offsets = [0, 0], sizes = [256, 1024], strides = [1, 1]} : vector<256x2048xf32> to vector<256x1024xf32>
    %slice3A_6 = vector.extract_strided_slice %dot_general3A_5 {offsets = [0, 1024], sizes = [256, 1024], strides = [1, 1]} : vector<256x2048xf32> to vector<256x1024xf32>
    %logistic3A = arith.negf %slice3A : vector<256x1024xf32>
    %logistic3A_7 = math.exp %logistic3A : vector<256x1024xf32>
    %logistic3A_8 = arith.constant 1.000000e+00 : f32
    %logistic3A_9 = vector.broadcast %logistic3A_8 : f32 to vector<256x1024xf32>
    %logistic3A_10 = arith.addf %logistic3A_9, %logistic3A_7 : vector<256x1024xf32>
    %logistic3A_11 = arith.divf %logistic3A_9, %logistic3A_10 : vector<256x1024xf32>
    %mul3A = arith.mulf %slice3A, %logistic3A_11 : vector<256x1024xf32>
    %mul3A_12 = arith.mulf %mul3A, %slice3A_6 : vector<256x1024xf32>
    %convert_element_type3A = arith.truncf %mul3A_12 : vector<256x1024xf32> to vector<256x1024xbf16>
    %get3A_13 = arith.constant 0 : index
    %get3A_14 = arith.constant 0 : index
    %get3A_15 = vector.load %arg3[%get3A_13, %get3A_14] : memref<1024x1024xbf16, #tpu.memory_space<vmem>>, vector<1024x1024xbf16>
    %dot_general3A_16 = arith.constant dense<0.000000e+00> : vector<256x1024xf32>
    %dot_general3A_17 = tpu.matmul %convert_element_type3A, %get3A_15, %dot_general3A_16 {dimension_numbers = #tpu.dot_dimension_numbers<[1], [1], [0], [0], [0, 0, 1, 0], [], []>, transpose_lhs_hint = false} : vector<256x1024xbf16>, vector<1024x1024xbf16>, vector<256x1024xf32> -> vector<256x1024xf32>
    %swap3A = arith.constant 0 : index
    %swap3A_18 = arith.constant 0 : index
    %swap3A_19 = vector.load %arg4[%swap3A, %swap3A_18] : memref<256x1024xf32, #tpu.memory_space<vmem>>, vector<256x1024xf32>
    tpu.vector_store %arg4[%swap3A, %swap3A_18], %dot_general3A_17 {strides = array<i32>} : memref<256x1024xf32, #tpu.memory_space<vmem>>, vector<256x1024xf32>,
    return
  }
  func.func @transform_0(%arg0: i32) -> (i32, i32) {
    %c0_i32 = arith.constant 0 : i32
    %c0_i32_0 = arith.constant 0 : i32
    return %arg0, %c0_i32 : i32, i32
  }
  func.func @transform_1(%arg0: i32) -> (i32, i32) {
    %c0_i32 = arith.constant 0 : i32
    %c0_i32_0 = arith.constant 0 : i32
    %c0_i32_1 = arith.constant 0 : i32
    return %c0_i32, %c0_i32_0 : i32, i32
  }
  func.func @transform_2(%arg0: i32) -> (i32, i32) {
    %c0_i32 = arith.constant 0 : i32
    %c0_i32_0 = arith.constant 0 : i32
    %c0_i32_1 = arith.constant 0 : i32
    return %c0_i32, %c0_i32_0 : i32, i32
  }
  func.func @transform_3(%arg0: i32) -> (i32, i32) {
    %c0_i32 = arith.constant 0 : i32
    %c0_i32_0 = arith.constant 0 : i32
    return %arg0, %c0_i32 : i32, i32
  }
}

module attributes {stable_mosaic.version = 14 : i64} {
  func.func @_gmm_body(%arg0: i32, %arg1: memref<32xi32, #tpu.memory_space<smem>>, %arg2: memref<1xi32, #tpu.memory_space<smem>>, %arg3: memref<256x512xi32, #tpu.memory_space<vmem>>, %arg4: memref<1x1024x1024xbf16, #tpu.memory_space<vmem>>, %arg5: memref<1x1024x512xbf16, #tpu.memory_space<vmem>>, %arg6: memref<256x1024xf32, #tpu.memory_space<vmem>>) attributes {dimension_semantics = [#tpu.dimension_semantics<arbitrary>], iteration_bounds = array<i64: 32>, scalar_prefetch = 2 : i64, scratch_operands = 0 : i64, tpu.core_type = #tpu.core_type<tc>, window_params = [{transform_indices = @transform_0, window_bounds = array<i64: 256, 512>}, {transform_indices = @transform_1, window_bounds = array<i64: 1, 1024, 1024>}, {transform_indices = @transform_2, window_bounds = array<i64: 1, 1024, 512>}, {transform_indices = @transform_3, window_bounds = array<i64: 256, 1024>}]} {
    %get3A = arith.constant 0 : index
    %get3A_0 = memref.load %arg2[%get3A] : memref<1xi32, #tpu.memory_space<smem>>
    %lt3A = arith.cmpi slt, %arg0, %get3A_0 : i32
    %convert_element_type3A = arith.extui %lt3A : i1 to i32
    %cond3A = arith.constant 0 : i32
    %cond3A_1 = arith.cmpi ne, %convert_element_type3A, %cond3A : i32
    scf.if %cond3A_1 {
      %get3A_2 = arith.constant 0 : index
      %get3A_3 = arith.constant 0 : index
      %get3A_4 = vector.load %arg3[%get3A_2, %get3A_3] : memref<256x512xi32, #tpu.memory_space<vmem>>, vector<256x512xi32>
      %shift_left3A = arith.constant 16 : i32
      %shift_left3A_5 = vector.broadcast %shift_left3A : i32 to vector<256x512xi32>
      %shift_left3A_6 = arith.shli %get3A_4, %shift_left3A_5 : vector<256x512xi32>
      %bitcast_convert_type3A = tpu.bitcast %shift_left3A_6 : vector<256x512xi32> -> vector<256x512xf32>
      %convert_element_type3A_7 = arith.truncf %bitcast_convert_type3A : vector<256x512xf32> to vector<256x512xbf16>
      %and3A = arith.constant -65536 : i32
      %and3A_8 = vector.broadcast %and3A : i32 to vector<256x512xi32>
      %and3A_9 = arith.andi %get3A_4, %and3A_8 : vector<256x512xi32>
      %bitcast_convert_type3A_10 = tpu.bitcast %and3A_9 : vector<256x512xi32> -> vector<256x512xf32>
      %convert_element_type3A_11 = arith.truncf %bitcast_convert_type3A_10 : vector<256x512xf32> to vector<256x512xbf16>
      %get3A_12 = arith.constant 0 : index
      %get3A_13 = arith.constant 0 : index
      %get3A_14 = arith.constant 0 : index
      %get3A_15 = vector.load %arg4[%get3A_12, %get3A_13, %get3A_14] : memref<1x1024x1024xbf16, #tpu.memory_space<vmem>>, vector<1x1024x1024xbf16>
      %get3A_16 = vector.shape_cast %get3A_15 : vector<1x1024x1024xbf16> to vector<1024x1024xbf16>
      %slice3A = vector.extract_strided_slice %get3A_16 {offsets = [0, 0], sizes = [1024, 512], strides = [1, 1]} : vector<1024x1024xbf16> to vector<1024x512xbf16>
      %dot_general3A = arith.constant dense<0.000000e+00> : vector<256x1024xf32>
      %dot_general3A_17 = tpu.matmul %convert_element_type3A_7, %slice3A, %dot_general3A {dimension_numbers = #tpu.dot_dimension_numbers<[1], [1], [0], [0], [0, 0, 1, 0], [], []>, transpose_lhs_hint = false} : vector<256x512xbf16>, vector<1024x512xbf16>, vector<256x1024xf32> -> vector<256x1024xf32>
      %slice3A_18 = vector.extract_strided_slice %get3A_16 {offsets = [0, 512], sizes = [1024, 512], strides = [1, 1]} : vector<1024x1024xbf16> to vector<1024x512xbf16>
      %dot_general3A_19 = arith.constant dense<0.000000e+00> : vector<256x1024xf32>
      %dot_general3A_20 = tpu.matmul %convert_element_type3A_11, %slice3A_18, %dot_general3A_19 {dimension_numbers = #tpu.dot_dimension_numbers<[1], [1], [0], [0], [0, 0, 1, 0], [], []>, transpose_lhs_hint = false} : vector<256x512xbf16>, vector<1024x512xbf16>, vector<256x1024xf32> -> vector<256x1024xf32>
      %add3A = arith.addf %dot_general3A_17, %dot_general3A_20 : vector<256x1024xf32>
      %slice3A_21 = vector.extract_strided_slice %add3A {offsets = [0, 0], sizes = [256, 512], strides = [1, 1]} : vector<256x1024xf32> to vector<256x512xf32>
      %slice3A_22 = vector.extract_strided_slice %add3A {offsets = [0, 512], sizes = [256, 512], strides = [1, 1]} : vector<256x1024xf32> to vector<256x512xf32>
      %logistic3A = arith.negf %slice3A_21 : vector<256x512xf32>
      %logistic3A_23 = math.exp %logistic3A : vector<256x512xf32>
      %logistic3A_24 = arith.constant 1.000000e+00 : f32
      %logistic3A_25 = vector.broadcast %logistic3A_24 : f32 to vector<256x512xf32>
      %logistic3A_26 = arith.addf %logistic3A_25, %logistic3A_23 : vector<256x512xf32>
      %logistic3A_27 = arith.divf %logistic3A_25, %logistic3A_26 : vector<256x512xf32>
      %mul3A = arith.mulf %slice3A_21, %logistic3A_27 : vector<256x512xf32>
      %mul3A_28 = arith.mulf %mul3A, %slice3A_22 : vector<256x512xf32>
      %convert_element_type3A_29 = arith.truncf %mul3A_28 : vector<256x512xf32> to vector<256x512xbf16>
      %get3A_30 = arith.constant 0 : index
      %get3A_31 = arith.constant 0 : index
      %get3A_32 = arith.constant 0 : index
      %get3A_33 = vector.load %arg5[%get3A_30, %get3A_31, %get3A_32] : memref<1x1024x512xbf16, #tpu.memory_space<vmem>>, vector<1x1024x512xbf16>
      %get3A_34 = vector.shape_cast %get3A_33 : vector<1x1024x512xbf16> to vector<1024x512xbf16>
      %dot_general3A_35 = arith.constant dense<0.000000e+00> : vector<256x1024xf32>
      %dot_general3A_36 = tpu.matmul %convert_element_type3A_29, %get3A_34, %dot_general3A_35 {dimension_numbers = #tpu.dot_dimension_numbers<[1], [1], [0], [0], [0, 0, 1, 0], [], []>, transpose_lhs_hint = false} : vector<256x512xbf16>, vector<1024x512xbf16>, vector<256x1024xf32> -> vector<256x1024xf32>
      %swap3A = arith.constant 0 : index
      %swap3A_37 = arith.constant 0 : index
      %swap3A_38 = vector.load %arg6[%swap3A, %swap3A_37] : memref<256x1024xf32, #tpu.memory_space<vmem>>, vector<256x1024xf32>
      tpu.vector_store %arg6[%swap3A, %swap3A_37], %dot_general3A_36 {strides = array<i32>} : memref<256x1024xf32, #tpu.memory_space<vmem>>, vector<256x1024xf32>,
    } else {
    }
    return
  }
  func.func @transform_0(%arg0: i32, %arg1: memref<32xi32, #tpu.memory_space<smem>>, %arg2: memref<1xi32, #tpu.memory_space<smem>>) -> (i32, i32) {
    %c0_i32 = arith.constant 0 : i32
    %c0_i32_0 = arith.constant 0 : i32
    return %arg0, %c0_i32 : i32, i32
  }
  func.func @transform_1(%arg0: i32, %arg1: memref<32xi32, #tpu.memory_space<smem>>, %arg2: memref<1xi32, #tpu.memory_space<smem>>) -> (i32, i32, i32) {
    %get3A = arith.index_cast %arg0 : i32 to index
    %get3A_0 = memref.load %arg1[%get3A] : memref<32xi32, #tpu.memory_space<smem>>
    %c0_i32 = arith.constant 0 : i32
    %c0_i32_1 = arith.constant 0 : i32
    %c0_i32_2 = arith.constant 0 : i32
    return %get3A_0, %c0_i32, %c0_i32_1 : i32, i32, i32
  }
  func.func @transform_2(%arg0: i32, %arg1: memref<32xi32, #tpu.memory_space<smem>>, %arg2: memref<1xi32, #tpu.memory_space<smem>>) -> (i32, i32, i32) {
    %get3A = arith.index_cast %arg0 : i32 to index
    %get3A_0 = memref.load %arg1[%get3A] : memref<32xi32, #tpu.memory_space<smem>>
    %c0_i32 = arith.constant 0 : i32
    %c0_i32_1 = arith.constant 0 : i32
    %c0_i32_2 = arith.constant 0 : i32
    return %get3A_0, %c0_i32, %c0_i32_1 : i32, i32, i32
  }
  func.func @transform_3(%arg0: i32, %arg1: memref<32xi32, #tpu.memory_space<smem>>, %arg2: memref<1xi32, #tpu.memory_space<smem>>) -> (i32, i32) {
    %c0_i32 = arith.constant 0 : i32
    %c0_i32_0 = arith.constant 0 : i32
    return %arg0, %c0_i32 : i32, i32
  }
}

</mosaic_0001>

<sc_bundles>
// kernel: kernel.10.cloned.1.call-start
scs
__scs_entry_jumppad:
0x0: {  	(pc) =	sbr.rel $0x88, $3  }
0x1: {  	(tag) =	ssettag $0x0;
	lr =	simm.s32 $0x1  }
0x2: {  	[smem:$0x3F9A] =	sst lr;
	_ =	strace $0xD0000000  }
0x3: {  	_ = 	snop  }
0x4: {  	_ = 	snop  }
0x5: {  	_ = 	snop  }
0x6: {  	_ = 	snop  }
0x7: {  	_ = 	snop  }
__scs_overlays_trampoline_lowered:
0x8: {  	[smem:$0x3FA9] =	sst s0  }
0x9: {  	[smem:$0x3FAA] =	sst s1  }
0xa: {  	[smem:$0x3FAB] =	sst s2  }
0xb: {  	[smem:$0x3FAC] =	sst s3  }
0xc: {  	[smem:$0x3FAD] =	sst s4  }
0xd: {  	[smem:$0x3FAE] =	sst s5  }
0xe: {  	[smem:$0x3FAF] =	sst s6  }
0xf: {  	[smem:$0x3FB0] =	sst s7  }
0x10: {  	[smem:$0x3FB1] =	sst s8  }
0x11: {  	[smem:$0x3FB2] =	sst s9;
	s0 =	simm.s32 @!p0 $0x0  }
0x12: {  	s1 =	sld [smem:$0x3F98];
	s0 =	simm.s32 @p0 $0x1  }
0x13: {  	[smem:$0x3FB3] =	sst s0;
	s0 =	simm.s32 @!p1 $0x0  }
0x14: {  	s2 =	sld [smem:$0x3F97];
	s0 =	simm.s32 @p1 $0x1  }
0x15: {  	[smem:$0x3FB4] =	sst s0;
	s0 =	simm.s32 @!p2 $0x0  }
0x16: {  	s3 =	sld [smem:$0x3FDB];
	s0 =	simm.s32 @p2 $0x1  }
0x17: {  	s4 =	simm.s32 $0x1BF5;
	[smem:$0x3FB6] =	sst s0  }
0x18: {  	s0 =	sld [smem:$0x3F99];
	_ =	swait.ge [sflag:s4], $0x0  }
0x19: {  	s7 =	sld [smem:$0x3F9A]  }
0x1a: {  	s8 =	sadd.s32 $0xFFFFE003, lr  }
0x1b: {  	s9 =	sadd.s32 $0xFFFFFEF7, lr;
	s5 =	simm.s32 $0xFFFFFFFF;
	p2 =	slt.u32 s8, $0xFFFFF086  }
0x1c: {  	p1 =	slt.u32 s9, $0xF7A;
	s5 =	simm.s32 @!p2 $0x0  }
0x1d: {  	s5 =	simm.s32 @p1 $0x1;
	p0 =	seq.s32 s7, s2  }
0x1e: {  	s7 =	smul.u32 @!p0 $0xF7A, s2;
	p2 =	seq.s32 @!p0 s5, $0x0  }
0x1f: {  	s9 =	smul.u32 $0xF7A, s1;
	s8 =	simm.s32 @!p0 $0x1BF5;
	p2 =	por !p2, p0  }
0x20: {  	[sflag:s8] =	ssyncset.s32 @!p0 $0xFFFFF086;
	s6 =	sadd.s32 @!p0 s3, s7;
	s7 =	simm.s32 @!p0 $0x108  }
0x21: {  	s3 =	sadd.s32 s3, s9;
	s6 =	sadd.s32 @!p0 $0x88, s6;
	s7 =	simm.s32 @p2 $0x1082  }
0x22: {  	[simem:s7], [sflag:s8] =	dma.local @!p0 [hbm:s6], $0xF7A  }
0x23: {  	s9 =	sor.u32 $0xD0000000, s2;
	s6 =	simm.s32 $0x108;
	_ =	swait.ge @!p0 [sflag:s8], $0x0  }
0x24: {  	s3 =	sadd.s32 $0x88, s3;
	s6 =	simm.s32 @!p1 $0x1082;
	[sflag:s4] =	ssyncset.s32 $0xFFFFF086  }
0x25: {  	[simem:s6], [sflag:s4] =	dma.local [hbm:s3], $0xF7A  }
0x26: {  	[smem:$0x3F9A] =	sst s1;
	(tag) =	ssettag s2;
	_ =	strace s9  }
0x27: {  	s1 =	sld [smem:$0x3FAA]  }
0x28: {  	s2 =	sld [smem:$0x3FAB]  }
0x29: {  	s4 =	sld [smem:$0x3FAD]  }
0x2a: {  	p0 =	seq.s32 s5, $0x0;
	s5 =	sld [smem:$0x3FAE]  }
0x2b: {  	s6 =	sld [smem:$0x3FAF]  }
0x2c: {  	s7 =	sld [smem:$0x3FB0]  }
0x2d: {  	s3 =	simm.s32 $0x108;
	s8 =	sld [smem:$0x3FB1]  }
0x2e: {  	s3 =	simm.s32 @!p0 $0x1082;
	s9 =	sld [smem:$0x3FB2]  }
0x2f: {  	lr =	sadd.s32 s0, s3;
	s0 =	sld [smem:$0x3FA9]  }
0x30: {  	s3 =	sld [smem:$0x3FAC]  }
0x31: {  	[smem:$0x3FB5] =	sst s10  }
0x32: {  	s10 =	sld [smem:$0x3FB3];
	_ =	sdelay $0x3  }
0x33: {  	p0 =	seq.s32 s10, $0x1;
	s10 =	sld [smem:$0x3FB5];
	_ =	sdelay $0x3  }
0x34: {  	[smem:$0x3FB5] =	sst s10  }
0x35: {  	s10 =	sld [smem:$0x3FB4];
	_ =	sdelay $0x3  }
0x36: {  	p1 =	seq.s32 s10, $0x1;
	s10 =	sld [smem:$0x3FB5];
	_ =	sdelay $0x3  }
0x37: {  	[smem:$0x3FB5] =	sst s10  }
0x38: {  	s10 =	sld [smem:$0x3FB6]  }
0x39: {  	_ = 	snop;
	(pc) =	sbr.ind lr, $3  }
0x3a: {  	_ = 	snop  }
0x3b: {  	_ = 	snop  }
0x3c: {  	p2 =	seq.s32 s10, $0x1;
	s10 =	sld [smem:$0x3FB5]  }
0x3d: {  	_ =	shalt  }
0x3e: {  	_ =	shalt  }
0x3f: {  	_ =	shalt  }
0x40: {  	_ =	shalt  }
0x41: {  	_ =	shalt  }
0x42: {  	_ =	shalt  }
0x43: {  	_ =	shalt  }
0x44: {  	_ =	shalt  }
0x45: {  	_ =	shalt  }
0x46: {  	_ =	shalt  }
0x47: {  	_ =	shalt  }
0x48: {  	_ =	shalt  }
0x49: {  	_ =	shalt  }
0x4a: {  	_ =	shalt  }
0x4b: {  	_ =	shalt  }
0x4c: {  	_ =	shalt  }
0x4d: {  	_ =	shalt  }
0x4e: {  	_ =	shalt  }
0x4f: {  	_ =	shalt  }
0x50: {  	_ =	shalt  }
0x51: {  	_ =	shalt  }
0x52: {  	_ =	shalt  }
0x53: {  	_ =	shalt  }
0x54: {  	_ =	shalt  }
0x55: {  	_ =	shalt  }
0x56: {  	_ =	shalt  }
0x57: {  	_ =	shalt  }
0x58: {  	_ =	shalt  }
0x59: {  	_ =	shalt  }
0x5a: {  	_ =	shalt  }
0x5b: {  	_ =	shalt  }
0x5c: {  	_ =	shalt  }
0x5d: {  	_ =	shalt  }
0x5e: {  	_ =	shalt  }
0x5f: {  	_ =	shalt  }
0x60: {  	_ =	shalt  }
0x61: {  	_ =	shalt  }
0x62: {  	_ =	shalt  }
0x63: {  	_ =	shalt  }
0x64: {  	_ =	shalt  }
0x65: {  	_ =	shalt  }
0x66: {  	_ =	shalt  }
0x67: {  	_ =	shalt  }
0x68: {  	_ =	shalt  }
0x69: {  	_ =	shalt  }
0x6a: {  	_ =	shalt  }
0x6b: {  	_ =	shalt  }
0x6c: {  	_ =	shalt  }
0x6d: {  	_ =	shalt  }
0x6e: {  	_ =	shalt  }
0x6f: {  	_ =	shalt  }
0x70: {  	_ =	shalt  }
0x71: {  	_ =	shalt  }
0x72: {  	_ =	shalt  }
0x73: {  	_ =	shalt  }
0x74: {  	_ =	shalt  }
0x75: {  	_ =	shalt  }
0x76: {  	_ =	shalt  }
0x77: {  	_ =	shalt  }
0x78: {  	_ =	shalt  }
0x79: {  	_ =	shalt  }
0x7a: {  	_ =	shalt  }
0x7b: {  	_ =	shalt  }
0x7c: {  	_ =	shalt  }
0x7d: {  	_ =	shalt  }
0x7e: {  	_ =	shalt  }
0x7f: {  	_ =	shalt  }
0x80: {  	_ =	shalt  }
0x81: {  	_ =	shalt  }
0x82: {  	_ =	shalt  }
0x83: {  	_ =	shalt  }
0x84: {  	_ =	shalt  }
0x85: {  	_ =	shalt  }
0x86: {  	_ =	shalt  }
0x87: {  	_ =	shalt  }
.Lfunc_end0:
.L_simem_size_0:
called_computation.1_lowered:
.L_overlay_start_0:
0x88: {  	s2 =	sld [smem:$0x3FD9]  }
0x89: {  	s3 =	sld [smem:$0x3FFE];
	_ =	sdelay $0x1  }
0x8a: {  	s1 =	srdreg.scid  }
0x8b: {  	s0 =	sand.u32 $0x1, s1  }
0x8c: {  	s17 =	sshll.u32 s0, $0xA;
	s2 =	sadd.s32 s3, s2  }
0x8d: {  	s2 =	sadd.s32 s2, s17  }
0x8e: {  	[smem:$0x3FC1] =	sst s2  }
0x8f: {  	_ = 	snop  }
0x90: {  	s2 =	sld [smem:$0x3FD0];
	(tm) =	ssettm $0x1  }
0x91: {  	s18 =	sld [smem:$0x3FFB];
	_ =	sdelay $0x3  }
0x92: {  	_ =	strace s18  }
0x93: {  	s3 =	sld [smem:$0x3FFC];
	_ =	sdelay $0x3  }
0x94: {  	_ =	strace s3  }
0x95: {  	s3 =	sld [smem:$0x3FFD];
	_ =	sdelay $0x3  }
0x96: {  	_ =	strace s3  }
0x97: {  	_ =	strace $0x8FFFFFFF  }
0x98: {  	s19 =	sld [smem:$0x3FDB];
	_ =	sdelay $0x1  }
0x99: {  	s4 =	simm.s32 $_scs_section_size  }
0x9a: {  	s5 =	simm.s32 $_size__tile_overlayer_lowered;
	s6 =	simm.s32 $_tile_overlayer_lowered  }
0x9b: {  	s22 =	simm.s32 $0x1BFF;
	s21 =	sshll.u32 s6, $0x1;
	s3 =	sadd.s32 s4, s19  }
0x9c: {  	s7 =	simm.s32 $0x0;
	s20 =	sshll.u32 s5, $0x1;
	s5 =	sadd.s32 s21, s3  }
0x9d: {  	[timem:s7], [sflag:s22] =	dma.local [hbm:s5], s20  }
0x9e: {  	_ =	swait.ge [sflag:s22], s20  }
0x9f: {  	s4 =	ssub.s32 $0x0, s20;
	[sflag:s22] =	ssyncset.done $0x0  }
0xa0: {  	[sflag:s22] =	ssyncadd.s32 s4;
	_ =	sdelay $0x1  }
0xa1: {  	s23 =	simm.s32 $0x1B8B  }
0xa2: {  	_ =	swait.ge [sflag:s23], $0x1  }
0xa3: {  	[sflag:s23] =	ssyncset.done $0x0  }
0xa4: {  	s25 =	simm.s32 $0x1B8E;
	s24 =	sld [smem:$0x3FFE];
	[sflag:s23] =	ssyncadd.s32 $0xFFFFFFFF  }
0xa5: {  	s26 =	simm.s32 $execute0_lowered;
	[smem:$0x3FD2] =	sst s25  }
0xa6: {  	s5 =	sshll.u32 s26, $0x1;
	_ =	strace $0x80000049;
	[dreg:$0x1] =	wrdreg $0xFFFFFFFF  }
0xa7: {  	s28 =	simm.s32 $_size_execute0_lowered;
	s3 =	sadd.s32 s3, s5;
	[dreg:$0x0] =	wrdreg $0x0  }
0xa8: {  	s5 =	sshll.u32 s28, $0x1;
	[dreg:$0x2] =	wrdreg s3  }
0xa9: {  	[dreg:$0x3] =	wrdreg s5  }
0xaa: {  	[dreg:$0x4] =	wrdreg $0xC0  }
0xab: {  	_ =	task [dreg:s7], $0x5FFFF  }
0xac: {  	[dreg:$0x1] =	wrdreg $0xFFFFFFFF  }
0xad: {  	[dreg:$0x0] =	wrdreg $0x60  }
0xae: {  	[dreg:$0x2] =	wrdreg s24  }
0xaf: {  	[dreg:$0x3] =	wrdreg s2  }
0xb0: {  	[dreg:$0x4] =	wrdreg $0x9  }
0xb1: {  	_ =	task.clear_ibuf [dreg:s7], $0x5FFFF;
	_ =	strace $0x90000049  }
0xb2: {  	s29 =	simm.s32 $0x9;
	_ =	strace $0x8000004B  }
0xb3: {  	_ =	swait.ge [sflag:s29], $0x1  }
0xb4: {  	[sflag:s29] =	ssyncadd.s32 $0xFFFFFFFF  }
0xb5: {  	_ =	strace $0x9000004B  }
0xb6: {  	_ =	sfence  }
0xb7: {  	s30 =	sld [smem:$0x0];
	_ =	sdelay $0x2  }
0xb8: {  	s31 =	sshll.u32 s1, $0xD;
	s1 =	sshrl.u32 s1, $0x2  }
0xb9: {  	s3 =	sand.u32 $0x4000, s31;
	s1 =	sadd.s32 s1, s30  }
0xba: {  	s0 =	sor.u32 s3, s0;
	s1 =	sshll.u32 s1, $0x11  }
0xbb: {  	s0 =	sor.u32 s1, s0  }
0xbc: {  	s0 =	sadd.s32 $0x8F2B, s0  }
0xbd: {  	[sflag:s0] =	ssyncadd.remote.s32 $0x1  }
0xbe: {  	_ =	sfence.sel $0xFFFF  }
0xbf: {  	[dreg:$0x0] =	wrdreg $0xFFFFFFFF;
	(pc) =	sbr.abs _section_cstart, $3  }
0xc0: {  	[dreg:$0x1] =	wrdreg $0xFFFFFFFF  }
0xc1: {  	_ =	task.clear_ibuf [dreg:s7], $0x2FFFF;
	_ =	strace $0x9FFFFFFF  }
0xc2: {  	(tm) =	ssettm $0x7FFFFFFF  }
0xc3: {  	_ =	shalt  }
tec
execute0_lowered:
.L_overlay_start_1:
0x0: {  	(tag) =	ssettag $0x1  }
0x1: {  	s0 =	rddreg [dreg:$0x0]  }
0x2: {  	s1 =	rddreg [dreg:$0x1];
	s2 =	srdreg.scid  }
0x3: {  	s5 =	stileid.u32;
	s3 =	sadd.s32 $0x600, s0;
	s2 =	sand.u32 $0x1, s2  }
0x4: {  	s4 =	sadd.s32 $0x800, s0;
	s5 =	sshll.u32 s5, $0x7;
	s7 =	sadd.s32 $0x200A00, s0  }
0x5: {  	s19 =	sadd.s32 $0x200C00, s0;
	s29 =	sadd.s32 $0x240F00, s0;
	s6 =	sshll.u32 s2, $0x6  }
0x6: {  	s30 =	sadd.s32 $0x241000, s0;
	s2 =	ssub.s32 $0x2, s2;
	s5 =	sor.u32 s6, s5  }
0x7: {  	s31 =	sadd.s32 $0x241100, s0;
	s8 =	sshrl.u32 s2, $0x1;
	s9 =	sshrl.u32 s5, $0x3  }
0x8: {  	s6 =	simm.s32 $0x12400;
	s2 =	ssub.s32 s2, s8;
	s20 =	sadd.s32 s3, s9  }
0x9: {  	s21 =	sor.u32 $0x10, s5;
	s10 =	sadd.s32 s4, s9;
	[dreg:$0x3] =	wrdreg s20  }
0xa: {  	s25 =	sor.u32 $0x20, s5;
	s22 =	sadd.s32 s7, s9;
	[dreg:$0x4] =	wrdreg s10  }
0xb: {  	s23 =	sshrl.u32 s21, $0x3;
	s9 =	sadd.s32 s19, s9;
	[dreg:$0x5] =	wrdreg s22  }
0xc: {  	s13 =	sor.u32 $0x30, s5;
	[dreg:$0x6] =	wrdreg s9;
	s24 =	sadd.s32 s3, s23  }
0xd: {  	s8 =	simm.s32 $0x2;
	s11 =	sadd.s32 s4, s23;
	[dreg:$0x7] =	wrdreg s24  }
0xe: {  	s28 =	sshrl.u32 s25, $0x3;
	s26 =	sadd.s32 s7, s23;
	[dreg:$0x8] =	wrdreg s11  }
0xf: {  	s15 =	sshrl.u32 s13, $0x3;
	s10 =	sadd.s32 s19, s23;
	[dreg:$0x9] =	wrdreg s26  }
0x10: {  	s21 =	sshll.u32 s21, $0x7;
	s12 =	sadd.s32 s3, s28;
	[dreg:$0xa] =	wrdreg s10  }
0x11: {  	s14 =	sadd.s32 s7, s28;
	s3 =	sadd.s32 s3, s15;
	[dreg:$0xb] =	wrdreg s12  }
0x12: {  	s16 =	sadd.s32 s4, s15;
	s17 =	sadd.s32 s7, s15;
	[dreg:$0xd] =	wrdreg s14  }
0x13: {  	s18 =	sadd.s32 s19, s15;
	s20 =	sadd.s32 $0x200E00, s0;
	[dreg:$0xf] =	wrdreg s3  }
0x14: {  	s23 =	sshll.u32 s25, $0x7;
	s25 =	sshll.u32 s13, $0x7;
	[dreg:$0x10] =	wrdreg s16  }
0x15: {  	s13 =	simm.s32 $0xFC00;
	s15 =	simm.s32 $0x13400;
	[dreg:$0x11] =	wrdreg s17  }
0x16: {  	s7 =	simm.s32 $0x13C00;
	s12 =	sadd.s32 s4, s28;
	[dreg:$0x12] =	wrdreg s18  }
0x17: {  	s11 =	sadd.s32 s19, s28;
	s18 =	simm.s32 $0x0;
	[dreg:$0xc] =	wrdreg s12  }
0x18: {  	s19 =	sshll.u32 s5, $0x7;
	s24 =	sadd.s32 s20, s21;
	[dreg:$0xe] =	wrdreg s11  }
0x19: {  	s5 =	sadd.s32 s1, s21;
	[smem:$0x7FF] =	sst s18;
	s22 =	sadd.s32 s20, s19  }
0x1a: {  	s3 =	sadd.s32 s1, s19;
	_ =	strace $0x8000004A;
	[dreg:$0x13] =	wrdreg s22  }
0x1b: {  	s28 =	sadd.s32 s20, s23;
	s4 =	sadd.s32 s20, s25;
	[dreg:$0x14] =	wrdreg s3  }
0x1c: {  	s26 =	sadd.s32 $0x240E00, s0;
	s0 =	smax.u32 s2, $0x1;
	[dreg:$0x15] =	wrdreg s24  }
0x1d: {  	s14 =	simm.s32 $0x11400;
	s21 =	simm.s32 $0x11C00;
	[dreg:$0x16] =	wrdreg s5  }
0x1e: {  	s16 =	simm.s32 $0x1;
	s12 =	simm.s32 $0xDC00;
	[dreg:$0x17] =	wrdreg s28  }
0x1f: {  	s19 =	simm.s32 $0xF400;
	s20 =	simm.s32 $0x10400;
	[dreg:$0x18] =	wrdreg s4  }
0x20: {  	s3 =	sadd.s32 s1, s23;
	s1 =	sadd.s32 s1, s25;
	s4 =	simm.s32 $0xEC00  }
0x21: {  	v2 =	vlaneseq.u32;
	s5 =	simm.s32 $0x10C00;
	s22 =	simm.s32 $0x12C00;
	s23 =	simm.s32 $0x14400  }
0x22: {  	vm0 =	vmmov $0xffff;
	v1 =	vshrl.u32 v2, $0x3;
	s24 =	simm.s32 $0x18400;
	s25 =	simm.s32 $0x0;
	[dreg:$0x19] =	wrdreg s3  }
0x23: {  	v0 =	vand.u32 $0x7, v2;
	v2 =	vor.u32 $0x8, v2;
	v1 =	vmul.u32 $0x8, v1;
	[dreg:$0x1a] =	wrdreg s1;
	s1 =	simm.s32 $0x3;
	s3 =	simm.s32 $0xE400  }
.LBB2_1:
0x24: {  	s2 =	rddreg [dreg:$0x3]  }
0x25: {  	[tilespmem:s18], [sflag:$0x3] =	stream.linear.gather [hbm4b:s2+s18], $0x10, $0x38;
	[tilespmem:$0x1C400] =	vst v63  }
0x26: {  	_ =	swait.ge [sflag:s1], $0x10  }
0x27: {  	[sflag:s1] =	ssyncset.done $0x0  }
0x28: {  	s9 =	simm.s32 $0x80;
	s10 =	rddreg [dreg:$0x4];
	[sflag:s1] =	ssyncadd.s32 $0xFFFFFFF0  }
0x29: {  	[tilespmem:s9], [sflag:$0x3] =	stream.linear.gather [hbm4b:s10+s18], $0x10, $0x38;
	[tilespmem:$0x1C400] =	vst v63  }
0x2a: {  	_ =	swait.ge [sflag:s1], $0x10  }
0x2b: {  	[sflag:s1] =	ssyncset.done $0x0  }
0x2c: {  	s17 =	simm.s32 $0x100;
	s11 =	rddreg [dreg:$0x5];
	[sflag:s1] =	ssyncadd.s32 $0xFFFFFFF0  }
0x2d: {  	[tilespmem:s17], [sflag:$0x3] =	stream.linear.gather [hbm4b:s11+s18], $0x10, $0x38;
	[tilespmem:$0x1C400] =	vst v63  }
0x2e: {  	_ =	swait.ge [sflag:s1], $0x10  }
0x2f: {  	[sflag:s1] =	ssyncset.done $0x0  }
0x30: {  	s10 =	simm.s32 $0x180;
	s9 =	rddreg [dreg:$0x6];
	[sflag:s1] =	ssyncadd.s32 $0xFFFFFFF0  }
0x31: {  	[tilespmem:s10], [sflag:$0x3] =	stream.linear.gather [hbm4b:s9+s18], $0x10, $0x38;
	[tilespmem:$0x1C400] =	vst v63  }
0x32: {  	_ =	swait.ge [sflag:s1], $0x10  }
0x33: {  	[sflag:s1] =	ssyncset.done $0x0  }
0x34: {  	[sflag:s1] =	ssyncadd.s32 $0xFFFFFFF0  }
0x35: {  	v3 =	vld [tilespmem:$0x0];
	_ =	sdelay $0x4  }
0x36: {  	v4 =	vshll.u32 v3, $0x3  }
0x37: {  	v3 =	vand.u32 $0x7, v3;
	v4 =	vand.u32 $0xFFFFFFC0, v4  }
0x38: {  	v3 =	vor.u32 v3, v4  }
0x39: {  	v4 =	vperm.xlane v3, v0;
	_ =	sdelay $0x1  }
0x3a: {  	v4 =	vadd.s32 v1, v4;
	_ =	sdelay $0x3  }
0x3b: {  	s11 =	simm.s32 $0x200  }
0x3c: {  	[tilespmem:s11], [sflag:$0x1] =	stream.indirect_vreg.gather [hbm4b:s26+s18], $0x80, v4, vm0, $0xb8;
	[tilespmem:$0x1C400] =	vst v63  }
0x3d: {  	s17 =	simm.s32 $0xA00;
	v3 =	vperm.xlane v3, v2  }
0x3e: {  	[tilespmem:s17], [sflag:$0x1] =	stream.indirect_vreg.gather [hbm4b:s29+s18], $0x80, v4, vm0, $0xb8;
	[tilespmem:$0x1C400] =	vst v63  }
0x3f: {  	s9 =	simm.s32 $0x1200;
	v3 =	vadd.s32 v1, v3  }
0x40: {  	[tilespmem:s9], [sflag:$0x1] =	stream.indirect_vreg.gather [hbm4b:s30+s18], $0x80, v4, vm0, $0xb8;
	[tilespmem:$0x1C400] =	vst v63  }
0x41: {  	s10 =	simm.s32 $0x1A00  }
0x42: {  	[tilespmem:s10], [sflag:$0x1] =	stream.indirect_vreg.gather [hbm4b:s31+s18], $0x80, v4, vm0, $0xb8;
	[tilespmem:$0x1C400] =	vst v63  }
0x43: {  	s11 =	simm.s32 $0x2200  }
0x44: {  	[tilespmem:s11], [sflag:$0x1] =	stream.indirect_vreg.gather [hbm4b:s26+s18], $0x80, v3, vm0, $0xb8;
	[tilespmem:$0x1C400] =	vst v63  }
0x45: {  	s17 =	simm.s32 $0x2A00  }
0x46: {  	[tilespmem:s17], [sflag:$0x1] =	stream.indirect_vreg.gather [hbm4b:s29+s18], $0x80, v3, vm0, $0xb8;
	[tilespmem:$0x1C400] =	vst v63  }
0x47: {  	s9 =	simm.s32 $0x3200  }
0x48: {  	[tilespmem:s9], [sflag:$0x1] =	stream.indirect_vreg.gather [hbm4b:s30+s18], $0x80, v3, vm0, $0xb8;
	[tilespmem:$0x1C400] =	vst v63  }
0x49: {  	s10 =	simm.s32 $0x3A00  }
0x4a: {  	[tilespmem:s10], [sflag:$0x1] =	stream.indirect_vreg.gather [hbm4b:s31+s18], $0x80, v3, vm0, $0xb8;
	[tilespmem:$0x1C400] =	vst v63  }
0x4b: {  	v3 =	vld [tilespmem:$0x80];
	_ =	sdelay $0x4  }
0x4c: {  	v4 =	vshll.u32 v3, $0x3  }
0x4d: {  	v3 =	vand.u32 $0x7, v3;
	v4 =	vand.u32 $0xFFFFFFC0, v4  }
0x4e: {  	v3 =	vor.u32 v3, v4  }
0x4f: {  	v4 =	vperm.xlane v3, v0;
	_ =	sdelay $0x1  }
0x50: {  	v4 =	vadd.s32 v1, v4;
	_ =	sdelay $0x3  }
0x51: {  	s11 =	simm.s32 $0x4200  }
0x52: {  	[tilespmem:s11], [sflag:$0x1] =	stream.indirect_vreg.gather [hbm4b:s26+s18], $0x80, v4, vm0, $0xb8;
	[tilespmem:$0x1C400] =	vst v63  }
0x53: {  	s17 =	simm.s32 $0x4A00;
	v3 =	vperm.xlane v3, v2  }
0x54: {  	[tilespmem:s17], [sflag:$0x1] =	stream.indirect_vreg.gather [hbm4b:s29+s18], $0x80, v4, vm0, $0xb8;
	[tilespmem:$0x1C400] =	vst v63  }
0x55: {  	s9 =	simm.s32 $0x5200;
	v3 =	vadd.s32 v1, v3  }
0x56: {  	[tilespmem:s9], [sflag:$0x1] =	stream.indirect_vreg.gather [hbm4b:s30+s18], $0x80, v4, vm0, $0xb8;
	[tilespmem:$0x1C400] =	vst v63  }
0x57: {  	s10 =	simm.s32 $0x5A00  }
0x58: {  	[tilespmem:s10], [sflag:$0x1] =	stream.indirect_vreg.gather [hbm4b:s31+s18], $0x80, v4, vm0, $0xb8;
	[tilespmem:$0x1C400] =	vst v63  }
0x59: {  	s11 =	simm.s32 $0x6200  }
0x5a: {  	[tilespmem:s11], [sflag:$0x1] =	stream.indirect_vreg.gather [hbm4b:s26+s18], $0x80, v3, vm0, $0xb8;
	[tilespmem:$0x1C400] =	vst v63  }
0x5b: {  	s17 =	simm.s32 $0x6A00  }
0x5c: {  	[tilespmem:s17], [sflag:$0x1] =	stream.indirect_vreg.gather [hbm4b:s29+s18], $0x80, v3, vm0, $0xb8;
	[tilespmem:$0x1C400] =	vst v63  }
0x5d: {  	s9 =	simm.s32 $0x7200  }
0x5e: {  	[tilespmem:s9], [sflag:$0x1] =	stream.indirect_vreg.gather [hbm4b:s30+s18], $0x80, v3, vm0, $0xb8;
	[tilespmem:$0x1C400] =	vst v63  }
0x5f: {  	s10 =	simm.s32 $0x7A00  }
0x60: {  	[tilespmem:s10], [sflag:$0x1] =	stream.indirect_vreg.gather [hbm4b:s31+s18], $0x80, v3, vm0, $0xb8;
	[tilespmem:$0x1C400] =	vst v63  }
0x61: {  	s11 =	rddreg [dreg:$0x13];
	s17 =	simm.s32 $0x8200  }
0x62: {  	[tilespmem:s17], [sflag:$0x1] =	stream.linear.gather [hbm4b:s11+s18], $0x4000, $0x38;
	[tilespmem:$0x1C400] =	vst v63  }
0x63: {  	s9 =	rddreg [dreg:$0x7];
	s10 =	simm.s32 $0xC200  }
0x64: {  	[tilespmem:s10], [sflag:$0x3] =	stream.linear.gather [hbm4b:s9+s18], $0x10, $0x38;
	[tilespmem:$0x1C400] =	vst v63  }
0x65: {  	_ =	swait.ge [sflag:s1], $0x10  }
0x66: {  	[sflag:s1] =	ssyncset.done $0x0  }
0x67: {  	s17 =	simm.s32 $0xC280;
	s11 =	rddreg [dreg:$0x8];
	[sflag:s1] =	ssyncadd.s32 $0xFFFFFFF0  }
0x68: {  	[tilespmem:s17], [sflag:$0x3] =	stream.linear.gather [hbm4b:s11+s18], $0x10, $0x38;
	[tilespmem:$0x1C400] =	vst v63  }
0x69: {  	_ =	swait.ge [sflag:s1], $0x10  }
0x6a: {  	[sflag:s1] =	ssyncset.done $0x0  }
0x6b: {  	s10 =	simm.s32 $0xC300;
	s9 =	rddreg [dreg:$0x9];
	[sflag:s1] =	ssyncadd.s32 $0xFFFFFFF0  }
0x6c: {  	[tilespmem:s10], [sflag:$0x3] =	stream.linear.gather [hbm4b:s9+s18], $0x10, $0x38;
	[tilespmem:$0x1C400] =	vst v63  }
0x6d: {  	_ =	swait.ge [sflag:s1], $0x10  }
0x6e: {  	[sflag:s1] =	ssyncset.done $0x0  }
0x6f: {  	s17 =	simm.s32 $0xC380;
	s11 =	rddreg [dreg:$0xa];
	[sflag:s1] =	ssyncadd.s32 $0xFFFFFFF0  }
0x70: {  	[tilespmem:s17], [sflag:$0x3] =	stream.linear.gather [hbm4b:s11+s18], $0x10, $0x38;
	[tilespmem:$0x1C400] =	vst v63  }
0x71: {  	_ =	swait.ge [sflag:s1], $0x10  }
0x72: {  	[sflag:s1] =	ssyncset.done $0x0  }
0x73: {  	[sflag:s1] =	ssyncadd.s32 $0xFFFFFFF0  }
0x74: {  	v3 =	vld [tilespmem:$0xC200];
	_ =	sdelay $0x4  }
0x75: {  	v4 =	vshll.u32 v3, $0x3  }
0x76: {  	v3 =	vand.u32 $0x7, v3;
	v4 =	vand.u32 $0xFFFFFFC0, v4  }
0x77: {  	v3 =	vor.u32 v3, v4  }
0x78: {  	v4 =	vperm.xlane v3, v0;
	_ =	sdelay $0x1  }
0x79: {  	v4 =	vadd.s32 v1, v4;
	_ =	sdelay $0x3  }
0x7a: {  	s9 =	simm.s32 $0xC400  }
0x7b: {  	[tilespmem:s9], [sflag:$0x2] =	stream.indirect_vreg.gather [hbm4b:s26+s18], $0x80, v4, vm0, $0xb8;
	[tilespmem:$0x1C400] =	vst v63  }
0x7c: {  	s10 =	simm.s32 $0xCC00;
	v3 =	vperm.xlane v3, v2  }
0x7d: {  	[tilespmem:s10], [sflag:$0x2] =	stream.indirect_vreg.gather [hbm4b:s29+s18], $0x80, v4, vm0, $0xb8;
	[tilespmem:$0x1C400] =	vst v63  }
0x7e: {  	s11 =	simm.s32 $0xD400;
	v3 =	vadd.s32 v1, v3  }
0x7f: {  	[tilespmem:s11], [sflag:$0x2] =	stream.indirect_vreg.gather [hbm4b:s30+s18], $0x80, v4, vm0, $0xb8;
	[tilespmem:$0x1C400] =	vst v63  }
0x80: {  	_ = 	snop  }
0x81: {  	[tilespmem:s12], [sflag:$0x2] =	stream.indirect_vreg.gather [hbm4b:s31+s18], $0x80, v4, vm0, $0xb8;
	[tilespmem:$0x1C400] =	vst v63  }
0x82: {  	_ = 	snop  }
0x83: {  	[tilespmem:s3], [sflag:$0x2] =	stream.indirect_vreg.gather [hbm4b:s26+s18], $0x80, v3, vm0, $0xb8;
	[tilespmem:$0x1C400] =	vst v63  }
0x84: {  	_ = 	snop  }
0x85: {  	[tilespmem:s4], [sflag:$0x2] =	stream.indirect_vreg.gather [hbm4b:s29+s18], $0x80, v3, vm0, $0xb8;
	[tilespmem:$0x1C400] =	vst v63  }
0x86: {  	_ = 	snop  }
0x87: {  	[tilespmem:s19], [sflag:$0x2] =	stream.indirect_vreg.gather [hbm4b:s30+s18], $0x80, v3, vm0, $0xb8;
	[tilespmem:$0x1C400] =	vst v63  }
0x88: {  	_ = 	snop  }
0x89: {  	[tilespmem:s13], [sflag:$0x2] =	stream.indirect_vreg.gather [hbm4b:s31+s18], $0x80, v3, vm0, $0xb8;
	[tilespmem:$0x1C400] =	vst v63  }
0x8a: {  	v3 =	vld [tilespmem:$0xC280];
	_ =	sdelay $0x4  }
0x8b: {  	v4 =	vshll.u32 v3, $0x3  }
0x8c: {  	v3 =	vand.u32 $0x7, v3;
	v4 =	vand.u32 $0xFFFFFFC0, v4  }
0x8d: {  	v3 =	vor.u32 v3, v4  }
0x8e: {  	v4 =	vperm.xlane v3, v0;
	_ =	sdelay $0x1  }
0x8f: {  	v4 =	vadd.s32 v1, v4;
	_ =	sdelay $0x4  }
0x90: {  	[tilespmem:s20], [sflag:$0x2] =	stream.indirect_vreg.gather [hbm4b:s26+s18], $0x80, v4, vm0, $0xb8;
	[tilespmem:$0x1C400] =	vst v63  }
0x91: {  	v3 =	vperm.xlane v3, v2  }
0x92: {  	[tilespmem:s5], [sflag:$0x2] =	stream.indirect_vreg.gather [hbm4b:s29+s18], $0x80, v4, vm0, $0xb8;
	[tilespmem:$0x1C400] =	vst v63  }
0x93: {  	v3 =	vadd.s32 v1, v3  }
0x94: {  	[tilespmem:s14], [sflag:$0x2] =	stream.indirect_vreg.gather [hbm4b:s30+s18], $0x80, v4, vm0, $0xb8;
	[tilespmem:$0x1C400] =	vst v63  }
0x95: {  	_ = 	snop  }
0x96: {  	[tilespmem:s21], [sflag:$0x2] =	stream.indirect_vreg.gather [hbm4b:s31+s18], $0x80, v4, vm0, $0xb8;
	[tilespmem:$0x1C400] =	vst v63  }
0x97: {  	_ = 	snop  }
0x98: {  	[tilespmem:s6], [sflag:$0x2] =	stream.indirect_vreg.gather [hbm4b:s26+s18], $0x80, v3, vm0, $0xb8;
	[tilespmem:$0x1C400] =	vst v63  }
0x99: {  	_ = 	snop  }
0x9a: {  	[tilespmem:s22], [sflag:$0x2] =	stream.indirect_vreg.gather [hbm4b:s29+s18], $0x80, v3, vm0, $0xb8;
	[tilespmem:$0x1C400] =	vst v63  }
0x9b: {  	_ = 	snop  }
0x9c: {  	[tilespmem:s15], [sflag:$0x2] =	stream.indirect_vreg.gather [hbm4b:s30+s18], $0x80, v3, vm0, $0xb8;
	[tilespmem:$0x1C400] =	vst v63  }
0x9d: {  	_ = 	snop  }
0x9e: {  	[tilespmem:s7], [sflag:$0x2] =	stream.indirect_vreg.gather [hbm4b:s31+s18], $0x80, v3, vm0, $0xb8;
	[tilespmem:$0x1C400] =	vst v63  }
0x9f: {  	s17 =	rddreg [dreg:$0x15]  }
0xa0: {  	[tilespmem:s23], [sflag:$0x2] =	stream.linear.gather [hbm4b:s17+s18], $0x4000, $0x38;
	[tilespmem:$0x1C400] =	vst v63  }
0xa1: {  	_ =	swait.ge [sflag:s16], $0x4000  }
0xa2: {  	[sflag:s16] =	ssyncset.done $0x0  }
0xa3: {  	[sflag:s16] =	ssyncadd.s32 $0xFFFFC000  }
0xa4: {  	_ =	swait.ge [sflag:s16], $0x4000  }
0xa5: {  	[sflag:s16] =	ssyncset.done $0x0  }
0xa6: {  	[sflag:s16] =	ssyncadd.s32 $0xFFFFC000  }
0xa7: {  	_ =	swait.ge [sflag:s16], $0x4000  }
0xa8: {  	[sflag:s16] =	ssyncset.done $0x0  }
0xa9: {  	[sflag:s16] =	ssyncadd.s32 $0xFFFFC000  }
0xaa: {  	s2 =	sand.u32 $0x70, s18;
	s10 =	sand.u32 $0x1C00, s18;
	v17 =	vld [tilespmem:$0x100]  }
0xab: {  	s17 =	sor.u32 s2, s10;
	v18 =	vld [tilespmem:$0x180]  }
0xac: {  	v19 =	vld [tilespmem:s17+$0x380]  }
0xad: {  	v20 =	vld [tilespmem:s17+$0x4300]  }
0xae: {  	v21 =	vld [tilespmem:s17+$0x4280]  }
0xaf: {  	v22 =	vld [tilespmem:s17+$0x8500]  }
0xb0: {  	v23 =	vld [tilespmem:s17+$0x4500]  }
0xb1: {  	v24 =	vld [tilespmem:s17+$0x300]  }
0xb2: {  	v25 =	vld [tilespmem:s17+$0x4400];
	v3 =	vbroadcast v17, $0x0  }
0xb3: {  	v26 =	vld [tilespmem:s17+$0x280];
	v4 =	vbroadcast v18, $0x0;
	v5 =	vbroadcast v17, $0x1  }
0xb4: {  	v27 =	vld [tilespmem:s17+$0x4200];
	v6 =	vbroadcast v18, $0x1;
	v7 =	vbroadcast v17, $0x2  }
0xb5: {  	v28 =	vld [tilespmem:s17+$0x500];
	v8 =	vbroadcast v18, $0x2;
	v9 =	vbroadcast v17, $0x3  }
0xb6: {  	v30 =	vld [tilespmem:s17+$0x200];
	v11 =	vbroadcast v17, $0x4;
	v12 =	vbroadcast v18, $0x4  }
0xb7: {  	v29 =	vld [tilespmem:s17+$0x400];
	v13 =	vbroadcast v17, $0x5;
	v14 =	vbroadcast v18, $0x5  }
0xb8: {  	v32 =	vld [tilespmem:s17+$0x480];
	v15 =	vbroadcast v17, $0x6;
	v16 =	vbroadcast v18, $0x6  }
0xb9: {  	v31 =	vld [tilespmem:s17+$0x4480];
	v20 =	vmul.f32 v20, v8;
	v24 =	vmul.f32 v24, v7  }
0xba: {  	v33 =	vld [tilespmem:s17+$0x4380];
	v23 =	vmul.f32 v23, v16;
	v28 =	vmul.f32 v28, v15  }
0xbb: {  	v34 =	vld [tilespmem:s17+$0x8400];
	v27 =	vmul.f32 v27, v4;
	v30 =	vmul.f32 v30, v3  }
0xbc: {  	v20 =	vadd.f32 v20, v24;
	v24 =	vmul.f32 v25, v12;
	v25 =	vmul.f32 v29, v11;
	v29 =	vld [tilespmem:s17+$0x8200]  }
0xbd: {  	v10 =	vbroadcast v18, $0x3;
	v32 =	vmul.f32 v32, v13;
	v23 =	vadd.f32 v23, v28;
	v28 =	vld [tilespmem:s17+$0x8480]  }
0xbe: {  	v31 =	vmul.f32 v31, v14;
	v27 =	vadd.f32 v27, v30;
	v30 =	vld [tilespmem:s17+$0x8380];
	v24 =	vadd.f32 v24, v25  }
0xbf: {  	v19 =	vmul.f32 v19, v9;
	v63 =	vmul.f32 v33, v10;
	v25 =	vld [tilespmem:s17+$0x8300];
	v22 =	vadd.f32 v23, v22  }
0xc0: {  	v21 =	vmul.f32 v21, v6;
	v31 =	vadd.f32 v31, v32;
	v23 =	vld [tilespmem:s17+$0x8280];
	v24 =	vadd.f32 v24, v34  }
0xc1: {  	v26 =	vmul.f32 v26, v5;
	v19 =	vadd.f32 v63, v19;
	[tilespmem:s17+$0x18700] =	vst v22;
	v27 =	vadd.f32 v27, v29  }
0xc2: {  	v22 =	vadd.f32 v31, v28;
	[tilespmem:s17+$0x18600] =	vst v24  }
0xc3: {  	v21 =	vadd.f32 v21, v26;
	v19 =	vadd.f32 v19, v30;
	[tilespmem:s17+$0x18400] =	vst v27  }
0xc4: {  	v20 =	vadd.f32 v20, v25;
	[tilespmem:s17+$0x18680] =	vst v22  }
0xc5: {  	v21 =	vadd.f32 v21, v23;
	[tilespmem:s17+$0x18580] =	vst v19  }
0xc6: {  	s10 =	sor.u32 s18, s18;
	[tilespmem:s17+$0x18500] =	vst v20  }
0xc7: {  	s11 =	sor.u32 $0x380, s10;
	[tilespmem:s17+$0x18480] =	vst v21  }
0xc8: {  	v19 =	vld [tilespmem:s11+$0x200]  }
0xc9: {  	v20 =	vld [tilespmem:s11+$0x4200];
	_ =	sdelay $0x2  }
0xca: {  	v32 =	vbroadcast v18, $0x7;
	v30 =	vbroadcast v17, $0x7  }
0xcb: {  	v25 =	vld [tilespmem:s11+$0x8200]  }
0xcc: {  	v21 =	vmul.f32 v19, v30;
	v22 =	vmul.f32 v20, v32;
	_ =	sdelay $0x1  }
0xcd: {  	v33 =	vbroadcast v17, $0xE;
	v34 =	vbroadcast v18, $0xE;
	v26 =	vadd.f32 v22, v21  }
0xce: {  	v29 =	vbroadcast v18, $0xB;
	v31 =	vbroadcast v17, $0xD  }
0xcf: {  	v24 =	vbroadcast v18, $0xA;
	v23 =	vbroadcast v17, $0xA;
	v28 =	vadd.f32 v26, v25  }
0xd0: {  	v27 =	vbroadcast v18, $0xC;
	v19 =	vbroadcast v17, $0x8  }
0xd1: {  	v20 =	vbroadcast v18, $0x8;
	v22 =	vbroadcast v17, $0x9;
	[tilespmem:s11+$0x18400] =	vst v28  }
0xd2: {  	v21 =	vbroadcast v18, $0x9;
	v25 =	vbroadcast v17, $0xB;
	v35 =	vld [tilespmem:s17+$0xA480]  }
0xd3: {  	v26 =	vbroadcast v17, $0xC;
	v17 =	vbroadcast v17, $0xF;
	v37 =	vld [tilespmem:s17+$0xA500]  }
0xd4: {  	s28 =	simm.s32 $0x0;
	s9 =	simm.s32 $0x10;
	v28 =	vbroadcast v18, $0xD;
	v18 =	vbroadcast v18, $0xF;
	v36 =	vld [tilespmem:s17+$0xA380]  }
.LBB2_2:
0xd5: {  	p0 =	sne.s32 s9, $0x3F0  }
0xd6: {  	v38 =	vld [tilespmem:s17+$0xA400];
	s28 =	sadd.s32 $0x80, s28;
	s11 =	smov.u32 s9;
	s9 =	sadd.s32 $0x10, s9  }
0xd7: {  	v39 =	vld [tilespmem:s17+$0x6500]  }
0xd8: {  	v40 =	vld [tilespmem:s17+$0x6300]  }
0xd9: {  	v41 =	vld [tilespmem:s17+$0x2480]  }
0xda: {  	v42 =	vld [tilespmem:s17+$0x2500]  }
0xdb: {  	v43 =	vld [tilespmem:s17+$0x6480]  }
0xdc: {  	v44 =	vld [tilespmem:s17+$0x6400]  }
0xdd: {  	v40 =	vmul.f32 v40, v24;
	v45 =	vld [tilespmem:s17+$0x6380]  }
0xde: {  	v39 =	vmul.f32 v39, v34;
	v46 =	vld [tilespmem:s17+$0x2400]  }
0xdf: {  	v47 =	vld [tilespmem:s17+$0x2200];
	v42 =	vmul.f32 v42, v33  }
0xe0: {  	v41 =	vmul.f32 v41, v31;
	v48 =	vld [tilespmem:s17+$0x2380]  }
0xe1: {  	v49 =	vld [tilespmem:s17+$0x2300];
	v39 =	vadd.f32 v39, v42  }
0xe2: {  	v42 =	vld [tilespmem:s17+$0x2280];
	v45 =	vmul.f32 v45, v29  }
0xe3: {  	v44 =	vmul.f32 v44, v27;
	v50 =	vld [tilespmem:s17+$0x6200];
	v46 =	vmul.f32 v46, v26;
	v37 =	vadd.f32 v39, v37  }
0xe4: {  	v43 =	vmul.f32 v43, v28;
	v39 =	vld [tilespmem:s17+$0x6280]  }
0xe5: {  	v48 =	vmul.f32 v48, v25;
	v44 =	vadd.f32 v44, v46;
	[tilespmem:s17+$0x1A700] =	vst v37  }
0xe6: {  	v41 =	vadd.f32 v43, v41;
	v37 =	vmul.f32 v49, v23;
	v46 =	vld [tilespmem:s17+$0xA300]  }
0xe7: {  	v43 =	vld [tilespmem:s17+$0xA200];
	v42 =	vmul.f32 v42, v22;
	v45 =	vadd.f32 v45, v48;
	v38 =	vadd.f32 v44, v38  }
0xe8: {  	v35 =	vadd.f32 v41, v35;
	v44 =	vmul.f32 v47, v19;
	v47 =	vmul.f32 v50, v20;
	v48 =	vld [tilespmem:s17+$0xA280]  }
0xe9: {  	v37 =	vadd.f32 v40, v37;
	v39 =	vmul.f32 v39, v21;
	v36 =	vadd.f32 v45, v36;
	[tilespmem:s17+$0x1A600] =	vst v38  }
0xea: {  	v38 =	vadd.f32 v47, v44;
	[tilespmem:s17+$0x1A680] =	vst v35  }
0xeb: {  	v35 =	vadd.f32 v39, v42;
	v37 =	vadd.f32 v37, v46;
	[tilespmem:s17+$0x1A580] =	vst v36  }
0xec: {  	v36 =	vadd.f32 v38, v43  }
0xed: {  	v35 =	vadd.f32 v35, v48;
	[tilespmem:s17+$0x1A500] =	vst v37  }
0xee: {  	[tilespmem:s17+$0x1A400] =	vst v36  }
0xef: {  	s10 =	sor.u32 $0x2380, s10;
	[tilespmem:s17+$0x1A480] =	vst v35  }
0xf0: {  	v35 =	vld [tilespmem:s10+$0x200]  }
0xf1: {  	v36 =	vld [tilespmem:s10+$0x4200]  }
0xf2: {  	v37 =	vld [tilespmem:s10+$0x8200];
	_ =	sdelay $0x3  }
0xf3: {  	v35 =	vmul.f32 v35, v17;
	v36 =	vmul.f32 v36, v18;
	_ =	sdelay $0x1  }
0xf4: {  	v35 =	vadd.f32 v36, v35  }
0xf5: {  	s2 =	sand.u32 $0x1C00, s28;
	s17 =	sand.u32 $0x70, s11  }
0xf6: {  	s17 =	sor.u32 s17, s2;
	v35 =	vadd.f32 v35, v37;
	_ =	sdelay $0x1  }
0xf7: {  	[tilespmem:s10+$0x18400] =	vst v35  }
0xf8: {  	v35 =	vld [tilespmem:s17+$0x380]  }
0xf9: {  	v36 =	vld [tilespmem:s17+$0x4300]  }
0xfa: {  	v37 =	vld [tilespmem:s17+$0x4280]  }
0xfb: {  	v38 =	vld [tilespmem:s17+$0x8500]  }
0xfc: {  	v39 =	vld [tilespmem:s17+$0x4500]  }
0xfd: {  	v40 =	vld [tilespmem:s17+$0x300]  }
0xfe: {  	v41 =	vld [tilespmem:s17+$0x4400]  }
0xff: {  	v42 =	vld [tilespmem:s17+$0x280]  }
0x100: {  	v36 =	vmul.f32 v36, v8;
	v43 =	vld [tilespmem:s17+$0x4200]  }
0x101: {  	v44 =	vld [tilespmem:s17+$0x500]  }
0x102: {  	v37 =	vmul.f32 v37, v6;
	v40 =	vmul.f32 v40, v7;
	v45 =	vld [tilespmem:s17+$0x400]  }
0x103: {  	v39 =	vmul.f32 v39, v16;
	v46 =	vld [tilespmem:s17+$0x200]  }
0x104: {  	v41 =	vmul.f32 v41, v12;
	v42 =	vmul.f32 v42, v5;
	v36 =	vadd.f32 v36, v40;
	v40 =	vld [tilespmem:s17+$0x4380]  }
0x105: {  	v47 =	vld [tilespmem:s17+$0x4480]  }
0x106: {  	v35 =	vmul.f32 v35, v9;
	v37 =	vadd.f32 v37, v42;
	v42 =	vld [tilespmem:s17+$0x480];
	v44 =	vmul.f32 v44, v15  }
0x107: {  	v43 =	vmul.f32 v43, v4;
	v48 =	vld [tilespmem:s17+$0x8380];
	v45 =	vmul.f32 v45, v11  }
0x108: {  	v46 =	vmul.f32 v46, v3;
	v49 =	vld [tilespmem:s17+$0x8400];
	v39 =	vadd.f32 v39, v44  }
0x109: {  	v44 =	vld [tilespmem:s17+$0x8200];
	v40 =	vmul.f32 v40, v10;
	v41 =	vadd.f32 v41, v45  }
0x10a: {  	v43 =	vadd.f32 v43, v46;
	v45 =	vld [tilespmem:s17+$0x8480];
	v38 =	vadd.f32 v39, v38  }
0x10b: {  	v39 =	vld [tilespmem:s17+$0x8300];
	v35 =	vadd.f32 v40, v35;
	v40 =	vmul.f32 v42, v13;
	v42 =	vmul.f32 v47, v14  }
0x10c: {  	v46 =	vld [tilespmem:s17+$0x8280]  }
0x10d: {  	v41 =	vadd.f32 v41, v49;
	v40 =	vadd.f32 v42, v40  }
0x10e: {  	v35 =	vadd.f32 v35, v48;
	v42 =	vadd.f32 v43, v44;
	[tilespmem:s17+$0x18700] =	vst v38  }
0x10f: {  	[tilespmem:s17+$0x18600] =	vst v41;
	v38 =	vadd.f32 v40, v45  }
0x110: {  	[tilespmem:s17+$0x18400] =	vst v42;
	v36 =	vadd.f32 v36, v39  }
0x111: {  	v37 =	vadd.f32 v37, v46;
	[tilespmem:s17+$0x18680] =	vst v38  }
0x112: {  	[tilespmem:s17+$0x18500] =	vst v36  }
0x113: {  	s10 =	sor.u32 s11, s28;
	[tilespmem:s17+$0x18480] =	vst v37  }
0x114: {  	s2 =	sor.u32 $0x380, s10;
	[tilespmem:s17+$0x18580] =	vst v35  }
0x115: {  	v35 =	vld [tilespmem:s2+$0x200]  }
0x116: {  	v36 =	vld [tilespmem:s2+$0x4200]  }
0x117: {  	v37 =	vld [tilespmem:s2+$0x8200];
	_ =	sdelay $0x3  }
0x118: {  	v35 =	vmul.f32 v35, v30;
	v36 =	vmul.f32 v36, v32;
	_ =	sdelay $0x1  }
0x119: {  	v35 =	vadd.f32 v36, v35;
	_ =	sdelay $0x1  }
0x11a: {  	v35 =	vadd.f32 v35, v37  }
.Ltmp0:
0x11b: {  	(pc) =	sbr.rel @p0 .LBB2_2-.Ltmp0, $4  }
0x11c: {  	[tilespmem:s2+$0x18400] =	vst v35  }
0x11d: {  	v35 =	vld [tilespmem:s17+$0xA480]  }
0x11e: {  	v37 =	vld [tilespmem:s17+$0xA500]  }
0x11f: {  	v36 =	vld [tilespmem:s17+$0xA380]  }
0x120: {  	v3 =	vld [tilespmem:s17+$0xA400]  }
0x121: {  	v4 =	vld [tilespmem:s17+$0x6500]  }
0x122: {  	v5 =	vld [tilespmem:s17+$0x6300]  }
0x123: {  	v6 =	vld [tilespmem:s17+$0x2480]  }
0x124: {  	v7 =	vld [tilespmem:s17+$0x2500]  }
0x125: {  	v8 =	vld [tilespmem:s17+$0x6480]  }
0x126: {  	v9 =	vld [tilespmem:s17+$0x6400]  }
0x127: {  	v10 =	vld [tilespmem:s17+$0x6380]  }
0x128: {  	v11 =	vld [tilespmem:s17+$0x2400]  }
0x129: {  	v12 =	vld [tilespmem:s17+$0x2200]  }
0x12a: {  	v13 =	vld [tilespmem:s17+$0x2380];
	v4 =	vmul.f32 v4, v34;
	v7 =	vmul.f32 v7, v33  }
0x12b: {  	v14 =	vld [tilespmem:s17+$0x2300]  }
0x12c: {  	v15 =	vld [tilespmem:s17+$0x6200];
	v4 =	vadd.f32 v4, v7  }
0x12d: {  	v16 =	vld [tilespmem:s17+$0x6280];
	v6 =	vmul.f32 v6, v31;
	v8 =	vmul.f32 v8, v28  }
0x12e: {  	v11 =	vmul.f32 v11, v26;
	v9 =	vmul.f32 v9, v27;
	v7 =	vld [tilespmem:s17+$0x2280];
	v4 =	vadd.f32 v4, v37  }
0x12f: {  	v10 =	vmul.f32 v10, v29;
	v13 =	vmul.f32 v13, v25;
	v6 =	vadd.f32 v8, v6  }
0x130: {  	[tilespmem:s17+$0x1A700] =	vst v4;
	v4 =	vmul.f32 v5, v24;
	v5 =	vadd.f32 v9, v11;
	v11 =	vld [tilespmem:s17+$0xA300]  }
0x131: {  	v8 =	vld [tilespmem:s17+$0xA200];
	v10 =	vadd.f32 v10, v13;
	v6 =	vadd.f32 v6, v35;
	v9 =	vmul.f32 v14, v23  }
0x132: {  	v13 =	vld [tilespmem:s17+$0xA280];
	v3 =	vadd.f32 v5, v3;
	v5 =	vmul.f32 v12, v19;
	v12 =	vmul.f32 v15, v20  }
0x133: {  	v14 =	vmul.f32 v16, v21;
	v7 =	vmul.f32 v7, v22;
	v4 =	vadd.f32 v4, v9  }
0x134: {  	v9 =	vadd.f32 v10, v36;
	[tilespmem:s17+$0x1A600] =	vst v3;
	v3 =	vadd.f32 v12, v5  }
0x135: {  	[tilespmem:s17+$0x1A680] =	vst v6;
	v5 =	vadd.f32 v14, v7;
	v4 =	vadd.f32 v4, v11  }
0x136: {  	[tilespmem:s17+$0x1A580] =	vst v9;
	v3 =	vadd.f32 v3, v8  }
0x137: {  	v5 =	vadd.f32 v5, v13;
	[tilespmem:s17+$0x1A500] =	vst v4  }
0x138: {  	[tilespmem:s17+$0x1A400] =	vst v3  }
0x139: {  	s2 =	sor.u32 $0x2380, s10;
	[tilespmem:s17+$0x1A480] =	vst v5  }
0x13a: {  	v3 =	vld [tilespmem:s2+$0x200]  }
0x13b: {  	v4 =	vld [tilespmem:s2+$0x4200];
	_ =	sdelay $0x3  }
0x13c: {  	v5 =	vld [tilespmem:s2+$0x8200]  }
0x13d: {  	v3 =	vmul.f32 v3, v17;
	v4 =	vmul.f32 v4, v18;
	_ =	sdelay $0x1  }
0x13e: {  	v3 =	vadd.f32 v4, v3;
	_ =	sdelay $0x1  }
0x13f: {  	v3 =	vadd.f32 v3, v5;
	_ =	sdelay $0x1  }
0x140: {  	s9 =	rddreg [dreg:$0x14];
	s17 =	simm.s32 $0x0;
	[tilespmem:s2+$0x18400] =	vst v3  }
0x141: {  	[hbm4b:s9+s17] =	stream.linear.scatter [tilespmem:s24], [sflag:$0x3], $0x4000, $0x38;
	[tilespmem:$0x1C400] =	vst v63  }
0x142: {  	_ =	swait.ge [sflag:s1], $0x4000  }
0x143: {  	[sflag:s1] =	ssyncset.done $0x0  }
0x144: {  	s10 =	rddreg [dreg:$0xb];
	[sflag:s1] =	ssyncadd.s32 $0xFFFFC000  }
0x145: {  	[tilespmem:s17], [sflag:$0x3] =	stream.linear.gather [hbm4b:s10+s17], $0x10, $0x38;
	[tilespmem:$0x1C400] =	vst v63  }
0x146: {  	_ =	swait.ge [sflag:s1], $0x10  }
0x147: {  	[sflag:s1] =	ssyncset.done $0x0  }
0x148: {  	s9 =	simm.s32 $0x80;
	s11 =	rddreg [dreg:$0xc];
	[sflag:s1] =	ssyncadd.s32 $0xFFFFFFF0  }
0x149: {  	[tilespmem:s9], [sflag:$0x3] =	stream.linear.gather [hbm4b:s11+s17], $0x10, $0x38;
	[tilespmem:$0x1C400] =	vst v63  }
0x14a: {  	_ =	swait.ge [sflag:s1], $0x10  }
0x14b: {  	[sflag:s1] =	ssyncset.done $0x0  }
0x14c: {  	s11 =	simm.s32 $0x100;
	s10 =	rddreg [dreg:$0xd];
	[sflag:s1] =	ssyncadd.s32 $0xFFFFFFF0  }
0x14d: {  	[tilespmem:s11], [sflag:$0x3] =	stream.linear.gather [hbm4b:s10+s17], $0x10, $0x38;
	[tilespmem:$0x1C400] =	vst v63  }
0x14e: {  	_ =	swait.ge [sflag:s1], $0x10  }
0x14f: {  	[sflag:s1] =	ssyncset.done $0x0  }
0x150: {  	s11 =	simm.s32 $0x180;
	s10 =	rddreg [dreg:$0xe];
	[sflag:s1] =	ssyncadd.s32 $0xFFFFFFF0  }
0x151: {  	[tilespmem:s11], [sflag:$0x3] =	stream.linear.gather [hbm4b:s10+s17], $0x10, $0x38;
	[tilespmem:$0x1C400] =	vst v63  }
0x152: {  	_ =	swait.ge [sflag:s1], $0x10  }
0x153: {  	[sflag:s1] =	ssyncset.done $0x0  }
0x154: {  	[sflag:s1] =	ssyncadd.s32 $0xFFFFFFF0  }
0x155: {  	v3 =	vld [tilespmem:$0x0];
	_ =	sdelay $0x4  }
0x156: {  	v4 =	vshll.u32 v3, $0x3  }
0x157: {  	v3 =	vand.u32 $0x7, v3;
	v4 =	vand.u32 $0xFFFFFFC0, v4  }
0x158: {  	v3 =	vor.u32 v3, v4  }
0x159: {  	v4 =	vperm.xlane v3, v0;
	_ =	sdelay $0x1  }
0x15a: {  	v4 =	vadd.s32 v1, v4;
	_ =	sdelay $0x3  }
0x15b: {  	s9 =	simm.s32 $0x200  }
0x15c: {  	[tilespmem:s9], [sflag:$0x1] =	stream.indirect_vreg.gather [hbm4b:s26+s17], $0x80, v4, vm0, $0xb8;
	[tilespmem:$0x1C400] =	vst v63  }
0x15d: {  	s10 =	simm.s32 $0xA00;
	v3 =	vperm.xlane v3, v2  }
0x15e: {  	[tilespmem:s10], [sflag:$0x1] =	stream.indirect_vreg.gather [hbm4b:s29+s17], $0x80, v4, vm0, $0xb8;
	[tilespmem:$0x1C400] =	vst v63  }
0x15f: {  	s11 =	simm.s32 $0x1200;
	v3 =	vadd.s32 v1, v3  }
0x160: {  	[tilespmem:s11], [sflag:$0x1] =	stream.indirect_vreg.gather [hbm4b:s30+s17], $0x80, v4, vm0, $0xb8;
	[tilespmem:$0x1C400] =	vst v63  }
0x161: {  	s9 =	simm.s32 $0x1A00  }
0x162: {  	[tilespmem:s9], [sflag:$0x1] =	stream.indirect_vreg.gather [hbm4b:s31+s17], $0x80, v4, vm0, $0xb8;
	[tilespmem:$0x1C400] =	vst v63  }
0x163: {  	s10 =	simm.s32 $0x2200  }
0x164: {  	[tilespmem:s10], [sflag:$0x1] =	stream.indirect_vreg.gather [hbm4b:s26+s17], $0x80, v3, vm0, $0xb8;
	[tilespmem:$0x1C400] =	vst v63  }
0x165: {  	s11 =	simm.s32 $0x2A00  }
0x166: {  	[tilespmem:s11], [sflag:$0x1] =	stream.indirect_vreg.gather [hbm4b:s29+s17], $0x80, v3, vm0, $0xb8;
	[tilespmem:$0x1C400] =	vst v63  }
0x167: {  	s9 =	simm.s32 $0x3200  }
0x168: {  	[tilespmem:s9], [sflag:$0x1] =	stream.indirect_vreg.gather [hbm4b:s30+s17], $0x80, v3, vm0, $0xb8;
	[tilespmem:$0x1C400] =	vst v63  }
0x169: {  	s10 =	simm.s32 $0x3A00  }
0x16a: {  	[tilespmem:s10], [sflag:$0x1] =	stream.indirect_vreg.gather [hbm4b:s31+s17], $0x80, v3, vm0, $0xb8;
	[tilespmem:$0x1C400] =	vst v63  }
0x16b: {  	v3 =	vld [tilespmem:$0x80];
	_ =	sdelay $0x4  }
0x16c: {  	v4 =	vshll.u32 v3, $0x3  }
0x16d: {  	v3 =	vand.u32 $0x7, v3;
	v4 =	vand.u32 $0xFFFFFFC0, v4  }
0x16e: {  	v3 =	vor.u32 v3, v4  }
0x16f: {  	v4 =	vperm.xlane v3, v0;
	_ =	sdelay $0x1  }
0x170: {  	v4 =	vadd.s32 v1, v4;
	_ =	sdelay $0x3  }
0x171: {  	s11 =	simm.s32 $0x4200  }
0x172: {  	[tilespmem:s11], [sflag:$0x1] =	stream.indirect_vreg.gather [hbm4b:s26+s17], $0x80, v4, vm0, $0xb8;
	[tilespmem:$0x1C400] =	vst v63  }
0x173: {  	s9 =	simm.s32 $0x4A00;
	v3 =	vperm.xlane v3, v2  }
0x174: {  	[tilespmem:s9], [sflag:$0x1] =	stream.indirect_vreg.gather [hbm4b:s29+s17], $0x80, v4, vm0, $0xb8;
	[tilespmem:$0x1C400] =	vst v63  }
0x175: {  	s10 =	simm.s32 $0x5200;
	v3 =	vadd.s32 v1, v3  }
0x176: {  	[tilespmem:s10], [sflag:$0x1] =	stream.indirect_vreg.gather [hbm4b:s30+s17], $0x80, v4, vm0, $0xb8;
	[tilespmem:$0x1C400] =	vst v63  }
0x177: {  	s11 =	simm.s32 $0x5A00  }
0x178: {  	[tilespmem:s11], [sflag:$0x1] =	stream.indirect_vreg.gather [hbm4b:s31+s17], $0x80, v4, vm0, $0xb8;
	[tilespmem:$0x1C400] =	vst v63  }
0x179: {  	s9 =	simm.s32 $0x6200  }
0x17a: {  	[tilespmem:s9], [sflag:$0x1] =	stream.indirect_vreg.gather [hbm4b:s26+s17], $0x80, v3, vm0, $0xb8;
	[tilespmem:$0x1C400] =	vst v63  }
0x17b: {  	s10 =	simm.s32 $0x6A00  }
0x17c: {  	[tilespmem:s10], [sflag:$0x1] =	stream.indirect_vreg.gather [hbm4b:s29+s17], $0x80, v3, vm0, $0xb8;
	[tilespmem:$0x1C400] =	vst v63  }
0x17d: {  	s11 =	simm.s32 $0x7200  }
0x17e: {  	[tilespmem:s11], [sflag:$0x1] =	stream.indirect_vreg.gather [hbm4b:s30+s17], $0x80, v3, vm0, $0xb8;
	[tilespmem:$0x1C400] =	vst v63  }
0x17f: {  	s9 =	simm.s32 $0x7A00  }
0x180: {  	[tilespmem:s9], [sflag:$0x1] =	stream.indirect_vreg.gather [hbm4b:s31+s17], $0x80, v3, vm0, $0xb8;
	[tilespmem:$0x1C400] =	vst v63  }
0x181: {  	s10 =	rddreg [dreg:$0x17];
	s11 =	simm.s32 $0x8200  }
0x182: {  	[tilespmem:s11], [sflag:$0x1] =	stream.linear.gather [hbm4b:s10+s17], $0x4000, $0x38;
	[tilespmem:$0x1C400] =	vst v63  }
0x183: {  	_ =	swait.ge [sflag:s8], $0x4000  }
0x184: {  	[sflag:s8] =	ssyncset.done $0x0  }
0x185: {  	[sflag:s8] =	ssyncadd.s32 $0xFFFFC000  }
0x186: {  	_ =	swait.ge [sflag:s8], $0x4000  }
0x187: {  	[sflag:s8] =	ssyncset.done $0x0  }
0x188: {  	[sflag:s8] =	ssyncadd.s32 $0xFFFFC000  }
0x189: {  	_ =	swait.ge [sflag:s8], $0x4000  }
0x18a: {  	[sflag:s8] =	ssyncset.done $0x0  }
0x18b: {  	[sflag:s8] =	ssyncadd.s32 $0xFFFFC000  }
0x18c: {  	s9 =	sand.u32 $0x70, s17;
	s10 =	sand.u32 $0x1C00, s17;
	v17 =	vld [tilespmem:$0xC300]  }
0x18d: {  	s9 =	sor.u32 s9, s10;
	v18 =	vld [tilespmem:$0xC380]  }
0x18e: {  	v19 =	vld [tilespmem:s9+$0xC580]  }
0x18f: {  	v20 =	vld [tilespmem:s9+$0x10500]  }
0x190: {  	v21 =	vld [tilespmem:s9+$0x10480]  }
0x191: {  	v22 =	vld [tilespmem:s9+$0x14700]  }
0x192: {  	v23 =	vld [tilespmem:s9+$0x10700]  }
0x193: {  	v24 =	vld [tilespmem:s9+$0xC500]  }
0x194: {  	v25 =	vld [tilespmem:s9+$0x10600];
	v3 =	vbroadcast v17, $0x0  }
0x195: {  	v26 =	vld [tilespmem:s9+$0xC480];
	v4 =	vbroadcast v18, $0x0;
	v5 =	vbroadcast v17, $0x1  }
0x196: {  	v27 =	vld [tilespmem:s9+$0x10400];
	v6 =	vbroadcast v18, $0x1;
	v7 =	vbroadcast v17, $0x2  }
0x197: {  	v28 =	vld [tilespmem:s9+$0xC700];
	v8 =	vbroadcast v18, $0x2;
	v9 =	vbroadcast v17, $0x3  }
0x198: {  	v30 =	vld [tilespmem:s9+$0xC400];
	v11 =	vbroadcast v17, $0x4;
	v12 =	vbroadcast v18, $0x4  }
0x199: {  	v29 =	vld [tilespmem:s9+$0xC600];
	v13 =	vbroadcast v17, $0x5;
	v14 =	vbroadcast v18, $0x5  }
0x19a: {  	v32 =	vld [tilespmem:s9+$0xC680];
	v15 =	vbroadcast v17, $0x6;
	v16 =	vbroadcast v18, $0x6  }
0x19b: {  	v31 =	vld [tilespmem:s9+$0x10680];
	v20 =	vmul.f32 v20, v8;
	v24 =	vmul.f32 v24, v7  }
0x19c: {  	v61 =	vld [tilespmem:s9+$0x10580];
	v23 =	vmul.f32 v23, v16;
	v28 =	vmul.f32 v28, v15  }
0x19d: {  	v62 =	vld [tilespmem:s9+$0x14600];
	v27 =	vmul.f32 v27, v4;
	v30 =	vmul.f32 v30, v3  }
0x19e: {  	v20 =	vadd.f32 v20, v24;
	v24 =	vmul.f32 v25, v12;
	v25 =	vmul.f32 v29, v11;
	v29 =	vld [tilespmem:s9+$0x14400]  }
0x19f: {  	v10 =	vbroadcast v18, $0x3;
	v32 =	vmul.f32 v32, v13;
	v23 =	vadd.f32 v23, v28;
	v28 =	vld [tilespmem:s9+$0x14680]  }
0x1a0: {  	v31 =	vmul.f32 v31, v14;
	v27 =	vadd.f32 v27, v30;
	v30 =	vld [tilespmem:s9+$0x14580];
	v24 =	vadd.f32 v24, v25  }
0x1a1: {  	v19 =	vmul.f32 v19, v9;
	v63 =	vmul.f32 v61, v10;
	v25 =	vld [tilespmem:s9+$0x14500];
	v22 =	vadd.f32 v23, v22  }
0x1a2: {  	v21 =	vmul.f32 v21, v6;
	v31 =	vadd.f32 v31, v32;
	v23 =	vld [tilespmem:s9+$0x14480];
	v24 =	vadd.f32 v24, v62  }
0x1a3: {  	v26 =	vmul.f32 v26, v5;
	v19 =	vadd.f32 v63, v19;
	[tilespmem:s9+$0x18700] =	vst v22;
	v27 =	vadd.f32 v27, v29  }
0x1a4: {  	v22 =	vadd.f32 v31, v28;
	[tilespmem:s9+$0x18600] =	vst v24  }
0x1a5: {  	v21 =	vadd.f32 v21, v26;
	v19 =	vadd.f32 v19, v30;
	[tilespmem:s9+$0x18400] =	vst v27  }
0x1a6: {  	v20 =	vadd.f32 v20, v25;
	[tilespmem:s9+$0x18680] =	vst v22  }
0x1a7: {  	v21 =	vadd.f32 v21, v23;
	[tilespmem:s9+$0x18580] =	vst v19  }
0x1a8: {  	s10 =	sor.u32 s17, s17;
	[tilespmem:s9+$0x18500] =	vst v20  }
0x1a9: {  	s11 =	sor.u32 $0x380, s10;
	[tilespmem:s9+$0x18480] =	vst v21  }
0x1aa: {  	v19 =	vld [tilespmem:s11+$0xC400]  }
0x1ab: {  	v20 =	vld [tilespmem:s11+$0x10400];
	_ =	sdelay $0x2  }
0x1ac: {  	v32 =	vbroadcast v18, $0x7;
	v30 =	vbroadcast v17, $0x7  }
0x1ad: {  	v25 =	vld [tilespmem:s11+$0x14400]  }
0x1ae: {  	v21 =	vmul.f32 v19, v30;
	v22 =	vmul.f32 v20, v32;
	_ =	sdelay $0x1  }
0x1af: {  	v33 =	vbroadcast v17, $0xE;
	v34 =	vbroadcast v18, $0xE;
	v26 =	vadd.f32 v22, v21  }
0x1b0: {  	v29 =	vbroadcast v18, $0xB;
	v31 =	vbroadcast v17, $0xD  }
0x1b1: {  	v24 =	vbroadcast v18, $0xA;
	v23 =	vbroadcast v17, $0xA;
	v28 =	vadd.f32 v26, v25  }
0x1b2: {  	v27 =	vbroadcast v18, $0xC;
	v19 =	vbroadcast v17, $0x8  }
0x1b3: {  	v20 =	vbroadcast v18, $0x8;
	v22 =	vbroadcast v17, $0x9;
	[tilespmem:s11+$0x18400] =	vst v28  }
0x1b4: {  	v21 =	vbroadcast v18, $0x9;
	v25 =	vbroadcast v17, $0xB;
	v35 =	vld [tilespmem:s9+$0x16680]  }
0x1b5: {  	v26 =	vbroadcast v17, $0xC;
	v17 =	vbroadcast v17, $0xF;
	v37 =	vld [tilespmem:s9+$0x16700]  }
0x1b6: {  	s28 =	simm.s32 $0x10;
	v28 =	vbroadcast v18, $0xD;
	v18 =	vbroadcast v18, $0xF;
	v36 =	vld [tilespmem:s9+$0x16580]  }
.LBB2_4:
0x1b7: {  	p0 =	sne.s32 s28, $0x3F0  }
0x1b8: {  	v38 =	vld [tilespmem:s9+$0x16600];
	s17 =	sadd.s32 $0x80, s17;
	s11 =	smov.u32 s28;
	s28 =	sadd.s32 $0x10, s28  }
0x1b9: {  	v39 =	vld [tilespmem:s9+$0x12700]  }
0x1ba: {  	v40 =	vld [tilespmem:s9+$0x12500]  }
0x1bb: {  	v41 =	vld [tilespmem:s9+$0xE680]  }
0x1bc: {  	v42 =	vld [tilespmem:s9+$0xE700]  }
0x1bd: {  	v43 =	vld [tilespmem:s9+$0x12680]  }
0x1be: {  	v44 =	vld [tilespmem:s9+$0x12600]  }
0x1bf: {  	v40 =	vmul.f32 v40, v24;
	v45 =	vld [tilespmem:s9+$0x12580]  }
0x1c0: {  	v39 =	vmul.f32 v39, v34;
	v46 =	vld [tilespmem:s9+$0xE600]  }
0x1c1: {  	v47 =	vld [tilespmem:s9+$0xE400];
	v42 =	vmul.f32 v42, v33  }
0x1c2: {  	v41 =	vmul.f32 v41, v31;
	v48 =	vld [tilespmem:s9+$0xE580]  }
0x1c3: {  	v49 =	vld [tilespmem:s9+$0xE500];
	v39 =	vadd.f32 v39, v42  }
0x1c4: {  	v42 =	vld [tilespmem:s9+$0xE480];
	v45 =	vmul.f32 v45, v29  }
0x1c5: {  	v44 =	vmul.f32 v44, v27;
	v50 =	vld [tilespmem:s9+$0x12400];
	v46 =	vmul.f32 v46, v26;
	v37 =	vadd.f32 v39, v37  }
0x1c6: {  	v43 =	vmul.f32 v43, v28;
	v39 =	vld [tilespmem:s9+$0x12480]  }
0x1c7: {  	v48 =	vmul.f32 v48, v25;
	v44 =	vadd.f32 v44, v46;
	[tilespmem:s9+$0x1A700] =	vst v37  }
0x1c8: {  	v41 =	vadd.f32 v43, v41;
	v37 =	vmul.f32 v49, v23;
	v46 =	vld [tilespmem:s9+$0x16500]  }
0x1c9: {  	v43 =	vld [tilespmem:s9+$0x16400];
	v42 =	vmul.f32 v42, v22;
	v45 =	vadd.f32 v45, v48;
	v38 =	vadd.f32 v44, v38  }
0x1ca: {  	v35 =	vadd.f32 v41, v35;
	v44 =	vmul.f32 v47, v19;
	v47 =	vmul.f32 v50, v20;
	v48 =	vld [tilespmem:s9+$0x16480]  }
0x1cb: {  	v37 =	vadd.f32 v40, v37;
	v39 =	vmul.f32 v39, v21;
	v36 =	vadd.f32 v45, v36;
	[tilespmem:s9+$0x1A600] =	vst v38  }
0x1cc: {  	v38 =	vadd.f32 v47, v44;
	[tilespmem:s9+$0x1A680] =	vst v35  }
0x1cd: {  	v35 =	vadd.f32 v39, v42;
	v37 =	vadd.f32 v37, v46;
	[tilespmem:s9+$0x1A580] =	vst v36  }
0x1ce: {  	v36 =	vadd.f32 v38, v43  }
0x1cf: {  	v35 =	vadd.f32 v35, v48;
	[tilespmem:s9+$0x1A500] =	vst v37  }
0x1d0: {  	[tilespmem:s9+$0x1A400] =	vst v36  }
0x1d1: {  	s2 =	sor.u32 $0x2380, s10;
	[tilespmem:s9+$0x1A480] =	vst v35  }
0x1d2: {  	v35 =	vld [tilespmem:s2+$0xC400]  }
0x1d3: {  	v36 =	vld [tilespmem:s2+$0x10400]  }
0x1d4: {  	v37 =	vld [tilespmem:s2+$0x14400];
	_ =	sdelay $0x3  }
0x1d5: {  	v35 =	vmul.f32 v35, v17;
	v36 =	vmul.f32 v36, v18;
	_ =	sdelay $0x1  }
0x1d6: {  	v35 =	vadd.f32 v36, v35  }
0x1d7: {  	s10 =	sand.u32 $0x1C00, s17;
	s9 =	sand.u32 $0x70, s11  }
0x1d8: {  	s9 =	sor.u32 s9, s10;
	v35 =	vadd.f32 v35, v37;
	_ =	sdelay $0x1  }
0x1d9: {  	[tilespmem:s2+$0x18400] =	vst v35  }
0x1da: {  	v35 =	vld [tilespmem:s9+$0xC580]  }
0x1db: {  	v36 =	vld [tilespmem:s9+$0x10500]  }
0x1dc: {  	v37 =	vld [tilespmem:s9+$0x10480]  }
0x1dd: {  	v38 =	vld [tilespmem:s9+$0x14700]  }
0x1de: {  	v39 =	vld [tilespmem:s9+$0x10700]  }
0x1df: {  	v40 =	vld [tilespmem:s9+$0xC500]  }
0x1e0: {  	v41 =	vld [tilespmem:s9+$0x10600]  }
0x1e1: {  	v42 =	vld [tilespmem:s9+$0xC480]  }
0x1e2: {  	v36 =	vmul.f32 v36, v8;
	v43 =	vld [tilespmem:s9+$0x10400]  }
0x1e3: {  	v44 =	vld [tilespmem:s9+$0xC700]  }
0x1e4: {  	v37 =	vmul.f32 v37, v6;
	v40 =	vmul.f32 v40, v7;
	v45 =	vld [tilespmem:s9+$0xC600]  }
0x1e5: {  	v39 =	vmul.f32 v39, v16;
	v46 =	vld [tilespmem:s9+$0xC400]  }
0x1e6: {  	v41 =	vmul.f32 v41, v12;
	v42 =	vmul.f32 v42, v5;
	v36 =	vadd.f32 v36, v40;
	v40 =	vld [tilespmem:s9+$0x10580]  }
0x1e7: {  	v47 =	vld [tilespmem:s9+$0x10680]  }
0x1e8: {  	v35 =	vmul.f32 v35, v9;
	v37 =	vadd.f32 v37, v42;
	v42 =	vld [tilespmem:s9+$0xC680];
	v44 =	vmul.f32 v44, v15  }
0x1e9: {  	v43 =	vmul.f32 v43, v4;
	v48 =	vld [tilespmem:s9+$0x14580];
	v45 =	vmul.f32 v45, v11  }
0x1ea: {  	v46 =	vmul.f32 v46, v3;
	v49 =	vld [tilespmem:s9+$0x14600];
	v39 =	vadd.f32 v39, v44  }
0x1eb: {  	v44 =	vld [tilespmem:s9+$0x14400];
	v40 =	vmul.f32 v40, v10;
	v41 =	vadd.f32 v41, v45  }
0x1ec: {  	v43 =	vadd.f32 v43, v46;
	v45 =	vld [tilespmem:s9+$0x14680];
	v38 =	vadd.f32 v39, v38  }
0x1ed: {  	v39 =	vld [tilespmem:s9+$0x14500];
	v35 =	vadd.f32 v40, v35;
	v40 =	vmul.f32 v42, v13;
	v42 =	vmul.f32 v47, v14  }
0x1ee: {  	v46 =	vld [tilespmem:s9+$0x14480]  }
0x1ef: {  	v41 =	vadd.f32 v41, v49;
	v40 =	vadd.f32 v42, v40  }
0x1f0: {  	v35 =	vadd.f32 v35, v48;
	v42 =	vadd.f32 v43, v44;
	[tilespmem:s9+$0x18700] =	vst v38  }
0x1f1: {  	[tilespmem:s9+$0x18600] =	vst v41;
	v38 =	vadd.f32 v40, v45  }
0x1f2: {  	[tilespmem:s9+$0x18400] =	vst v42;
	v36 =	vadd.f32 v36, v39  }
0x1f3: {  	v37 =	vadd.f32 v37, v46;
	[tilespmem:s9+$0x18680] =	vst v38  }
0x1f4: {  	[tilespmem:s9+$0x18500] =	vst v36  }
0x1f5: {  	s10 =	sor.u32 s11, s17;
	[tilespmem:s9+$0x18480] =	vst v37  }
0x1f6: {  	s2 =	sor.u32 $0x380, s10;
	[tilespmem:s9+$0x18580] =	vst v35  }
0x1f7: {  	v35 =	vld [tilespmem:s2+$0xC400]  }
0x1f8: {  	v36 =	vld [tilespmem:s2+$0x10400]  }
0x1f9: {  	v37 =	vld [tilespmem:s2+$0x14400];
	_ =	sdelay $0x3  }
0x1fa: {  	v35 =	vmul.f32 v35, v30;
	v36 =	vmul.f32 v36, v32;
	_ =	sdelay $0x1  }
0x1fb: {  	v35 =	vadd.f32 v36, v35;
	_ =	sdelay $0x1  }
0x1fc: {  	v35 =	vadd.f32 v35, v37  }
.Ltmp1:
0x1fd: {  	(pc) =	sbr.rel @p0 .LBB2_4-.Ltmp1, $4  }
0x1fe: {  	[tilespmem:s2+$0x18400] =	vst v35  }
0x1ff: {  	v35 =	vld [tilespmem:s9+$0x16680]  }
0x200: {  	v37 =	vld [tilespmem:s9+$0x16700]  }
0x201: {  	v36 =	vld [tilespmem:s9+$0x16580]  }
0x202: {  	v3 =	vld [tilespmem:s9+$0x16600]  }
0x203: {  	v4 =	vld [tilespmem:s9+$0x12700]  }
0x204: {  	v5 =	vld [tilespmem:s9+$0x12500]  }
0x205: {  	v6 =	vld [tilespmem:s9+$0xE680]  }
0x206: {  	v7 =	vld [tilespmem:s9+$0xE700]  }
0x207: {  	v8 =	vld [tilespmem:s9+$0x12680]  }
0x208: {  	v9 =	vld [tilespmem:s9+$0x12600]  }
0x209: {  	v10 =	vld [tilespmem:s9+$0x12580]  }
0x20a: {  	v11 =	vld [tilespmem:s9+$0xE600]  }
0x20b: {  	v12 =	vld [tilespmem:s9+$0xE400]  }
0x20c: {  	v13 =	vld [tilespmem:s9+$0xE580];
	v4 =	vmul.f32 v4, v34;
	v7 =	vmul.f32 v7, v33  }
0x20d: {  	v14 =	vld [tilespmem:s9+$0xE500]  }
0x20e: {  	v15 =	vld [tilespmem:s9+$0x12400];
	v4 =	vadd.f32 v4, v7  }
0x20f: {  	v16 =	vld [tilespmem:s9+$0x12480];
	v6 =	vmul.f32 v6, v31;
	v8 =	vmul.f32 v8, v28  }
0x210: {  	v11 =	vmul.f32 v11, v26;
	v9 =	vmul.f32 v9, v27;
	v7 =	vld [tilespmem:s9+$0xE480];
	v4 =	vadd.f32 v4, v37  }
0x211: {  	v10 =	vmul.f32 v10, v29;
	v13 =	vmul.f32 v13, v25;
	v6 =	vadd.f32 v8, v6  }
0x212: {  	[tilespmem:s9+$0x1A700] =	vst v4;
	v4 =	vmul.f32 v5, v24;
	v5 =	vadd.f32 v9, v11;
	v11 =	vld [tilespmem:s9+$0x16500]  }
0x213: {  	v8 =	vld [tilespmem:s9+$0x16400];
	v10 =	vadd.f32 v10, v13;
	v6 =	vadd.f32 v6, v35;
	v9 =	vmul.f32 v14, v23  }
0x214: {  	v13 =	vld [tilespmem:s9+$0x16480];
	v3 =	vadd.f32 v5, v3;
	v5 =	vmul.f32 v12, v19;
	v12 =	vmul.f32 v15, v20  }
0x215: {  	v14 =	vmul.f32 v16, v21;
	v7 =	vmul.f32 v7, v22;
	v4 =	vadd.f32 v4, v9  }
0x216: {  	v9 =	vadd.f32 v10, v36;
	[tilespmem:s9+$0x1A600] =	vst v3;
	v3 =	vadd.f32 v12, v5  }
0x217: {  	[tilespmem:s9+$0x1A680] =	vst v6;
	v5 =	vadd.f32 v14, v7;
	v4 =	vadd.f32 v4, v11  }
0x218: {  	[tilespmem:s9+$0x1A580] =	vst v9;
	v3 =	vadd.f32 v3, v8  }
0x219: {  	v5 =	vadd.f32 v5, v13;
	[tilespmem:s9+$0x1A500] =	vst v4  }
0x21a: {  	[tilespmem:s9+$0x1A400] =	vst v3  }
0x21b: {  	s2 =	sor.u32 $0x2380, s10;
	[tilespmem:s9+$0x1A480] =	vst v5  }
0x21c: {  	v3 =	vld [tilespmem:s2+$0xC400]  }
0x21d: {  	v4 =	vld [tilespmem:s2+$0x10400];
	_ =	sdelay $0x3  }
0x21e: {  	v5 =	vld [tilespmem:s2+$0x14400]  }
0x21f: {  	v3 =	vmul.f32 v3, v17;
	v4 =	vmul.f32 v4, v18;
	_ =	sdelay $0x1  }
0x220: {  	v3 =	vadd.f32 v4, v3;
	_ =	sdelay $0x1  }
0x221: {  	v3 =	vadd.f32 v3, v5;
	_ =	sdelay $0x1  }
0x222: {  	s17 =	simm.s32 $0x0;
	s9 =	rddreg [dreg:$0x16];
	[tilespmem:s2+$0x18400] =	vst v3  }
0x223: {  	[hbm4b:s9+s17] =	stream.linear.scatter [tilespmem:s24], [sflag:$0x3], $0x4000, $0x38;
	[tilespmem:$0x1C400] =	vst v63  }
0x224: {  	_ =	swait.ge [sflag:s1], $0x4000  }
0x225: {  	[sflag:s1] =	ssyncset.done $0x0  }
0x226: {  	s11 =	simm.s32 $0xC200;
	s10 =	rddreg [dreg:$0xf];
	[sflag:s1] =	ssyncadd.s32 $0xFFFFC000  }
0x227: {  	[tilespmem:s11], [sflag:$0x3] =	stream.linear.gather [hbm4b:s10+s17], $0x10, $0x38;
	[tilespmem:$0x1C400] =	vst v63  }
0x228: {  	_ =	swait.ge [sflag:s1], $0x10  }
0x229: {  	[sflag:s1] =	ssyncset.done $0x0  }
0x22a: {  	s11 =	simm.s32 $0xC280;
	s10 =	rddreg [dreg:$0x10];
	[sflag:s1] =	ssyncadd.s32 $0xFFFFFFF0  }
0x22b: {  	[tilespmem:s11], [sflag:$0x3] =	stream.linear.gather [hbm4b:s10+s17], $0x10, $0x38;
	[tilespmem:$0x1C400] =	vst v63  }
0x22c: {  	_ =	swait.ge [sflag:s1], $0x10  }
0x22d: {  	[sflag:s1] =	ssyncset.done $0x0  }
0x22e: {  	s11 =	simm.s32 $0xC300;
	s10 =	rddreg [dreg:$0x11];
	[sflag:s1] =	ssyncadd.s32 $0xFFFFFFF0  }
0x22f: {  	[tilespmem:s11], [sflag:$0x3] =	stream.linear.gather [hbm4b:s10+s17], $0x10, $0x38;
	[tilespmem:$0x1C400] =	vst v63  }
0x230: {  	_ =	swait.ge [sflag:s1], $0x10  }
0x231: {  	[sflag:s1] =	ssyncset.done $0x0  }
0x232: {  	s10 =	simm.s32 $0xC380;
	s9 =	rddreg [dreg:$0x12];
	[sflag:s1] =	ssyncadd.s32 $0xFFFFFFF0  }
0x233: {  	[tilespmem:s10], [sflag:$0x3] =	stream.linear.gather [hbm4b:s9+s17], $0x10, $0x38;
	[tilespmem:$0x1C400] =	vst v63  }
0x234: {  	_ =	swait.ge [sflag:s1], $0x10  }
0x235: {  	[sflag:s1] =	ssyncset.done $0x0  }
0x236: {  	[sflag:s1] =	ssyncadd.s32 $0xFFFFFFF0  }
0x237: {  	v3 =	vld [tilespmem:$0xC200];
	_ =	sdelay $0x4  }
0x238: {  	v4 =	vshll.u32 v3, $0x3  }
0x239: {  	v3 =	vand.u32 $0x7, v3;
	v4 =	vand.u32 $0xFFFFFFC0, v4  }
0x23a: {  	v3 =	vor.u32 v3, v4  }
0x23b: {  	v4 =	vperm.xlane v3, v0;
	_ =	sdelay $0x1  }
0x23c: {  	v4 =	vadd.s32 v1, v4;
	_ =	sdelay $0x3  }
0x23d: {  	s11 =	simm.s32 $0xC400  }
0x23e: {  	[tilespmem:s11], [sflag:$0x2] =	stream.indirect_vreg.gather [hbm4b:s26+s17], $0x80, v4, vm0, $0xb8;
	[tilespmem:$0x1C400] =	vst v63  }
0x23f: {  	s9 =	simm.s32 $0xCC00;
	v3 =	vperm.xlane v3, v2  }
0x240: {  	[tilespmem:s9], [sflag:$0x2] =	stream.indirect_vreg.gather [hbm4b:s29+s17], $0x80, v4, vm0, $0xb8;
	[tilespmem:$0x1C400] =	vst v63  }
0x241: {  	s10 =	simm.s32 $0xD400;
	v3 =	vadd.s32 v1, v3  }
0x242: {  	[tilespmem:s10], [sflag:$0x2] =	stream.indirect_vreg.gather [hbm4b:s30+s17], $0x80, v4, vm0, $0xb8;
	[tilespmem:$0x1C400] =	vst v63  }
0x243: {  	_ = 	snop  }
0x244: {  	[tilespmem:s12], [sflag:$0x2] =	stream.indirect_vreg.gather [hbm4b:s31+s17], $0x80, v4, vm0, $0xb8;
	[tilespmem:$0x1C400] =	vst v63  }
0x245: {  	_ = 	snop  }
0x246: {  	[tilespmem:s3], [sflag:$0x2] =	stream.indirect_vreg.gather [hbm4b:s26+s17], $0x80, v3, vm0, $0xb8;
	[tilespmem:$0x1C400] =	vst v63  }
0x247: {  	_ = 	snop  }
0x248: {  	[tilespmem:s4], [sflag:$0x2] =	stream.indirect_vreg.gather [hbm4b:s29+s17], $0x80, v3, vm0, $0xb8;
	[tilespmem:$0x1C400] =	vst v63  }
0x249: {  	_ = 	snop  }
0x24a: {  	[tilespmem:s19], [sflag:$0x2] =	stream.indirect_vreg.gather [hbm4b:s30+s17], $0x80, v3, vm0, $0xb8;
	[tilespmem:$0x1C400] =	vst v63  }
0x24b: {  	_ = 	snop  }
0x24c: {  	[tilespmem:s13], [sflag:$0x2] =	stream.indirect_vreg.gather [hbm4b:s31+s17], $0x80, v3, vm0, $0xb8;
	[tilespmem:$0x1C400] =	vst v63  }
0x24d: {  	v3 =	vld [tilespmem:$0xC280];
	_ =	sdelay $0x4  }
0x24e: {  	v4 =	vshll.u32 v3, $0x3  }
0x24f: {  	v3 =	vand.u32 $0x7, v3;
	v4 =	vand.u32 $0xFFFFFFC0, v4  }
0x250: {  	v3 =	vor.u32 v3, v4  }
0x251: {  	v4 =	vperm.xlane v3, v0;
	_ =	sdelay $0x1  }
0x252: {  	v4 =	vadd.s32 v1, v4;
	_ =	sdelay $0x4  }
0x253: {  	[tilespmem:s20], [sflag:$0x2] =	stream.indirect_vreg.gather [hbm4b:s26+s17], $0x80, v4, vm0, $0xb8;
	[tilespmem:$0x1C400] =	vst v63  }
0x254: {  	v3 =	vperm.xlane v3, v2  }
0x255: {  	[tilespmem:s5], [sflag:$0x2] =	stream.indirect_vreg.gather [hbm4b:s29+s17], $0x80, v4, vm0, $0xb8;
	[tilespmem:$0x1C400] =	vst v63  }
0x256: {  	v3 =	vadd.s32 v1, v3  }
0x257: {  	[tilespmem:s14], [sflag:$0x2] =	stream.indirect_vreg.gather [hbm4b:s30+s17], $0x80, v4, vm0, $0xb8;
	[tilespmem:$0x1C400] =	vst v63  }
0x258: {  	_ = 	snop  }
0x259: {  	[tilespmem:s21], [sflag:$0x2] =	stream.indirect_vreg.gather [hbm4b:s31+s17], $0x80, v4, vm0, $0xb8;
	[tilespmem:$0x1C400] =	vst v63  }
0x25a: {  	_ = 	snop  }
0x25b: {  	[tilespmem:s6], [sflag:$0x2] =	stream.indirect_vreg.gather [hbm4b:s26+s17], $0x80, v3, vm0, $0xb8;
	[tilespmem:$0x1C400] =	vst v63  }
0x25c: {  	_ = 	snop  }
0x25d: {  	[tilespmem:s22], [sflag:$0x2] =	stream.indirect_vreg.gather [hbm4b:s29+s17], $0x80, v3, vm0, $0xb8;
	[tilespmem:$0x1C400] =	vst v63  }
0x25e: {  	_ = 	snop  }
0x25f: {  	[tilespmem:s15], [sflag:$0x2] =	stream.indirect_vreg.gather [hbm4b:s30+s17], $0x80, v3, vm0, $0xb8;
	[tilespmem:$0x1C400] =	vst v63  }
0x260: {  	_ = 	snop  }
0x261: {  	[tilespmem:s7], [sflag:$0x2] =	stream.indirect_vreg.gather [hbm4b:s31+s17], $0x80, v3, vm0, $0xb8;
	[tilespmem:$0x1C400] =	vst v63  }
0x262: {  	s11 =	rddreg [dreg:$0x18]  }
0x263: {  	[tilespmem:s23], [sflag:$0x2] =	stream.linear.gather [hbm4b:s11+s17], $0x4000, $0x38;
	[tilespmem:$0x1C400] =	vst v63  }
0x264: {  	_ =	swait.ge [sflag:s16], $0x4000  }
0x265: {  	[sflag:s16] =	ssyncset.done $0x0  }
0x266: {  	[sflag:s16] =	ssyncadd.s32 $0xFFFFC000  }
0x267: {  	_ =	swait.ge [sflag:s16], $0x4000  }
0x268: {  	[sflag:s16] =	ssyncset.done $0x0  }
0x269: {  	[sflag:s16] =	ssyncadd.s32 $0xFFFFC000  }
0x26a: {  	_ =	swait.ge [sflag:s16], $0x4000  }
0x26b: {  	[sflag:s16] =	ssyncset.done $0x0  }
0x26c: {  	[sflag:s16] =	ssyncadd.s32 $0xFFFFC000  }
0x26d: {  	s9 =	sand.u32 $0x70, s17;
	s10 =	sand.u32 $0x1C00, s17;
	v17 =	vld [tilespmem:$0x100]  }
0x26e: {  	s9 =	sor.u32 s9, s10;
	v18 =	vld [tilespmem:$0x180]  }
0x26f: {  	v19 =	vld [tilespmem:s9+$0x380]  }
0x270: {  	v20 =	vld [tilespmem:s9+$0x4300]  }
0x271: {  	v21 =	vld [tilespmem:s9+$0x4280]  }
0x272: {  	v22 =	vld [tilespmem:s9+$0x8500]  }
0x273: {  	v23 =	vld [tilespmem:s9+$0x4500]  }
0x274: {  	v24 =	vld [tilespmem:s9+$0x300]  }
0x275: {  	v25 =	vld [tilespmem:s9+$0x4400];
	v3 =	vbroadcast v17, $0x0  }
0x276: {  	v26 =	vld [tilespmem:s9+$0x280];
	v4 =	vbroadcast v18, $0x0;
	v5 =	vbroadcast v17, $0x1  }
0x277: {  	v27 =	vld [tilespmem:s9+$0x4200];
	v6 =	vbroadcast v18, $0x1;
	v7 =	vbroadcast v17, $0x2  }
0x278: {  	v28 =	vld [tilespmem:s9+$0x500];
	v8 =	vbroadcast v18, $0x2;
	v9 =	vbroadcast v17, $0x3  }
0x279: {  	v30 =	vld [tilespmem:s9+$0x200];
	v11 =	vbroadcast v17, $0x4;
	v12 =	vbroadcast v18, $0x4  }
0x27a: {  	v29 =	vld [tilespmem:s9+$0x400];
	v13 =	vbroadcast v17, $0x5;
	v14 =	vbroadcast v18, $0x5  }
0x27b: {  	v32 =	vld [tilespmem:s9+$0x480];
	v15 =	vbroadcast v17, $0x6;
	v16 =	vbroadcast v18, $0x6  }
0x27c: {  	v31 =	vld [tilespmem:s9+$0x4480];
	v20 =	vmul.f32 v20, v8;
	v24 =	vmul.f32 v24, v7  }
0x27d: {  	v61 =	vld [tilespmem:s9+$0x4380];
	v23 =	vmul.f32 v23, v16;
	v28 =	vmul.f32 v28, v15  }
0x27e: {  	v62 =	vld [tilespmem:s9+$0x8400];
	v27 =	vmul.f32 v27, v4;
	v30 =	vmul.f32 v30, v3  }
0x27f: {  	v20 =	vadd.f32 v20, v24;
	v24 =	vmul.f32 v25, v12;
	v25 =	vmul.f32 v29, v11;
	v29 =	vld [tilespmem:s9+$0x8200]  }
0x280: {  	v10 =	vbroadcast v18, $0x3;
	v32 =	vmul.f32 v32, v13;
	v23 =	vadd.f32 v23, v28;
	v28 =	vld [tilespmem:s9+$0x8480]  }
0x281: {  	v31 =	vmul.f32 v31, v14;
	v27 =	vadd.f32 v27, v30;
	v30 =	vld [tilespmem:s9+$0x8380];
	v24 =	vadd.f32 v24, v25  }
0x282: {  	v19 =	vmul.f32 v19, v9;
	v63 =	vmul.f32 v61, v10;
	v25 =	vld [tilespmem:s9+$0x8300];
	v22 =	vadd.f32 v23, v22  }
0x283: {  	v21 =	vmul.f32 v21, v6;
	v31 =	vadd.f32 v31, v32;
	v23 =	vld [tilespmem:s9+$0x8280];
	v24 =	vadd.f32 v24, v62  }
0x284: {  	v26 =	vmul.f32 v26, v5;
	v19 =	vadd.f32 v63, v19;
	[tilespmem:s9+$0x18700] =	vst v22;
	v27 =	vadd.f32 v27, v29  }
0x285: {  	v22 =	vadd.f32 v31, v28;
	[tilespmem:s9+$0x18600] =	vst v24  }
0x286: {  	v21 =	vadd.f32 v21, v26;
	v19 =	vadd.f32 v19, v30;
	[tilespmem:s9+$0x18400] =	vst v27  }
0x287: {  	v20 =	vadd.f32 v20, v25;
	[tilespmem:s9+$0x18680] =	vst v22  }
0x288: {  	v21 =	vadd.f32 v21, v23;
	[tilespmem:s9+$0x18580] =	vst v19  }
0x289: {  	s10 =	sor.u32 s17, s17;
	[tilespmem:s9+$0x18500] =	vst v20  }
0x28a: {  	s11 =	sor.u32 $0x380, s10;
	[tilespmem:s9+$0x18480] =	vst v21  }
0x28b: {  	v19 =	vld [tilespmem:s11+$0x200]  }
0x28c: {  	v20 =	vld [tilespmem:s11+$0x4200];
	_ =	sdelay $0x2  }
0x28d: {  	v32 =	vbroadcast v18, $0x7;
	v30 =	vbroadcast v17, $0x7  }
0x28e: {  	v25 =	vld [tilespmem:s11+$0x8200]  }
0x28f: {  	v21 =	vmul.f32 v19, v30;
	v22 =	vmul.f32 v20, v32;
	_ =	sdelay $0x1  }
0x290: {  	v33 =	vbroadcast v17, $0xE;
	v34 =	vbroadcast v18, $0xE;
	v26 =	vadd.f32 v22, v21  }
0x291: {  	v29 =	vbroadcast v18, $0xB;
	v31 =	vbroadcast v17, $0xD  }
0x292: {  	v24 =	vbroadcast v18, $0xA;
	v23 =	vbroadcast v17, $0xA;
	v28 =	vadd.f32 v26, v25  }
0x293: {  	v27 =	vbroadcast v18, $0xC;
	v19 =	vbroadcast v17, $0x8  }
0x294: {  	v20 =	vbroadcast v18, $0x8;
	v22 =	vbroadcast v17, $0x9;
	[tilespmem:s11+$0x18400] =	vst v28  }
0x295: {  	v21 =	vbroadcast v18, $0x9;
	v25 =	vbroadcast v17, $0xB;
	v35 =	vld [tilespmem:s9+$0xA480]  }
0x296: {  	v26 =	vbroadcast v17, $0xC;
	v17 =	vbroadcast v17, $0xF;
	v37 =	vld [tilespmem:s9+$0xA500]  }
0x297: {  	s28 =	simm.s32 $0x10;
	v28 =	vbroadcast v18, $0xD;
	v18 =	vbroadcast v18, $0xF;
	v36 =	vld [tilespmem:s9+$0xA380]  }
.LBB2_6:
0x298: {  	p0 =	sne.s32 s28, $0x3F0  }
0x299: {  	v38 =	vld [tilespmem:s9+$0xA400];
	s17 =	sadd.s32 $0x80, s17;
	s11 =	smov.u32 s28;
	s28 =	sadd.s32 $0x10, s28  }
0x29a: {  	v39 =	vld [tilespmem:s9+$0x6500]  }
0x29b: {  	v40 =	vld [tilespmem:s9+$0x6300]  }
0x29c: {  	v41 =	vld [tilespmem:s9+$0x2480]  }
0x29d: {  	v42 =	vld [tilespmem:s9+$0x2500]  }
0x29e: {  	v43 =	vld [tilespmem:s9+$0x6480]  }
0x29f: {  	v44 =	vld [tilespmem:s9+$0x6400]  }
0x2a0: {  	v40 =	vmul.f32 v40, v24;
	v45 =	vld [tilespmem:s9+$0x6380]  }
0x2a1: {  	v39 =	vmul.f32 v39, v34;
	v46 =	vld [tilespmem:s9+$0x2400]  }
0x2a2: {  	v47 =	vld [tilespmem:s9+$0x2200];
	v42 =	vmul.f32 v42, v33  }
0x2a3: {  	v41 =	vmul.f32 v41, v31;
	v48 =	vld [tilespmem:s9+$0x2380]  }
0x2a4: {  	v49 =	vld [tilespmem:s9+$0x2300];
	v39 =	vadd.f32 v39, v42  }
0x2a5: {  	v42 =	vld [tilespmem:s9+$0x2280];
	v45 =	vmul.f32 v45, v29  }
0x2a6: {  	v44 =	vmul.f32 v44, v27;
	v50 =	vld [tilespmem:s9+$0x6200];
	v46 =	vmul.f32 v46, v26;
	v37 =	vadd.f32 v39, v37  }
0x2a7: {  	v43 =	vmul.f32 v43, v28;
	v39 =	vld [tilespmem:s9+$0x6280]  }
0x2a8: {  	v48 =	vmul.f32 v48, v25;
	v44 =	vadd.f32 v44, v46;
	[tilespmem:s9+$0x1A700] =	vst v37  }
0x2a9: {  	v41 =	vadd.f32 v43, v41;
	v37 =	vmul.f32 v49, v23;
	v46 =	vld [tilespmem:s9+$0xA300]  }
0x2aa: {  	v43 =	vld [tilespmem:s9+$0xA200];
	v42 =	vmul.f32 v42, v22;
	v45 =	vadd.f32 v45, v48;
	v38 =	vadd.f32 v44, v38  }
0x2ab: {  	v35 =	vadd.f32 v41, v35;
	v44 =	vmul.f32 v47, v19;
	v47 =	vmul.f32 v50, v20;
	v48 =	vld [tilespmem:s9+$0xA280]  }
0x2ac: {  	v37 =	vadd.f32 v40, v37;
	v39 =	vmul.f32 v39, v21;
	v36 =	vadd.f32 v45, v36;
	[tilespmem:s9+$0x1A600] =	vst v38  }
0x2ad: {  	v38 =	vadd.f32 v47, v44;
	[tilespmem:s9+$0x1A680] =	vst v35  }
0x2ae: {  	v35 =	vadd.f32 v39, v42;
	v37 =	vadd.f32 v37, v46;
	[tilespmem:s9+$0x1A580] =	vst v36  }
0x2af: {  	v36 =	vadd.f32 v38, v43  }
0x2b0: {  	v35 =	vadd.f32 v35, v48;
	[tilespmem:s9+$0x1A500] =	vst v37  }
0x2b1: {  	[tilespmem:s9+$0x1A400] =	vst v36  }
0x2b2: {  	s2 =	sor.u32 $0x2380, s10;
	[tilespmem:s9+$0x1A480] =	vst v35  }
0x2b3: {  	v35 =	vld [tilespmem:s2+$0x200]  }
0x2b4: {  	v36 =	vld [tilespmem:s2+$0x4200]  }
0x2b5: {  	v37 =	vld [tilespmem:s2+$0x8200];
	_ =	sdelay $0x3  }
0x2b6: {  	v35 =	vmul.f32 v35, v17;
	v36 =	vmul.f32 v36, v18;
	_ =	sdelay $0x1  }
0x2b7: {  	v35 =	vadd.f32 v36, v35  }
0x2b8: {  	s10 =	sand.u32 $0x1C00, s17;
	s9 =	sand.u32 $0x70, s11  }
0x2b9: {  	s9 =	sor.u32 s9, s10;
	v35 =	vadd.f32 v35, v37;
	_ =	sdelay $0x1  }
0x2ba: {  	[tilespmem:s2+$0x18400] =	vst v35  }
0x2bb: {  	v35 =	vld [tilespmem:s9+$0x380]  }
0x2bc: {  	v36 =	vld [tilespmem:s9+$0x4300]  }
0x2bd: {  	v37 =	vld [tilespmem:s9+$0x4280]  }
0x2be: {  	v38 =	vld [tilespmem:s9+$0x8500]  }
0x2bf: {  	v39 =	vld [tilespmem:s9+$0x4500]  }
0x2c0: {  	v40 =	vld [tilespmem:s9+$0x300]  }
0x2c1: {  	v41 =	vld [tilespmem:s9+$0x4400]  }
0x2c2: {  	v42 =	vld [tilespmem:s9+$0x280]  }
0x2c3: {  	v36 =	vmul.f32 v36, v8;
	v43 =	vld [tilespmem:s9+$0x4200]  }
0x2c4: {  	v44 =	vld [tilespmem:s9+$0x500]  }
0x2c5: {  	v37 =	vmul.f32 v37, v6;
	v40 =	vmul.f32 v40, v7;
	v45 =	vld [tilespmem:s9+$0x400]  }
0x2c6: {  	v39 =	vmul.f32 v39, v16;
	v46 =	vld [tilespmem:s9+$0x200]  }
0x2c7: {  	v41 =	vmul.f32 v41, v12;
	v42 =	vmul.f32 v42, v5;
	v36 =	vadd.f32 v36, v40;
	v40 =	vld [tilespmem:s9+$0x4380]  }
0x2c8: {  	v47 =	vld [tilespmem:s9+$0x4480]  }
0x2c9: {  	v35 =	vmul.f32 v35, v9;
	v37 =	vadd.f32 v37, v42;
	v42 =	vld [tilespmem:s9+$0x480];
	v44 =	vmul.f32 v44, v15  }
0x2ca: {  	v43 =	vmul.f32 v43, v4;
	v48 =	vld [tilespmem:s9+$0x8380];
	v45 =	vmul.f32 v45, v11  }
0x2cb: {  	v46 =	vmul.f32 v46, v3;
	v49 =	vld [tilespmem:s9+$0x8400];
	v39 =	vadd.f32 v39, v44  }
0x2cc: {  	v44 =	vld [tilespmem:s9+$0x8200];
	v40 =	vmul.f32 v40, v10;
	v41 =	vadd.f32 v41, v45  }
0x2cd: {  	v43 =	vadd.f32 v43, v46;
	v45 =	vld [tilespmem:s9+$0x8480];
	v38 =	vadd.f32 v39, v38  }
0x2ce: {  	v39 =	vld [tilespmem:s9+$0x8300];
	v35 =	vadd.f32 v40, v35;
	v40 =	vmul.f32 v42, v13;
	v42 =	vmul.f32 v47, v14  }
0x2cf: {  	v46 =	vld [tilespmem:s9+$0x8280]  }
0x2d0: {  	v41 =	vadd.f32 v41, v49;
	v40 =	vadd.f32 v42, v40  }
0x2d1: {  	v35 =	vadd.f32 v35, v48;
	v42 =	vadd.f32 v43, v44;
	[tilespmem:s9+$0x18700] =	vst v38  }
0x2d2: {  	[tilespmem:s9+$0x18600] =	vst v41;
	v38 =	vadd.f32 v40, v45  }
0x2d3: {  	[tilespmem:s9+$0x18400] =	vst v42;
	v36 =	vadd.f32 v36, v39  }
0x2d4: {  	v37 =	vadd.f32 v37, v46;
	[tilespmem:s9+$0x18680] =	vst v38  }
0x2d5: {  	[tilespmem:s9+$0x18500] =	vst v36  }
0x2d6: {  	s10 =	sor.u32 s11, s17;
	[tilespmem:s9+$0x18480] =	vst v37  }
0x2d7: {  	s2 =	sor.u32 $0x380, s10;
	[tilespmem:s9+$0x18580] =	vst v35  }
0x2d8: {  	v35 =	vld [tilespmem:s2+$0x200]  }
0x2d9: {  	v36 =	vld [tilespmem:s2+$0x4200]  }
0x2da: {  	v37 =	vld [tilespmem:s2+$0x8200];
	_ =	sdelay $0x3  }
0x2db: {  	v35 =	vmul.f32 v35, v30;
	v36 =	vmul.f32 v36, v32;
	_ =	sdelay $0x1  }
0x2dc: {  	v35 =	vadd.f32 v36, v35;
	_ =	sdelay $0x1  }
0x2dd: {  	v35 =	vadd.f32 v35, v37  }
.Ltmp2:
0x2de: {  	(pc) =	sbr.rel @p0 .LBB2_6-.Ltmp2, $4  }
0x2df: {  	[tilespmem:s2+$0x18400] =	vst v35  }
0x2e0: {  	v35 =	vld [tilespmem:s9+$0xA480]  }
0x2e1: {  	v37 =	vld [tilespmem:s9+$0xA500]  }
0x2e2: {  	v36 =	vld [tilespmem:s9+$0xA380]  }
0x2e3: {  	v3 =	vld [tilespmem:s9+$0xA400]  }
0x2e4: {  	v4 =	vld [tilespmem:s9+$0x6500]  }
0x2e5: {  	v5 =	vld [tilespmem:s9+$0x6300]  }
0x2e6: {  	v6 =	vld [tilespmem:s9+$0x2480]  }
0x2e7: {  	v7 =	vld [tilespmem:s9+$0x2500]  }
0x2e8: {  	v8 =	vld [tilespmem:s9+$0x6480]  }
0x2e9: {  	v9 =	vld [tilespmem:s9+$0x6400]  }
0x2ea: {  	v10 =	vld [tilespmem:s9+$0x6380]  }
0x2eb: {  	v11 =	vld [tilespmem:s9+$0x2400]  }
0x2ec: {  	v12 =	vld [tilespmem:s9+$0x2200]  }
0x2ed: {  	v13 =	vld [tilespmem:s9+$0x2380];
	v4 =	vmul.f32 v4, v34;
	v7 =	vmul.f32 v7, v33  }
0x2ee: {  	v14 =	vld [tilespmem:s9+$0x2300]  }
0x2ef: {  	v15 =	vld [tilespmem:s9+$0x6200];
	v4 =	vadd.f32 v4, v7  }
0x2f0: {  	v16 =	vld [tilespmem:s9+$0x6280];
	v6 =	vmul.f32 v6, v31;
	v8 =	vmul.f32 v8, v28  }
0x2f1: {  	v11 =	vmul.f32 v11, v26;
	v9 =	vmul.f32 v9, v27;
	v7 =	vld [tilespmem:s9+$0x2280];
	v4 =	vadd.f32 v4, v37  }
0x2f2: {  	v10 =	vmul.f32 v10, v29;
	v13 =	vmul.f32 v13, v25;
	v6 =	vadd.f32 v8, v6  }
0x2f3: {  	[tilespmem:s9+$0x1A700] =	vst v4;
	v4 =	vmul.f32 v5, v24;
	v5 =	vadd.f32 v9, v11;
	v11 =	vld [tilespmem:s9+$0xA300]  }
0x2f4: {  	v8 =	vld [tilespmem:s9+$0xA200];
	v10 =	vadd.f32 v10, v13;
	v6 =	vadd.f32 v6, v35;
	v9 =	vmul.f32 v14, v23  }
0x2f5: {  	v13 =	vld [tilespmem:s9+$0xA280];
	v3 =	vadd.f32 v5, v3;
	v5 =	vmul.f32 v12, v19;
	v12 =	vmul.f32 v15, v20  }
0x2f6: {  	v14 =	vmul.f32 v16, v21;
	v7 =	vmul.f32 v7, v22;
	v4 =	vadd.f32 v4, v9  }
0x2f7: {  	v9 =	vadd.f32 v10, v36;
	[tilespmem:s9+$0x1A600] =	vst v3;
	v3 =	vadd.f32 v12, v5  }
0x2f8: {  	[tilespmem:s9+$0x1A680] =	vst v6;
	v5 =	vadd.f32 v14, v7;
	v4 =	vadd.f32 v4, v11  }
0x2f9: {  	[tilespmem:s9+$0x1A580] =	vst v9;
	v3 =	vadd.f32 v3, v8  }
0x2fa: {  	v5 =	vadd.f32 v5, v13;
	[tilespmem:s9+$0x1A500] =	vst v4  }
0x2fb: {  	[tilespmem:s9+$0x1A400] =	vst v3  }
0x2fc: {  	s2 =	sor.u32 $0x2380, s10;
	[tilespmem:s9+$0x1A480] =	vst v5  }
0x2fd: {  	v3 =	vld [tilespmem:s2+$0x200]  }
0x2fe: {  	v4 =	vld [tilespmem:s2+$0x4200];
	_ =	sdelay $0x3  }
0x2ff: {  	v5 =	vld [tilespmem:s2+$0x8200]  }
0x300: {  	v3 =	vmul.f32 v3, v17;
	v4 =	vmul.f32 v4, v18;
	_ =	sdelay $0x1  }
0x301: {  	v3 =	vadd.f32 v4, v3;
	_ =	sdelay $0x1  }
0x302: {  	v3 =	vadd.f32 v3, v5;
	_ =	sdelay $0x1  }
0x303: {  	s17 =	simm.s32 $0x0;
	s11 =	rddreg [dreg:$0x19];
	[tilespmem:s2+$0x18400] =	vst v3  }
0x304: {  	[hbm4b:s11+s17] =	stream.linear.scatter [tilespmem:s24], [sflag:$0x3], $0x4000, $0x38;
	[tilespmem:$0x1C400] =	vst v63  }
0x305: {  	_ =	swait.ge [sflag:s1], $0x4000  }
0x306: {  	[sflag:s1] =	ssyncset.done $0x0  }
0x307: {  	[sflag:s1] =	ssyncadd.s32 $0xFFFFC000  }
0x308: {  	_ =	swait.ge [sflag:s8], $0x4000  }
0x309: {  	[sflag:s8] =	ssyncset.done $0x0  }
0x30a: {  	[sflag:s8] =	ssyncadd.s32 $0xFFFFC000  }
0x30b: {  	_ =	swait.ge [sflag:s8], $0x4000  }
0x30c: {  	[sflag:s8] =	ssyncset.done $0x0  }
0x30d: {  	[sflag:s8] =	ssyncadd.s32 $0xFFFFC000  }
0x30e: {  	_ =	swait.ge [sflag:s8], $0x4000  }
0x30f: {  	[sflag:s8] =	ssyncset.done $0x0  }
0x310: {  	[sflag:s8] =	ssyncadd.s32 $0xFFFFC000  }
0x311: {  	s10 =	sand.u32 $0x1C00, s17;
	s9 =	sand.u32 $0x70, s17;
	v17 =	vld [tilespmem:$0xC300]  }
0x312: {  	s9 =	sor.u32 s9, s10;
	v18 =	vld [tilespmem:$0xC380]  }
0x313: {  	v19 =	vld [tilespmem:s9+$0xC580]  }
0x314: {  	v20 =	vld [tilespmem:s9+$0x10500]  }
0x315: {  	v21 =	vld [tilespmem:s9+$0x10480]  }
0x316: {  	v22 =	vld [tilespmem:s9+$0x14700]  }
0x317: {  	v23 =	vld [tilespmem:s9+$0x10700]  }
0x318: {  	v24 =	vld [tilespmem:s9+$0xC500]  }
0x319: {  	v25 =	vld [tilespmem:s9+$0x10600];
	v3 =	vbroadcast v17, $0x0  }
0x31a: {  	v26 =	vld [tilespmem:s9+$0xC480];
	v4 =	vbroadcast v18, $0x0;
	v5 =	vbroadcast v17, $0x1  }
0x31b: {  	v27 =	vld [tilespmem:s9+$0x10400];
	v6 =	vbroadcast v18, $0x1;
	v7 =	vbroadcast v17, $0x2  }
0x31c: {  	v28 =	vld [tilespmem:s9+$0xC700];
	v8 =	vbroadcast v18, $0x2;
	v9 =	vbroadcast v17, $0x3  }
0x31d: {  	v30 =	vld [tilespmem:s9+$0xC400];
	v11 =	vbroadcast v17, $0x4;
	v12 =	vbroadcast v18, $0x4  }
0x31e: {  	v29 =	vld [tilespmem:s9+$0xC600];
	v13 =	vbroadcast v17, $0x5;
	v14 =	vbroadcast v18, $0x5  }
0x31f: {  	v32 =	vld [tilespmem:s9+$0xC680];
	v15 =	vbroadcast v17, $0x6;
	v16 =	vbroadcast v18, $0x6  }
0x320: {  	v31 =	vld [tilespmem:s9+$0x10680];
	v20 =	vmul.f32 v20, v8;
	v24 =	vmul.f32 v24, v7  }
0x321: {  	v61 =	vld [tilespmem:s9+$0x10580];
	v23 =	vmul.f32 v23, v16;
	v28 =	vmul.f32 v28, v15  }
0x322: {  	v62 =	vld [tilespmem:s9+$0x14600];
	v27 =	vmul.f32 v27, v4;
	v30 =	vmul.f32 v30, v3  }
0x323: {  	v20 =	vadd.f32 v20, v24;
	v24 =	vmul.f32 v25, v12;
	v25 =	vmul.f32 v29, v11;
	v29 =	vld [tilespmem:s9+$0x14400]  }
0x324: {  	v10 =	vbroadcast v18, $0x3;
	v32 =	vmul.f32 v32, v13;
	v23 =	vadd.f32 v23, v28;
	v28 =	vld [tilespmem:s9+$0x14680]  }
0x325: {  	v31 =	vmul.f32 v31, v14;
	v27 =	vadd.f32 v27, v30;
	v30 =	vld [tilespmem:s9+$0x14580];
	v24 =	vadd.f32 v24, v25  }
0x326: {  	v19 =	vmul.f32 v19, v9;
	v63 =	vmul.f32 v61, v10;
	v25 =	vld [tilespmem:s9+$0x14500];
	v22 =	vadd.f32 v23, v22  }
0x327: {  	v21 =	vmul.f32 v21, v6;
	v31 =	vadd.f32 v31, v32;
	v23 =	vld [tilespmem:s9+$0x14480];
	v24 =	vadd.f32 v24, v62  }
0x328: {  	v26 =	vmul.f32 v26, v5;
	v19 =	vadd.f32 v63, v19;
	[tilespmem:s9+$0x18700] =	vst v22;
	v27 =	vadd.f32 v27, v29  }
0x329: {  	v22 =	vadd.f32 v31, v28;
	[tilespmem:s9+$0x18600] =	vst v24  }
0x32a: {  	v21 =	vadd.f32 v21, v26;
	v19 =	vadd.f32 v19, v30;
	[tilespmem:s9+$0x18400] =	vst v27  }
0x32b: {  	v20 =	vadd.f32 v20, v25;
	[tilespmem:s9+$0x18680] =	vst v22  }
0x32c: {  	v21 =	vadd.f32 v21, v23;
	[tilespmem:s9+$0x18580] =	vst v19  }
0x32d: {  	s10 =	sor.u32 s17, s17;
	[tilespmem:s9+$0x18500] =	vst v20  }
0x32e: {  	s11 =	sor.u32 $0x380, s10;
	[tilespmem:s9+$0x18480] =	vst v21  }
0x32f: {  	v19 =	vld [tilespmem:s11+$0xC400]  }
0x330: {  	v20 =	vld [tilespmem:s11+$0x10400];
	_ =	sdelay $0x2  }
0x331: {  	v32 =	vbroadcast v18, $0x7;
	v30 =	vbroadcast v17, $0x7  }
0x332: {  	v25 =	vld [tilespmem:s11+$0x14400]  }
0x333: {  	v21 =	vmul.f32 v19, v30;
	v22 =	vmul.f32 v20, v32;
	_ =	sdelay $0x1  }
0x334: {  	v33 =	vbroadcast v17, $0xE;
	v34 =	vbroadcast v18, $0xE;
	v26 =	vadd.f32 v22, v21  }
0x335: {  	v29 =	vbroadcast v18, $0xB;
	v31 =	vbroadcast v17, $0xD  }
0x336: {  	v24 =	vbroadcast v18, $0xA;
	v23 =	vbroadcast v17, $0xA;
	v28 =	vadd.f32 v26, v25  }
0x337: {  	v27 =	vbroadcast v18, $0xC;
	v19 =	vbroadcast v17, $0x8  }
0x338: {  	v20 =	vbroadcast v18, $0x8;
	v22 =	vbroadcast v17, $0x9;
	[tilespmem:s11+$0x18400] =	vst v28  }
0x339: {  	v21 =	vbroadcast v18, $0x9;
	v25 =	vbroadcast v17, $0xB;
	v35 =	vld [tilespmem:s9+$0x16680]  }
0x33a: {  	v26 =	vbroadcast v17, $0xC;
	v17 =	vbroadcast v17, $0xF;
	v37 =	vld [tilespmem:s9+$0x16700]  }
0x33b: {  	s28 =	simm.s32 $0x10;
	v28 =	vbroadcast v18, $0xD;
	v18 =	vbroadcast v18, $0xF;
	v36 =	vld [tilespmem:s9+$0x16580]  }
.LBB2_8:
0x33c: {  	p0 =	sne.s32 s28, $0x3F0  }
0x33d: {  	v38 =	vld [tilespmem:s9+$0x16600];
	s17 =	sadd.s32 $0x80, s17;
	s11 =	smov.u32 s28;
	s28 =	sadd.s32 $0x10, s28  }
0x33e: {  	v39 =	vld [tilespmem:s9+$0x12700]  }
0x33f: {  	v40 =	vld [tilespmem:s9+$0x12500]  }
0x340: {  	v41 =	vld [tilespmem:s9+$0xE680]  }
0x341: {  	v42 =	vld [tilespmem:s9+$0xE700]  }
0x342: {  	v43 =	vld [tilespmem:s9+$0x12680]  }
0x343: {  	v44 =	vld [tilespmem:s9+$0x12600]  }
0x344: {  	v40 =	vmul.f32 v40, v24;
	v45 =	vld [tilespmem:s9+$0x12580]  }
0x345: {  	v39 =	vmul.f32 v39, v34;
	v46 =	vld [tilespmem:s9+$0xE600]  }
0x346: {  	v47 =	vld [tilespmem:s9+$0xE400];
	v42 =	vmul.f32 v42, v33  }
0x347: {  	v41 =	vmul.f32 v41, v31;
	v48 =	vld [tilespmem:s9+$0xE580]  }
0x348: {  	v49 =	vld [tilespmem:s9+$0xE500];
	v39 =	vadd.f32 v39, v42  }
0x349: {  	v42 =	vld [tilespmem:s9+$0xE480];
	v45 =	vmul.f32 v45, v29  }
0x34a: {  	v44 =	vmul.f32 v44, v27;
	v50 =	vld [tilespmem:s9+$0x12400];
	v46 =	vmul.f32 v46, v26;
	v37 =	vadd.f32 v39, v37  }
0x34b: {  	v43 =	vmul.f32 v43, v28;
	v39 =	vld [tilespmem:s9+$0x12480]  }
0x34c: {  	v48 =	vmul.f32 v48, v25;
	v44 =	vadd.f32 v44, v46;
	[tilespmem:s9+$0x1A700] =	vst v37  }
0x34d: {  	v41 =	vadd.f32 v43, v41;
	v37 =	vmul.f32 v49, v23;
	v46 =	vld [tilespmem:s9+$0x16500]  }
0x34e: {  	v43 =	vld [tilespmem:s9+$0x16400];
	v42 =	vmul.f32 v42, v22;
	v45 =	vadd.f32 v45, v48;
	v38 =	vadd.f32 v44, v38  }
0x34f: {  	v35 =	vadd.f32 v41, v35;
	v44 =	vmul.f32 v47, v19;
	v47 =	vmul.f32 v50, v20;
	v48 =	vld [tilespmem:s9+$0x16480]  }
0x350: {  	v37 =	vadd.f32 v40, v37;
	v39 =	vmul.f32 v39, v21;
	v36 =	vadd.f32 v45, v36;
	[tilespmem:s9+$0x1A600] =	vst v38  }
0x351: {  	v38 =	vadd.f32 v47, v44;
	[tilespmem:s9+$0x1A680] =	vst v35  }
0x352: {  	v35 =	vadd.f32 v39, v42;
	v37 =	vadd.f32 v37, v46;
	[tilespmem:s9+$0x1A580] =	vst v36  }
0x353: {  	v36 =	vadd.f32 v38, v43  }
0x354: {  	v35 =	vadd.f32 v35, v48;
	[tilespmem:s9+$0x1A500] =	vst v37  }
0x355: {  	[tilespmem:s9+$0x1A400] =	vst v36  }
0x356: {  	s2 =	sor.u32 $0x2380, s10;
	[tilespmem:s9+$0x1A480] =	vst v35  }
0x357: {  	v35 =	vld [tilespmem:s2+$0xC400]  }
0x358: {  	v36 =	vld [tilespmem:s2+$0x10400]  }
0x359: {  	v37 =	vld [tilespmem:s2+$0x14400];
	_ =	sdelay $0x3  }
0x35a: {  	v35 =	vmul.f32 v35, v17;
	v36 =	vmul.f32 v36, v18;
	_ =	sdelay $0x1  }
0x35b: {  	v35 =	vadd.f32 v36, v35  }
0x35c: {  	s10 =	sand.u32 $0x1C00, s17;
	s9 =	sand.u32 $0x70, s11  }
0x35d: {  	s9 =	sor.u32 s9, s10;
	v35 =	vadd.f32 v35, v37;
	_ =	sdelay $0x1  }
0x35e: {  	[tilespmem:s2+$0x18400] =	vst v35  }
0x35f: {  	v35 =	vld [tilespmem:s9+$0xC580]  }
0x360: {  	v36 =	vld [tilespmem:s9+$0x10500]  }
0x361: {  	v37 =	vld [tilespmem:s9+$0x10480]  }
0x362: {  	v38 =	vld [tilespmem:s9+$0x14700]  }
0x363: {  	v39 =	vld [tilespmem:s9+$0x10700]  }
0x364: {  	v40 =	vld [tilespmem:s9+$0xC500]  }
0x365: {  	v41 =	vld [tilespmem:s9+$0x10600]  }
0x366: {  	v42 =	vld [tilespmem:s9+$0xC480]  }
0x367: {  	v36 =	vmul.f32 v36, v8;
	v43 =	vld [tilespmem:s9+$0x10400]  }
0x368: {  	v44 =	vld [tilespmem:s9+$0xC700]  }
0x369: {  	v37 =	vmul.f32 v37, v6;
	v40 =	vmul.f32 v40, v7;
	v45 =	vld [tilespmem:s9+$0xC600]  }
0x36a: {  	v39 =	vmul.f32 v39, v16;
	v46 =	vld [tilespmem:s9+$0xC400]  }
0x36b: {  	v41 =	vmul.f32 v41, v12;
	v42 =	vmul.f32 v42, v5;
	v36 =	vadd.f32 v36, v40;
	v40 =	vld [tilespmem:s9+$0x10580]  }
0x36c: {  	v47 =	vld [tilespmem:s9+$0x10680]  }
0x36d: {  	v35 =	vmul.f32 v35, v9;
	v37 =	vadd.f32 v37, v42;
	v42 =	vld [tilespmem:s9+$0xC680];
	v44 =	vmul.f32 v44, v15  }
0x36e: {  	v43 =	vmul.f32 v43, v4;
	v48 =	vld [tilespmem:s9+$0x14580];
	v45 =	vmul.f32 v45, v11  }
0x36f: {  	v46 =	vmul.f32 v46, v3;
	v49 =	vld [tilespmem:s9+$0x14600];
	v39 =	vadd.f32 v39, v44  }
0x370: {  	v44 =	vld [tilespmem:s9+$0x14400];
	v40 =	vmul.f32 v40, v10;
	v41 =	vadd.f32 v41, v45  }
0x371: {  	v43 =	vadd.f32 v43, v46;
	v45 =	vld [tilespmem:s9+$0x14680];
	v38 =	vadd.f32 v39, v38  }
0x372: {  	v39 =	vld [tilespmem:s9+$0x14500];
	v35 =	vadd.f32 v40, v35;
	v40 =	vmul.f32 v42, v13;
	v42 =	vmul.f32 v47, v14  }
0x373: {  	v46 =	vld [tilespmem:s9+$0x14480]  }
0x374: {  	v41 =	vadd.f32 v41, v49;
	v40 =	vadd.f32 v42, v40  }
0x375: {  	v35 =	vadd.f32 v35, v48;
	v42 =	vadd.f32 v43, v44;
	[tilespmem:s9+$0x18700] =	vst v38  }
0x376: {  	[tilespmem:s9+$0x18600] =	vst v41;
	v38 =	vadd.f32 v40, v45  }
0x377: {  	[tilespmem:s9+$0x18400] =	vst v42;
	v36 =	vadd.f32 v36, v39  }
0x378: {  	v37 =	vadd.f32 v37, v46;
	[tilespmem:s9+$0x18680] =	vst v38  }
0x379: {  	[tilespmem:s9+$0x18500] =	vst v36  }
0x37a: {  	s10 =	sor.u32 s11, s17;
	[tilespmem:s9+$0x18480] =	vst v37  }
0x37b: {  	s2 =	sor.u32 $0x380, s10;
	[tilespmem:s9+$0x18580] =	vst v35  }
0x37c: {  	v35 =	vld [tilespmem:s2+$0xC400]  }
0x37d: {  	v36 =	vld [tilespmem:s2+$0x10400]  }
0x37e: {  	v37 =	vld [tilespmem:s2+$0x14400];
	_ =	sdelay $0x3  }
0x37f: {  	v35 =	vmul.f32 v35, v30;
	v36 =	vmul.f32 v36, v32;
	_ =	sdelay $0x1  }
0x380: {  	v35 =	vadd.f32 v36, v35;
	_ =	sdelay $0x1  }
0x381: {  	v35 =	vadd.f32 v35, v37  }
.Ltmp3:
0x382: {  	(pc) =	sbr.rel @p0 .LBB2_8-.Ltmp3, $4  }
0x383: {  	[tilespmem:s2+$0x18400] =	vst v35  }
0x384: {  	v35 =	vld [tilespmem:s9+$0x16680]  }
0x385: {  	v37 =	vld [tilespmem:s9+$0x16700]  }
0x386: {  	v36 =	vld [tilespmem:s9+$0x16580]  }
0x387: {  	v3 =	vld [tilespmem:s9+$0x16600]  }
0x388: {  	v4 =	vld [tilespmem:s9+$0x12700]  }
0x389: {  	v5 =	vld [tilespmem:s9+$0x12500]  }
0x38a: {  	v6 =	vld [tilespmem:s9+$0xE680]  }
0x38b: {  	v7 =	vld [tilespmem:s9+$0xE700]  }
0x38c: {  	v8 =	vld [tilespmem:s9+$0x12680]  }
0x38d: {  	v9 =	vld [tilespmem:s9+$0x12600]  }
0x38e: {  	v10 =	vld [tilespmem:s9+$0x12580]  }
0x38f: {  	v11 =	vld [tilespmem:s9+$0xE600]  }
0x390: {  	v13 =	vld [tilespmem:s9+$0xE580]  }
0x391: {  	v14 =	vld [tilespmem:s9+$0xE500]  }
0x392: {  	v16 =	vld [tilespmem:s9+$0x12480];
	v4 =	vmul.f32 v4, v34  }
0x393: {  	v52 =	vld [tilespmem:s9+$0xE480];
	v7 =	vmul.f32 v7, v33;
	v6 =	vmul.f32 v6, v31  }
0x394: {  	v12 =	vld [tilespmem:s9+$0xE400];
	v10 =	vmul.f32 v10, v29;
	v11 =	vmul.f32 v11, v26  }
0x395: {  	v15 =	vld [tilespmem:s9+$0x12400];
	v9 =	vmul.f32 v9, v27;
	v8 =	vmul.f32 v8, v28  }
0x396: {  	v13 =	vmul.f32 v13, v25;
	v53 =	vmul.f32 v5, v24;
	v4 =	vadd.f32 v4, v7  }
0x397: {  	v60 =	vld [tilespmem:s9+$0x16480];
	v55 =	vmul.f32 v14, v23;
	v61 =	vmul.f32 v16, v21;
	v54 =	vadd.f32 v9, v11  }
0x398: {  	v56 =	vld [tilespmem:s9+$0x16500];
	v6 =	vadd.f32 v8, v6;
	v7 =	vmul.f32 v52, v22;
	v4 =	vadd.f32 v4, v37  }
0x399: {  	v57 =	vld [tilespmem:s9+$0x16400];
	v58 =	vmul.f32 v12, v19;
	v10 =	vadd.f32 v10, v13;
	v3 =	vadd.f32 v54, v3  }
0x39a: {  	v59 =	vmul.f32 v15, v20;
	v6 =	vadd.f32 v6, v35;
	v63 =	vadd.f32 v61, v7;
	[tilespmem:s9+$0x1A700] =	vst v4  }
0x39b: {  	v62 =	vadd.f32 v10, v36;
	v4 =	vadd.f32 v53, v55;
	[tilespmem:s9+$0x1A600] =	vst v3  }
0x39c: {  	v3 =	vadd.f32 v59, v58;
	[tilespmem:s9+$0x1A680] =	vst v6;
	v5 =	vadd.f32 v63, v60  }
0x39d: {  	[tilespmem:s9+$0x1A580] =	vst v62;
	v4 =	vadd.f32 v4, v56  }
0x39e: {  	v3 =	vadd.f32 v3, v57;
	[tilespmem:s9+$0x1A480] =	vst v5  }
0x39f: {  	[tilespmem:s9+$0x1A500] =	vst v4  }
0x3a0: {  	s2 =	sor.u32 $0x2380, s10;
	[tilespmem:s9+$0x1A400] =	vst v3  }
0x3a1: {  	v3 =	vld [tilespmem:s2+$0xC400]  }
0x3a2: {  	v4 =	vld [tilespmem:s2+$0x10400];
	_ =	sdelay $0x3  }
0x3a3: {  	v5 =	vld [tilespmem:s2+$0x14400]  }
0x3a4: {  	v3 =	vmul.f32 v3, v17;
	v4 =	vmul.f32 v4, v18;
	_ =	sdelay $0x1  }
0x3a5: {  	v3 =	vadd.f32 v4, v3;
	_ =	sdelay $0x1  }
0x3a6: {  	s25 =	sadd.s32 $0x1, s25;
	v3 =	vadd.f32 v3, v5  }
0x3a7: {  	p0 =	sne.s32 s25, s0  }
.Ltmp4:
0x3a8: {  	s28 =	rddreg [dreg:$0x1a];
	[tilespmem:s2+$0x18400] =	vst v3;
	(pc) =	sbr.rel @p0 .LBB2_1-.Ltmp4, $4  }
0x3a9: {  	[hbm4b:s28+s18] =	stream.linear.scatter [tilespmem:s24], [sflag:$0x3], $0x4000, $0x38;
	[tilespmem:$0x1C400] =	vst v63  }
0x3aa: {  	_ =	swait.ge [sflag:s1], $0x4000  }
0x3ab: {  	[sflag:s1] =	ssyncset.done $0x0  }
0x3ac: {  	[sflag:s1] =	ssyncadd.s32 $0xFFFFC000  }
0x3ad: {  	_ =	sfence.sel $0x180000  }
0x3ae: {  	[bflag:$0x0] =	sbarrier.arrive $0xFFFF  }
0x3af: {  	_ =	strace $0x9000004A  }
0x3b0: {  	s0 =	stileid.u32;
	[bflag:$0x2] =	sbarrier.arrive $0xFFFF  }
0x3b1: {  	p0 =	sne.s32 s0, $0x0;
	s0 =	rddreg [dreg:$0x2]  }
0x3b2: {  	s0 =	sadd.s32 @!p0 $0x100000, s0  }
0x3b3: {  	[sflag:s0] =	ssyncadd.tile.s32 @!p0 $0x1;
	_ =	shalt  }
.Lfunc_end2:
_tile_overlayer_lowered:
.L_overlay_start_2:
0x3b4: {  	(tag) =	ssettag $0x2  }
0x3b5: {  	s0 =	rddreg [dreg:$0x0];
	s2 =	stileid.u32  }
0x3b6: {  	s1 =	rddreg [dreg:$0x1];
	p0 =	sne.s32 s2, $0x0  }
0x3b7: {  	s3 =	rddreg [dreg:$0x2];
	[bflag:$0x3] =	sbarrier.arrive $0xFFFF;
	s2 =	simm.s32 @!p0 $0x1C03  }
0x3b8: {  	[timem:s3], [sflag:s2] =	dma.local @!p0 [hbm:s0], s1  }
0x3b9: {  	s0 =	simm.s32 @!p0 $0x3  }
0x3ba: {  	_ =	swait.ge @!p0 [sflag:s0], s1  }
0x3bb: {  	s1 =	ssub.s32 @!p0 $0x0, s1;
	[sflag:s0] =	ssyncset.done @!p0 $0x0  }
0x3bc: {  	[sflag:s0] =	ssyncadd.s32 @!p0 s1  }
0x3bd: {  	[bflag:$0x3] =	sbarrier.arrive $0xFFFF  }
0x3be: {  	_ =	shalt  }

// kernel: kernel.7.cloned.1.call-start
scs
__scs_entry_jumppad:
0x0: {  	(pc) =	sbr.rel $0x88, $3  }
0x1: {  	(tag) =	ssettag $0x0;
	lr =	simm.s32 $0x1  }
0x2: {  	[smem:$0x3F9A] =	sst lr;
	_ =	strace $0xD0000000  }
0x3: {  	_ = 	snop  }
0x4: {  	_ = 	snop  }
0x5: {  	_ = 	snop  }
0x6: {  	_ = 	snop  }
0x7: {  	_ = 	snop  }
__scs_overlays_trampoline_lowered:
0x8: {  	[smem:$0x3FA9] =	sst s0  }
0x9: {  	[smem:$0x3FAA] =	sst s1  }
0xa: {  	[smem:$0x3FAB] =	sst s2  }
0xb: {  	[smem:$0x3FAC] =	sst s3  }
0xc: {  	[smem:$0x3FAD] =	sst s4  }
0xd: {  	[smem:$0x3FAE] =	sst s5  }
0xe: {  	[smem:$0x3FAF] =	sst s6  }
0xf: {  	[smem:$0x3FB0] =	sst s7  }
0x10: {  	[smem:$0x3FB1] =	sst s8  }
0x11: {  	[smem:$0x3FB2] =	sst s9;
	s0 =	simm.s32 @!p0 $0x0  }
0x12: {  	s1 =	sld [smem:$0x3F98];
	s0 =	simm.s32 @p0 $0x1  }
0x13: {  	[smem:$0x3FB3] =	sst s0;
	s0 =	simm.s32 @!p1 $0x0  }
0x14: {  	s2 =	sld [smem:$0x3F97];
	s0 =	simm.s32 @p1 $0x1  }
0x15: {  	[smem:$0x3FB4] =	sst s0;
	s0 =	simm.s32 @!p2 $0x0  }
0x16: {  	s3 =	sld [smem:$0x3FDB];
	s0 =	simm.s32 @p2 $0x1  }
0x17: {  	s4 =	simm.s32 $0x1BF5;
	[smem:$0x3FB6] =	sst s0  }
0x18: {  	s0 =	sld [smem:$0x3F99];
	_ =	swait.ge [sflag:s4], $0x0  }
0x19: {  	s7 =	sld [smem:$0x3F9A]  }
0x1a: {  	s8 =	sadd.s32 $0xFFFFE003, lr  }
0x1b: {  	s9 =	sadd.s32 $0xFFFFFEF7, lr;
	s5 =	simm.s32 $0xFFFFFFFF;
	p2 =	slt.u32 s8, $0xFFFFF086  }
0x1c: {  	p1 =	slt.u32 s9, $0xF7A;
	s5 =	simm.s32 @!p2 $0x0  }
0x1d: {  	s5 =	simm.s32 @p1 $0x1;
	p0 =	seq.s32 s7, s2  }
0x1e: {  	s7 =	smul.u32 @!p0 $0xF7A, s2;
	p2 =	seq.s32 @!p0 s5, $0x0  }
0x1f: {  	s9 =	smul.u32 $0xF7A, s1;
	s8 =	simm.s32 @!p0 $0x1BF5;
	p2 =	por !p2, p0  }
0x20: {  	[sflag:s8] =	ssyncset.s32 @!p0 $0xFFFFF086;
	s6 =	sadd.s32 @!p0 s3, s7;
	s7 =	simm.s32 @!p0 $0x108  }
0x21: {  	s3 =	sadd.s32 s3, s9;
	s6 =	sadd.s32 @!p0 $0x88, s6;
	s7 =	simm.s32 @p2 $0x1082  }
0x22: {  	[simem:s7], [sflag:s8] =	dma.local @!p0 [hbm:s6], $0xF7A  }
0x23: {  	s9 =	sor.u32 $0xD0000000, s2;
	s6 =	simm.s32 $0x108;
	_ =	swait.ge @!p0 [sflag:s8], $0x0  }
0x24: {  	s3 =	sadd.s32 $0x88, s3;
	s6 =	simm.s32 @!p1 $0x1082;
	[sflag:s4] =	ssyncset.s32 $0xFFFFF086  }
0x25: {  	[simem:s6], [sflag:s4] =	dma.local [hbm:s3], $0xF7A  }
0x26: {  	[smem:$0x3F9A] =	sst s1;
	(tag) =	ssettag s2;
	_ =	strace s9  }
0x27: {  	s1 =	sld [smem:$0x3FAA]  }
0x28: {  	s2 =	sld [smem:$0x3FAB]  }
0x29: {  	s4 =	sld [smem:$0x3FAD]  }
0x2a: {  	p0 =	seq.s32 s5, $0x0;
	s5 =	sld [smem:$0x3FAE]  }
0x2b: {  	s6 =	sld [smem:$0x3FAF]  }
0x2c: {  	s7 =	sld [smem:$0x3FB0]  }
0x2d: {  	s3 =	simm.s32 $0x108;
	s8 =	sld [smem:$0x3FB1]  }
0x2e: {  	s3 =	simm.s32 @!p0 $0x1082;
	s9 =	sld [smem:$0x3FB2]  }
0x2f: {  	lr =	sadd.s32 s0, s3;
	s0 =	sld [smem:$0x3FA9]  }
0x30: {  	s3 =	sld [smem:$0x3FAC]  }
0x31: {  	[smem:$0x3FB5] =	sst s10  }
0x32: {  	s10 =	sld [smem:$0x3FB3];
	_ =	sdelay $0x3  }
0x33: {  	p0 =	seq.s32 s10, $0x1;
	s10 =	sld [smem:$0x3FB5];
	_ =	sdelay $0x3  }
0x34: {  	[smem:$0x3FB5] =	sst s10  }
0x35: {  	s10 =	sld [smem:$0x3FB4];
	_ =	sdelay $0x3  }
0x36: {  	p1 =	seq.s32 s10, $0x1;
	s10 =	sld [smem:$0x3FB5];
	_ =	sdelay $0x3  }
0x37: {  	[smem:$0x3FB5] =	sst s10  }
0x38: {  	s10 =	sld [smem:$0x3FB6]  }
0x39: {  	_ = 	snop;
	(pc) =	sbr.ind lr, $3  }
0x3a: {  	_ = 	snop  }
0x3b: {  	_ = 	snop  }
0x3c: {  	p2 =	seq.s32 s10, $0x1;
	s10 =	sld [smem:$0x3FB5]  }
0x3d: {  	_ =	shalt  }
0x3e: {  	_ =	shalt  }
0x3f: {  	_ =	shalt  }
0x40: {  	_ =	shalt  }
0x41: {  	_ =	shalt  }
0x42: {  	_ =	shalt  }
0x43: {  	_ =	shalt  }
0x44: {  	_ =	shalt  }
0x45: {  	_ =	shalt  }
0x46: {  	_ =	shalt  }
0x47: {  	_ =	shalt  }
0x48: {  	_ =	shalt  }
0x49: {  	_ =	shalt  }
0x4a: {  	_ =	shalt  }
0x4b: {  	_ =	shalt  }
0x4c: {  	_ =	shalt  }
0x4d: {  	_ =	shalt  }
0x4e: {  	_ =	shalt  }
0x4f: {  	_ =	shalt  }
0x50: {  	_ =	shalt  }
0x51: {  	_ =	shalt  }
0x52: {  	_ =	shalt  }
0x53: {  	_ =	shalt  }
0x54: {  	_ =	shalt  }
0x55: {  	_ =	shalt  }
0x56: {  	_ =	shalt  }
0x57: {  	_ =	shalt  }
0x58: {  	_ =	shalt  }
0x59: {  	_ =	shalt  }
0x5a: {  	_ =	shalt  }
0x5b: {  	_ =	shalt  }
0x5c: {  	_ =	shalt  }
0x5d: {  	_ =	shalt  }
0x5e: {  	_ =	shalt  }
0x5f: {  	_ =	shalt  }
0x60: {  	_ =	shalt  }
0x61: {  	_ =	shalt  }
0x62: {  	_ =	shalt  }
0x63: {  	_ =	shalt  }
0x64: {  	_ =	shalt  }
0x65: {  	_ =	shalt  }
0x66: {  	_ =	shalt  }
0x67: {  	_ =	shalt  }
0x68: {  	_ =	shalt  }
0x69: {  	_ =	shalt  }
0x6a: {  	_ =	shalt  }
0x6b: {  	_ =	shalt  }
0x6c: {  	_ =	shalt  }
0x6d: {  	_ =	shalt  }
0x6e: {  	_ =	shalt  }
0x6f: {  	_ =	shalt  }
0x70: {  	_ =	shalt  }
0x71: {  	_ =	shalt  }
0x72: {  	_ =	shalt  }
0x73: {  	_ =	shalt  }
0x74: {  	_ =	shalt  }
0x75: {  	_ =	shalt  }
0x76: {  	_ =	shalt  }
0x77: {  	_ =	shalt  }
0x78: {  	_ =	shalt  }
0x79: {  	_ =	shalt  }
0x7a: {  	_ =	shalt  }
0x7b: {  	_ =	shalt  }
0x7c: {  	_ =	shalt  }
0x7d: {  	_ =	shalt  }
0x7e: {  	_ =	shalt  }
0x7f: {  	_ =	shalt  }
0x80: {  	_ =	shalt  }
0x81: {  	_ =	shalt  }
0x82: {  	_ =	shalt  }
0x83: {  	_ =	shalt  }
0x84: {  	_ =	shalt  }
0x85: {  	_ =	shalt  }
0x86: {  	_ =	shalt  }
0x87: {  	_ =	shalt  }
.Lfunc_end0:
.L_simem_size_0:
called_computation_lowered:
.L_overlay_start_0:
0x88: {  	s2 =	sld [smem:$0x3FD9]  }
0x89: {  	s3 =	sld [smem:$0x3FFE];
	_ =	sdelay $0x1  }
0x8a: {  	s1 =	srdreg.scid  }
0x8b: {  	s0 =	sand.u32 $0x1, s1  }
0x8c: {  	s17 =	sshll.u32 s0, $0xA;
	s2 =	sadd.s32 s3, s2  }
0x8d: {  	s2 =	sadd.s32 s2, s17  }
0x8e: {  	[smem:$0x3FC1] =	sst s2  }
0x8f: {  	_ = 	snop  }
0x90: {  	s2 =	sld [smem:$0x3FD0];
	(tm) =	ssettm $0x1  }
0x91: {  	s18 =	sld [smem:$0x3FFB];
	_ =	sdelay $0x3  }
0x92: {  	_ =	strace s18  }
0x93: {  	s3 =	sld [smem:$0x3FFC];
	_ =	sdelay $0x3  }
0x94: {  	_ =	strace s3  }
0x95: {  	s3 =	sld [smem:$0x3FFD];
	_ =	sdelay $0x3  }
0x96: {  	_ =	strace s3  }
0x97: {  	_ =	strace $0x8FFFFFFF  }
0x98: {  	s19 =	sld [smem:$0x3FDB];
	_ =	sdelay $0x1  }
0x99: {  	s4 =	simm.s32 $_scs_section_size  }
0x9a: {  	s5 =	simm.s32 $_size__tile_overlayer_lowered;
	s6 =	simm.s32 $_tile_overlayer_lowered  }
0x9b: {  	s22 =	simm.s32 $0x1BFF;
	s21 =	sshll.u32 s6, $0x1;
	s3 =	sadd.s32 s4, s19  }
0x9c: {  	s7 =	simm.s32 $0x0;
	s20 =	sshll.u32 s5, $0x1;
	s5 =	sadd.s32 s21, s3  }
0x9d: {  	[timem:s7], [sflag:s22] =	dma.local [hbm:s5], s20  }
0x9e: {  	_ =	swait.ge [sflag:s22], s20  }
0x9f: {  	s4 =	ssub.s32 $0x0, s20;
	[sflag:s22] =	ssyncset.done $0x0  }
0xa0: {  	[sflag:s22] =	ssyncadd.s32 s4;
	_ =	sdelay $0x1  }
0xa1: {  	s23 =	simm.s32 $0x1B8B  }
0xa2: {  	_ =	swait.ge [sflag:s23], $0x1  }
0xa3: {  	[sflag:s23] =	ssyncset.done $0x0  }
0xa4: {  	s25 =	simm.s32 $0x1B8E;
	s24 =	sld [smem:$0x3FFE];
	[sflag:s23] =	ssyncadd.s32 $0xFFFFFFFF  }
0xa5: {  	s26 =	simm.s32 $execute0_lowered;
	[smem:$0x3FD2] =	sst s25  }
0xa6: {  	s5 =	sshll.u32 s26, $0x1;
	_ =	strace $0x80000046;
	[dreg:$0x1] =	wrdreg $0xFFFFFFFF  }
0xa7: {  	s28 =	simm.s32 $_size_execute0_lowered;
	s3 =	sadd.s32 s3, s5;
	[dreg:$0x0] =	wrdreg $0x0  }
0xa8: {  	s5 =	sshll.u32 s28, $0x1;
	[dreg:$0x2] =	wrdreg s3  }
0xa9: {  	[dreg:$0x3] =	wrdreg s5  }
0xaa: {  	[dreg:$0x4] =	wrdreg $0xC0  }
0xab: {  	_ =	task [dreg:s7], $0x5FFFF  }
0xac: {  	[dreg:$0x1] =	wrdreg $0xFFFFFFFF  }
0xad: {  	[dreg:$0x0] =	wrdreg $0x60  }
0xae: {  	[dreg:$0x2] =	wrdreg s2  }
0xaf: {  	[dreg:$0x3] =	wrdreg s24  }
0xb0: {  	[dreg:$0x4] =	wrdreg $0x9  }
0xb1: {  	_ =	task.clear_ibuf [dreg:s7], $0x5FFFF;
	_ =	strace $0x90000046  }
0xb2: {  	s29 =	simm.s32 $0x9;
	_ =	strace $0x80000048  }
0xb3: {  	_ =	swait.ge [sflag:s29], $0x1  }
0xb4: {  	[sflag:s29] =	ssyncadd.s32 $0xFFFFFFFF  }
0xb5: {  	_ =	strace $0x90000048  }
0xb6: {  	_ =	sfence  }
0xb7: {  	s30 =	sld [smem:$0x0];
	_ =	sdelay $0x2  }
0xb8: {  	s31 =	sshll.u32 s1, $0xD;
	s1 =	sshrl.u32 s1, $0x2  }
0xb9: {  	s3 =	sand.u32 $0x4000, s31;
	s1 =	sadd.s32 s1, s30  }
0xba: {  	s0 =	sor.u32 s3, s0;
	s1 =	sshll.u32 s1, $0x11  }
0xbb: {  	s0 =	sor.u32 s1, s0  }
0xbc: {  	s0 =	sadd.s32 $0x8F2B, s0  }
0xbd: {  	[sflag:s0] =	ssyncadd.remote.s32 $0x1  }
0xbe: {  	_ =	sfence.sel $0xFFFF  }
0xbf: {  	[dreg:$0x0] =	wrdreg $0xFFFFFFFF;
	(pc) =	sbr.abs _section_cstart, $3  }
0xc0: {  	[dreg:$0x1] =	wrdreg $0xFFFFFFFF  }
0xc1: {  	_ =	task.clear_ibuf [dreg:s7], $0x2FFFF;
	_ =	strace $0x9FFFFFFF  }
0xc2: {  	(tm) =	ssettm $0x7FFFFFFF  }
0xc3: {  	_ =	shalt  }
tec
execute0_lowered:
.L_overlay_start_1:
0x0: {  	(tag) =	ssettag $0x1  }
0x1: {  	s6 =	rddreg [dreg:$0x0]  }
0x2: {  	s7 =	rddreg [dreg:$0x1];
	s2 =	srdreg.scid  }
0x3: {  	s0 =	rddreg [dreg:$0x2];
	s1 =	stileid.u32  }
0x4: {  	s11 =	simm.s32 $0x100;
	s12 =	simm.s32 $0x900;
	s13 =	simm.s32 $0x1100  }
0x5: {  	s14 =	simm.s32 $0x1900;
	s15 =	simm.s32 $0x2100;
	s16 =	simm.s32 $0x2900  }
0x6: {  	s17 =	simm.s32 $0x3100;
	s18 =	simm.s32 $0x3900;
	s19 =	simm.s32 $0x4100  }
0x7: {  	s20 =	simm.s32 $0x4900;
	s21 =	simm.s32 $0x5100;
	s22 =	simm.s32 $0x5900  }
0x8: {  	s23 =	simm.s32 $0x6100;
	s24 =	simm.s32 $0x6900;
	s25 =	simm.s32 $0x7100  }
0x9: {  	s26 =	simm.s32 $0x7900;
	s28 =	simm.s32 $0x1;
	s29 =	simm.s32 $0x2  }
0xa: {  	s3 =	sand.u32 $0x1, s2;
	s2 =	simm.s32 $0x0;
	s4 =	sshll.u32 s1, $0x7  }
0xb: {  	s5 =	sshll.u32 s3, $0x6;
	[smem:$0x7FF] =	sst s2;
	s8 =	ssub.s32 $0x2, s3  }
0xc: {  	s3 =	sadd.s32 $0xA00, s7;
	s5 =	sor.u32 s5, s4;
	_ =	strace $0x80000047  }
0xd: {  	s31 =	sshrl.u32 s8, $0x1;
	s4 =	sshrl.u32 s5, $0x3;
	s10 =	sshll.u32 s5, $0x6  }
0xe: {  	v2 =	vlaneseq.u32;
	s8 =	ssub.s32 s8, s31;
	s9 =	sadd.s32 s4, s7;
	s6 =	sadd.s32 s6, s10  }
0xf: {  	vm0 =	vmmov $0xffff;
	v1 =	vshrl.u32 v2, $0x3;
	s7 =	sadd.s32 $0xB00, s7;
	s8 =	smax.u32 s8, $0x1;
	s10 =	simm.s32 $0x80  }
0x10: {  	v0 =	vand.u32 $0x7, v2;
	v2 =	vor.u32 $0x8, v2;
	v1 =	vmul.u32 $0x8, v1;
	s4 =	sadd.s32 $0x600, s9;
	s5 =	sadd.s32 $0x800, s9;
	s9 =	simm.s32 $0x3  }
.LBB2_1:
0x11: {  	[tilespmem:s2], [sflag:$0x3] =	stream.linear.gather [hbm4b:s4+s2], $0x40, $0x38;
	[tilespmem:$0x8100] =	vst v63  }
0x12: {  	_ =	swait.ge [sflag:s9], $0x40  }
0x13: {  	[sflag:s9] =	ssyncset.done $0x0  }
0x14: {  	[sflag:s9] =	ssyncadd.s32 $0xFFFFFFC0  }
0x15: {  	[tilespmem:s10], [sflag:$0x3] =	stream.linear.gather [hbm4b:s5+s2], $0x40, $0x38;
	[tilespmem:$0x8100] =	vst v63  }
0x16: {  	_ =	swait.ge [sflag:s9], $0x40  }
0x17: {  	[sflag:s9] =	ssyncset.done $0x0  }
0x18: {  	[sflag:s9] =	ssyncadd.s32 $0xFFFFFFC0  }
0x19: {  	[tilespmem:s11], [sflag:$0x3] =	stream.linear.gather [hbm4b:s6+s2], $0x8000, $0x38;
	[tilespmem:$0x8100] =	vst v63  }
0x1a: {  	_ =	swait.ge [sflag:s9], $0x8000  }
0x1b: {  	[sflag:s9] =	ssyncset.done $0x0  }
0x1c: {  	[sflag:s9] =	ssyncadd.s32 $0xFFFF8000  }
0x1d: {  	v3 =	vld [tilespmem:$0x0];
	_ =	sdelay $0x4  }
0x1e: {  	v4 =	vshll.u32 v3, $0x2  }
0x1f: {  	v3 =	vand.u32 $0x7, v3;
	v4 =	vand.u32 $0xFFFFFFE0, v4  }
0x20: {  	v3 =	vor.u32 v3, v4  }
0x21: {  	v4 =	vperm.xlane v3, v0;
	_ =	sdelay $0x1  }
0x22: {  	v4 =	vadd.s32 v1, v4;
	_ =	sdelay $0x1  }
0x23: {  	v3 =	vperm.xlane v3, v2;
	_ =	sdelay $0x1  }
0x24: {  	v3 =	vadd.s32 v1, v3  }
0x25: {  	[hbm4b:s3+s2] =	stream.indirect_vreg.scatter [tilespmem:s11], [sflag:$0x1], $0x80, v4, vm0, $0xb8;
	[tilespmem:$0x8100] =	vst v63  }
0x26: {  	_ = 	snop  }
0x27: {  	[hbm4b:s7+s2] =	stream.indirect_vreg.scatter [tilespmem:s12], [sflag:$0x1], $0x80, v4, vm0, $0xb8;
	[tilespmem:$0x8100] =	vst v63  }
0x28: {  	_ = 	snop  }
0x29: {  	[hbm4b:s3+s2] =	stream.indirect_vreg.scatter [tilespmem:s13], [sflag:$0x1], $0x80, v3, vm0, $0xb8;
	[tilespmem:$0x8100] =	vst v63  }
0x2a: {  	_ = 	snop  }
0x2b: {  	[hbm4b:s7+s2] =	stream.indirect_vreg.scatter [tilespmem:s14], [sflag:$0x1], $0x80, v3, vm0, $0xb8;
	[tilespmem:$0x8100] =	vst v63  }
0x2c: {  	v3 =	vld [tilespmem:$0x10];
	_ =	sdelay $0x4  }
0x2d: {  	v57 =	vshll.u32 v3, $0x2  }
0x2e: {  	v3 =	vand.u32 $0x7, v3;
	v4 =	vand.u32 $0xFFFFFFE0, v57  }
0x2f: {  	v3 =	vor.u32 v3, v4  }
0x30: {  	v4 =	vperm.xlane v3, v0;
	_ =	sdelay $0x1  }
0x31: {  	v4 =	vadd.s32 v1, v4;
	_ =	sdelay $0x1  }
0x32: {  	v3 =	vperm.xlane v3, v2;
	_ =	sdelay $0x1  }
0x33: {  	v3 =	vadd.s32 v1, v3  }
0x34: {  	[hbm4b:s3+s2] =	stream.indirect_vreg.scatter [tilespmem:s15], [sflag:$0x1], $0x80, v4, vm0, $0xb8;
	[tilespmem:$0x8100] =	vst v63  }
0x35: {  	_ = 	snop  }
0x36: {  	[hbm4b:s7+s2] =	stream.indirect_vreg.scatter [tilespmem:s16], [sflag:$0x1], $0x80, v4, vm0, $0xb8;
	[tilespmem:$0x8100] =	vst v63  }
0x37: {  	_ = 	snop  }
0x38: {  	[hbm4b:s3+s2] =	stream.indirect_vreg.scatter [tilespmem:s17], [sflag:$0x1], $0x80, v3, vm0, $0xb8;
	[tilespmem:$0x8100] =	vst v63  }
0x39: {  	_ = 	snop  }
0x3a: {  	[hbm4b:s7+s2] =	stream.indirect_vreg.scatter [tilespmem:s18], [sflag:$0x1], $0x80, v3, vm0, $0xb8;
	[tilespmem:$0x8100] =	vst v63  }
0x3b: {  	v3 =	vld [tilespmem:$0x20];
	_ =	sdelay $0x4  }
0x3c: {  	v58 =	vshll.u32 v3, $0x2  }
0x3d: {  	v3 =	vand.u32 $0x7, v3;
	v4 =	vand.u32 $0xFFFFFFE0, v58  }
0x3e: {  	v3 =	vor.u32 v3, v4  }
0x3f: {  	v4 =	vperm.xlane v3, v0;
	_ =	sdelay $0x1  }
0x40: {  	v4 =	vadd.s32 v1, v4;
	_ =	sdelay $0x1  }
0x41: {  	v3 =	vperm.xlane v3, v2;
	_ =	sdelay $0x1  }
0x42: {  	v3 =	vadd.s32 v1, v3  }
0x43: {  	[hbm4b:s3+s2] =	stream.indirect_vreg.scatter [tilespmem:s19], [sflag:$0x1], $0x80, v4, vm0, $0xb8;
	[tilespmem:$0x8100] =	vst v63  }
0x44: {  	_ = 	snop  }
0x45: {  	[hbm4b:s7+s2] =	stream.indirect_vreg.scatter [tilespmem:s20], [sflag:$0x1], $0x80, v4, vm0, $0xb8;
	[tilespmem:$0x8100] =	vst v63  }
0x46: {  	_ = 	snop  }
0x47: {  	[hbm4b:s3+s2] =	stream.indirect_vreg.scatter [tilespmem:s21], [sflag:$0x1], $0x80, v3, vm0, $0xb8;
	[tilespmem:$0x8100] =	vst v63  }
0x48: {  	_ = 	snop  }
0x49: {  	[hbm4b:s7+s2] =	stream.indirect_vreg.scatter [tilespmem:s22], [sflag:$0x1], $0x80, v3, vm0, $0xb8;
	[tilespmem:$0x8100] =	vst v63  }
0x4a: {  	v3 =	vld [tilespmem:$0x30];
	_ =	sdelay $0x4  }
0x4b: {  	v59 =	vshll.u32 v3, $0x2  }
0x4c: {  	v3 =	vand.u32 $0x7, v3;
	v4 =	vand.u32 $0xFFFFFFE0, v59  }
0x4d: {  	v3 =	vor.u32 v3, v4  }
0x4e: {  	v4 =	vperm.xlane v3, v0;
	_ =	sdelay $0x1  }
0x4f: {  	v4 =	vadd.s32 v1, v4;
	_ =	sdelay $0x1  }
0x50: {  	v3 =	vperm.xlane v3, v2;
	_ =	sdelay $0x1  }
0x51: {  	v3 =	vadd.s32 v1, v3  }
0x52: {  	[hbm4b:s3+s2] =	stream.indirect_vreg.scatter [tilespmem:s23], [sflag:$0x1], $0x80, v4, vm0, $0xb8;
	[tilespmem:$0x8100] =	vst v63  }
0x53: {  	_ = 	snop  }
0x54: {  	[hbm4b:s7+s2] =	stream.indirect_vreg.scatter [tilespmem:s24], [sflag:$0x1], $0x80, v4, vm0, $0xb8;
	[tilespmem:$0x8100] =	vst v63  }
0x55: {  	_ = 	snop  }
0x56: {  	[hbm4b:s3+s2] =	stream.indirect_vreg.scatter [tilespmem:s25], [sflag:$0x1], $0x80, v3, vm0, $0xb8;
	[tilespmem:$0x8100] =	vst v63  }
0x57: {  	_ = 	snop  }
0x58: {  	[hbm4b:s7+s2] =	stream.indirect_vreg.scatter [tilespmem:s26], [sflag:$0x1], $0x80, v3, vm0, $0xb8;
	[tilespmem:$0x8100] =	vst v63  }
0x59: {  	v3 =	vld [tilespmem:$0x80];
	_ =	sdelay $0x4  }
0x5a: {  	v60 =	vshll.u32 v3, $0x2  }
0x5b: {  	v3 =	vand.u32 $0x7, v3;
	v4 =	vand.u32 $0xFFFFFFE0, v60  }
0x5c: {  	v3 =	vor.u32 v3, v4  }
0x5d: {  	v4 =	vperm.xlane v3, v0;
	_ =	sdelay $0x1  }
0x5e: {  	v4 =	vadd.s32 v1, v4;
	_ =	sdelay $0x1  }
0x5f: {  	v3 =	vperm.xlane v3, v2;
	_ =	sdelay $0x1  }
0x60: {  	v3 =	vadd.s32 v1, v3  }
0x61: {  	[hbm4b:s3+s2] =	stream.indirect_vreg.scatter [tilespmem:s11], [sflag:$0x2], $0x80, v4, vm0, $0xb8;
	[tilespmem:$0x8100] =	vst v63  }
0x62: {  	_ = 	snop  }
0x63: {  	[hbm4b:s7+s2] =	stream.indirect_vreg.scatter [tilespmem:s12], [sflag:$0x2], $0x80, v4, vm0, $0xb8;
	[tilespmem:$0x8100] =	vst v63  }
0x64: {  	_ = 	snop  }
0x65: {  	[hbm4b:s3+s2] =	stream.indirect_vreg.scatter [tilespmem:s13], [sflag:$0x2], $0x80, v3, vm0, $0xb8;
	[tilespmem:$0x8100] =	vst v63  }
0x66: {  	_ = 	snop  }
0x67: {  	[hbm4b:s7+s2] =	stream.indirect_vreg.scatter [tilespmem:s14], [sflag:$0x2], $0x80, v3, vm0, $0xb8;
	[tilespmem:$0x8100] =	vst v63  }
0x68: {  	v3 =	vld [tilespmem:$0x90];
	_ =	sdelay $0x4  }
0x69: {  	v61 =	vshll.u32 v3, $0x2  }
0x6a: {  	v3 =	vand.u32 $0x7, v3;
	v4 =	vand.u32 $0xFFFFFFE0, v61  }
0x6b: {  	v3 =	vor.u32 v3, v4  }
0x6c: {  	v4 =	vperm.xlane v3, v0;
	_ =	sdelay $0x1  }
0x6d: {  	v4 =	vadd.s32 v1, v4;
	_ =	sdelay $0x1  }
0x6e: {  	v3 =	vperm.xlane v3, v2;
	_ =	sdelay $0x1  }
0x6f: {  	v3 =	vadd.s32 v1, v3  }
0x70: {  	[hbm4b:s3+s2] =	stream.indirect_vreg.scatter [tilespmem:s15], [sflag:$0x2], $0x80, v4, vm0, $0xb8;
	[tilespmem:$0x8100] =	vst v63  }
0x71: {  	_ = 	snop  }
0x72: {  	[hbm4b:s7+s2] =	stream.indirect_vreg.scatter [tilespmem:s16], [sflag:$0x2], $0x80, v4, vm0, $0xb8;
	[tilespmem:$0x8100] =	vst v63  }
0x73: {  	_ = 	snop  }
0x74: {  	[hbm4b:s3+s2] =	stream.indirect_vreg.scatter [tilespmem:s17], [sflag:$0x2], $0x80, v3, vm0, $0xb8;
	[tilespmem:$0x8100] =	vst v63  }
0x75: {  	_ = 	snop  }
0x76: {  	[hbm4b:s7+s2] =	stream.indirect_vreg.scatter [tilespmem:s18], [sflag:$0x2], $0x80, v3, vm0, $0xb8;
	[tilespmem:$0x8100] =	vst v63  }
0x77: {  	v3 =	vld [tilespmem:$0xA0];
	_ =	sdelay $0x4  }
0x78: {  	v62 =	vshll.u32 v3, $0x2  }
0x79: {  	v3 =	vand.u32 $0x7, v3;
	v4 =	vand.u32 $0xFFFFFFE0, v62  }
0x7a: {  	v3 =	vor.u32 v3, v4  }
0x7b: {  	v4 =	vperm.xlane v3, v0;
	_ =	sdelay $0x1  }
0x7c: {  	v4 =	vadd.s32 v1, v4;
	_ =	sdelay $0x1  }
0x7d: {  	v3 =	vperm.xlane v3, v2;
	_ =	sdelay $0x1  }
0x7e: {  	v3 =	vadd.s32 v1, v3  }
0x7f: {  	[hbm4b:s3+s2] =	stream.indirect_vreg.scatter [tilespmem:s19], [sflag:$0x2], $0x80, v4, vm0, $0xb8;
	[tilespmem:$0x8100] =	vst v63  }
0x80: {  	_ = 	snop  }
0x81: {  	[hbm4b:s7+s2] =	stream.indirect_vreg.scatter [tilespmem:s20], [sflag:$0x2], $0x80, v4, vm0, $0xb8;
	[tilespmem:$0x8100] =	vst v63  }
0x82: {  	_ = 	snop  }
0x83: {  	[hbm4b:s3+s2] =	stream.indirect_vreg.scatter [tilespmem:s21], [sflag:$0x2], $0x80, v3, vm0, $0xb8;
	[tilespmem:$0x8100] =	vst v63  }
0x84: {  	_ = 	snop  }
0x85: {  	[hbm4b:s7+s2] =	stream.indirect_vreg.scatter [tilespmem:s22], [sflag:$0x2], $0x80, v3, vm0, $0xb8;
	[tilespmem:$0x8100] =	vst v63  }
0x86: {  	v3 =	vld [tilespmem:$0xB0];
	_ =	sdelay $0x4  }
0x87: {  	v63 =	vshll.u32 v3, $0x2  }
0x88: {  	v3 =	vand.u32 $0x7, v3;
	v4 =	vand.u32 $0xFFFFFFE0, v63  }
0x89: {  	v3 =	vor.u32 v3, v4  }
0x8a: {  	v4 =	vperm.xlane v3, v0;
	_ =	sdelay $0x1  }
0x8b: {  	v4 =	vadd.s32 v1, v4;
	_ =	sdelay $0x1  }
0x8c: {  	v3 =	vperm.xlane v3, v2;
	_ =	sdelay $0x1  }
0x8d: {  	v3 =	vadd.s32 v1, v3  }
0x8e: {  	[hbm4b:s3+s2] =	stream.indirect_vreg.scatter [tilespmem:s23], [sflag:$0x2], $0x80, v4, vm0, $0xb8;
	[tilespmem:$0x8100] =	vst v63  }
0x8f: {  	_ = 	snop  }
0x90: {  	[hbm4b:s7+s2] =	stream.indirect_vreg.scatter [tilespmem:s24], [sflag:$0x2], $0x80, v4, vm0, $0xb8;
	[tilespmem:$0x8100] =	vst v63  }
0x91: {  	_ = 	snop  }
0x92: {  	[hbm4b:s3+s2] =	stream.indirect_vreg.scatter [tilespmem:s25], [sflag:$0x2], $0x80, v3, vm0, $0xb8;
	[tilespmem:$0x8100] =	vst v63  }
0x93: {  	_ = 	snop  }
0x94: {  	[hbm4b:s7+s2] =	stream.indirect_vreg.scatter [tilespmem:s26], [sflag:$0x2], $0x80, v3, vm0, $0xb8;
	[tilespmem:$0x8100] =	vst v63  }
0x95: {  	p0 =	sne.s32 s8, $0x1;
	_ =	swait.ge [sflag:s28], $0x8000  }
.Ltmp0:
0x96: {  	[sflag:s28] =	ssyncset.done $0x0;
	(pc) =	sbr.rel @p0 .LBB2_1-.Ltmp0, $4  }
0x97: {  	[sflag:s28] =	ssyncadd.s32 $0xFFFF8000  }
0x98: {  	_ =	swait.ge [sflag:s29], $0x8000  }
0x99: {  	[sflag:s29] =	ssyncset.done $0x0  }
0x9a: {  	s8 =	sadd.s32 $0xFFFFFFFF, s8;
	[sflag:s29] =	ssyncadd.s32 $0xFFFF8000  }
0x9b: {  	_ =	sfence.sel $0x180000  }
0x9c: {  	[bflag:$0x0] =	sbarrier.arrive $0xFFFF  }
0x9d: {  	p0 =	sne.s32 s1, $0x0;
	_ =	strace $0x90000047  }
0x9e: {  	s0 =	sadd.s32 @!p0 $0x100000, s0;
	[bflag:$0x2] =	sbarrier.arrive $0xFFFF  }
0x9f: {  	[sflag:s0] =	ssyncadd.tile.s32 @!p0 $0x1;
	_ =	shalt  }
.Lfunc_end2:
_tile_overlayer_lowered:
.L_overlay_start_2:
0xa0: {  	(tag) =	ssettag $0x2  }
0xa1: {  	s0 =	rddreg [dreg:$0x0];
	s2 =	stileid.u32  }
0xa2: {  	s1 =	rddreg [dreg:$0x1];
	p0 =	sne.s32 s2, $0x0  }
0xa3: {  	s3 =	rddreg [dreg:$0x2];
	[bflag:$0x3] =	sbarrier.arrive $0xFFFF;
	s2 =	simm.s32 @!p0 $0x1C03  }
0xa4: {  	[timem:s3], [sflag:s2] =	dma.local @!p0 [hbm:s0], s1  }
0xa5: {  	s0 =	simm.s32 @!p0 $0x3  }
0xa6: {  	_ =	swait.ge @!p0 [sflag:s0], s1  }
0xa7: {  	s1 =	ssub.s32 @!p0 $0x0, s1;
	[sflag:s0] =	ssyncset.done @!p0 $0x0  }
0xa8: {  	[sflag:s0] =	ssyncadd.s32 @!p0 s1  }
0xa9: {  	[bflag:$0x3] =	sbarrier.arrive $0xFFFF  }
0xaa: {  	_ =	shalt  }

</sc_bundles>
